<compile_context>
chip_gen: v7x
topology: tpu7x:2x2x1
jax: 0.10.2.dev20260603
libtpu: 0.0.44.dev20260713+nightly
codegen_flags: <defaults>
</compile_context>

<pallas_src>
import functools

import jax
import jax.numpy as jnp
from jax import lax
from jax.experimental import pallas as pl
from jax.experimental.pallas import tpu as pltpu
from jax.experimental.pallas import tpu_sc as plsc

_N = 10000
_E = 320000
_CH = 32
_NPAD = 10240
_CHUNK = 128
_NC, _NS = 2, 16
_NW = _NC * _NS
_EPAD = _NW * 10240
_CPT = _EPAD // (_NW * _CHUNK)
_NBUF = 8
_NGRP = _CPT // _NBUF
_ROWS_PER_TILE = _NPAD // _NS


def _sc_aggregate(with_deg):
    out_type = [jax.ShapeDtypeStruct((_NC, _NPAD, _CH), jnp.float32)]
    scratch = [
        pltpu.VMEM((_CPT, _CHUNK), jnp.int32),
        pltpu.VMEM((_CPT, _CHUNK), jnp.int32),
    ]
    scratch += [pltpu.VMEM((_CHUNK, _CH), jnp.float32)] * _NBUF
    scratch += [pltpu.VMEM_SHARED((_NPAD, _CH), jnp.float32)]
    scratch += [pltpu.SemaphoreType.DMA] * (2 * _NBUF)
    if with_deg:
        out_type.append(jax.ShapeDtypeStruct((_NC, _NPAD, _CH), jnp.float32))
        scratch += [
            pltpu.VMEM((_CHUNK, _CH), jnp.float32),
            pltpu.VMEM_SHARED((_NPAD, _CH), jnp.float32),
            pltpu.SemaphoreType.DMA,
        ]

    mesh = plsc.VectorSubcoreMesh(core_axis_name="c", subcore_axis_name="s")

    def body(xs, src3d, dst3d, zeros, *rest):
        if with_deg:
            ones_hbm, agg_out, deg_out = rest[:3]
            rest = rest[3:]
        else:
            (agg_out,) = rest[:1]
            rest = rest[1:]
        src_v, dst_v = rest[0], rest[1]
        rows = rest[2:2 + _NBUF]
        acc = rest[2 + _NBUF]
        sem_g = rest[3 + _NBUF:3 + 2 * _NBUF]
        sem_s = rest[3 + 2 * _NBUF:3 + 3 * _NBUF]
        if with_deg:
            ones_v, dacc, sem_d = rest[3 + 3 * _NBUF:]

        c = lax.axis_index("c")
        s = lax.axis_index("s")
        w = s * _NC + c

        r0 = s * _ROWS_PER_TILE
        pltpu.async_copy(zeros.at[pl.ds(r0, _ROWS_PER_TILE)],
                         acc.at[pl.ds(r0, _ROWS_PER_TILE)], sem_g[0])
        pltpu.async_copy(src3d.at[w], src_v, sem_g[1])
        pltpu.async_copy(dst3d.at[w], dst_v, sem_g[2])
        if with_deg:
            pltpu.async_copy(zeros.at[pl.ds(r0, _ROWS_PER_TILE)],
                             dacc.at[pl.ds(r0, _ROWS_PER_TILE)], sem_s[0])
            pltpu.async_copy(ones_hbm, ones_v, sem_s[1])
            pltpu.make_async_copy(zeros.at[pl.ds(r0, _ROWS_PER_TILE)],
                                  dacc.at[pl.ds(r0, _ROWS_PER_TILE)],
                                  sem_s[0]).wait()
            pltpu.make_async_copy(ones_hbm, ones_v, sem_s[1]).wait()
        pltpu.make_async_copy(zeros.at[pl.ds(r0, _ROWS_PER_TILE)],
                              acc.at[pl.ds(r0, _ROWS_PER_TILE)],
                              sem_g[0]).wait()
        pltpu.make_async_copy(src3d.at[w], src_v, sem_g[1]).wait()
        pltpu.make_async_copy(dst3d.at[w], dst_v, sem_g[2]).wait()

        plsc.subcore_barrier()

        def gth(j, b):
            pltpu.async_copy(xs.at[src_v.at[j]], rows[b], sem_g[b])

        def wait_g(j, b):
            pltpu.make_async_copy(xs.at[src_v.at[j]], rows[b], sem_g[b]).wait()

        def sct(j, b):
            pltpu.async_copy(rows[b], acc.at[dst_v.at[j]], sem_s[b], add=True)
            if with_deg:
                pltpu.async_copy(ones_v, dacc.at[dst_v.at[j]], sem_d, add=True)

        def wait_s(j, b):
            pltpu.make_async_copy(rows[b], acc.at[dst_v.at[j]], sem_s[b]).wait()

        for b in range(_NBUF - 1):
            gth(b, b)
        wait_g(0, 0); sct(0, 0); gth(_NBUF - 1, _NBUF - 1)
        for j in range(1, _NBUF):
            wait_g(j, j); sct(j, j)
            wait_s(j - 1, j - 1); gth(j + _NBUF - 1, (j - 1) % _NBUF)

        def group(i, carry):
            j0 = i * _NBUF
            for b in range(_NBUF):
                j = j0 + b
                wait_g(j, b); sct(j, b)
                wait_s(j - 1, (b - 1) % _NBUF)
                gth(j + _NBUF - 1, (b - 1) % _NBUF)
            return carry

        lax.fori_loop(1, _NGRP - 1, group, 0)

        jl = (_NGRP - 1) * _NBUF
        wait_g(jl, 0); sct(jl, 0)
        wait_s(jl - 1, _NBUF - 1); gth(jl + _NBUF - 1, _NBUF - 1)
        for b in range(1, _NBUF):
            wait_g(jl + b, b); sct(jl + b, b)
            wait_s(jl + b - 1, b - 1)
        wait_s(_CPT - 1, _NBUF - 1)

        if with_deg:
            def drain(j, carry):
                pltpu.make_async_copy(ones_v, dacc.at[dst_v.at[j]],
                                      sem_d).wait()
                return carry

            lax.fori_loop(0, _CPT, drain, 0)

        plsc.subcore_barrier()

        pltpu.sync_copy(acc.at[pl.ds(r0, _ROWS_PER_TILE)],
                        agg_out.at[c, pl.ds(r0, _ROWS_PER_TILE)])
        if with_deg:
            pltpu.sync_copy(dacc.at[pl.ds(r0, _ROWS_PER_TILE)],
                            deg_out.at[c, pl.ds(r0, _ROWS_PER_TILE)])

    return pl.kernel(body, out_type=out_type, mesh=mesh, scratch_types=scratch,
                     compiler_params=pltpu.CompilerParams(
                         use_tc_tiling_on_sc=False))


def _tc_proj(x_ref, wl_ref, wr_ref, xs_ref, hr_ref):
    x = x_ref[...]
    xs_ref[...] = jnp.dot(x, wl_ref[...], preferred_element_type=jnp.float32)
    hr_ref[...] = jnp.dot(x, wr_ref[...], preferred_element_type=jnp.float32)


def _tc_combine_proj(agg_ref, deg_ref, hr_ref, b_ref, wl_ref, wr_ref,
                     xs_ref, hrn_ref):
    agg = agg_ref[0, :_N, :] + agg_ref[1, :_N, :]
    deg = deg_ref[0, :_N, :] + deg_ref[1, :_N, :]
    inv = 1.0 / jnp.maximum(deg, 1.0)
    h = jnp.maximum(agg * inv + b_ref[...] + hr_ref[...], 0.0)
    xs_ref[...] = jnp.dot(h, wl_ref[...], preferred_element_type=jnp.float32)
    hrn_ref[...] = jnp.dot(h, wr_ref[...], preferred_element_type=jnp.float32)


def _tc_combine_final(agg_ref, deg_ref, hr_ref, b_ref, wo_ref, bo_ref,
                      out_ref):
    agg = agg_ref[0, :_N, :] + agg_ref[1, :_N, :]
    deg = deg_ref[0, :_N, :] + deg_ref[1, :_N, :]
    inv = 1.0 / jnp.maximum(deg, 1.0)
    h = jnp.maximum(agg * inv + b_ref[...] + hr_ref[...], 0.0)
    out_ref[...] = (jnp.dot(h, wo_ref[...], preferred_element_type=jnp.float32)
                    + bo_ref[...])


_f32 = jnp.float32


@jax.jit
def kernel(x, edge_index, W1l, b1, W1r, W2l, b2, W2r, W3l, b3, W3r, Wo, bo):
    pad = _EPAD - _E
    pad_iota = jnp.arange(pad, dtype=jnp.int32)
    src2d = jnp.concatenate(
        [edge_index[0], pad_iota % _N]).reshape(_NW, _CPT, _CHUNK)
    dst2d = jnp.concatenate(
        [edge_index[1], _N + pad_iota % (_NPAD - _N)]).reshape(
            _NW, _CPT, _CHUNK)
    zeros = jnp.zeros((_NPAD, _CH), _f32)
    ones = jnp.ones((_CHUNK, _CH), _f32)

    two_proj = pl.pallas_call(
        _tc_proj,
        out_shape=[jax.ShapeDtypeStruct((_N, _CH), _f32),
                   jax.ShapeDtypeStruct((_N, _CH), _f32)],
    )
    combine_proj = pl.pallas_call(
        _tc_combine_proj,
        out_shape=[jax.ShapeDtypeStruct((_N, _CH), _f32),
                   jax.ShapeDtypeStruct((_N, _CH), _f32)],
    )
    combine_final = pl.pallas_call(
        _tc_combine_final,
        out_shape=jax.ShapeDtypeStruct((_N, 128), _f32),
    )

    agg_deg = _sc_aggregate(True)
    agg_only = _sc_aggregate(False)

    xs1, hr1 = two_proj(x, W1l.T, W1r.T)
    agg1, deg = agg_deg(xs1, src2d, dst2d, zeros, ones)
    xs2, hr2 = combine_proj(agg1, deg, hr1, b1.reshape(1, _CH), W2l.T, W2r.T)
    (agg2,) = agg_only(xs2, src2d, dst2d, zeros)
    xs3, hr3 = combine_proj(agg2, deg, hr2, b2.reshape(1, _CH), W3l.T, W3r.T)
    (agg3,) = agg_only(xs3, src2d, dst2d, zeros)
    out = combine_final(agg3, deg, hr3, b3.reshape(1, _CH), Wo.T,
                        bo.reshape(1, 128))
    return out

# --- scband reference (transcript-rebuilt; emitter-appended) ---
"""Pipeline reference for scband-drone-delivery-model-31327491457450 (READ-ONLY COPY).

The authoritative reference and input builder live on the scoring server;
editing this copy changes nothing except your own understanding.
"""

import jax, jax.numpy as jnp
import numpy as np

N = 10000
E = 320000
C_IN = 128
C_H = 32
C_OUT = 128


def setup_inputs(seed: int = 0) -> dict:
    key = jax.random.key(seed)
    ks = jax.random.split(key, 14)
    x = jax.random.normal(ks[0], (N, C_IN), dtype=jnp.float32)
    edge_index = jax.random.randint(ks[1], (2, E), 0, N, dtype=jnp.int32)

    def lin(k, fout, fin):
        return jax.random.normal(k, (fout, fin), dtype=jnp.float32) * (1.0 / np.sqrt(fin))

    params = {
        'W1l': lin(ks[2], C_H, C_IN), 'b1': jnp.zeros((C_H,), jnp.float32), 'W1r': lin(ks[3], C_H, C_IN),
        'W2l': lin(ks[4], C_H, C_H),  'b2': jnp.zeros((C_H,), jnp.float32), 'W2r': lin(ks[5], C_H, C_H),
        'W3l': lin(ks[6], C_H, C_H),  'b3': jnp.zeros((C_H,), jnp.float32), 'W3r': lin(ks[7], C_H, C_H),
        'Wo': lin(ks[8], C_OUT, C_H), 'bo': jnp.zeros((C_OUT,), jnp.float32),
    }
    out = {'x': x, 'edge_index': edge_index}
    out.update(params)
    return out


def _sage_conv(x, edge_index, Wl, b, Wr):
    # PyG SAGEConv with mean aggregation:
    #   out_i = Wl @ mean_{j in N(i)} x_j + b + Wr @ x_i
    src = edge_index[0]
    dst = edge_index[1]
    msgs = jnp.take(x, src, axis=0)
    agg = jax.ops.segment_sum(msgs, dst, num_segments=N)
    deg = jax.ops.segment_sum(jnp.ones((edge_index.shape[1],), dtype=x.dtype), dst, num_segments=N)
    mean = agg / jnp.clip(deg, 1.0, None)[:, None]
    return mean @ Wl.T + b + x @ Wr.T


def reference(x, edge_index, W1l, b1, W1r, W2l, b2, W2r, W3l, b3, W3r, Wo, bo):
    # bounds is None, so no division; n_agents == N so [:N] is a no-op slice.
    h = jax.nn.relu(_sage_conv(x, edge_index, W1l, b1, W1r))
    h = jax.nn.relu(_sage_conv(h, edge_index, W2l, b2, W2r))
    h = jax.nn.relu(_sage_conv(h, edge_index, W3l, b3, W3r))
    out = h @ Wo.T + bo
    return out[:N]

if __name__ == "__main__":
    import jax
    _d = setup_inputs()
    print(jax.jit(kernel)(*tuple(_d.values())))

</pallas_src>

<mosaic_0001>
#map = affine_map<(d0, d1) -> (0, 0)>
#map1 = affine_map<(d0, d1) -> (0, 0, 0)>
module attributes {stable_mosaic.version = 14 : i64} {
  func.func @body(%arg0: i32, %arg1: i32, %arg2: memref<10000x32xf32, #tpu.memory_space<hbm>>, %arg3: memref<32x80x128xi32, #tpu.memory_space<hbm>>, %arg4: memref<32x80x128xi32, #tpu.memory_space<hbm>>, %arg5: memref<10240x32xf32, #tpu.memory_space<hbm>>, %arg6: memref<128x32xf32, #tpu.memory_space<hbm>>, %arg7: memref<2x10240x32xf32, #tpu.memory_space<hbm>>, %arg8: memref<2x10240x32xf32, #tpu.memory_space<hbm>>, %arg9: memref<80x128xi32, #tpu.memory_space<vmem>>, %arg10: memref<80x128xi32, #tpu.memory_space<vmem>>, %arg11: memref<128x32xf32, #tpu.memory_space<vmem>>, %arg12: memref<128x32xf32, #tpu.memory_space<vmem>>, %arg13: memref<128x32xf32, #tpu.memory_space<vmem>>, %arg14: memref<128x32xf32, #tpu.memory_space<vmem>>, %arg15: memref<128x32xf32, #tpu.memory_space<vmem>>, %arg16: memref<128x32xf32, #tpu.memory_space<vmem>>, %arg17: memref<128x32xf32, #tpu.memory_space<vmem>>, %arg18: memref<128x32xf32, #tpu.memory_space<vmem>>, %arg19: memref<10240x32xf32, #tpu.memory_space<vmem_shared>>, %arg20: memref<!tpu.dma_semaphore, #tpu.memory_space<semaphore_mem>>, %arg21: memref<!tpu.dma_semaphore, #tpu.memory_space<semaphore_mem>>, %arg22: memref<!tpu.dma_semaphore, #tpu.memory_space<semaphore_mem>>, %arg23: memref<!tpu.dma_semaphore, #tpu.memory_space<semaphore_mem>>, %arg24: memref<!tpu.dma_semaphore, #tpu.memory_space<semaphore_mem>>, %arg25: memref<!tpu.dma_semaphore, #tpu.memory_space<semaphore_mem>>, %arg26: memref<!tpu.dma_semaphore, #tpu.memory_space<semaphore_mem>>, %arg27: memref<!tpu.dma_semaphore, #tpu.memory_space<semaphore_mem>>, %arg28: memref<!tpu.dma_semaphore, #tpu.memory_space<semaphore_mem>>, %arg29: memref<!tpu.dma_semaphore, #tpu.memory_space<semaphore_mem>>, %arg30: memref<!tpu.dma_semaphore, #tpu.memory_space<semaphore_mem>>, %arg31: memref<!tpu.dma_semaphore, #tpu.memory_space<semaphore_mem>>, %arg32: memref<!tpu.dma_semaphore, #tpu.memory_space<semaphore_mem>>, %arg33: memref<!tpu.dma_semaphore, #tpu.memory_space<semaphore_mem>>, %arg34: memref<!tpu.dma_semaphore, #tpu.memory_space<semaphore_mem>>, %arg35: memref<!tpu.dma_semaphore, #tpu.memory_space<semaphore_mem>>, %arg36: memref<128x32xf32, #tpu.memory_space<vmem>>, %arg37: memref<10240x32xf32, #tpu.memory_space<vmem_shared>>, %arg38: memref<!tpu.dma_semaphore, #tpu.memory_space<semaphore_mem>>) attributes {dimension_semantics = [#tpu.dimension_semantics<core_parallel>, #tpu.dimension_semantics<subcore_parallel>], iteration_bounds = array<i64: 2, 16>, scalar_prefetch = 0 : i64, scratch_operands = 30 : i64, tpu.core_type = #tpu.core_type<sc_vector_subcore>, window_params = [{transform_indices = #map}, {transform_indices = #map1}, {transform_indices = #map1}, {transform_indices = #map}, {transform_indices = #map}, {transform_indices = #map1}, {transform_indices = #map1}]} {
    %mul3A = arith.constant 2 : i32
    %mul3A_0 = arith.muli %arg1, %mul3A : i32
    %add3A = arith.addi %mul3A_0, %arg0 : i32
    %mul3A_1 = arith.constant 640 : i32
    %mul3A_2 = arith.muli %arg1, %mul3A_1 : i32
    %dma_start3A = arith.constant 0 : i32
    %dma_start3A_3 = tpu.memref_slice %arg19[%mul3A_2, %dma_start3A] : memref<10240x32xf32, #tpu.memory_space<vmem_shared>> -> memref<640x32xf32, #tpu.memory_space<vmem_shared>>
    %dma_start3A_4 = arith.constant 0 : i32
    %dma_start3A_5 = tpu.memref_slice %arg5[%mul3A_2, %dma_start3A_4] : memref<10240x32xf32, #tpu.memory_space<hbm>> -> memref<640x32xf32, #tpu.memory_space<hbm>>
    tpu.enqueue_dma source(%dma_start3A_5 : memref<640x32xf32, #tpu.memory_space<hbm>>) target(%dma_start3A_3 : memref<640x32xf32, #tpu.memory_space<vmem_shared>>) target_semaphore(%arg20 : memref<!tpu.dma_semaphore, #tpu.memory_space<semaphore_mem>>)
    %dma_start3A_6 = arith.constant 0 : i32
    %dma_start3A_7 = arith.constant 0 : i32
    %dma_start3A_8 = tpu.memref_slice %arg3[%add3A, %dma_start3A_6, %dma_start3A_7] : memref<32x80x128xi32, #tpu.memory_space<hbm>> -> memref<1x80x128xi32, #tpu.memory_space<hbm>>
    %dma_start3A_9 = tpu.memref_squeeze %dma_start3A_8 : memref<1x80x128xi32, #tpu.memory_space<hbm>> -> memref<80x128xi32, #tpu.memory_space<hbm>>
    %dma_start3A_10 = arith.constant 0 : i32
    %dma_start3A_11 = arith.constant 0 : i32
    %dma_start3A_12 = tpu.memref_slice %arg3[%add3A, %dma_start3A_10, %dma_start3A_11] : memref<32x80x128xi32, #tpu.memory_space<hbm>> -> memref<1x80x128xi32, #tpu.memory_space<hbm>>
    %dma_start3A_13 = tpu.memref_squeeze %dma_start3A_12 : memref<1x80x128xi32, #tpu.memory_space<hbm>> -> memref<80x128xi32, #tpu.memory_space<hbm>>
    tpu.enqueue_dma source(%dma_start3A_13 : memref<80x128xi32, #tpu.memory_space<hbm>>) target(%arg9 : memref<80x128xi32, #tpu.memory_space<vmem>>) target_semaphore(%arg21 : memref<!tpu.dma_semaphore, #tpu.memory_space<semaphore_mem>>)
    %dma_start3A_14 = arith.constant 0 : i32
    %dma_start3A_15 = arith.constant 0 : i32
    %dma_start3A_16 = tpu.memref_slice %arg4[%add3A, %dma_start3A_14, %dma_start3A_15] : memref<32x80x128xi32, #tpu.memory_space<hbm>> -> memref<1x80x128xi32, #tpu.memory_space<hbm>>
    %dma_start3A_17 = tpu.memref_squeeze %dma_start3A_16 : memref<1x80x128xi32, #tpu.memory_space<hbm>> -> memref<80x128xi32, #tpu.memory_space<hbm>>
    %dma_start3A_18 = arith.constant 0 : i32
    %dma_start3A_19 = arith.constant 0 : i32
    %dma_start3A_20 = tpu.memref_slice %arg4[%add3A, %dma_start3A_18, %dma_start3A_19] : memref<32x80x128xi32, #tpu.memory_space<hbm>> -> memref<1x80x128xi32, #tpu.memory_space<hbm>>
    %dma_start3A_21 = tpu.memref_squeeze %dma_start3A_20 : memref<1x80x128xi32, #tpu.memory_space<hbm>> -> memref<80x128xi32, #tpu.memory_space<hbm>>
    tpu.enqueue_dma source(%dma_start3A_21 : memref<80x128xi32, #tpu.memory_space<hbm>>) target(%arg10 : memref<80x128xi32, #tpu.memory_space<vmem>>) target_semaphore(%arg22 : memref<!tpu.dma_semaphore, #tpu.memory_space<semaphore_mem>>)
    %dma_start3A_22 = arith.constant 0 : i32
    %dma_start3A_23 = tpu.memref_slice %arg37[%mul3A_2, %dma_start3A_22] : memref<10240x32xf32, #tpu.memory_space<vmem_shared>> -> memref<640x32xf32, #tpu.memory_space<vmem_shared>>
    %dma_start3A_24 = arith.constant 0 : i32
    %dma_start3A_25 = tpu.memref_slice %arg5[%mul3A_2, %dma_start3A_24] : memref<10240x32xf32, #tpu.memory_space<hbm>> -> memref<640x32xf32, #tpu.memory_space<hbm>>
    tpu.enqueue_dma source(%dma_start3A_25 : memref<640x32xf32, #tpu.memory_space<hbm>>) target(%dma_start3A_23 : memref<640x32xf32, #tpu.memory_space<vmem_shared>>) target_semaphore(%arg28 : memref<!tpu.dma_semaphore, #tpu.memory_space<semaphore_mem>>)
    tpu.enqueue_dma source(%arg6 : memref<128x32xf32, #tpu.memory_space<hbm>>) target(%arg36 : memref<128x32xf32, #tpu.memory_space<vmem>>) target_semaphore(%arg29 : memref<!tpu.dma_semaphore, #tpu.memory_space<semaphore_mem>>)
    %dma_wait3A = arith.constant 0 : i32
    %dma_wait3A_26 = tpu.memref_slice %arg37[%mul3A_2, %dma_wait3A] : memref<10240x32xf32, #tpu.memory_space<vmem_shared>> -> memref<640x32xf32, #tpu.memory_space<vmem_shared>>
    %dma_wait3A_27 = arith.constant 0 : i32
    %dma_wait3A_28 = tpu.memref_slice %arg5[%mul3A_2, %dma_wait3A_27] : memref<10240x32xf32, #tpu.memory_space<hbm>> -> memref<640x32xf32, #tpu.memory_space<hbm>>
    tpu.wait_dma2 semaphore(%arg28 : memref<!tpu.dma_semaphore, #tpu.memory_space<semaphore_mem>>) src(%dma_wait3A_28 : memref<640x32xf32, #tpu.memory_space<hbm>>) dst(%dma_wait3A_26 : memref<640x32xf32, #tpu.memory_space<vmem_shared>>)
    tpu.wait_dma2 semaphore(%arg29 : memref<!tpu.dma_semaphore, #tpu.memory_space<semaphore_mem>>) src(%arg6 : memref<128x32xf32, #tpu.memory_space<hbm>>) dst(%arg36 : memref<128x32xf32, #tpu.memory_space<vmem>>)
    %dma_wait3A_29 = arith.constant 0 : i32
    %dma_wait3A_30 = tpu.memref_slice %arg19[%mul3A_2, %dma_wait3A_29] : memref<10240x32xf32, #tpu.memory_space<vmem_shared>> -> memref<640x32xf32, #tpu.memory_space<vmem_shared>>
    %dma_wait3A_31 = arith.constant 0 : i32
    %dma_wait3A_32 = tpu.memref_slice %arg5[%mul3A_2, %dma_wait3A_31] : memref<10240x32xf32, #tpu.memory_space<hbm>> -> memref<640x32xf32, #tpu.memory_space<hbm>>
    tpu.wait_dma2 semaphore(%arg20 : memref<!tpu.dma_semaphore, #tpu.memory_space<semaphore_mem>>) src(%dma_wait3A_32 : memref<640x32xf32, #tpu.memory_space<hbm>>) dst(%dma_wait3A_30 : memref<640x32xf32, #tpu.memory_space<vmem_shared>>)
    %dma_wait3A_33 = arith.constant 0 : i32
    %dma_wait3A_34 = arith.constant 0 : i32
    %dma_wait3A_35 = tpu.memref_slice %arg3[%add3A, %dma_wait3A_33, %dma_wait3A_34] : memref<32x80x128xi32, #tpu.memory_space<hbm>> -> memref<1x80x128xi32, #tpu.memory_space<hbm>>
    %dma_wait3A_36 = tpu.memref_squeeze %dma_wait3A_35 : memref<1x80x128xi32, #tpu.memory_space<hbm>> -> memref<80x128xi32, #tpu.memory_space<hbm>>
    %dma_wait3A_37 = arith.constant 0 : i32
    %dma_wait3A_38 = arith.constant 0 : i32
    %dma_wait3A_39 = tpu.memref_slice %arg3[%add3A, %dma_wait3A_37, %dma_wait3A_38] : memref<32x80x128xi32, #tpu.memory_space<hbm>> -> memref<1x80x128xi32, #tpu.memory_space<hbm>>
    %dma_wait3A_40 = tpu.memref_squeeze %dma_wait3A_39 : memref<1x80x128xi32, #tpu.memory_space<hbm>> -> memref<80x128xi32, #tpu.memory_space<hbm>>
    tpu.wait_dma2 semaphore(%arg21 : memref<!tpu.dma_semaphore, #tpu.memory_space<semaphore_mem>>) src(%dma_wait3A_40 : memref<80x128xi32, #tpu.memory_space<hbm>>) dst(%arg9 : memref<80x128xi32, #tpu.memory_space<vmem>>)
    %dma_wait3A_41 = arith.constant 0 : i32
    %dma_wait3A_42 = arith.constant 0 : i32
    %dma_wait3A_43 = tpu.memref_slice %arg4[%add3A, %dma_wait3A_41, %dma_wait3A_42] : memref<32x80x128xi32, #tpu.memory_space<hbm>> -> memref<1x80x128xi32, #tpu.memory_space<hbm>>
    %dma_wait3A_44 = tpu.memref_squeeze %dma_wait3A_43 : memref<1x80x128xi32, #tpu.memory_space<hbm>> -> memref<80x128xi32, #tpu.memory_space<hbm>>
    %dma_wait3A_45 = arith.constant 0 : i32
    %dma_wait3A_46 = arith.constant 0 : i32
    %dma_wait3A_47 = tpu.memref_slice %arg4[%add3A, %dma_wait3A_45, %dma_wait3A_46] : memref<32x80x128xi32, #tpu.memory_space<hbm>> -> memref<1x80x128xi32, #tpu.memory_space<hbm>>
    %dma_wait3A_48 = tpu.memref_squeeze %dma_wait3A_47 : memref<1x80x128xi32, #tpu.memory_space<hbm>> -> memref<80x128xi32, #tpu.memory_space<hbm>>
    tpu.wait_dma2 semaphore(%arg22 : memref<!tpu.dma_semaphore, #tpu.memory_space<semaphore_mem>>) src(%dma_wait3A_48 : memref<80x128xi32, #tpu.memory_space<hbm>>) dst(%arg10 : memref<80x128xi32, #tpu.memory_space<vmem>>)
    %barrier3A = arith.constant 0 : index
    tpu.barrier barrier_id(%barrier3A)
    %dma_start3A_49 = arith.constant 0 : i32
    %dma_start3A_50 = arith.constant 0 : i32
    %dma_start3A_51 = tpu.memref_slice %arg9[%dma_start3A_49, %dma_start3A_50] : memref<80x128xi32, #tpu.memory_space<vmem>> -> memref<1x128xi32, #tpu.memory_space<vmem>>
    %dma_start3A_52 = tpu.memref_squeeze %dma_start3A_51 : memref<1x128xi32, #tpu.memory_space<vmem>> -> memref<128xi32, #tpu.memory_space<vmem>>
    %dma_start3A_53 = arith.constant 0 : i32
    %dma_start3A_54 = arith.constant 0 : i32
    %dma_start3A_55 = tpu.memref_slice %arg2[%dma_start3A_53, %dma_start3A_54] : memref<10000x32xf32, #tpu.memory_space<hbm>> -> memref<10000x32xf32, #tpu.memory_space<hbm>>
    tpu.enqueue_indirect_dma source(%dma_start3A_55 : memref<10000x32xf32, #tpu.memory_space<hbm>>) target(%arg11 : memref<128x32xf32, #tpu.memory_space<vmem>>) offsets(%dma_start3A_52 : memref<128xi32, #tpu.memory_space<vmem>>) semaphore(%arg20 : memref<!tpu.dma_semaphore, #tpu.memory_space<semaphore_mem>>)
    %dma_start3A_56 = arith.constant 1 : i32
    %dma_start3A_57 = arith.constant 0 : i32
    %dma_start3A_58 = tpu.memref_slice %arg9[%dma_start3A_56, %dma_start3A_57] : memref<80x128xi32, #tpu.memory_space<vmem>> -> memref<1x128xi32, #tpu.memory_space<vmem>>
    %dma_start3A_59 = tpu.memref_squeeze %dma_start3A_58 : memref<1x128xi32, #tpu.memory_space<vmem>> -> memref<128xi32, #tpu.memory_space<vmem>>
    %dma_start3A_60 = arith.constant 0 : i32
    %dma_start3A_61 = arith.constant 0 : i32
    %dma_start3A_62 = tpu.memref_slice %arg2[%dma_start3A_60, %dma_start3A_61] : memref<10000x32xf32, #tpu.memory_space<hbm>> -> memref<10000x32xf32, #tpu.memory_space<hbm>>
    tpu.enqueue_indirect_dma source(%dma_start3A_62 : memref<10000x32xf32, #tpu.memory_space<hbm>>) target(%arg12 : memref<128x32xf32, #tpu.memory_space<vmem>>) offsets(%dma_start3A_59 : memref<128xi32, #tpu.memory_space<vmem>>) semaphore(%arg21 : memref<!tpu.dma_semaphore, #tpu.memory_space<semaphore_mem>>)
    %dma_start3A_63 = arith.constant 2 : i32
    %dma_start3A_64 = arith.constant 0 : i32
    %dma_start3A_65 = tpu.memref_slice %arg9[%dma_start3A_63, %dma_start3A_64] : memref<80x128xi32, #tpu.memory_space<vmem>> -> memref<1x128xi32, #tpu.memory_space<vmem>>
    %dma_start3A_66 = tpu.memref_squeeze %dma_start3A_65 : memref<1x128xi32, #tpu.memory_space<vmem>> -> memref<128xi32, #tpu.memory_space<vmem>>
    %dma_start3A_67 = arith.constant 0 : i32
    %dma_start3A_68 = arith.constant 0 : i32
    %dma_start3A_69 = tpu.memref_slice %arg2[%dma_start3A_67, %dma_start3A_68] : memref<10000x32xf32, #tpu.memory_space<hbm>> -> memref<10000x32xf32, #tpu.memory_space<hbm>>
    tpu.enqueue_indirect_dma source(%dma_start3A_69 : memref<10000x32xf32, #tpu.memory_space<hbm>>) target(%arg13 : memref<128x32xf32, #tpu.memory_space<vmem>>) offsets(%dma_start3A_66 : memref<128xi32, #tpu.memory_space<vmem>>) semaphore(%arg22 : memref<!tpu.dma_semaphore, #tpu.memory_space<semaphore_mem>>)
    %dma_start3A_70 = arith.constant 3 : i32
    %dma_start3A_71 = arith.constant 0 : i32
    %dma_start3A_72 = tpu.memref_slice %arg9[%dma_start3A_70, %dma_start3A_71] : memref<80x128xi32, #tpu.memory_space<vmem>> -> memref<1x128xi32, #tpu.memory_space<vmem>>
    %dma_start3A_73 = tpu.memref_squeeze %dma_start3A_72 : memref<1x128xi32, #tpu.memory_space<vmem>> -> memref<128xi32, #tpu.memory_space<vmem>>
    %dma_start3A_74 = arith.constant 0 : i32
    %dma_start3A_75 = arith.constant 0 : i32
    %dma_start3A_76 = tpu.memref_slice %arg2[%dma_start3A_74, %dma_start3A_75] : memref<10000x32xf32, #tpu.memory_space<hbm>> -> memref<10000x32xf32, #tpu.memory_space<hbm>>
    tpu.enqueue_indirect_dma source(%dma_start3A_76 : memref<10000x32xf32, #tpu.memory_space<hbm>>) target(%arg14 : memref<128x32xf32, #tpu.memory_space<vmem>>) offsets(%dma_start3A_73 : memref<128xi32, #tpu.memory_space<vmem>>) semaphore(%arg23 : memref<!tpu.dma_semaphore, #tpu.memory_space<semaphore_mem>>)
    %dma_start3A_77 = arith.constant 4 : i32
    %dma_start3A_78 = arith.constant 0 : i32
    %dma_start3A_79 = tpu.memref_slice %arg9[%dma_start3A_77, %dma_start3A_78] : memref<80x128xi32, #tpu.memory_space<vmem>> -> memref<1x128xi32, #tpu.memory_space<vmem>>
    %dma_start3A_80 = tpu.memref_squeeze %dma_start3A_79 : memref<1x128xi32, #tpu.memory_space<vmem>> -> memref<128xi32, #tpu.memory_space<vmem>>
    %dma_start3A_81 = arith.constant 0 : i32
    %dma_start3A_82 = arith.constant 0 : i32
    %dma_start3A_83 = tpu.memref_slice %arg2[%dma_start3A_81, %dma_start3A_82] : memref<10000x32xf32, #tpu.memory_space<hbm>> -> memref<10000x32xf32, #tpu.memory_space<hbm>>
    tpu.enqueue_indirect_dma source(%dma_start3A_83 : memref<10000x32xf32, #tpu.memory_space<hbm>>) target(%arg15 : memref<128x32xf32, #tpu.memory_space<vmem>>) offsets(%dma_start3A_80 : memref<128xi32, #tpu.memory_space<vmem>>) semaphore(%arg24 : memref<!tpu.dma_semaphore, #tpu.memory_space<semaphore_mem>>)
    %dma_start3A_84 = arith.constant 5 : i32
    %dma_start3A_85 = arith.constant 0 : i32
    %dma_start3A_86 = tpu.memref_slice %arg9[%dma_start3A_84, %dma_start3A_85] : memref<80x128xi32, #tpu.memory_space<vmem>> -> memref<1x128xi32, #tpu.memory_space<vmem>>
    %dma_start3A_87 = tpu.memref_squeeze %dma_start3A_86 : memref<1x128xi32, #tpu.memory_space<vmem>> -> memref<128xi32, #tpu.memory_space<vmem>>
    %dma_start3A_88 = arith.constant 0 : i32
    %dma_start3A_89 = arith.constant 0 : i32
    %dma_start3A_90 = tpu.memref_slice %arg2[%dma_start3A_88, %dma_start3A_89] : memref<10000x32xf32, #tpu.memory_space<hbm>> -> memref<10000x32xf32, #tpu.memory_space<hbm>>
    tpu.enqueue_indirect_dma source(%dma_start3A_90 : memref<10000x32xf32, #tpu.memory_space<hbm>>) target(%arg16 : memref<128x32xf32, #tpu.memory_space<vmem>>) offsets(%dma_start3A_87 : memref<128xi32, #tpu.memory_space<vmem>>) semaphore(%arg25 : memref<!tpu.dma_semaphore, #tpu.memory_space<semaphore_mem>>)
    %dma_start3A_91 = arith.constant 6 : i32
    %dma_start3A_92 = arith.constant 0 : i32
    %dma_start3A_93 = tpu.memref_slice %arg9[%dma_start3A_91, %dma_start3A_92] : memref<80x128xi32, #tpu.memory_space<vmem>> -> memref<1x128xi32, #tpu.memory_space<vmem>>
    %dma_start3A_94 = tpu.memref_squeeze %dma_start3A_93 : memref<1x128xi32, #tpu.memory_space<vmem>> -> memref<128xi32, #tpu.memory_space<vmem>>
    %dma_start3A_95 = arith.constant 0 : i32
    %dma_start3A_96 = arith.constant 0 : i32
    %dma_start3A_97 = tpu.memref_slice %arg2[%dma_start3A_95, %dma_start3A_96] : memref<10000x32xf32, #tpu.memory_space<hbm>> -> memref<10000x32xf32, #tpu.memory_space<hbm>>
    tpu.enqueue_indirect_dma source(%dma_start3A_97 : memref<10000x32xf32, #tpu.memory_space<hbm>>) target(%arg17 : memref<128x32xf32, #tpu.memory_space<vmem>>) offsets(%dma_start3A_94 : memref<128xi32, #tpu.memory_space<vmem>>) semaphore(%arg26 : memref<!tpu.dma_semaphore, #tpu.memory_space<semaphore_mem>>)
    %dma_wait3A_98 = arith.constant 0 : i32
    %dma_wait3A_99 = arith.constant 0 : i32
    %dma_wait3A_100 = tpu.memref_slice %arg9[%dma_wait3A_98, %dma_wait3A_99] : memref<80x128xi32, #tpu.memory_space<vmem>> -> memref<1x128xi32, #tpu.memory_space<vmem>>
    %dma_wait3A_101 = tpu.memref_squeeze %dma_wait3A_100 : memref<1x128xi32, #tpu.memory_space<vmem>> -> memref<128xi32, #tpu.memory_space<vmem>>
    %dma_wait3A_102 = arith.constant 0 : i32
    %dma_wait3A_103 = arith.constant 0 : i32
    %dma_wait3A_104 = tpu.memref_slice %arg2[%dma_wait3A_102, %dma_wait3A_103] : memref<10000x32xf32, #tpu.memory_space<hbm>> -> memref<10000x32xf32, #tpu.memory_space<hbm>>
    tpu.wait_indirect_dma semaphore(%arg20 : memref<!tpu.dma_semaphore, #tpu.memory_space<semaphore_mem>>) src(%dma_wait3A_104 : memref<10000x32xf32, #tpu.memory_space<hbm>>) dst(%arg11 : memref<128x32xf32, #tpu.memory_space<vmem>>)
    %dma_start3A_105 = arith.constant 0 : i32
    %dma_start3A_106 = arith.constant 0 : i32
    %dma_start3A_107 = tpu.memref_slice %arg10[%dma_start3A_105, %dma_start3A_106] : memref<80x128xi32, #tpu.memory_space<vmem>> -> memref<1x128xi32, #tpu.memory_space<vmem>>
    %dma_start3A_108 = tpu.memref_squeeze %dma_start3A_107 : memref<1x128xi32, #tpu.memory_space<vmem>> -> memref<128xi32, #tpu.memory_space<vmem>>
    %dma_start3A_109 = arith.constant 0 : i32
    %dma_start3A_110 = arith.constant 0 : i32
    %dma_start3A_111 = tpu.memref_slice %arg19[%dma_start3A_109, %dma_start3A_110] : memref<10240x32xf32, #tpu.memory_space<vmem_shared>> -> memref<10240x32xf32, #tpu.memory_space<vmem_shared>>
    tpu.enqueue_indirect_dma source(%arg11 : memref<128x32xf32, #tpu.memory_space<vmem>>) target(%dma_start3A_111 : memref<10240x32xf32, #tpu.memory_space<vmem_shared>>) offsets(%dma_start3A_108 : memref<128xi32, #tpu.memory_space<vmem>>) semaphore(%arg28 : memref<!tpu.dma_semaphore, #tpu.memory_space<semaphore_mem>>) {add = true}
    %dma_start3A_112 = arith.constant 0 : i32
    %dma_start3A_113 = arith.constant 0 : i32
    %dma_start3A_114 = tpu.memref_slice %arg10[%dma_start3A_112, %dma_start3A_113] : memref<80x128xi32, #tpu.memory_space<vmem>> -> memref<1x128xi32, #tpu.memory_space<vmem>>
    %dma_start3A_115 = tpu.memref_squeeze %dma_start3A_114 : memref<1x128xi32, #tpu.memory_space<vmem>> -> memref<128xi32, #tpu.memory_space<vmem>>
    %dma_start3A_116 = arith.constant 0 : i32
    %dma_start3A_117 = arith.constant 0 : i32
    %dma_start3A_118 = tpu.memref_slice %arg37[%dma_start3A_116, %dma_start3A_117] : memref<10240x32xf32, #tpu.memory_space<vmem_shared>> -> memref<10240x32xf32, #tpu.memory_space<vmem_shared>>
    tpu.enqueue_indirect_dma source(%arg36 : memref<128x32xf32, #tpu.memory_space<vmem>>) target(%dma_start3A_118 : memref<10240x32xf32, #tpu.memory_space<vmem_shared>>) offsets(%dma_start3A_115 : memref<128xi32, #tpu.memory_space<vmem>>) semaphore(%arg38 : memref<!tpu.dma_semaphore, #tpu.memory_space<semaphore_mem>>) {add = true}
    %dma_start3A_119 = arith.constant 7 : i32
    %dma_start3A_120 = arith.constant 0 : i32
    %dma_start3A_121 = tpu.memref_slice %arg9[%dma_start3A_119, %dma_start3A_120] : memref<80x128xi32, #tpu.memory_space<vmem>> -> memref<1x128xi32, #tpu.memory_space<vmem>>
    %dma_start3A_122 = tpu.memref_squeeze %dma_start3A_121 : memref<1x128xi32, #tpu.memory_space<vmem>> -> memref<128xi32, #tpu.memory_space<vmem>>
    %dma_start3A_123 = arith.constant 0 : i32
    %dma_start3A_124 = arith.constant 0 : i32
    %dma_start3A_125 = tpu.memref_slice %arg2[%dma_start3A_123, %dma_start3A_124] : memref<10000x32xf32, #tpu.memory_space<hbm>> -> memref<10000x32xf32, #tpu.memory_space<hbm>>
    tpu.enqueue_indirect_dma source(%dma_start3A_125 : memref<10000x32xf32, #tpu.memory_space<hbm>>) target(%arg18 : memref<128x32xf32, #tpu.memory_space<vmem>>) offsets(%dma_start3A_122 : memref<128xi32, #tpu.memory_space<vmem>>) semaphore(%arg27 : memref<!tpu.dma_semaphore, #tpu.memory_space<semaphore_mem>>)
    %dma_wait3A_126 = arith.constant 1 : i32
    %dma_wait3A_127 = arith.constant 0 : i32
    %dma_wait3A_128 = tpu.memref_slice %arg9[%dma_wait3A_126, %dma_wait3A_127] : memref<80x128xi32, #tpu.memory_space<vmem>> -> memref<1x128xi32, #tpu.memory_space<vmem>>
    %dma_wait3A_129 = tpu.memref_squeeze %dma_wait3A_128 : memref<1x128xi32, #tpu.memory_space<vmem>> -> memref<128xi32, #tpu.memory_space<vmem>>
    %dma_wait3A_130 = arith.constant 0 : i32
    %dma_wait3A_131 = arith.constant 0 : i32
    %dma_wait3A_132 = tpu.memref_slice %arg2[%dma_wait3A_130, %dma_wait3A_131] : memref<10000x32xf32, #tpu.memory_space<hbm>> -> memref<10000x32xf32, #tpu.memory_space<hbm>>
    tpu.wait_indirect_dma semaphore(%arg21 : memref<!tpu.dma_semaphore, #tpu.memory_space<semaphore_mem>>) src(%dma_wait3A_132 : memref<10000x32xf32, #tpu.memory_space<hbm>>) dst(%arg12 : memref<128x32xf32, #tpu.memory_space<vmem>>)
    %dma_start3A_133 = arith.constant 1 : i32
    %dma_start3A_134 = arith.constant 0 : i32
    %dma_start3A_135 = tpu.memref_slice %arg10[%dma_start3A_133, %dma_start3A_134] : memref<80x128xi32, #tpu.memory_space<vmem>> -> memref<1x128xi32, #tpu.memory_space<vmem>>
    %dma_start3A_136 = tpu.memref_squeeze %dma_start3A_135 : memref<1x128xi32, #tpu.memory_space<vmem>> -> memref<128xi32, #tpu.memory_space<vmem>>
    %dma_start3A_137 = arith.constant 0 : i32
    %dma_start3A_138 = arith.constant 0 : i32
    %dma_start3A_139 = tpu.memref_slice %arg19[%dma_start3A_137, %dma_start3A_138] : memref<10240x32xf32, #tpu.memory_space<vmem_shared>> -> memref<10240x32xf32, #tpu.memory_space<vmem_shared>>
    tpu.enqueue_indirect_dma source(%arg12 : memref<128x32xf32, #tpu.memory_space<vmem>>) target(%dma_start3A_139 : memref<10240x32xf32, #tpu.memory_space<vmem_shared>>) offsets(%dma_start3A_136 : memref<128xi32, #tpu.memory_space<vmem>>) semaphore(%arg29 : memref<!tpu.dma_semaphore, #tpu.memory_space<semaphore_mem>>) {add = true}
    %dma_start3A_140 = arith.constant 1 : i32
    %dma_start3A_141 = arith.constant 0 : i32
    %dma_start3A_142 = tpu.memref_slice %arg10[%dma_start3A_140, %dma_start3A_141] : memref<80x128xi32, #tpu.memory_space<vmem>> -> memref<1x128xi32, #tpu.memory_space<vmem>>
    %dma_start3A_143 = tpu.memref_squeeze %dma_start3A_142 : memref<1x128xi32, #tpu.memory_space<vmem>> -> memref<128xi32, #tpu.memory_space<vmem>>
    %dma_start3A_144 = arith.constant 0 : i32
    %dma_start3A_145 = arith.constant 0 : i32
    %dma_start3A_146 = tpu.memref_slice %arg37[%dma_start3A_144, %dma_start3A_145] : memref<10240x32xf32, #tpu.memory_space<vmem_shared>> -> memref<10240x32xf32, #tpu.memory_space<vmem_shared>>
    tpu.enqueue_indirect_dma source(%arg36 : memref<128x32xf32, #tpu.memory_space<vmem>>) target(%dma_start3A_146 : memref<10240x32xf32, #tpu.memory_space<vmem_shared>>) offsets(%dma_start3A_143 : memref<128xi32, #tpu.memory_space<vmem>>) semaphore(%arg38 : memref<!tpu.dma_semaphore, #tpu.memory_space<semaphore_mem>>) {add = true}
    %dma_wait3A_147 = arith.constant 0 : i32
    %dma_wait3A_148 = arith.constant 0 : i32
    %dma_wait3A_149 = tpu.memref_slice %arg10[%dma_wait3A_147, %dma_wait3A_148] : memref<80x128xi32, #tpu.memory_space<vmem>> -> memref<1x128xi32, #tpu.memory_space<vmem>>
    %dma_wait3A_150 = tpu.memref_squeeze %dma_wait3A_149 : memref<1x128xi32, #tpu.memory_space<vmem>> -> memref<128xi32, #tpu.memory_space<vmem>>
    %dma_wait3A_151 = arith.constant 0 : i32
    %dma_wait3A_152 = arith.constant 0 : i32
    %dma_wait3A_153 = tpu.memref_slice %arg19[%dma_wait3A_151, %dma_wait3A_152] : memref<10240x32xf32, #tpu.memory_space<vmem_shared>> -> memref<10240x32xf32, #tpu.memory_space<vmem_shared>>
    tpu.wait_indirect_dma semaphore(%arg28 : memref<!tpu.dma_semaphore, #tpu.memory_space<semaphore_mem>>) src(%arg11 : memref<128x32xf32, #tpu.memory_space<vmem>>) dst(%dma_wait3A_153 : memref<10240x32xf32, #tpu.memory_space<vmem_shared>>)
    %dma_start3A_154 = arith.constant 8 : i32
    %dma_start3A_155 = arith.constant 0 : i32
    %dma_start3A_156 = tpu.memref_slice %arg9[%dma_start3A_154, %dma_start3A_155] : memref<80x128xi32, #tpu.memory_space<vmem>> -> memref<1x128xi32, #tpu.memory_space<vmem>>
    %dma_start3A_157 = tpu.memref_squeeze %dma_start3A_156 : memref<1x128xi32, #tpu.memory_space<vmem>> -> memref<128xi32, #tpu.memory_space<vmem>>
    %dma_start3A_158 = arith.constant 0 : i32
    %dma_start3A_159 = arith.constant 0 : i32
    %dma_start3A_160 = tpu.memref_slice %arg2[%dma_start3A_158, %dma_start3A_159] : memref<10000x32xf32, #tpu.memory_space<hbm>> -> memref<10000x32xf32, #tpu.memory_space<hbm>>
    tpu.enqueue_indirect_dma source(%dma_start3A_160 : memref<10000x32xf32, #tpu.memory_space<hbm>>) target(%arg11 : memref<128x32xf32, #tpu.memory_space<vmem>>) offsets(%dma_start3A_157 : memref<128xi32, #tpu.memory_space<vmem>>) semaphore(%arg20 : memref<!tpu.dma_semaphore, #tpu.memory_space<semaphore_mem>>)
    %dma_wait3A_161 = arith.constant 2 : i32
    %dma_wait3A_162 = arith.constant 0 : i32
    %dma_wait3A_163 = tpu.memref_slice %arg9[%dma_wait3A_161, %dma_wait3A_162] : memref<80x128xi32, #tpu.memory_space<vmem>> -> memref<1x128xi32, #tpu.memory_space<vmem>>
    %dma_wait3A_164 = tpu.memref_squeeze %dma_wait3A_163 : memref<1x128xi32, #tpu.memory_space<vmem>> -> memref<128xi32, #tpu.memory_space<vmem>>
    %dma_wait3A_165 = arith.constant 0 : i32
    %dma_wait3A_166 = arith.constant 0 : i32
    %dma_wait3A_167 = tpu.memref_slice %arg2[%dma_wait3A_165, %dma_wait3A_166] : memref<10000x32xf32, #tpu.memory_space<hbm>> -> memref<10000x32xf32, #tpu.memory_space<hbm>>
    tpu.wait_indirect_dma semaphore(%arg22 : memref<!tpu.dma_semaphore, #tpu.memory_space<semaphore_mem>>) src(%dma_wait3A_167 : memref<10000x32xf32, #tpu.memory_space<hbm>>) dst(%arg13 : memref<128x32xf32, #tpu.memory_space<vmem>>)
    %dma_start3A_168 = arith.constant 2 : i32
    %dma_start3A_169 = arith.constant 0 : i32
    %dma_start3A_170 = tpu.memref_slice %arg10[%dma_start3A_168, %dma_start3A_169] : memref<80x128xi32, #tpu.memory_space<vmem>> -> memref<1x128xi32, #tpu.memory_space<vmem>>
    %dma_start3A_171 = tpu.memref_squeeze %dma_start3A_170 : memref<1x128xi32, #tpu.memory_space<vmem>> -> memref<128xi32, #tpu.memory_space<vmem>>
    %dma_start3A_172 = arith.constant 0 : i32
    %dma_start3A_173 = arith.constant 0 : i32
    %dma_start3A_174 = tpu.memref_slice %arg19[%dma_start3A_172, %dma_start3A_173] : memref<10240x32xf32, #tpu.memory_space<vmem_shared>> -> memref<10240x32xf32, #tpu.memory_space<vmem_shared>>
    tpu.enqueue_indirect_dma source(%arg13 : memref<128x32xf32, #tpu.memory_space<vmem>>) target(%dma_start3A_174 : memref<10240x32xf32, #tpu.memory_space<vmem_shared>>) offsets(%dma_start3A_171 : memref<128xi32, #tpu.memory_space<vmem>>) semaphore(%arg30 : memref<!tpu.dma_semaphore, #tpu.memory_space<semaphore_mem>>) {add = true}
    %dma_start3A_175 = arith.constant 2 : i32
    %dma_start3A_176 = arith.constant 0 : i32
    %dma_start3A_177 = tpu.memref_slice %arg10[%dma_start3A_175, %dma_start3A_176] : memref<80x128xi32, #tpu.memory_space<vmem>> -> memref<1x128xi32, #tpu.memory_space<vmem>>
    %dma_start3A_178 = tpu.memref_squeeze %dma_start3A_177 : memref<1x128xi32, #tpu.memory_space<vmem>> -> memref<128xi32, #tpu.memory_space<vmem>>
    %dma_start3A_179 = arith.constant 0 : i32
    %dma_start3A_180 = arith.constant 0 : i32
    %dma_start3A_181 = tpu.memref_slice %arg37[%dma_start3A_179, %dma_start3A_180] : memref<10240x32xf32, #tpu.memory_space<vmem_shared>> -> memref<10240x32xf32, #tpu.memory_space<vmem_shared>>
    tpu.enqueue_indirect_dma source(%arg36 : memref<128x32xf32, #tpu.memory_space<vmem>>) target(%dma_start3A_181 : memref<10240x32xf32, #tpu.memory_space<vmem_shared>>) offsets(%dma_start3A_178 : memref<128xi32, #tpu.memory_space<vmem>>) semaphore(%arg38 : memref<!tpu.dma_semaphore, #tpu.memory_space<semaphore_mem>>) {add = true}
    %dma_wait3A_182 = arith.constant 1 : i32
    %dma_wait3A_183 = arith.constant 0 : i32
    %dma_wait3A_184 = tpu.memref_slice %arg10[%dma_wait3A_182, %dma_wait3A_183] : memref<80x128xi32, #tpu.memory_space<vmem>> -> memref<1x128xi32, #tpu.memory_space<vmem>>
    %dma_wait3A_185 = tpu.memref_squeeze %dma_wait3A_184 : memref<1x128xi32, #tpu.memory_space<vmem>> -> memref<128xi32, #tpu.memory_space<vmem>>
    %dma_wait3A_186 = arith.constant 0 : i32
    %dma_wait3A_187 = arith.constant 0 : i32
    %dma_wait3A_188 = tpu.memref_slice %arg19[%dma_wait3A_186, %dma_wait3A_187] : memref<10240x32xf32, #tpu.memory_space<vmem_shared>> -> memref<10240x32xf32, #tpu.memory_space<vmem_shared>>
    tpu.wait_indirect_dma semaphore(%arg29 : memref<!tpu.dma_semaphore, #tpu.memory_space<semaphore_mem>>) src(%arg12 : memref<128x32xf32, #tpu.memory_space<vmem>>) dst(%dma_wait3A_188 : memref<10240x32xf32, #tpu.memory_space<vmem_shared>>)
    %dma_start3A_189 = arith.constant 9 : i32
    %dma_start3A_190 = arith.constant 0 : i32
    %dma_start3A_191 = tpu.memref_slice %arg9[%dma_start3A_189, %dma_start3A_190] : memref<80x128xi32, #tpu.memory_space<vmem>> -> memref<1x128xi32, #tpu.memory_space<vmem>>
    %dma_start3A_192 = tpu.memref_squeeze %dma_start3A_191 : memref<1x128xi32, #tpu.memory_space<vmem>> -> memref<128xi32, #tpu.memory_space<vmem>>
    %dma_start3A_193 = arith.constant 0 : i32
    %dma_start3A_194 = arith.constant 0 : i32
    %dma_start3A_195 = tpu.memref_slice %arg2[%dma_start3A_193, %dma_start3A_194] : memref<10000x32xf32, #tpu.memory_space<hbm>> -> memref<10000x32xf32, #tpu.memory_space<hbm>>
    tpu.enqueue_indirect_dma source(%dma_start3A_195 : memref<10000x32xf32, #tpu.memory_space<hbm>>) target(%arg12 : memref<128x32xf32, #tpu.memory_space<vmem>>) offsets(%dma_start3A_192 : memref<128xi32, #tpu.memory_space<vmem>>) semaphore(%arg21 : memref<!tpu.dma_semaphore, #tpu.memory_space<semaphore_mem>>)
    %dma_wait3A_196 = arith.constant 3 : i32
    %dma_wait3A_197 = arith.constant 0 : i32
    %dma_wait3A_198 = tpu.memref_slice %arg9[%dma_wait3A_196, %dma_wait3A_197] : memref<80x128xi32, #tpu.memory_space<vmem>> -> memref<1x128xi32, #tpu.memory_space<vmem>>
    %dma_wait3A_199 = tpu.memref_squeeze %dma_wait3A_198 : memref<1x128xi32, #tpu.memory_space<vmem>> -> memref<128xi32, #tpu.memory_space<vmem>>
    %dma_wait3A_200 = arith.constant 0 : i32
    %dma_wait3A_201 = arith.constant 0 : i32
    %dma_wait3A_202 = tpu.memref_slice %arg2[%dma_wait3A_200, %dma_wait3A_201] : memref<10000x32xf32, #tpu.memory_space<hbm>> -> memref<10000x32xf32, #tpu.memory_space<hbm>>
    tpu.wait_indirect_dma semaphore(%arg23 : memref<!tpu.dma_semaphore, #tpu.memory_space<semaphore_mem>>) src(%dma_wait3A_202 : memref<10000x32xf32, #tpu.memory_space<hbm>>) dst(%arg14 : memref<128x32xf32, #tpu.memory_space<vmem>>)
    %dma_start3A_203 = arith.constant 3 : i32
    %dma_start3A_204 = arith.constant 0 : i32
    %dma_start3A_205 = tpu.memref_slice %arg10[%dma_start3A_203, %dma_start3A_204] : memref<80x128xi32, #tpu.memory_space<vmem>> -> memref<1x128xi32, #tpu.memory_space<vmem>>
    %dma_start3A_206 = tpu.memref_squeeze %dma_start3A_205 : memref<1x128xi32, #tpu.memory_space<vmem>> -> memref<128xi32, #tpu.memory_space<vmem>>
    %dma_start3A_207 = arith.constant 0 : i32
    %dma_start3A_208 = arith.constant 0 : i32
    %dma_start3A_209 = tpu.memref_slice %arg19[%dma_start3A_207, %dma_start3A_208] : memref<10240x32xf32, #tpu.memory_space<vmem_shared>> -> memref<10240x32xf32, #tpu.memory_space<vmem_shared>>
    tpu.enqueue_indirect_dma source(%arg14 : memref<128x32xf32, #tpu.memory_space<vmem>>) target(%dma_start3A_209 : memref<10240x32xf32, #tpu.memory_space<vmem_shared>>) offsets(%dma_start3A_206 : memref<128xi32, #tpu.memory_space<vmem>>) semaphore(%arg31 : memref<!tpu.dma_semaphore, #tpu.memory_space<semaphore_mem>>) {add = true}
    %dma_start3A_210 = arith.constant 3 : i32
    %dma_start3A_211 = arith.constant 0 : i32
    %dma_start3A_212 = tpu.memref_slice %arg10[%dma_start3A_210, %dma_start3A_211] : memref<80x128xi32, #tpu.memory_space<vmem>> -> memref<1x128xi32, #tpu.memory_space<vmem>>
    %dma_start3A_213 = tpu.memref_squeeze %dma_start3A_212 : memref<1x128xi32, #tpu.memory_space<vmem>> -> memref<128xi32, #tpu.memory_space<vmem>>
    %dma_start3A_214 = arith.constant 0 : i32
    %dma_start3A_215 = arith.constant 0 : i32
    %dma_start3A_216 = tpu.memref_slice %arg37[%dma_start3A_214, %dma_start3A_215] : memref<10240x32xf32, #tpu.memory_space<vmem_shared>> -> memref<10240x32xf32, #tpu.memory_space<vmem_shared>>
    tpu.enqueue_indirect_dma source(%arg36 : memref<128x32xf32, #tpu.memory_space<vmem>>) target(%dma_start3A_216 : memref<10240x32xf32, #tpu.memory_space<vmem_shared>>) offsets(%dma_start3A_213 : memref<128xi32, #tpu.memory_space<vmem>>) semaphore(%arg38 : memref<!tpu.dma_semaphore, #tpu.memory_space<semaphore_mem>>) {add = true}
    %dma_wait3A_217 = arith.constant 2 : i32
    %dma_wait3A_218 = arith.constant 0 : i32
    %dma_wait3A_219 = tpu.memref_slice %arg10[%dma_wait3A_217, %dma_wait3A_218] : memref<80x128xi32, #tpu.memory_space<vmem>> -> memref<1x128xi32, #tpu.memory_space<vmem>>
    %dma_wait3A_220 = tpu.memref_squeeze %dma_wait3A_219 : memref<1x128xi32, #tpu.memory_space<vmem>> -> memref<128xi32, #tpu.memory_space<vmem>>
    %dma_wait3A_221 = arith.constant 0 : i32
    %dma_wait3A_222 = arith.constant 0 : i32
    %dma_wait3A_223 = tpu.memref_slice %arg19[%dma_wait3A_221, %dma_wait3A_222] : memref<10240x32xf32, #tpu.memory_space<vmem_shared>> -> memref<10240x32xf32, #tpu.memory_space<vmem_shared>>
    tpu.wait_indirect_dma semaphore(%arg30 : memref<!tpu.dma_semaphore, #tpu.memory_space<semaphore_mem>>) src(%arg13 : memref<128x32xf32, #tpu.memory_space<vmem>>) dst(%dma_wait3A_223 : memref<10240x32xf32, #tpu.memory_space<vmem_shared>>)
    %dma_start3A_224 = arith.constant 10 : i32
    %dma_start3A_225 = arith.constant 0 : i32
    %dma_start3A_226 = tpu.memref_slice %arg9[%dma_start3A_224, %dma_start3A_225] : memref<80x128xi32, #tpu.memory_space<vmem>> -> memref<1x128xi32, #tpu.memory_space<vmem>>
    %dma_start3A_227 = tpu.memref_squeeze %dma_start3A_226 : memref<1x128xi32, #tpu.memory_space<vmem>> -> memref<128xi32, #tpu.memory_space<vmem>>
    %dma_start3A_228 = arith.constant 0 : i32
    %dma_start3A_229 = arith.constant 0 : i32
    %dma_start3A_230 = tpu.memref_slice %arg2[%dma_start3A_228, %dma_start3A_229] : memref<10000x32xf32, #tpu.memory_space<hbm>> -> memref<10000x32xf32, #tpu.memory_space<hbm>>
    tpu.enqueue_indirect_dma source(%dma_start3A_230 : memref<10000x32xf32, #tpu.memory_space<hbm>>) target(%arg13 : memref<128x32xf32, #tpu.memory_space<vmem>>) offsets(%dma_start3A_227 : memref<128xi32, #tpu.memory_space<vmem>>) semaphore(%arg22 : memref<!tpu.dma_semaphore, #tpu.memory_space<semaphore_mem>>)
    %dma_wait3A_231 = arith.constant 4 : i32
    %dma_wait3A_232 = arith.constant 0 : i32
    %dma_wait3A_233 = tpu.memref_slice %arg9[%dma_wait3A_231, %dma_wait3A_232] : memref<80x128xi32, #tpu.memory_space<vmem>> -> memref<1x128xi32, #tpu.memory_space<vmem>>
    %dma_wait3A_234 = tpu.memref_squeeze %dma_wait3A_233 : memref<1x128xi32, #tpu.memory_space<vmem>> -> memref<128xi32, #tpu.memory_space<vmem>>
    %dma_wait3A_235 = arith.constant 0 : i32
    %dma_wait3A_236 = arith.constant 0 : i32
    %dma_wait3A_237 = tpu.memref_slice %arg2[%dma_wait3A_235, %dma_wait3A_236] : memref<10000x32xf32, #tpu.memory_space<hbm>> -> memref<10000x32xf32, #tpu.memory_space<hbm>>
    tpu.wait_indirect_dma semaphore(%arg24 : memref<!tpu.dma_semaphore, #tpu.memory_space<semaphore_mem>>) src(%dma_wait3A_237 : memref<10000x32xf32, #tpu.memory_space<hbm>>) dst(%arg15 : memref<128x32xf32, #tpu.memory_space<vmem>>)
    %dma_start3A_238 = arith.constant 4 : i32
    %dma_start3A_239 = arith.constant 0 : i32
    %dma_start3A_240 = tpu.memref_slice %arg10[%dma_start3A_238, %dma_start3A_239] : memref<80x128xi32, #tpu.memory_space<vmem>> -> memref<1x128xi32, #tpu.memory_space<vmem>>
    %dma_start3A_241 = tpu.memref_squeeze %dma_start3A_240 : memref<1x128xi32, #tpu.memory_space<vmem>> -> memref<128xi32, #tpu.memory_space<vmem>>
    %dma_start3A_242 = arith.constant 0 : i32
    %dma_start3A_243 = arith.constant 0 : i32
    %dma_start3A_244 = tpu.memref_slice %arg19[%dma_start3A_242, %dma_start3A_243] : memref<10240x32xf32, #tpu.memory_space<vmem_shared>> -> memref<10240x32xf32, #tpu.memory_space<vmem_shared>>
    tpu.enqueue_indirect_dma source(%arg15 : memref<128x32xf32, #tpu.memory_space<vmem>>) target(%dma_start3A_244 : memref<10240x32xf32, #tpu.memory_space<vmem_shared>>) offsets(%dma_start3A_241 : memref<128xi32, #tpu.memory_space<vmem>>) semaphore(%arg32 : memref<!tpu.dma_semaphore, #tpu.memory_space<semaphore_mem>>) {add = true}
    %dma_start3A_245 = arith.constant 4 : i32
    %dma_start3A_246 = arith.constant 0 : i32
    %dma_start3A_247 = tpu.memref_slice %arg10[%dma_start3A_245, %dma_start3A_246] : memref<80x128xi32, #tpu.memory_space<vmem>> -> memref<1x128xi32, #tpu.memory_space<vmem>>
    %dma_start3A_248 = tpu.memref_squeeze %dma_start3A_247 : memref<1x128xi32, #tpu.memory_space<vmem>> -> memref<128xi32, #tpu.memory_space<vmem>>
    %dma_start3A_249 = arith.constant 0 : i32
    %dma_start3A_250 = arith.constant 0 : i32
    %dma_start3A_251 = tpu.memref_slice %arg37[%dma_start3A_249, %dma_start3A_250] : memref<10240x32xf32, #tpu.memory_space<vmem_shared>> -> memref<10240x32xf32, #tpu.memory_space<vmem_shared>>
    tpu.enqueue_indirect_dma source(%arg36 : memref<128x32xf32, #tpu.memory_space<vmem>>) target(%dma_start3A_251 : memref<10240x32xf32, #tpu.memory_space<vmem_shared>>) offsets(%dma_start3A_248 : memref<128xi32, #tpu.memory_space<vmem>>) semaphore(%arg38 : memref<!tpu.dma_semaphore, #tpu.memory_space<semaphore_mem>>) {add = true}
    %dma_wait3A_252 = arith.constant 3 : i32
    %dma_wait3A_253 = arith.constant 0 : i32
    %dma_wait3A_254 = tpu.memref_slice %arg10[%dma_wait3A_252, %dma_wait3A_253] : memref<80x128xi32, #tpu.memory_space<vmem>> -> memref<1x128xi32, #tpu.memory_space<vmem>>
    %dma_wait3A_255 = tpu.memref_squeeze %dma_wait3A_254 : memref<1x128xi32, #tpu.memory_space<vmem>> -> memref<128xi32, #tpu.memory_space<vmem>>
    %dma_wait3A_256 = arith.constant 0 : i32
    %dma_wait3A_257 = arith.constant 0 : i32
    %dma_wait3A_258 = tpu.memref_slice %arg19[%dma_wait3A_256, %dma_wait3A_257] : memref<10240x32xf32, #tpu.memory_space<vmem_shared>> -> memref<10240x32xf32, #tpu.memory_space<vmem_shared>>
    tpu.wait_indirect_dma semaphore(%arg31 : memref<!tpu.dma_semaphore, #tpu.memory_space<semaphore_mem>>) src(%arg14 : memref<128x32xf32, #tpu.memory_space<vmem>>) dst(%dma_wait3A_258 : memref<10240x32xf32, #tpu.memory_space<vmem_shared>>)
    %dma_start3A_259 = arith.constant 11 : i32
    %dma_start3A_260 = arith.constant 0 : i32
    %dma_start3A_261 = tpu.memref_slice %arg9[%dma_start3A_259, %dma_start3A_260] : memref<80x128xi32, #tpu.memory_space<vmem>> -> memref<1x128xi32, #tpu.memory_space<vmem>>
    %dma_start3A_262 = tpu.memref_squeeze %dma_start3A_261 : memref<1x128xi32, #tpu.memory_space<vmem>> -> memref<128xi32, #tpu.memory_space<vmem>>
    %dma_start3A_263 = arith.constant 0 : i32
    %dma_start3A_264 = arith.constant 0 : i32
    %dma_start3A_265 = tpu.memref_slice %arg2[%dma_start3A_263, %dma_start3A_264] : memref<10000x32xf32, #tpu.memory_space<hbm>> -> memref<10000x32xf32, #tpu.memory_space<hbm>>
    tpu.enqueue_indirect_dma source(%dma_start3A_265 : memref<10000x32xf32, #tpu.memory_space<hbm>>) target(%arg14 : memref<128x32xf32, #tpu.memory_space<vmem>>) offsets(%dma_start3A_262 : memref<128xi32, #tpu.memory_space<vmem>>) semaphore(%arg23 : memref<!tpu.dma_semaphore, #tpu.memory_space<semaphore_mem>>)
    %dma_wait3A_266 = arith.constant 5 : i32
    %dma_wait3A_267 = arith.constant 0 : i32
    %dma_wait3A_268 = tpu.memref_slice %arg9[%dma_wait3A_266, %dma_wait3A_267] : memref<80x128xi32, #tpu.memory_space<vmem>> -> memref<1x128xi32, #tpu.memory_space<vmem>>
    %dma_wait3A_269 = tpu.memref_squeeze %dma_wait3A_268 : memref<1x128xi32, #tpu.memory_space<vmem>> -> memref<128xi32, #tpu.memory_space<vmem>>
    %dma_wait3A_270 = arith.constant 0 : i32
    %dma_wait3A_271 = arith.constant 0 : i32
    %dma_wait3A_272 = tpu.memref_slice %arg2[%dma_wait3A_270, %dma_wait3A_271] : memref<10000x32xf32, #tpu.memory_space<hbm>> -> memref<10000x32xf32, #tpu.memory_space<hbm>>
    tpu.wait_indirect_dma semaphore(%arg25 : memref<!tpu.dma_semaphore, #tpu.memory_space<semaphore_mem>>) src(%dma_wait3A_272 : memref<10000x32xf32, #tpu.memory_space<hbm>>) dst(%arg16 : memref<128x32xf32, #tpu.memory_space<vmem>>)
    %dma_start3A_273 = arith.constant 5 : i32
    %dma_start3A_274 = arith.constant 0 : i32
    %dma_start3A_275 = tpu.memref_slice %arg10[%dma_start3A_273, %dma_start3A_274] : memref<80x128xi32, #tpu.memory_space<vmem>> -> memref<1x128xi32, #tpu.memory_space<vmem>>
    %dma_start3A_276 = tpu.memref_squeeze %dma_start3A_275 : memref<1x128xi32, #tpu.memory_space<vmem>> -> memref<128xi32, #tpu.memory_space<vmem>>
    %dma_start3A_277 = arith.constant 0 : i32
    %dma_start3A_278 = arith.constant 0 : i32
    %dma_start3A_279 = tpu.memref_slice %arg19[%dma_start3A_277, %dma_start3A_278] : memref<10240x32xf32, #tpu.memory_space<vmem_shared>> -> memref<10240x32xf32, #tpu.memory_space<vmem_shared>>
    tpu.enqueue_indirect_dma source(%arg16 : memref<128x32xf32, #tpu.memory_space<vmem>>) target(%dma_start3A_279 : memref<10240x32xf32, #tpu.memory_space<vmem_shared>>) offsets(%dma_start3A_276 : memref<128xi32, #tpu.memory_space<vmem>>) semaphore(%arg33 : memref<!tpu.dma_semaphore, #tpu.memory_space<semaphore_mem>>) {add = true}
    %dma_start3A_280 = arith.constant 5 : i32
    %dma_start3A_281 = arith.constant 0 : i32
    %dma_start3A_282 = tpu.memref_slice %arg10[%dma_start3A_280, %dma_start3A_281] : memref<80x128xi32, #tpu.memory_space<vmem>> -> memref<1x128xi32, #tpu.memory_space<vmem>>
    %dma_start3A_283 = tpu.memref_squeeze %dma_start3A_282 : memref<1x128xi32, #tpu.memory_space<vmem>> -> memref<128xi32, #tpu.memory_space<vmem>>
    %dma_start3A_284 = arith.constant 0 : i32
    %dma_start3A_285 = arith.constant 0 : i32
    %dma_start3A_286 = tpu.memref_slice %arg37[%dma_start3A_284, %dma_start3A_285] : memref<10240x32xf32, #tpu.memory_space<vmem_shared>> -> memref<10240x32xf32, #tpu.memory_space<vmem_shared>>
    tpu.enqueue_indirect_dma source(%arg36 : memref<128x32xf32, #tpu.memory_space<vmem>>) target(%dma_start3A_286 : memref<10240x32xf32, #tpu.memory_space<vmem_shared>>) offsets(%dma_start3A_283 : memref<128xi32, #tpu.memory_space<vmem>>) semaphore(%arg38 : memref<!tpu.dma_semaphore, #tpu.memory_space<semaphore_mem>>) {add = true}
    %dma_wait3A_287 = arith.constant 4 : i32
    %dma_wait3A_288 = arith.constant 0 : i32
    %dma_wait3A_289 = tpu.memref_slice %arg10[%dma_wait3A_287, %dma_wait3A_288] : memref<80x128xi32, #tpu.memory_space<vmem>> -> memref<1x128xi32, #tpu.memory_space<vmem>>
    %dma_wait3A_290 = tpu.memref_squeeze %dma_wait3A_289 : memref<1x128xi32, #tpu.memory_space<vmem>> -> memref<128xi32, #tpu.memory_space<vmem>>
    %dma_wait3A_291 = arith.constant 0 : i32
    %dma_wait3A_292 = arith.constant 0 : i32
    %dma_wait3A_293 = tpu.memref_slice %arg19[%dma_wait3A_291, %dma_wait3A_292] : memref<10240x32xf32, #tpu.memory_space<vmem_shared>> -> memref<10240x32xf32, #tpu.memory_space<vmem_shared>>
    tpu.wait_indirect_dma semaphore(%arg32 : memref<!tpu.dma_semaphore, #tpu.memory_space<semaphore_mem>>) src(%arg15 : memref<128x32xf32, #tpu.memory_space<vmem>>) dst(%dma_wait3A_293 : memref<10240x32xf32, #tpu.memory_space<vmem_shared>>)
    %dma_start3A_294 = arith.constant 12 : i32
    %dma_start3A_295 = arith.constant 0 : i32
    %dma_start3A_296 = tpu.memref_slice %arg9[%dma_start3A_294, %dma_start3A_295] : memref<80x128xi32, #tpu.memory_space<vmem>> -> memref<1x128xi32, #tpu.memory_space<vmem>>
    %dma_start3A_297 = tpu.memref_squeeze %dma_start3A_296 : memref<1x128xi32, #tpu.memory_space<vmem>> -> memref<128xi32, #tpu.memory_space<vmem>>
    %dma_start3A_298 = arith.constant 0 : i32
    %dma_start3A_299 = arith.constant 0 : i32
    %dma_start3A_300 = tpu.memref_slice %arg2[%dma_start3A_298, %dma_start3A_299] : memref<10000x32xf32, #tpu.memory_space<hbm>> -> memref<10000x32xf32, #tpu.memory_space<hbm>>
    tpu.enqueue_indirect_dma source(%dma_start3A_300 : memref<10000x32xf32, #tpu.memory_space<hbm>>) target(%arg15 : memref<128x32xf32, #tpu.memory_space<vmem>>) offsets(%dma_start3A_297 : memref<128xi32, #tpu.memory_space<vmem>>) semaphore(%arg24 : memref<!tpu.dma_semaphore, #tpu.memory_space<semaphore_mem>>)
    %dma_wait3A_301 = arith.constant 6 : i32
    %dma_wait3A_302 = arith.constant 0 : i32
    %dma_wait3A_303 = tpu.memref_slice %arg9[%dma_wait3A_301, %dma_wait3A_302] : memref<80x128xi32, #tpu.memory_space<vmem>> -> memref<1x128xi32, #tpu.memory_space<vmem>>
    %dma_wait3A_304 = tpu.memref_squeeze %dma_wait3A_303 : memref<1x128xi32, #tpu.memory_space<vmem>> -> memref<128xi32, #tpu.memory_space<vmem>>
    %dma_wait3A_305 = arith.constant 0 : i32
    %dma_wait3A_306 = arith.constant 0 : i32
    %dma_wait3A_307 = tpu.memref_slice %arg2[%dma_wait3A_305, %dma_wait3A_306] : memref<10000x32xf32, #tpu.memory_space<hbm>> -> memref<10000x32xf32, #tpu.memory_space<hbm>>
    tpu.wait_indirect_dma semaphore(%arg26 : memref<!tpu.dma_semaphore, #tpu.memory_space<semaphore_mem>>) src(%dma_wait3A_307 : memref<10000x32xf32, #tpu.memory_space<hbm>>) dst(%arg17 : memref<128x32xf32, #tpu.memory_space<vmem>>)
    %dma_start3A_308 = arith.constant 6 : i32
    %dma_start3A_309 = arith.constant 0 : i32
    %dma_start3A_310 = tpu.memref_slice %arg10[%dma_start3A_308, %dma_start3A_309] : memref<80x128xi32, #tpu.memory_space<vmem>> -> memref<1x128xi32, #tpu.memory_space<vmem>>
    %dma_start3A_311 = tpu.memref_squeeze %dma_start3A_310 : memref<1x128xi32, #tpu.memory_space<vmem>> -> memref<128xi32, #tpu.memory_space<vmem>>
    %dma_start3A_312 = arith.constant 0 : i32
    %dma_start3A_313 = arith.constant 0 : i32
    %dma_start3A_314 = tpu.memref_slice %arg19[%dma_start3A_312, %dma_start3A_313] : memref<10240x32xf32, #tpu.memory_space<vmem_shared>> -> memref<10240x32xf32, #tpu.memory_space<vmem_shared>>
    tpu.enqueue_indirect_dma source(%arg17 : memref<128x32xf32, #tpu.memory_space<vmem>>) target(%dma_start3A_314 : memref<10240x32xf32, #tpu.memory_space<vmem_shared>>) offsets(%dma_start3A_311 : memref<128xi32, #tpu.memory_space<vmem>>) semaphore(%arg34 : memref<!tpu.dma_semaphore, #tpu.memory_space<semaphore_mem>>) {add = true}
    %dma_start3A_315 = arith.constant 6 : i32
    %dma_start3A_316 = arith.constant 0 : i32
    %dma_start3A_317 = tpu.memref_slice %arg10[%dma_start3A_315, %dma_start3A_316] : memref<80x128xi32, #tpu.memory_space<vmem>> -> memref<1x128xi32, #tpu.memory_space<vmem>>
    %dma_start3A_318 = tpu.memref_squeeze %dma_start3A_317 : memref<1x128xi32, #tpu.memory_space<vmem>> -> memref<128xi32, #tpu.memory_space<vmem>>
    %dma_start3A_319 = arith.constant 0 : i32
    %dma_start3A_320 = arith.constant 0 : i32
    %dma_start3A_321 = tpu.memref_slice %arg37[%dma_start3A_319, %dma_start3A_320] : memref<10240x32xf32, #tpu.memory_space<vmem_shared>> -> memref<10240x32xf32, #tpu.memory_space<vmem_shared>>
    tpu.enqueue_indirect_dma source(%arg36 : memref<128x32xf32, #tpu.memory_space<vmem>>) target(%dma_start3A_321 : memref<10240x32xf32, #tpu.memory_space<vmem_shared>>) offsets(%dma_start3A_318 : memref<128xi32, #tpu.memory_space<vmem>>) semaphore(%arg38 : memref<!tpu.dma_semaphore, #tpu.memory_space<semaphore_mem>>) {add = true}
    %dma_wait3A_322 = arith.constant 5 : i32
    %dma_wait3A_323 = arith.constant 0 : i32
    %dma_wait3A_324 = tpu.memref_slice %arg10[%dma_wait3A_322, %dma_wait3A_323] : memref<80x128xi32, #tpu.memory_space<vmem>> -> memref<1x128xi32, #tpu.memory_space<vmem>>
    %dma_wait3A_325 = tpu.memref_squeeze %dma_wait3A_324 : memref<1x128xi32, #tpu.memory_space<vmem>> -> memref<128xi32, #tpu.memory_space<vmem>>
    %dma_wait3A_326 = arith.constant 0 : i32
    %dma_wait3A_327 = arith.constant 0 : i32
    %dma_wait3A_328 = tpu.memref_slice %arg19[%dma_wait3A_326, %dma_wait3A_327] : memref<10240x32xf32, #tpu.memory_space<vmem_shared>> -> memref<10240x32xf32, #tpu.memory_space<vmem_shared>>
    tpu.wait_indirect_dma semaphore(%arg33 : memref<!tpu.dma_semaphore, #tpu.memory_space<semaphore_mem>>) src(%arg16 : memref<128x32xf32, #tpu.memory_space<vmem>>) dst(%dma_wait3A_328 : memref<10240x32xf32, #tpu.memory_space<vmem_shared>>)
    %dma_start3A_329 = arith.constant 13 : i32
    %dma_start3A_330 = arith.constant 0 : i32
    %dma_start3A_331 = tpu.memref_slice %arg9[%dma_start3A_329, %dma_start3A_330] : memref<80x128xi32, #tpu.memory_space<vmem>> -> memref<1x128xi32, #tpu.memory_space<vmem>>
    %dma_start3A_332 = tpu.memref_squeeze %dma_start3A_331 : memref<1x128xi32, #tpu.memory_space<vmem>> -> memref<128xi32, #tpu.memory_space<vmem>>
    %dma_start3A_333 = arith.constant 0 : i32
    %dma_start3A_334 = arith.constant 0 : i32
    %dma_start3A_335 = tpu.memref_slice %arg2[%dma_start3A_333, %dma_start3A_334] : memref<10000x32xf32, #tpu.memory_space<hbm>> -> memref<10000x32xf32, #tpu.memory_space<hbm>>
    tpu.enqueue_indirect_dma source(%dma_start3A_335 : memref<10000x32xf32, #tpu.memory_space<hbm>>) target(%arg16 : memref<128x32xf32, #tpu.memory_space<vmem>>) offsets(%dma_start3A_332 : memref<128xi32, #tpu.memory_space<vmem>>) semaphore(%arg25 : memref<!tpu.dma_semaphore, #tpu.memory_space<semaphore_mem>>)
    %dma_wait3A_336 = arith.constant 7 : i32
    %dma_wait3A_337 = arith.constant 0 : i32
    %dma_wait3A_338 = tpu.memref_slice %arg9[%dma_wait3A_336, %dma_wait3A_337] : memref<80x128xi32, #tpu.memory_space<vmem>> -> memref<1x128xi32, #tpu.memory_space<vmem>>
    %dma_wait3A_339 = tpu.memref_squeeze %dma_wait3A_338 : memref<1x128xi32, #tpu.memory_space<vmem>> -> memref<128xi32, #tpu.memory_space<vmem>>
    %dma_wait3A_340 = arith.constant 0 : i32
    %dma_wait3A_341 = arith.constant 0 : i32
    %dma_wait3A_342 = tpu.memref_slice %arg2[%dma_wait3A_340, %dma_wait3A_341] : memref<10000x32xf32, #tpu.memory_space<hbm>> -> memref<10000x32xf32, #tpu.memory_space<hbm>>
    tpu.wait_indirect_dma semaphore(%arg27 : memref<!tpu.dma_semaphore, #tpu.memory_space<semaphore_mem>>) src(%dma_wait3A_342 : memref<10000x32xf32, #tpu.memory_space<hbm>>) dst(%arg18 : memref<128x32xf32, #tpu.memory_space<vmem>>)
    %dma_start3A_343 = arith.constant 7 : i32
    %dma_start3A_344 = arith.constant 0 : i32
    %dma_start3A_345 = tpu.memref_slice %arg10[%dma_start3A_343, %dma_start3A_344] : memref<80x128xi32, #tpu.memory_space<vmem>> -> memref<1x128xi32, #tpu.memory_space<vmem>>
    %dma_start3A_346 = tpu.memref_squeeze %dma_start3A_345 : memref<1x128xi32, #tpu.memory_space<vmem>> -> memref<128xi32, #tpu.memory_space<vmem>>
    %dma_start3A_347 = arith.constant 0 : i32
    %dma_start3A_348 = arith.constant 0 : i32
    %dma_start3A_349 = tpu.memref_slice %arg19[%dma_start3A_347, %dma_start3A_348] : memref<10240x32xf32, #tpu.memory_space<vmem_shared>> -> memref<10240x32xf32, #tpu.memory_space<vmem_shared>>
    tpu.enqueue_indirect_dma source(%arg18 : memref<128x32xf32, #tpu.memory_space<vmem>>) target(%dma_start3A_349 : memref<10240x32xf32, #tpu.memory_space<vmem_shared>>) offsets(%dma_start3A_346 : memref<128xi32, #tpu.memory_space<vmem>>) semaphore(%arg35 : memref<!tpu.dma_semaphore, #tpu.memory_space<semaphore_mem>>) {add = true}
    %dma_start3A_350 = arith.constant 7 : i32
    %dma_start3A_351 = arith.constant 0 : i32
    %dma_start3A_352 = tpu.memref_slice %arg10[%dma_start3A_350, %dma_start3A_351] : memref<80x128xi32, #tpu.memory_space<vmem>> -> memref<1x128xi32, #tpu.memory_space<vmem>>
    %dma_start3A_353 = tpu.memref_squeeze %dma_start3A_352 : memref<1x128xi32, #tpu.memory_space<vmem>> -> memref<128xi32, #tpu.memory_space<vmem>>
    %dma_start3A_354 = arith.constant 0 : i32
    %dma_start3A_355 = arith.constant 0 : i32
    %dma_start3A_356 = tpu.memref_slice %arg37[%dma_start3A_354, %dma_start3A_355] : memref<10240x32xf32, #tpu.memory_space<vmem_shared>> -> memref<10240x32xf32, #tpu.memory_space<vmem_shared>>
    tpu.enqueue_indirect_dma source(%arg36 : memref<128x32xf32, #tpu.memory_space<vmem>>) target(%dma_start3A_356 : memref<10240x32xf32, #tpu.memory_space<vmem_shared>>) offsets(%dma_start3A_353 : memref<128xi32, #tpu.memory_space<vmem>>) semaphore(%arg38 : memref<!tpu.dma_semaphore, #tpu.memory_space<semaphore_mem>>) {add = true}
    %dma_wait3A_357 = arith.constant 6 : i32
    %dma_wait3A_358 = arith.constant 0 : i32
    %dma_wait3A_359 = tpu.memref_slice %arg10[%dma_wait3A_357, %dma_wait3A_358] : memref<80x128xi32, #tpu.memory_space<vmem>> -> memref<1x128xi32, #tpu.memory_space<vmem>>
    %dma_wait3A_360 = tpu.memref_squeeze %dma_wait3A_359 : memref<1x128xi32, #tpu.memory_space<vmem>> -> memref<128xi32, #tpu.memory_space<vmem>>
    %dma_wait3A_361 = arith.constant 0 : i32
    %dma_wait3A_362 = arith.constant 0 : i32
    %dma_wait3A_363 = tpu.memref_slice %arg19[%dma_wait3A_361, %dma_wait3A_362] : memref<10240x32xf32, #tpu.memory_space<vmem_shared>> -> memref<10240x32xf32, #tpu.memory_space<vmem_shared>>
    tpu.wait_indirect_dma semaphore(%arg34 : memref<!tpu.dma_semaphore, #tpu.memory_space<semaphore_mem>>) src(%arg17 : memref<128x32xf32, #tpu.memory_space<vmem>>) dst(%dma_wait3A_363 : memref<10240x32xf32, #tpu.memory_space<vmem_shared>>)
    %dma_start3A_364 = arith.constant 14 : i32
    %dma_start3A_365 = arith.constant 0 : i32
    %dma_start3A_366 = tpu.memref_slice %arg9[%dma_start3A_364, %dma_start3A_365] : memref<80x128xi32, #tpu.memory_space<vmem>> -> memref<1x128xi32, #tpu.memory_space<vmem>>
    %dma_start3A_367 = tpu.memref_squeeze %dma_start3A_366 : memref<1x128xi32, #tpu.memory_space<vmem>> -> memref<128xi32, #tpu.memory_space<vmem>>
    %dma_start3A_368 = arith.constant 0 : i32
    %dma_start3A_369 = arith.constant 0 : i32
    %dma_start3A_370 = tpu.memref_slice %arg2[%dma_start3A_368, %dma_start3A_369] : memref<10000x32xf32, #tpu.memory_space<hbm>> -> memref<10000x32xf32, #tpu.memory_space<hbm>>
    tpu.enqueue_indirect_dma source(%dma_start3A_370 : memref<10000x32xf32, #tpu.memory_space<hbm>>) target(%arg17 : memref<128x32xf32, #tpu.memory_space<vmem>>) offsets(%dma_start3A_367 : memref<128xi32, #tpu.memory_space<vmem>>) semaphore(%arg26 : memref<!tpu.dma_semaphore, #tpu.memory_space<semaphore_mem>>)
    %scan3A = arith.constant 0 : i32
    %scan3A_371 = arith.constant 1 : i32
    %scan3A_372 = arith.constant 8 : i32
    %scan3A_373 = arith.addi %scan3A_371, %scan3A_372 : i32
    %scan3A_374 = arith.constant 1 : i32
    scf.for %scan3A_621 = %scan3A_371 to %scan3A_373 step %scan3A_374  : i32 {
      %mul3A_622 = arith.constant 8 : i32
      %mul3A_623 = arith.muli %scan3A_621, %mul3A_622 : i32
      %add3A_624 = arith.constant 0 : i32
      %add3A_625 = arith.addi %mul3A_623, %add3A_624 : i32
      %dma_wait3A_626 = arith.constant 0 : i32
      %dma_wait3A_627 = tpu.memref_slice %arg9[%add3A_625, %dma_wait3A_626] : memref<80x128xi32, #tpu.memory_space<vmem>> -> memref<1x128xi32, #tpu.memory_space<vmem>>
      %dma_wait3A_628 = tpu.memref_squeeze %dma_wait3A_627 : memref<1x128xi32, #tpu.memory_space<vmem>> -> memref<128xi32, #tpu.memory_space<vmem>>
      %dma_wait3A_629 = arith.constant 0 : i32
      %dma_wait3A_630 = arith.constant 0 : i32
      %dma_wait3A_631 = tpu.memref_slice %arg2[%dma_wait3A_629, %dma_wait3A_630] : memref<10000x32xf32, #tpu.memory_space<hbm>> -> memref<10000x32xf32, #tpu.memory_space<hbm>>
      tpu.wait_indirect_dma semaphore(%arg20 : memref<!tpu.dma_semaphore, #tpu.memory_space<semaphore_mem>>) src(%dma_wait3A_631 : memref<10000x32xf32, #tpu.memory_space<hbm>>) dst(%arg11 : memref<128x32xf32, #tpu.memory_space<vmem>>)
      %dma_start3A_632 = arith.constant 0 : i32
      %dma_start3A_633 = tpu.memref_slice %arg10[%add3A_625, %dma_start3A_632] : memref<80x128xi32, #tpu.memory_space<vmem>> -> memref<1x128xi32, #tpu.memory_space<vmem>>
      %dma_start3A_634 = tpu.memref_squeeze %dma_start3A_633 : memref<1x128xi32, #tpu.memory_space<vmem>> -> memref<128xi32, #tpu.memory_space<vmem>>
      %dma_start3A_635 = arith.constant 0 : i32
      %dma_start3A_636 = arith.constant 0 : i32
      %dma_start3A_637 = tpu.memref_slice %arg19[%dma_start3A_635, %dma_start3A_636] : memref<10240x32xf32, #tpu.memory_space<vmem_shared>> -> memref<10240x32xf32, #tpu.memory_space<vmem_shared>>
      tpu.enqueue_indirect_dma source(%arg11 : memref<128x32xf32, #tpu.memory_space<vmem>>) target(%dma_start3A_637 : memref<10240x32xf32, #tpu.memory_space<vmem_shared>>) offsets(%dma_start3A_634 : memref<128xi32, #tpu.memory_space<vmem>>) semaphore(%arg28 : memref<!tpu.dma_semaphore, #tpu.memory_space<semaphore_mem>>) {add = true}
      %dma_start3A_638 = arith.constant 0 : i32
      %dma_start3A_639 = tpu.memref_slice %arg10[%add3A_625, %dma_start3A_638] : memref<80x128xi32, #tpu.memory_space<vmem>> -> memref<1x128xi32, #tpu.memory_space<vmem>>
      %dma_start3A_640 = tpu.memref_squeeze %dma_start3A_639 : memref<1x128xi32, #tpu.memory_space<vmem>> -> memref<128xi32, #tpu.memory_space<vmem>>
      %dma_start3A_641 = arith.constant 0 : i32
      %dma_start3A_642 = arith.constant 0 : i32
      %dma_start3A_643 = tpu.memref_slice %arg37[%dma_start3A_641, %dma_start3A_642] : memref<10240x32xf32, #tpu.memory_space<vmem_shared>> -> memref<10240x32xf32, #tpu.memory_space<vmem_shared>>
      tpu.enqueue_indirect_dma source(%arg36 : memref<128x32xf32, #tpu.memory_space<vmem>>) target(%dma_start3A_643 : memref<10240x32xf32, #tpu.memory_space<vmem_shared>>) offsets(%dma_start3A_640 : memref<128xi32, #tpu.memory_space<vmem>>) semaphore(%arg38 : memref<!tpu.dma_semaphore, #tpu.memory_space<semaphore_mem>>) {add = true}
      %sub3A = arith.constant 1 : i32
      %sub3A_644 = arith.subi %add3A_625, %sub3A : i32
      %dma_wait3A_645 = arith.constant 0 : i32
      %dma_wait3A_646 = tpu.memref_slice %arg10[%sub3A_644, %dma_wait3A_645] : memref<80x128xi32, #tpu.memory_space<vmem>> -> memref<1x128xi32, #tpu.memory_space<vmem>>
      %dma_wait3A_647 = tpu.memref_squeeze %dma_wait3A_646 : memref<1x128xi32, #tpu.memory_space<vmem>> -> memref<128xi32, #tpu.memory_space<vmem>>
      %dma_wait3A_648 = arith.constant 0 : i32
      %dma_wait3A_649 = arith.constant 0 : i32
      %dma_wait3A_650 = tpu.memref_slice %arg19[%dma_wait3A_648, %dma_wait3A_649] : memref<10240x32xf32, #tpu.memory_space<vmem_shared>> -> memref<10240x32xf32, #tpu.memory_space<vmem_shared>>
      tpu.wait_indirect_dma semaphore(%arg35 : memref<!tpu.dma_semaphore, #tpu.memory_space<semaphore_mem>>) src(%arg18 : memref<128x32xf32, #tpu.memory_space<vmem>>) dst(%dma_wait3A_650 : memref<10240x32xf32, #tpu.memory_space<vmem_shared>>)
      %add3A_651 = arith.constant 8 : i32
      %add3A_652 = arith.addi %add3A_625, %add3A_651 : i32
      %sub3A_653 = arith.constant 1 : i32
      %sub3A_654 = arith.subi %add3A_652, %sub3A_653 : i32
      %dma_start3A_655 = arith.constant 0 : i32
      %dma_start3A_656 = tpu.memref_slice %arg9[%sub3A_654, %dma_start3A_655] : memref<80x128xi32, #tpu.memory_space<vmem>> -> memref<1x128xi32, #tpu.memory_space<vmem>>
      %dma_start3A_657 = tpu.memref_squeeze %dma_start3A_656 : memref<1x128xi32, #tpu.memory_space<vmem>> -> memref<128xi32, #tpu.memory_space<vmem>>
      %dma_start3A_658 = arith.constant 0 : i32
      %dma_start3A_659 = arith.constant 0 : i32
      %dma_start3A_660 = tpu.memref_slice %arg2[%dma_start3A_658, %dma_start3A_659] : memref<10000x32xf32, #tpu.memory_space<hbm>> -> memref<10000x32xf32, #tpu.memory_space<hbm>>
      tpu.enqueue_indirect_dma source(%dma_start3A_660 : memref<10000x32xf32, #tpu.memory_space<hbm>>) target(%arg18 : memref<128x32xf32, #tpu.memory_space<vmem>>) offsets(%dma_start3A_657 : memref<128xi32, #tpu.memory_space<vmem>>) semaphore(%arg27 : memref<!tpu.dma_semaphore, #tpu.memory_space<semaphore_mem>>)
      %add3A_661 = arith.constant 1 : i32
      %add3A_662 = arith.addi %mul3A_623, %add3A_661 : i32
      %dma_wait3A_663 = arith.constant 0 : i32
      %dma_wait3A_664 = tpu.memref_slice %arg9[%add3A_662, %dma_wait3A_663] : memref<80x128xi32, #tpu.memory_space<vmem>> -> memref<1x128xi32, #tpu.memory_space<vmem>>
      %dma_wait3A_665 = tpu.memref_squeeze %dma_wait3A_664 : memref<1x128xi32, #tpu.memory_space<vmem>> -> memref<128xi32, #tpu.memory_space<vmem>>
      %dma_wait3A_666 = arith.constant 0 : i32
      %dma_wait3A_667 = arith.constant 0 : i32
      %dma_wait3A_668 = tpu.memref_slice %arg2[%dma_wait3A_666, %dma_wait3A_667] : memref<10000x32xf32, #tpu.memory_space<hbm>> -> memref<10000x32xf32, #tpu.memory_space<hbm>>
      tpu.wait_indirect_dma semaphore(%arg21 : memref<!tpu.dma_semaphore, #tpu.memory_space<semaphore_mem>>) src(%dma_wait3A_668 : memref<10000x32xf32, #tpu.memory_space<hbm>>) dst(%arg12 : memref<128x32xf32, #tpu.memory_space<vmem>>)
      %dma_start3A_669 = arith.constant 0 : i32
      %dma_start3A_670 = tpu.memref_slice %arg10[%add3A_662, %dma_start3A_669] : memref<80x128xi32, #tpu.memory_space<vmem>> -> memref<1x128xi32, #tpu.memory_space<vmem>>
      %dma_start3A_671 = tpu.memref_squeeze %dma_start3A_670 : memref<1x128xi32, #tpu.memory_space<vmem>> -> memref<128xi32, #tpu.memory_space<vmem>>
      %dma_start3A_672 = arith.constant 0 : i32
      %dma_start3A_673 = arith.constant 0 : i32
      %dma_start3A_674 = tpu.memref_slice %arg19[%dma_start3A_672, %dma_start3A_673] : memref<10240x32xf32, #tpu.memory_space<vmem_shared>> -> memref<10240x32xf32, #tpu.memory_space<vmem_shared>>
      tpu.enqueue_indirect_dma source(%arg12 : memref<128x32xf32, #tpu.memory_space<vmem>>) target(%dma_start3A_674 : memref<10240x32xf32, #tpu.memory_space<vmem_shared>>) offsets(%dma_start3A_671 : memref<128xi32, #tpu.memory_space<vmem>>) semaphore(%arg29 : memref<!tpu.dma_semaphore, #tpu.memory_space<semaphore_mem>>) {add = true}
      %dma_start3A_675 = arith.constant 0 : i32
      %dma_start3A_676 = tpu.memref_slice %arg10[%add3A_662, %dma_start3A_675] : memref<80x128xi32, #tpu.memory_space<vmem>> -> memref<1x128xi32, #tpu.memory_space<vmem>>
      %dma_start3A_677 = tpu.memref_squeeze %dma_start3A_676 : memref<1x128xi32, #tpu.memory_space<vmem>> -> memref<128xi32, #tpu.memory_space<vmem>>
      %dma_start3A_678 = arith.constant 0 : i32
      %dma_start3A_679 = arith.constant 0 : i32
      %dma_start3A_680 = tpu.memref_slice %arg37[%dma_start3A_678, %dma_start3A_679] : memref<10240x32xf32, #tpu.memory_space<vmem_shared>> -> memref<10240x32xf32, #tpu.memory_space<vmem_shared>>
      tpu.enqueue_indirect_dma source(%arg36 : memref<128x32xf32, #tpu.memory_space<vmem>>) target(%dma_start3A_680 : memref<10240x32xf32, #tpu.memory_space<vmem_shared>>) offsets(%dma_start3A_677 : memref<128xi32, #tpu.memory_space<vmem>>) semaphore(%arg38 : memref<!tpu.dma_semaphore, #tpu.memory_space<semaphore_mem>>) {add = true}
      %sub3A_681 = arith.constant 1 : i32
      %sub3A_682 = arith.subi %add3A_662, %sub3A_681 : i32
      %dma_wait3A_683 = arith.constant 0 : i32
      %dma_wait3A_684 = tpu.memref_slice %arg10[%sub3A_682, %dma_wait3A_683] : memref<80x128xi32, #tpu.memory_space<vmem>> -> memref<1x128xi32, #tpu.memory_space<vmem>>
      %dma_wait3A_685 = tpu.memref_squeeze %dma_wait3A_684 : memref<1x128xi32, #tpu.memory_space<vmem>> -> memref<128xi32, #tpu.memory_space<vmem>>
      %dma_wait3A_686 = arith.constant 0 : i32
      %dma_wait3A_687 = arith.constant 0 : i32
      %dma_wait3A_688 = tpu.memref_slice %arg19[%dma_wait3A_686, %dma_wait3A_687] : memref<10240x32xf32, #tpu.memory_space<vmem_shared>> -> memref<10240x32xf32, #tpu.memory_space<vmem_shared>>
      tpu.wait_indirect_dma semaphore(%arg28 : memref<!tpu.dma_semaphore, #tpu.memory_space<semaphore_mem>>) src(%arg11 : memref<128x32xf32, #tpu.memory_space<vmem>>) dst(%dma_wait3A_688 : memref<10240x32xf32, #tpu.memory_space<vmem_shared>>)
      %add3A_689 = arith.constant 8 : i32
      %add3A_690 = arith.addi %add3A_662, %add3A_689 : i32
      %sub3A_691 = arith.constant 1 : i32
      %sub3A_692 = arith.subi %add3A_690, %sub3A_691 : i32
      %dma_start3A_693 = arith.constant 0 : i32
      %dma_start3A_694 = tpu.memref_slice %arg9[%sub3A_692, %dma_start3A_693] : memref<80x128xi32, #tpu.memory_space<vmem>> -> memref<1x128xi32, #tpu.memory_space<vmem>>
      %dma_start3A_695 = tpu.memref_squeeze %dma_start3A_694 : memref<1x128xi32, #tpu.memory_space<vmem>> -> memref<128xi32, #tpu.memory_space<vmem>>
      %dma_start3A_696 = arith.constant 0 : i32
      %dma_start3A_697 = arith.constant 0 : i32
      %dma_start3A_698 = tpu.memref_slice %arg2[%dma_start3A_696, %dma_start3A_697] : memref<10000x32xf32, #tpu.memory_space<hbm>> -> memref<10000x32xf32, #tpu.memory_space<hbm>>
      tpu.enqueue_indirect_dma source(%dma_start3A_698 : memref<10000x32xf32, #tpu.memory_space<hbm>>) target(%arg11 : memref<128x32xf32, #tpu.memory_space<vmem>>) offsets(%dma_start3A_695 : memref<128xi32, #tpu.memory_space<vmem>>) semaphore(%arg20 : memref<!tpu.dma_semaphore, #tpu.memory_space<semaphore_mem>>)
      %add3A_699 = arith.constant 2 : i32
      %add3A_700 = arith.addi %mul3A_623, %add3A_699 : i32
      %dma_wait3A_701 = arith.constant 0 : i32
      %dma_wait3A_702 = tpu.memref_slice %arg9[%add3A_700, %dma_wait3A_701] : memref<80x128xi32, #tpu.memory_space<vmem>> -> memref<1x128xi32, #tpu.memory_space<vmem>>
      %dma_wait3A_703 = tpu.memref_squeeze %dma_wait3A_702 : memref<1x128xi32, #tpu.memory_space<vmem>> -> memref<128xi32, #tpu.memory_space<vmem>>
      %dma_wait3A_704 = arith.constant 0 : i32
      %dma_wait3A_705 = arith.constant 0 : i32
      %dma_wait3A_706 = tpu.memref_slice %arg2[%dma_wait3A_704, %dma_wait3A_705] : memref<10000x32xf32, #tpu.memory_space<hbm>> -> memref<10000x32xf32, #tpu.memory_space<hbm>>
      tpu.wait_indirect_dma semaphore(%arg22 : memref<!tpu.dma_semaphore, #tpu.memory_space<semaphore_mem>>) src(%dma_wait3A_706 : memref<10000x32xf32, #tpu.memory_space<hbm>>) dst(%arg13 : memref<128x32xf32, #tpu.memory_space<vmem>>)
      %dma_start3A_707 = arith.constant 0 : i32
      %dma_start3A_708 = tpu.memref_slice %arg10[%add3A_700, %dma_start3A_707] : memref<80x128xi32, #tpu.memory_space<vmem>> -> memref<1x128xi32, #tpu.memory_space<vmem>>
      %dma_start3A_709 = tpu.memref_squeeze %dma_start3A_708 : memref<1x128xi32, #tpu.memory_space<vmem>> -> memref<128xi32, #tpu.memory_space<vmem>>
      %dma_start3A_710 = arith.constant 0 : i32
      %dma_start3A_711 = arith.constant 0 : i32
      %dma_start3A_712 = tpu.memref_slice %arg19[%dma_start3A_710, %dma_start3A_711] : memref<10240x32xf32, #tpu.memory_space<vmem_shared>> -> memref<10240x32xf32, #tpu.memory_space<vmem_shared>>
      tpu.enqueue_indirect_dma source(%arg13 : memref<128x32xf32, #tpu.memory_space<vmem>>) target(%dma_start3A_712 : memref<10240x32xf32, #tpu.memory_space<vmem_shared>>) offsets(%dma_start3A_709 : memref<128xi32, #tpu.memory_space<vmem>>) semaphore(%arg30 : memref<!tpu.dma_semaphore, #tpu.memory_space<semaphore_mem>>) {add = true}
      %dma_start3A_713 = arith.constant 0 : i32
      %dma_start3A_714 = tpu.memref_slice %arg10[%add3A_700, %dma_start3A_713] : memref<80x128xi32, #tpu.memory_space<vmem>> -> memref<1x128xi32, #tpu.memory_space<vmem>>
      %dma_start3A_715 = tpu.memref_squeeze %dma_start3A_714 : memref<1x128xi32, #tpu.memory_space<vmem>> -> memref<128xi32, #tpu.memory_space<vmem>>
      %dma_start3A_716 = arith.constant 0 : i32
      %dma_start3A_717 = arith.constant 0 : i32
      %dma_start3A_718 = tpu.memref_slice %arg37[%dma_start3A_716, %dma_start3A_717] : memref<10240x32xf32, #tpu.memory_space<vmem_shared>> -> memref<10240x32xf32, #tpu.memory_space<vmem_shared>>
      tpu.enqueue_indirect_dma source(%arg36 : memref<128x32xf32, #tpu.memory_space<vmem>>) target(%dma_start3A_718 : memref<10240x32xf32, #tpu.memory_space<vmem_shared>>) offsets(%dma_start3A_715 : memref<128xi32, #tpu.memory_space<vmem>>) semaphore(%arg38 : memref<!tpu.dma_semaphore, #tpu.memory_space<semaphore_mem>>) {add = true}
      %sub3A_719 = arith.constant 1 : i32
      %sub3A_720 = arith.subi %add3A_700, %sub3A_719 : i32
      %dma_wait3A_721 = arith.constant 0 : i32
      %dma_wait3A_722 = tpu.memref_slice %arg10[%sub3A_720, %dma_wait3A_721] : memref<80x128xi32, #tpu.memory_space<vmem>> -> memref<1x128xi32, #tpu.memory_space<vmem>>
      %dma_wait3A_723 = tpu.memref_squeeze %dma_wait3A_722 : memref<1x128xi32, #tpu.memory_space<vmem>> -> memref<128xi32, #tpu.memory_space<vmem>>
      %dma_wait3A_724 = arith.constant 0 : i32
      %dma_wait3A_725 = arith.constant 0 : i32
      %dma_wait3A_726 = tpu.memref_slice %arg19[%dma_wait3A_724, %dma_wait3A_725] : memref<10240x32xf32, #tpu.memory_space<vmem_shared>> -> memref<10240x32xf32, #tpu.memory_space<vmem_shared>>
      tpu.wait_indirect_dma semaphore(%arg29 : memref<!tpu.dma_semaphore, #tpu.memory_space<semaphore_mem>>) src(%arg12 : memref<128x32xf32, #tpu.memory_space<vmem>>) dst(%dma_wait3A_726 : memref<10240x32xf32, #tpu.memory_space<vmem_shared>>)
      %add3A_727 = arith.constant 8 : i32
      %add3A_728 = arith.addi %add3A_700, %add3A_727 : i32
      %sub3A_729 = arith.constant 1 : i32
      %sub3A_730 = arith.subi %add3A_728, %sub3A_729 : i32
      %dma_start3A_731 = arith.constant 0 : i32
      %dma_start3A_732 = tpu.memref_slice %arg9[%sub3A_730, %dma_start3A_731] : memref<80x128xi32, #tpu.memory_space<vmem>> -> memref<1x128xi32, #tpu.memory_space<vmem>>
      %dma_start3A_733 = tpu.memref_squeeze %dma_start3A_732 : memref<1x128xi32, #tpu.memory_space<vmem>> -> memref<128xi32, #tpu.memory_space<vmem>>
      %dma_start3A_734 = arith.constant 0 : i32
      %dma_start3A_735 = arith.constant 0 : i32
      %dma_start3A_736 = tpu.memref_slice %arg2[%dma_start3A_734, %dma_start3A_735] : memref<10000x32xf32, #tpu.memory_space<hbm>> -> memref<10000x32xf32, #tpu.memory_space<hbm>>
      tpu.enqueue_indirect_dma source(%dma_start3A_736 : memref<10000x32xf32, #tpu.memory_space<hbm>>) target(%arg12 : memref<128x32xf32, #tpu.memory_space<vmem>>) offsets(%dma_start3A_733 : memref<128xi32, #tpu.memory_space<vmem>>) semaphore(%arg21 : memref<!tpu.dma_semaphore, #tpu.memory_space<semaphore_mem>>)
      %add3A_737 = arith.constant 3 : i32
      %add3A_738 = arith.addi %mul3A_623, %add3A_737 : i32
      %dma_wait3A_739 = arith.constant 0 : i32
      %dma_wait3A_740 = tpu.memref_slice %arg9[%add3A_738, %dma_wait3A_739] : memref<80x128xi32, #tpu.memory_space<vmem>> -> memref<1x128xi32, #tpu.memory_space<vmem>>
      %dma_wait3A_741 = tpu.memref_squeeze %dma_wait3A_740 : memref<1x128xi32, #tpu.memory_space<vmem>> -> memref<128xi32, #tpu.memory_space<vmem>>
      %dma_wait3A_742 = arith.constant 0 : i32
      %dma_wait3A_743 = arith.constant 0 : i32
      %dma_wait3A_744 = tpu.memref_slice %arg2[%dma_wait3A_742, %dma_wait3A_743] : memref<10000x32xf32, #tpu.memory_space<hbm>> -> memref<10000x32xf32, #tpu.memory_space<hbm>>
      tpu.wait_indirect_dma semaphore(%arg23 : memref<!tpu.dma_semaphore, #tpu.memory_space<semaphore_mem>>) src(%dma_wait3A_744 : memref<10000x32xf32, #tpu.memory_space<hbm>>) dst(%arg14 : memref<128x32xf32, #tpu.memory_space<vmem>>)
      %dma_start3A_745 = arith.constant 0 : i32
      %dma_start3A_746 = tpu.memref_slice %arg10[%add3A_738, %dma_start3A_745] : memref<80x128xi32, #tpu.memory_space<vmem>> -> memref<1x128xi32, #tpu.memory_space<vmem>>
      %dma_start3A_747 = tpu.memref_squeeze %dma_start3A_746 : memref<1x128xi32, #tpu.memory_space<vmem>> -> memref<128xi32, #tpu.memory_space<vmem>>
      %dma_start3A_748 = arith.constant 0 : i32
      %dma_start3A_749 = arith.constant 0 : i32
      %dma_start3A_750 = tpu.memref_slice %arg19[%dma_start3A_748, %dma_start3A_749] : memref<10240x32xf32, #tpu.memory_space<vmem_shared>> -> memref<10240x32xf32, #tpu.memory_space<vmem_shared>>
      tpu.enqueue_indirect_dma source(%arg14 : memref<128x32xf32, #tpu.memory_space<vmem>>) target(%dma_start3A_750 : memref<10240x32xf32, #tpu.memory_space<vmem_shared>>) offsets(%dma_start3A_747 : memref<128xi32, #tpu.memory_space<vmem>>) semaphore(%arg31 : memref<!tpu.dma_semaphore, #tpu.memory_space<semaphore_mem>>) {add = true}
      %dma_start3A_751 = arith.constant 0 : i32
      %dma_start3A_752 = tpu.memref_slice %arg10[%add3A_738, %dma_start3A_751] : memref<80x128xi32, #tpu.memory_space<vmem>> -> memref<1x128xi32, #tpu.memory_space<vmem>>
      %dma_start3A_753 = tpu.memref_squeeze %dma_start3A_752 : memref<1x128xi32, #tpu.memory_space<vmem>> -> memref<128xi32, #tpu.memory_space<vmem>>
      %dma_start3A_754 = arith.constant 0 : i32
      %dma_start3A_755 = arith.constant 0 : i32
      %dma_start3A_756 = tpu.memref_slice %arg37[%dma_start3A_754, %dma_start3A_755] : memref<10240x32xf32, #tpu.memory_space<vmem_shared>> -> memref<10240x32xf32, #tpu.memory_space<vmem_shared>>
      tpu.enqueue_indirect_dma source(%arg36 : memref<128x32xf32, #tpu.memory_space<vmem>>) target(%dma_start3A_756 : memref<10240x32xf32, #tpu.memory_space<vmem_shared>>) offsets(%dma_start3A_753 : memref<128xi32, #tpu.memory_space<vmem>>) semaphore(%arg38 : memref<!tpu.dma_semaphore, #tpu.memory_space<semaphore_mem>>) {add = true}
      %sub3A_757 = arith.constant 1 : i32
      %sub3A_758 = arith.subi %add3A_738, %sub3A_757 : i32
      %dma_wait3A_759 = arith.constant 0 : i32
      %dma_wait3A_760 = tpu.memref_slice %arg10[%sub3A_758, %dma_wait3A_759] : memref<80x128xi32, #tpu.memory_space<vmem>> -> memref<1x128xi32, #tpu.memory_space<vmem>>
      %dma_wait3A_761 = tpu.memref_squeeze %dma_wait3A_760 : memref<1x128xi32, #tpu.memory_space<vmem>> -> memref<128xi32, #tpu.memory_space<vmem>>
      %dma_wait3A_762 = arith.constant 0 : i32
      %dma_wait3A_763 = arith.constant 0 : i32
      %dma_wait3A_764 = tpu.memref_slice %arg19[%dma_wait3A_762, %dma_wait3A_763] : memref<10240x32xf32, #tpu.memory_space<vmem_shared>> -> memref<10240x32xf32, #tpu.memory_space<vmem_shared>>
      tpu.wait_indirect_dma semaphore(%arg30 : memref<!tpu.dma_semaphore, #tpu.memory_space<semaphore_mem>>) src(%arg13 : memref<128x32xf32, #tpu.memory_space<vmem>>) dst(%dma_wait3A_764 : memref<10240x32xf32, #tpu.memory_space<vmem_shared>>)
      %add3A_765 = arith.constant 8 : i32
      %add3A_766 = arith.addi %add3A_738, %add3A_765 : i32
      %sub3A_767 = arith.constant 1 : i32
      %sub3A_768 = arith.subi %add3A_766, %sub3A_767 : i32
      %dma_start3A_769 = arith.constant 0 : i32
      %dma_start3A_770 = tpu.memref_slice %arg9[%sub3A_768, %dma_start3A_769] : memref<80x128xi32, #tpu.memory_space<vmem>> -> memref<1x128xi32, #tpu.memory_space<vmem>>
      %dma_start3A_771 = tpu.memref_squeeze %dma_start3A_770 : memref<1x128xi32, #tpu.memory_space<vmem>> -> memref<128xi32, #tpu.memory_space<vmem>>
      %dma_start3A_772 = arith.constant 0 : i32
      %dma_start3A_773 = arith.constant 0 : i32
      %dma_start3A_774 = tpu.memref_slice %arg2[%dma_start3A_772, %dma_start3A_773] : memref<10000x32xf32, #tpu.memory_space<hbm>> -> memref<10000x32xf32, #tpu.memory_space<hbm>>
      tpu.enqueue_indirect_dma source(%dma_start3A_774 : memref<10000x32xf32, #tpu.memory_space<hbm>>) target(%arg13 : memref<128x32xf32, #tpu.memory_space<vmem>>) offsets(%dma_start3A_771 : memref<128xi32, #tpu.memory_space<vmem>>) semaphore(%arg22 : memref<!tpu.dma_semaphore, #tpu.memory_space<semaphore_mem>>)
      %add3A_775 = arith.constant 4 : i32
      %add3A_776 = arith.addi %mul3A_623, %add3A_775 : i32
      %dma_wait3A_777 = arith.constant 0 : i32
      %dma_wait3A_778 = tpu.memref_slice %arg9[%add3A_776, %dma_wait3A_777] : memref<80x128xi32, #tpu.memory_space<vmem>> -> memref<1x128xi32, #tpu.memory_space<vmem>>
      %dma_wait3A_779 = tpu.memref_squeeze %dma_wait3A_778 : memref<1x128xi32, #tpu.memory_space<vmem>> -> memref<128xi32, #tpu.memory_space<vmem>>
      %dma_wait3A_780 = arith.constant 0 : i32
      %dma_wait3A_781 = arith.constant 0 : i32
      %dma_wait3A_782 = tpu.memref_slice %arg2[%dma_wait3A_780, %dma_wait3A_781] : memref<10000x32xf32, #tpu.memory_space<hbm>> -> memref<10000x32xf32, #tpu.memory_space<hbm>>
      tpu.wait_indirect_dma semaphore(%arg24 : memref<!tpu.dma_semaphore, #tpu.memory_space<semaphore_mem>>) src(%dma_wait3A_782 : memref<10000x32xf32, #tpu.memory_space<hbm>>) dst(%arg15 : memref<128x32xf32, #tpu.memory_space<vmem>>)
      %dma_start3A_783 = arith.constant 0 : i32
      %dma_start3A_784 = tpu.memref_slice %arg10[%add3A_776, %dma_start3A_783] : memref<80x128xi32, #tpu.memory_space<vmem>> -> memref<1x128xi32, #tpu.memory_space<vmem>>
      %dma_start3A_785 = tpu.memref_squeeze %dma_start3A_784 : memref<1x128xi32, #tpu.memory_space<vmem>> -> memref<128xi32, #tpu.memory_space<vmem>>
      %dma_start3A_786 = arith.constant 0 : i32
      %dma_start3A_787 = arith.constant 0 : i32
      %dma_start3A_788 = tpu.memref_slice %arg19[%dma_start3A_786, %dma_start3A_787] : memref<10240x32xf32, #tpu.memory_space<vmem_shared>> -> memref<10240x32xf32, #tpu.memory_space<vmem_shared>>
      tpu.enqueue_indirect_dma source(%arg15 : memref<128x32xf32, #tpu.memory_space<vmem>>) target(%dma_start3A_788 : memref<10240x32xf32, #tpu.memory_space<vmem_shared>>) offsets(%dma_start3A_785 : memref<128xi32, #tpu.memory_space<vmem>>) semaphore(%arg32 : memref<!tpu.dma_semaphore, #tpu.memory_space<semaphore_mem>>) {add = true}
      %dma_start3A_789 = arith.constant 0 : i32
      %dma_start3A_790 = tpu.memref_slice %arg10[%add3A_776, %dma_start3A_789] : memref<80x128xi32, #tpu.memory_space<vmem>> -> memref<1x128xi32, #tpu.memory_space<vmem>>
      %dma_start3A_791 = tpu.memref_squeeze %dma_start3A_790 : memref<1x128xi32, #tpu.memory_space<vmem>> -> memref<128xi32, #tpu.memory_space<vmem>>
      %dma_start3A_792 = arith.constant 0 : i32
      %dma_start3A_793 = arith.constant 0 : i32
      %dma_start3A_794 = tpu.memref_slice %arg37[%dma_start3A_792, %dma_start3A_793] : memref<10240x32xf32, #tpu.memory_space<vmem_shared>> -> memref<10240x32xf32, #tpu.memory_space<vmem_shared>>
      tpu.enqueue_indirect_dma source(%arg36 : memref<128x32xf32, #tpu.memory_space<vmem>>) target(%dma_start3A_794 : memref<10240x32xf32, #tpu.memory_space<vmem_shared>>) offsets(%dma_start3A_791 : memref<128xi32, #tpu.memory_space<vmem>>) semaphore(%arg38 : memref<!tpu.dma_semaphore, #tpu.memory_space<semaphore_mem>>) {add = true}
      %sub3A_795 = arith.constant 1 : i32
      %sub3A_796 = arith.subi %add3A_776, %sub3A_795 : i32
      %dma_wait3A_797 = arith.constant 0 : i32
      %dma_wait3A_798 = tpu.memref_slice %arg10[%sub3A_796, %dma_wait3A_797] : memref<80x128xi32, #tpu.memory_space<vmem>> -> memref<1x128xi32, #tpu.memory_space<vmem>>
      %dma_wait3A_799 = tpu.memref_squeeze %dma_wait3A_798 : memref<1x128xi32, #tpu.memory_space<vmem>> -> memref<128xi32, #tpu.memory_space<vmem>>
      %dma_wait3A_800 = arith.constant 0 : i32
      %dma_wait3A_801 = arith.constant 0 : i32
      %dma_wait3A_802 = tpu.memref_slice %arg19[%dma_wait3A_800, %dma_wait3A_801] : memref<10240x32xf32, #tpu.memory_space<vmem_shared>> -> memref<10240x32xf32, #tpu.memory_space<vmem_shared>>
      tpu.wait_indirect_dma semaphore(%arg31 : memref<!tpu.dma_semaphore, #tpu.memory_space<semaphore_mem>>) src(%arg14 : memref<128x32xf32, #tpu.memory_space<vmem>>) dst(%dma_wait3A_802 : memref<10240x32xf32, #tpu.memory_space<vmem_shared>>)
      %add3A_803 = arith.constant 8 : i32
      %add3A_804 = arith.addi %add3A_776, %add3A_803 : i32
      %sub3A_805 = arith.constant 1 : i32
      %sub3A_806 = arith.subi %add3A_804, %sub3A_805 : i32
      %dma_start3A_807 = arith.constant 0 : i32
      %dma_start3A_808 = tpu.memref_slice %arg9[%sub3A_806, %dma_start3A_807] : memref<80x128xi32, #tpu.memory_space<vmem>> -> memref<1x128xi32, #tpu.memory_space<vmem>>
      %dma_start3A_809 = tpu.memref_squeeze %dma_start3A_808 : memref<1x128xi32, #tpu.memory_space<vmem>> -> memref<128xi32, #tpu.memory_space<vmem>>
      %dma_start3A_810 = arith.constant 0 : i32
      %dma_start3A_811 = arith.constant 0 : i32
      %dma_start3A_812 = tpu.memref_slice %arg2[%dma_start3A_810, %dma_start3A_811] : memref<10000x32xf32, #tpu.memory_space<hbm>> -> memref<10000x32xf32, #tpu.memory_space<hbm>>
      tpu.enqueue_indirect_dma source(%dma_start3A_812 : memref<10000x32xf32, #tpu.memory_space<hbm>>) target(%arg14 : memref<128x32xf32, #tpu.memory_space<vmem>>) offsets(%dma_start3A_809 : memref<128xi32, #tpu.memory_space<vmem>>) semaphore(%arg23 : memref<!tpu.dma_semaphore, #tpu.memory_space<semaphore_mem>>)
      %add3A_813 = arith.constant 5 : i32
      %add3A_814 = arith.addi %mul3A_623, %add3A_813 : i32
      %dma_wait3A_815 = arith.constant 0 : i32
      %dma_wait3A_816 = tpu.memref_slice %arg9[%add3A_814, %dma_wait3A_815] : memref<80x128xi32, #tpu.memory_space<vmem>> -> memref<1x128xi32, #tpu.memory_space<vmem>>
      %dma_wait3A_817 = tpu.memref_squeeze %dma_wait3A_816 : memref<1x128xi32, #tpu.memory_space<vmem>> -> memref<128xi32, #tpu.memory_space<vmem>>
      %dma_wait3A_818 = arith.constant 0 : i32
      %dma_wait3A_819 = arith.constant 0 : i32
      %dma_wait3A_820 = tpu.memref_slice %arg2[%dma_wait3A_818, %dma_wait3A_819] : memref<10000x32xf32, #tpu.memory_space<hbm>> -> memref<10000x32xf32, #tpu.memory_space<hbm>>
      tpu.wait_indirect_dma semaphore(%arg25 : memref<!tpu.dma_semaphore, #tpu.memory_space<semaphore_mem>>) src(%dma_wait3A_820 : memref<10000x32xf32, #tpu.memory_space<hbm>>) dst(%arg16 : memref<128x32xf32, #tpu.memory_space<vmem>>)
      %dma_start3A_821 = arith.constant 0 : i32
      %dma_start3A_822 = tpu.memref_slice %arg10[%add3A_814, %dma_start3A_821] : memref<80x128xi32, #tpu.memory_space<vmem>> -> memref<1x128xi32, #tpu.memory_space<vmem>>
      %dma_start3A_823 = tpu.memref_squeeze %dma_start3A_822 : memref<1x128xi32, #tpu.memory_space<vmem>> -> memref<128xi32, #tpu.memory_space<vmem>>
      %dma_start3A_824 = arith.constant 0 : i32
      %dma_start3A_825 = arith.constant 0 : i32
      %dma_start3A_826 = tpu.memref_slice %arg19[%dma_start3A_824, %dma_start3A_825] : memref<10240x32xf32, #tpu.memory_space<vmem_shared>> -> memref<10240x32xf32, #tpu.memory_space<vmem_shared>>
      tpu.enqueue_indirect_dma source(%arg16 : memref<128x32xf32, #tpu.memory_space<vmem>>) target(%dma_start3A_826 : memref<10240x32xf32, #tpu.memory_space<vmem_shared>>) offsets(%dma_start3A_823 : memref<128xi32, #tpu.memory_space<vmem>>) semaphore(%arg33 : memref<!tpu.dma_semaphore, #tpu.memory_space<semaphore_mem>>) {add = true}
      %dma_start3A_827 = arith.constant 0 : i32
      %dma_start3A_828 = tpu.memref_slice %arg10[%add3A_814, %dma_start3A_827] : memref<80x128xi32, #tpu.memory_space<vmem>> -> memref<1x128xi32, #tpu.memory_space<vmem>>
      %dma_start3A_829 = tpu.memref_squeeze %dma_start3A_828 : memref<1x128xi32, #tpu.memory_space<vmem>> -> memref<128xi32, #tpu.memory_space<vmem>>
      %dma_start3A_830 = arith.constant 0 : i32
      %dma_start3A_831 = arith.constant 0 : i32
      %dma_start3A_832 = tpu.memref_slice %arg37[%dma_start3A_830, %dma_start3A_831] : memref<10240x32xf32, #tpu.memory_space<vmem_shared>> -> memref<10240x32xf32, #tpu.memory_space<vmem_shared>>
      tpu.enqueue_indirect_dma source(%arg36 : memref<128x32xf32, #tpu.memory_space<vmem>>) target(%dma_start3A_832 : memref<10240x32xf32, #tpu.memory_space<vmem_shared>>) offsets(%dma_start3A_829 : memref<128xi32, #tpu.memory_space<vmem>>) semaphore(%arg38 : memref<!tpu.dma_semaphore, #tpu.memory_space<semaphore_mem>>) {add = true}
      %sub3A_833 = arith.constant 1 : i32
      %sub3A_834 = arith.subi %add3A_814, %sub3A_833 : i32
      %dma_wait3A_835 = arith.constant 0 : i32
      %dma_wait3A_836 = tpu.memref_slice %arg10[%sub3A_834, %dma_wait3A_835] : memref<80x128xi32, #tpu.memory_space<vmem>> -> memref<1x128xi32, #tpu.memory_space<vmem>>
      %dma_wait3A_837 = tpu.memref_squeeze %dma_wait3A_836 : memref<1x128xi32, #tpu.memory_space<vmem>> -> memref<128xi32, #tpu.memory_space<vmem>>
      %dma_wait3A_838 = arith.constant 0 : i32
      %dma_wait3A_839 = arith.constant 0 : i32
      %dma_wait3A_840 = tpu.memref_slice %arg19[%dma_wait3A_838, %dma_wait3A_839] : memref<10240x32xf32, #tpu.memory_space<vmem_shared>> -> memref<10240x32xf32, #tpu.memory_space<vmem_shared>>
      tpu.wait_indirect_dma semaphore(%arg32 : memref<!tpu.dma_semaphore, #tpu.memory_space<semaphore_mem>>) src(%arg15 : memref<128x32xf32, #tpu.memory_space<vmem>>) dst(%dma_wait3A_840 : memref<10240x32xf32, #tpu.memory_space<vmem_shared>>)
      %add3A_841 = arith.constant 8 : i32
      %add3A_842 = arith.addi %add3A_814, %add3A_841 : i32
      %sub3A_843 = arith.constant 1 : i32
      %sub3A_844 = arith.subi %add3A_842, %sub3A_843 : i32
      %dma_start3A_845 = arith.constant 0 : i32
      %dma_start3A_846 = tpu.memref_slice %arg9[%sub3A_844, %dma_start3A_845] : memref<80x128xi32, #tpu.memory_space<vmem>> -> memref<1x128xi32, #tpu.memory_space<vmem>>
      %dma_start3A_847 = tpu.memref_squeeze %dma_start3A_846 : memref<1x128xi32, #tpu.memory_space<vmem>> -> memref<128xi32, #tpu.memory_space<vmem>>
      %dma_start3A_848 = arith.constant 0 : i32
      %dma_start3A_849 = arith.constant 0 : i32
      %dma_start3A_850 = tpu.memref_slice %arg2[%dma_start3A_848, %dma_start3A_849] : memref<10000x32xf32, #tpu.memory_space<hbm>> -> memref<10000x32xf32, #tpu.memory_space<hbm>>
      tpu.enqueue_indirect_dma source(%dma_start3A_850 : memref<10000x32xf32, #tpu.memory_space<hbm>>) target(%arg15 : memref<128x32xf32, #tpu.memory_space<vmem>>) offsets(%dma_start3A_847 : memref<128xi32, #tpu.memory_space<vmem>>) semaphore(%arg24 : memref<!tpu.dma_semaphore, #tpu.memory_space<semaphore_mem>>)
      %add3A_851 = arith.constant 6 : i32
      %add3A_852 = arith.addi %mul3A_623, %add3A_851 : i32
      %dma_wait3A_853 = arith.constant 0 : i32
      %dma_wait3A_854 = tpu.memref_slice %arg9[%add3A_852, %dma_wait3A_853] : memref<80x128xi32, #tpu.memory_space<vmem>> -> memref<1x128xi32, #tpu.memory_space<vmem>>
      %dma_wait3A_855 = tpu.memref_squeeze %dma_wait3A_854 : memref<1x128xi32, #tpu.memory_space<vmem>> -> memref<128xi32, #tpu.memory_space<vmem>>
      %dma_wait3A_856 = arith.constant 0 : i32
      %dma_wait3A_857 = arith.constant 0 : i32
      %dma_wait3A_858 = tpu.memref_slice %arg2[%dma_wait3A_856, %dma_wait3A_857] : memref<10000x32xf32, #tpu.memory_space<hbm>> -> memref<10000x32xf32, #tpu.memory_space<hbm>>
      tpu.wait_indirect_dma semaphore(%arg26 : memref<!tpu.dma_semaphore, #tpu.memory_space<semaphore_mem>>) src(%dma_wait3A_858 : memref<10000x32xf32, #tpu.memory_space<hbm>>) dst(%arg17 : memref<128x32xf32, #tpu.memory_space<vmem>>)
      %dma_start3A_859 = arith.constant 0 : i32
      %dma_start3A_860 = tpu.memref_slice %arg10[%add3A_852, %dma_start3A_859] : memref<80x128xi32, #tpu.memory_space<vmem>> -> memref<1x128xi32, #tpu.memory_space<vmem>>
      %dma_start3A_861 = tpu.memref_squeeze %dma_start3A_860 : memref<1x128xi32, #tpu.memory_space<vmem>> -> memref<128xi32, #tpu.memory_space<vmem>>
      %dma_start3A_862 = arith.constant 0 : i32
      %dma_start3A_863 = arith.constant 0 : i32
      %dma_start3A_864 = tpu.memref_slice %arg19[%dma_start3A_862, %dma_start3A_863] : memref<10240x32xf32, #tpu.memory_space<vmem_shared>> -> memref<10240x32xf32, #tpu.memory_space<vmem_shared>>
      tpu.enqueue_indirect_dma source(%arg17 : memref<128x32xf32, #tpu.memory_space<vmem>>) target(%dma_start3A_864 : memref<10240x32xf32, #tpu.memory_space<vmem_shared>>) offsets(%dma_start3A_861 : memref<128xi32, #tpu.memory_space<vmem>>) semaphore(%arg34 : memref<!tpu.dma_semaphore, #tpu.memory_space<semaphore_mem>>) {add = true}
      %dma_start3A_865 = arith.constant 0 : i32
      %dma_start3A_866 = tpu.memref_slice %arg10[%add3A_852, %dma_start3A_865] : memref<80x128xi32, #tpu.memory_space<vmem>> -> memref<1x128xi32, #tpu.memory_space<vmem>>
      %dma_start3A_867 = tpu.memref_squeeze %dma_start3A_866 : memref<1x128xi32, #tpu.memory_space<vmem>> -> memref<128xi32, #tpu.memory_space<vmem>>
      %dma_start3A_868 = arith.constant 0 : i32
      %dma_start3A_869 = arith.constant 0 : i32
      %dma_start3A_870 = tpu.memref_slice %arg37[%dma_start3A_868, %dma_start3A_869] : memref<10240x32xf32, #tpu.memory_space<vmem_shared>> -> memref<10240x32xf32, #tpu.memory_space<vmem_shared>>
      tpu.enqueue_indirect_dma source(%arg36 : memref<128x32xf32, #tpu.memory_space<vmem>>) target(%dma_start3A_870 : memref<10240x32xf32, #tpu.memory_space<vmem_shared>>) offsets(%dma_start3A_867 : memref<128xi32, #tpu.memory_space<vmem>>) semaphore(%arg38 : memref<!tpu.dma_semaphore, #tpu.memory_space<semaphore_mem>>) {add = true}
      %sub3A_871 = arith.constant 1 : i32
      %sub3A_872 = arith.subi %add3A_852, %sub3A_871 : i32
      %dma_wait3A_873 = arith.constant 0 : i32
      %dma_wait3A_874 = tpu.memref_slice %arg10[%sub3A_872, %dma_wait3A_873] : memref<80x128xi32, #tpu.memory_space<vmem>> -> memref<1x128xi32, #tpu.memory_space<vmem>>
      %dma_wait3A_875 = tpu.memref_squeeze %dma_wait3A_874 : memref<1x128xi32, #tpu.memory_space<vmem>> -> memref<128xi32, #tpu.memory_space<vmem>>
      %dma_wait3A_876 = arith.constant 0 : i32
      %dma_wait3A_877 = arith.constant 0 : i32
      %dma_wait3A_878 = tpu.memref_slice %arg19[%dma_wait3A_876, %dma_wait3A_877] : memref<10240x32xf32, #tpu.memory_space<vmem_shared>> -> memref<10240x32xf32, #tpu.memory_space<vmem_shared>>
      tpu.wait_indirect_dma semaphore(%arg33 : memref<!tpu.dma_semaphore, #tpu.memory_space<semaphore_mem>>) src(%arg16 : memref<128x32xf32, #tpu.memory_space<vmem>>) dst(%dma_wait3A_878 : memref<10240x32xf32, #tpu.memory_space<vmem_shared>>)
      %add3A_879 = arith.constant 8 : i32
      %add3A_880 = arith.addi %add3A_852, %add3A_879 : i32
      %sub3A_881 = arith.constant 1 : i32
      %sub3A_882 = arith.subi %add3A_880, %sub3A_881 : i32
      %dma_start3A_883 = arith.constant 0 : i32
      %dma_start3A_884 = tpu.memref_slice %arg9[%sub3A_882, %dma_start3A_883] : memref<80x128xi32, #tpu.memory_space<vmem>> -> memref<1x128xi32, #tpu.memory_space<vmem>>
      %dma_start3A_885 = tpu.memref_squeeze %dma_start3A_884 : memref<1x128xi32, #tpu.memory_space<vmem>> -> memref<128xi32, #tpu.memory_space<vmem>>
      %dma_start3A_886 = arith.constant 0 : i32
      %dma_start3A_887 = arith.constant 0 : i32
      %dma_start3A_888 = tpu.memref_slice %arg2[%dma_start3A_886, %dma_start3A_887] : memref<10000x32xf32, #tpu.memory_space<hbm>> -> memref<10000x32xf32, #tpu.memory_space<hbm>>
      tpu.enqueue_indirect_dma source(%dma_start3A_888 : memref<10000x32xf32, #tpu.memory_space<hbm>>) target(%arg16 : memref<128x32xf32, #tpu.memory_space<vmem>>) offsets(%dma_start3A_885 : memref<128xi32, #tpu.memory_space<vmem>>) semaphore(%arg25 : memref<!tpu.dma_semaphore, #tpu.memory_space<semaphore_mem>>)
      %add3A_889 = arith.constant 7 : i32
      %add3A_890 = arith.addi %mul3A_623, %add3A_889 : i32
      %dma_wait3A_891 = arith.constant 0 : i32
      %dma_wait3A_892 = tpu.memref_slice %arg9[%add3A_890, %dma_wait3A_891] : memref<80x128xi32, #tpu.memory_space<vmem>> -> memref<1x128xi32, #tpu.memory_space<vmem>>
      %dma_wait3A_893 = tpu.memref_squeeze %dma_wait3A_892 : memref<1x128xi32, #tpu.memory_space<vmem>> -> memref<128xi32, #tpu.memory_space<vmem>>
      %dma_wait3A_894 = arith.constant 0 : i32
      %dma_wait3A_895 = arith.constant 0 : i32
      %dma_wait3A_896 = tpu.memref_slice %arg2[%dma_wait3A_894, %dma_wait3A_895] : memref<10000x32xf32, #tpu.memory_space<hbm>> -> memref<10000x32xf32, #tpu.memory_space<hbm>>
      tpu.wait_indirect_dma semaphore(%arg27 : memref<!tpu.dma_semaphore, #tpu.memory_space<semaphore_mem>>) src(%dma_wait3A_896 : memref<10000x32xf32, #tpu.memory_space<hbm>>) dst(%arg18 : memref<128x32xf32, #tpu.memory_space<vmem>>)
      %dma_start3A_897 = arith.constant 0 : i32
      %dma_start3A_898 = tpu.memref_slice %arg10[%add3A_890, %dma_start3A_897] : memref<80x128xi32, #tpu.memory_space<vmem>> -> memref<1x128xi32, #tpu.memory_space<vmem>>
      %dma_start3A_899 = tpu.memref_squeeze %dma_start3A_898 : memref<1x128xi32, #tpu.memory_space<vmem>> -> memref<128xi32, #tpu.memory_space<vmem>>
      %dma_start3A_900 = arith.constant 0 : i32
      %dma_start3A_901 = arith.constant 0 : i32
      %dma_start3A_902 = tpu.memref_slice %arg19[%dma_start3A_900, %dma_start3A_901] : memref<10240x32xf32, #tpu.memory_space<vmem_shared>> -> memref<10240x32xf32, #tpu.memory_space<vmem_shared>>
      tpu.enqueue_indirect_dma source(%arg18 : memref<128x32xf32, #tpu.memory_space<vmem>>) target(%dma_start3A_902 : memref<10240x32xf32, #tpu.memory_space<vmem_shared>>) offsets(%dma_start3A_899 : memref<128xi32, #tpu.memory_space<vmem>>) semaphore(%arg35 : memref<!tpu.dma_semaphore, #tpu.memory_space<semaphore_mem>>) {add = true}
      %dma_start3A_903 = arith.constant 0 : i32
      %dma_start3A_904 = tpu.memref_slice %arg10[%add3A_890, %dma_start3A_903] : memref<80x128xi32, #tpu.memory_space<vmem>> -> memref<1x128xi32, #tpu.memory_space<vmem>>
      %dma_start3A_905 = tpu.memref_squeeze %dma_start3A_904 : memref<1x128xi32, #tpu.memory_space<vmem>> -> memref<128xi32, #tpu.memory_space<vmem>>
      %dma_start3A_906 = arith.constant 0 : i32
      %dma_start3A_907 = arith.constant 0 : i32
      %dma_start3A_908 = tpu.memref_slice %arg37[%dma_start3A_906, %dma_start3A_907] : memref<10240x32xf32, #tpu.memory_space<vmem_shared>> -> memref<10240x32xf32, #tpu.memory_space<vmem_shared>>
      tpu.enqueue_indirect_dma source(%arg36 : memref<128x32xf32, #tpu.memory_space<vmem>>) target(%dma_start3A_908 : memref<10240x32xf32, #tpu.memory_space<vmem_shared>>) offsets(%dma_start3A_905 : memref<128xi32, #tpu.memory_space<vmem>>) semaphore(%arg38 : memref<!tpu.dma_semaphore, #tpu.memory_space<semaphore_mem>>) {add = true}
      %sub3A_909 = arith.constant 1 : i32
      %sub3A_910 = arith.subi %add3A_890, %sub3A_909 : i32
      %dma_wait3A_911 = arith.constant 0 : i32
      %dma_wait3A_912 = tpu.memref_slice %arg10[%sub3A_910, %dma_wait3A_911] : memref<80x128xi32, #tpu.memory_space<vmem>> -> memref<1x128xi32, #tpu.memory_space<vmem>>
      %dma_wait3A_913 = tpu.memref_squeeze %dma_wait3A_912 : memref<1x128xi32, #tpu.memory_space<vmem>> -> memref<128xi32, #tpu.memory_space<vmem>>
      %dma_wait3A_914 = arith.constant 0 : i32
      %dma_wait3A_915 = arith.constant 0 : i32
      %dma_wait3A_916 = tpu.memref_slice %arg19[%dma_wait3A_914, %dma_wait3A_915] : memref<10240x32xf32, #tpu.memory_space<vmem_shared>> -> memref<10240x32xf32, #tpu.memory_space<vmem_shared>>
      tpu.wait_indirect_dma semaphore(%arg34 : memref<!tpu.dma_semaphore, #tpu.memory_space<semaphore_mem>>) src(%arg17 : memref<128x32xf32, #tpu.memory_space<vmem>>) dst(%dma_wait3A_916 : memref<10240x32xf32, #tpu.memory_space<vmem_shared>>)
      %add3A_917 = arith.constant 8 : i32
      %add3A_918 = arith.addi %add3A_890, %add3A_917 : i32
      %sub3A_919 = arith.constant 1 : i32
      %sub3A_920 = arith.subi %add3A_918, %sub3A_919 : i32
      %dma_start3A_921 = arith.constant 0 : i32
      %dma_start3A_922 = tpu.memref_slice %arg9[%sub3A_920, %dma_start3A_921] : memref<80x128xi32, #tpu.memory_space<vmem>> -> memref<1x128xi32, #tpu.memory_space<vmem>>
      %dma_start3A_923 = tpu.memref_squeeze %dma_start3A_922 : memref<1x128xi32, #tpu.memory_space<vmem>> -> memref<128xi32, #tpu.memory_space<vmem>>
      %dma_start3A_924 = arith.constant 0 : i32
      %dma_start3A_925 = arith.constant 0 : i32
      %dma_start3A_926 = tpu.memref_slice %arg2[%dma_start3A_924, %dma_start3A_925] : memref<10000x32xf32, #tpu.memory_space<hbm>> -> memref<10000x32xf32, #tpu.memory_space<hbm>>
      tpu.enqueue_indirect_dma source(%dma_start3A_926 : memref<10000x32xf32, #tpu.memory_space<hbm>>) target(%arg17 : memref<128x32xf32, #tpu.memory_space<vmem>>) offsets(%dma_start3A_923 : memref<128xi32, #tpu.memory_space<vmem>>) semaphore(%arg26 : memref<!tpu.dma_semaphore, #tpu.memory_space<semaphore_mem>>)
    }
    %scan3A_375 = arith.constant 8 : i32
    %dma_wait3A_376 = arith.constant 72 : i32
    %dma_wait3A_377 = arith.constant 0 : i32
    %dma_wait3A_378 = tpu.memref_slice %arg9[%dma_wait3A_376, %dma_wait3A_377] : memref<80x128xi32, #tpu.memory_space<vmem>> -> memref<1x128xi32, #tpu.memory_space<vmem>>
    %dma_wait3A_379 = tpu.memref_squeeze %dma_wait3A_378 : memref<1x128xi32, #tpu.memory_space<vmem>> -> memref<128xi32, #tpu.memory_space<vmem>>
    %dma_wait3A_380 = arith.constant 0 : i32
    %dma_wait3A_381 = arith.constant 0 : i32
    %dma_wait3A_382 = tpu.memref_slice %arg2[%dma_wait3A_380, %dma_wait3A_381] : memref<10000x32xf32, #tpu.memory_space<hbm>> -> memref<10000x32xf32, #tpu.memory_space<hbm>>
    tpu.wait_indirect_dma semaphore(%arg20 : memref<!tpu.dma_semaphore, #tpu.memory_space<semaphore_mem>>) src(%dma_wait3A_382 : memref<10000x32xf32, #tpu.memory_space<hbm>>) dst(%arg11 : memref<128x32xf32, #tpu.memory_space<vmem>>)
    %dma_start3A_383 = arith.constant 72 : i32
    %dma_start3A_384 = arith.constant 0 : i32
    %dma_start3A_385 = tpu.memref_slice %arg10[%dma_start3A_383, %dma_start3A_384] : memref<80x128xi32, #tpu.memory_space<vmem>> -> memref<1x128xi32, #tpu.memory_space<vmem>>
    %dma_start3A_386 = tpu.memref_squeeze %dma_start3A_385 : memref<1x128xi32, #tpu.memory_space<vmem>> -> memref<128xi32, #tpu.memory_space<vmem>>
    %dma_start3A_387 = arith.constant 0 : i32
    %dma_start3A_388 = arith.constant 0 : i32
    %dma_start3A_389 = tpu.memref_slice %arg19[%dma_start3A_387, %dma_start3A_388] : memref<10240x32xf32, #tpu.memory_space<vmem_shared>> -> memref<10240x32xf32, #tpu.memory_space<vmem_shared>>
    tpu.enqueue_indirect_dma source(%arg11 : memref<128x32xf32, #tpu.memory_space<vmem>>) target(%dma_start3A_389 : memref<10240x32xf32, #tpu.memory_space<vmem_shared>>) offsets(%dma_start3A_386 : memref<128xi32, #tpu.memory_space<vmem>>) semaphore(%arg28 : memref<!tpu.dma_semaphore, #tpu.memory_space<semaphore_mem>>) {add = true}
    %dma_start3A_390 = arith.constant 72 : i32
    %dma_start3A_391 = arith.constant 0 : i32
    %dma_start3A_392 = tpu.memref_slice %arg10[%dma_start3A_390, %dma_start3A_391] : memref<80x128xi32, #tpu.memory_space<vmem>> -> memref<1x128xi32, #tpu.memory_space<vmem>>
    %dma_start3A_393 = tpu.memref_squeeze %dma_start3A_392 : memref<1x128xi32, #tpu.memory_space<vmem>> -> memref<128xi32, #tpu.memory_space<vmem>>
    %dma_start3A_394 = arith.constant 0 : i32
    %dma_start3A_395 = arith.constant 0 : i32
    %dma_start3A_396 = tpu.memref_slice %arg37[%dma_start3A_394, %dma_start3A_395] : memref<10240x32xf32, #tpu.memory_space<vmem_shared>> -> memref<10240x32xf32, #tpu.memory_space<vmem_shared>>
    tpu.enqueue_indirect_dma source(%arg36 : memref<128x32xf32, #tpu.memory_space<vmem>>) target(%dma_start3A_396 : memref<10240x32xf32, #tpu.memory_space<vmem_shared>>) offsets(%dma_start3A_393 : memref<128xi32, #tpu.memory_space<vmem>>) semaphore(%arg38 : memref<!tpu.dma_semaphore, #tpu.memory_space<semaphore_mem>>) {add = true}
    %dma_wait3A_397 = arith.constant 71 : i32
    %dma_wait3A_398 = arith.constant 0 : i32
    %dma_wait3A_399 = tpu.memref_slice %arg10[%dma_wait3A_397, %dma_wait3A_398] : memref<80x128xi32, #tpu.memory_space<vmem>> -> memref<1x128xi32, #tpu.memory_space<vmem>>
    %dma_wait3A_400 = tpu.memref_squeeze %dma_wait3A_399 : memref<1x128xi32, #tpu.memory_space<vmem>> -> memref<128xi32, #tpu.memory_space<vmem>>
    %dma_wait3A_401 = arith.constant 0 : i32
    %dma_wait3A_402 = arith.constant 0 : i32
    %dma_wait3A_403 = tpu.memref_slice %arg19[%dma_wait3A_401, %dma_wait3A_402] : memref<10240x32xf32, #tpu.memory_space<vmem_shared>> -> memref<10240x32xf32, #tpu.memory_space<vmem_shared>>
    tpu.wait_indirect_dma semaphore(%arg35 : memref<!tpu.dma_semaphore, #tpu.memory_space<semaphore_mem>>) src(%arg18 : memref<128x32xf32, #tpu.memory_space<vmem>>) dst(%dma_wait3A_403 : memref<10240x32xf32, #tpu.memory_space<vmem_shared>>)
    %dma_start3A_404 = arith.constant 79 : i32
    %dma_start3A_405 = arith.constant 0 : i32
    %dma_start3A_406 = tpu.memref_slice %arg9[%dma_start3A_404, %dma_start3A_405] : memref<80x128xi32, #tpu.memory_space<vmem>> -> memref<1x128xi32, #tpu.memory_space<vmem>>
    %dma_start3A_407 = tpu.memref_squeeze %dma_start3A_406 : memref<1x128xi32, #tpu.memory_space<vmem>> -> memref<128xi32, #tpu.memory_space<vmem>>
    %dma_start3A_408 = arith.constant 0 : i32
    %dma_start3A_409 = arith.constant 0 : i32
    %dma_start3A_410 = tpu.memref_slice %arg2[%dma_start3A_408, %dma_start3A_409] : memref<10000x32xf32, #tpu.memory_space<hbm>> -> memref<10000x32xf32, #tpu.memory_space<hbm>>
    tpu.enqueue_indirect_dma source(%dma_start3A_410 : memref<10000x32xf32, #tpu.memory_space<hbm>>) target(%arg18 : memref<128x32xf32, #tpu.memory_space<vmem>>) offsets(%dma_start3A_407 : memref<128xi32, #tpu.memory_space<vmem>>) semaphore(%arg27 : memref<!tpu.dma_semaphore, #tpu.memory_space<semaphore_mem>>)
    %dma_wait3A_411 = arith.constant 73 : i32
    %dma_wait3A_412 = arith.constant 0 : i32
    %dma_wait3A_413 = tpu.memref_slice %arg9[%dma_wait3A_411, %dma_wait3A_412] : memref<80x128xi32, #tpu.memory_space<vmem>> -> memref<1x128xi32, #tpu.memory_space<vmem>>
    %dma_wait3A_414 = tpu.memref_squeeze %dma_wait3A_413 : memref<1x128xi32, #tpu.memory_space<vmem>> -> memref<128xi32, #tpu.memory_space<vmem>>
    %dma_wait3A_415 = arith.constant 0 : i32
    %dma_wait3A_416 = arith.constant 0 : i32
    %dma_wait3A_417 = tpu.memref_slice %arg2[%dma_wait3A_415, %dma_wait3A_416] : memref<10000x32xf32, #tpu.memory_space<hbm>> -> memref<10000x32xf32, #tpu.memory_space<hbm>>
    tpu.wait_indirect_dma semaphore(%arg21 : memref<!tpu.dma_semaphore, #tpu.memory_space<semaphore_mem>>) src(%dma_wait3A_417 : memref<10000x32xf32, #tpu.memory_space<hbm>>) dst(%arg12 : memref<128x32xf32, #tpu.memory_space<vmem>>)
    %dma_start3A_418 = arith.constant 73 : i32
    %dma_start3A_419 = arith.constant 0 : i32
    %dma_start3A_420 = tpu.memref_slice %arg10[%dma_start3A_418, %dma_start3A_419] : memref<80x128xi32, #tpu.memory_space<vmem>> -> memref<1x128xi32, #tpu.memory_space<vmem>>
    %dma_start3A_421 = tpu.memref_squeeze %dma_start3A_420 : memref<1x128xi32, #tpu.memory_space<vmem>> -> memref<128xi32, #tpu.memory_space<vmem>>
    %dma_start3A_422 = arith.constant 0 : i32
    %dma_start3A_423 = arith.constant 0 : i32
    %dma_start3A_424 = tpu.memref_slice %arg19[%dma_start3A_422, %dma_start3A_423] : memref<10240x32xf32, #tpu.memory_space<vmem_shared>> -> memref<10240x32xf32, #tpu.memory_space<vmem_shared>>
    tpu.enqueue_indirect_dma source(%arg12 : memref<128x32xf32, #tpu.memory_space<vmem>>) target(%dma_start3A_424 : memref<10240x32xf32, #tpu.memory_space<vmem_shared>>) offsets(%dma_start3A_421 : memref<128xi32, #tpu.memory_space<vmem>>) semaphore(%arg29 : memref<!tpu.dma_semaphore, #tpu.memory_space<semaphore_mem>>) {add = true}
    %dma_start3A_425 = arith.constant 73 : i32
    %dma_start3A_426 = arith.constant 0 : i32
    %dma_start3A_427 = tpu.memref_slice %arg10[%dma_start3A_425, %dma_start3A_426] : memref<80x128xi32, #tpu.memory_space<vmem>> -> memref<1x128xi32, #tpu.memory_space<vmem>>
    %dma_start3A_428 = tpu.memref_squeeze %dma_start3A_427 : memref<1x128xi32, #tpu.memory_space<vmem>> -> memref<128xi32, #tpu.memory_space<vmem>>
    %dma_start3A_429 = arith.constant 0 : i32
    %dma_start3A_430 = arith.constant 0 : i32
    %dma_start3A_431 = tpu.memref_slice %arg37[%dma_start3A_429, %dma_start3A_430] : memref<10240x32xf32, #tpu.memory_space<vmem_shared>> -> memref<10240x32xf32, #tpu.memory_space<vmem_shared>>
    tpu.enqueue_indirect_dma source(%arg36 : memref<128x32xf32, #tpu.memory_space<vmem>>) target(%dma_start3A_431 : memref<10240x32xf32, #tpu.memory_space<vmem_shared>>) offsets(%dma_start3A_428 : memref<128xi32, #tpu.memory_space<vmem>>) semaphore(%arg38 : memref<!tpu.dma_semaphore, #tpu.memory_space<semaphore_mem>>) {add = true}
    %dma_wait3A_432 = arith.constant 72 : i32
    %dma_wait3A_433 = arith.constant 0 : i32
    %dma_wait3A_434 = tpu.memref_slice %arg10[%dma_wait3A_432, %dma_wait3A_433] : memref<80x128xi32, #tpu.memory_space<vmem>> -> memref<1x128xi32, #tpu.memory_space<vmem>>
    %dma_wait3A_435 = tpu.memref_squeeze %dma_wait3A_434 : memref<1x128xi32, #tpu.memory_space<vmem>> -> memref<128xi32, #tpu.memory_space<vmem>>
    %dma_wait3A_436 = arith.constant 0 : i32
    %dma_wait3A_437 = arith.constant 0 : i32
    %dma_wait3A_438 = tpu.memref_slice %arg19[%dma_wait3A_436, %dma_wait3A_437] : memref<10240x32xf32, #tpu.memory_space<vmem_shared>> -> memref<10240x32xf32, #tpu.memory_space<vmem_shared>>
    tpu.wait_indirect_dma semaphore(%arg28 : memref<!tpu.dma_semaphore, #tpu.memory_space<semaphore_mem>>) src(%arg11 : memref<128x32xf32, #tpu.memory_space<vmem>>) dst(%dma_wait3A_438 : memref<10240x32xf32, #tpu.memory_space<vmem_shared>>)
    %dma_wait3A_439 = arith.constant 74 : i32
    %dma_wait3A_440 = arith.constant 0 : i32
    %dma_wait3A_441 = tpu.memref_slice %arg9[%dma_wait3A_439, %dma_wait3A_440] : memref<80x128xi32, #tpu.memory_space<vmem>> -> memref<1x128xi32, #tpu.memory_space<vmem>>
    %dma_wait3A_442 = tpu.memref_squeeze %dma_wait3A_441 : memref<1x128xi32, #tpu.memory_space<vmem>> -> memref<128xi32, #tpu.memory_space<vmem>>
    %dma_wait3A_443 = arith.constant 0 : i32
    %dma_wait3A_444 = arith.constant 0 : i32
    %dma_wait3A_445 = tpu.memref_slice %arg2[%dma_wait3A_443, %dma_wait3A_444] : memref<10000x32xf32, #tpu.memory_space<hbm>> -> memref<10000x32xf32, #tpu.memory_space<hbm>>
    tpu.wait_indirect_dma semaphore(%arg22 : memref<!tpu.dma_semaphore, #tpu.memory_space<semaphore_mem>>) src(%dma_wait3A_445 : memref<10000x32xf32, #tpu.memory_space<hbm>>) dst(%arg13 : memref<128x32xf32, #tpu.memory_space<vmem>>)
    %dma_start3A_446 = arith.constant 74 : i32
    %dma_start3A_447 = arith.constant 0 : i32
    %dma_start3A_448 = tpu.memref_slice %arg10[%dma_start3A_446, %dma_start3A_447] : memref<80x128xi32, #tpu.memory_space<vmem>> -> memref<1x128xi32, #tpu.memory_space<vmem>>
    %dma_start3A_449 = tpu.memref_squeeze %dma_start3A_448 : memref<1x128xi32, #tpu.memory_space<vmem>> -> memref<128xi32, #tpu.memory_space<vmem>>
    %dma_start3A_450 = arith.constant 0 : i32
    %dma_start3A_451 = arith.constant 0 : i32
    %dma_start3A_452 = tpu.memref_slice %arg19[%dma_start3A_450, %dma_start3A_451] : memref<10240x32xf32, #tpu.memory_space<vmem_shared>> -> memref<10240x32xf32, #tpu.memory_space<vmem_shared>>
    tpu.enqueue_indirect_dma source(%arg13 : memref<128x32xf32, #tpu.memory_space<vmem>>) target(%dma_start3A_452 : memref<10240x32xf32, #tpu.memory_space<vmem_shared>>) offsets(%dma_start3A_449 : memref<128xi32, #tpu.memory_space<vmem>>) semaphore(%arg30 : memref<!tpu.dma_semaphore, #tpu.memory_space<semaphore_mem>>) {add = true}
    %dma_start3A_453 = arith.constant 74 : i32
    %dma_start3A_454 = arith.constant 0 : i32
    %dma_start3A_455 = tpu.memref_slice %arg10[%dma_start3A_453, %dma_start3A_454] : memref<80x128xi32, #tpu.memory_space<vmem>> -> memref<1x128xi32, #tpu.memory_space<vmem>>
    %dma_start3A_456 = tpu.memref_squeeze %dma_start3A_455 : memref<1x128xi32, #tpu.memory_space<vmem>> -> memref<128xi32, #tpu.memory_space<vmem>>
    %dma_start3A_457 = arith.constant 0 : i32
    %dma_start3A_458 = arith.constant 0 : i32
    %dma_start3A_459 = tpu.memref_slice %arg37[%dma_start3A_457, %dma_start3A_458] : memref<10240x32xf32, #tpu.memory_space<vmem_shared>> -> memref<10240x32xf32, #tpu.memory_space<vmem_shared>>
    tpu.enqueue_indirect_dma source(%arg36 : memref<128x32xf32, #tpu.memory_space<vmem>>) target(%dma_start3A_459 : memref<10240x32xf32, #tpu.memory_space<vmem_shared>>) offsets(%dma_start3A_456 : memref<128xi32, #tpu.memory_space<vmem>>) semaphore(%arg38 : memref<!tpu.dma_semaphore, #tpu.memory_space<semaphore_mem>>) {add = true}
    %dma_wait3A_460 = arith.constant 73 : i32
    %dma_wait3A_461 = arith.constant 0 : i32
    %dma_wait3A_462 = tpu.memref_slice %arg10[%dma_wait3A_460, %dma_wait3A_461] : memref<80x128xi32, #tpu.memory_space<vmem>> -> memref<1x128xi32, #tpu.memory_space<vmem>>
    %dma_wait3A_463 = tpu.memref_squeeze %dma_wait3A_462 : memref<1x128xi32, #tpu.memory_space<vmem>> -> memref<128xi32, #tpu.memory_space<vmem>>
    %dma_wait3A_464 = arith.constant 0 : i32
    %dma_wait3A_465 = arith.constant 0 : i32
    %dma_wait3A_466 = tpu.memref_slice %arg19[%dma_wait3A_464, %dma_wait3A_465] : memref<10240x32xf32, #tpu.memory_space<vmem_shared>> -> memref<10240x32xf32, #tpu.memory_space<vmem_shared>>
    tpu.wait_indirect_dma semaphore(%arg29 : memref<!tpu.dma_semaphore, #tpu.memory_space<semaphore_mem>>) src(%arg12 : memref<128x32xf32, #tpu.memory_space<vmem>>) dst(%dma_wait3A_466 : memref<10240x32xf32, #tpu.memory_space<vmem_shared>>)
    %dma_wait3A_467 = arith.constant 75 : i32
    %dma_wait3A_468 = arith.constant 0 : i32
    %dma_wait3A_469 = tpu.memref_slice %arg9[%dma_wait3A_467, %dma_wait3A_468] : memref<80x128xi32, #tpu.memory_space<vmem>> -> memref<1x128xi32, #tpu.memory_space<vmem>>
    %dma_wait3A_470 = tpu.memref_squeeze %dma_wait3A_469 : memref<1x128xi32, #tpu.memory_space<vmem>> -> memref<128xi32, #tpu.memory_space<vmem>>
    %dma_wait3A_471 = arith.constant 0 : i32
    %dma_wait3A_472 = arith.constant 0 : i32
    %dma_wait3A_473 = tpu.memref_slice %arg2[%dma_wait3A_471, %dma_wait3A_472] : memref<10000x32xf32, #tpu.memory_space<hbm>> -> memref<10000x32xf32, #tpu.memory_space<hbm>>
    tpu.wait_indirect_dma semaphore(%arg23 : memref<!tpu.dma_semaphore, #tpu.memory_space<semaphore_mem>>) src(%dma_wait3A_473 : memref<10000x32xf32, #tpu.memory_space<hbm>>) dst(%arg14 : memref<128x32xf32, #tpu.memory_space<vmem>>)
    %dma_start3A_474 = arith.constant 75 : i32
    %dma_start3A_475 = arith.constant 0 : i32
    %dma_start3A_476 = tpu.memref_slice %arg10[%dma_start3A_474, %dma_start3A_475] : memref<80x128xi32, #tpu.memory_space<vmem>> -> memref<1x128xi32, #tpu.memory_space<vmem>>
    %dma_start3A_477 = tpu.memref_squeeze %dma_start3A_476 : memref<1x128xi32, #tpu.memory_space<vmem>> -> memref<128xi32, #tpu.memory_space<vmem>>
    %dma_start3A_478 = arith.constant 0 : i32
    %dma_start3A_479 = arith.constant 0 : i32
    %dma_start3A_480 = tpu.memref_slice %arg19[%dma_start3A_478, %dma_start3A_479] : memref<10240x32xf32, #tpu.memory_space<vmem_shared>> -> memref<10240x32xf32, #tpu.memory_space<vmem_shared>>
    tpu.enqueue_indirect_dma source(%arg14 : memref<128x32xf32, #tpu.memory_space<vmem>>) target(%dma_start3A_480 : memref<10240x32xf32, #tpu.memory_space<vmem_shared>>) offsets(%dma_start3A_477 : memref<128xi32, #tpu.memory_space<vmem>>) semaphore(%arg31 : memref<!tpu.dma_semaphore, #tpu.memory_space<semaphore_mem>>) {add = true}
    %dma_start3A_481 = arith.constant 75 : i32
    %dma_start3A_482 = arith.constant 0 : i32
    %dma_start3A_483 = tpu.memref_slice %arg10[%dma_start3A_481, %dma_start3A_482] : memref<80x128xi32, #tpu.memory_space<vmem>> -> memref<1x128xi32, #tpu.memory_space<vmem>>
    %dma_start3A_484 = tpu.memref_squeeze %dma_start3A_483 : memref<1x128xi32, #tpu.memory_space<vmem>> -> memref<128xi32, #tpu.memory_space<vmem>>
    %dma_start3A_485 = arith.constant 0 : i32
    %dma_start3A_486 = arith.constant 0 : i32
    %dma_start3A_487 = tpu.memref_slice %arg37[%dma_start3A_485, %dma_start3A_486] : memref<10240x32xf32, #tpu.memory_space<vmem_shared>> -> memref<10240x32xf32, #tpu.memory_space<vmem_shared>>
    tpu.enqueue_indirect_dma source(%arg36 : memref<128x32xf32, #tpu.memory_space<vmem>>) target(%dma_start3A_487 : memref<10240x32xf32, #tpu.memory_space<vmem_shared>>) offsets(%dma_start3A_484 : memref<128xi32, #tpu.memory_space<vmem>>) semaphore(%arg38 : memref<!tpu.dma_semaphore, #tpu.memory_space<semaphore_mem>>) {add = true}
    %dma_wait3A_488 = arith.constant 74 : i32
    %dma_wait3A_489 = arith.constant 0 : i32
    %dma_wait3A_490 = tpu.memref_slice %arg10[%dma_wait3A_488, %dma_wait3A_489] : memref<80x128xi32, #tpu.memory_space<vmem>> -> memref<1x128xi32, #tpu.memory_space<vmem>>
    %dma_wait3A_491 = tpu.memref_squeeze %dma_wait3A_490 : memref<1x128xi32, #tpu.memory_space<vmem>> -> memref<128xi32, #tpu.memory_space<vmem>>
    %dma_wait3A_492 = arith.constant 0 : i32
    %dma_wait3A_493 = arith.constant 0 : i32
    %dma_wait3A_494 = tpu.memref_slice %arg19[%dma_wait3A_492, %dma_wait3A_493] : memref<10240x32xf32, #tpu.memory_space<vmem_shared>> -> memref<10240x32xf32, #tpu.memory_space<vmem_shared>>
    tpu.wait_indirect_dma semaphore(%arg30 : memref<!tpu.dma_semaphore, #tpu.memory_space<semaphore_mem>>) src(%arg13 : memref<128x32xf32, #tpu.memory_space<vmem>>) dst(%dma_wait3A_494 : memref<10240x32xf32, #tpu.memory_space<vmem_shared>>)
    %dma_wait3A_495 = arith.constant 76 : i32
    %dma_wait3A_496 = arith.constant 0 : i32
    %dma_wait3A_497 = tpu.memref_slice %arg9[%dma_wait3A_495, %dma_wait3A_496] : memref<80x128xi32, #tpu.memory_space<vmem>> -> memref<1x128xi32, #tpu.memory_space<vmem>>
    %dma_wait3A_498 = tpu.memref_squeeze %dma_wait3A_497 : memref<1x128xi32, #tpu.memory_space<vmem>> -> memref<128xi32, #tpu.memory_space<vmem>>
    %dma_wait3A_499 = arith.constant 0 : i32
    %dma_wait3A_500 = arith.constant 0 : i32
    %dma_wait3A_501 = tpu.memref_slice %arg2[%dma_wait3A_499, %dma_wait3A_500] : memref<10000x32xf32, #tpu.memory_space<hbm>> -> memref<10000x32xf32, #tpu.memory_space<hbm>>
    tpu.wait_indirect_dma semaphore(%arg24 : memref<!tpu.dma_semaphore, #tpu.memory_space<semaphore_mem>>) src(%dma_wait3A_501 : memref<10000x32xf32, #tpu.memory_space<hbm>>) dst(%arg15 : memref<128x32xf32, #tpu.memory_space<vmem>>)
    %dma_start3A_502 = arith.constant 76 : i32
    %dma_start3A_503 = arith.constant 0 : i32
    %dma_start3A_504 = tpu.memref_slice %arg10[%dma_start3A_502, %dma_start3A_503] : memref<80x128xi32, #tpu.memory_space<vmem>> -> memref<1x128xi32, #tpu.memory_space<vmem>>
    %dma_start3A_505 = tpu.memref_squeeze %dma_start3A_504 : memref<1x128xi32, #tpu.memory_space<vmem>> -> memref<128xi32, #tpu.memory_space<vmem>>
    %dma_start3A_506 = arith.constant 0 : i32
    %dma_start3A_507 = arith.constant 0 : i32
    %dma_start3A_508 = tpu.memref_slice %arg19[%dma_start3A_506, %dma_start3A_507] : memref<10240x32xf32, #tpu.memory_space<vmem_shared>> -> memref<10240x32xf32, #tpu.memory_space<vmem_shared>>
    tpu.enqueue_indirect_dma source(%arg15 : memref<128x32xf32, #tpu.memory_space<vmem>>) target(%dma_start3A_508 : memref<10240x32xf32, #tpu.memory_space<vmem_shared>>) offsets(%dma_start3A_505 : memref<128xi32, #tpu.memory_space<vmem>>) semaphore(%arg32 : memref<!tpu.dma_semaphore, #tpu.memory_space<semaphore_mem>>) {add = true}
    %dma_start3A_509 = arith.constant 76 : i32
    %dma_start3A_510 = arith.constant 0 : i32
    %dma_start3A_511 = tpu.memref_slice %arg10[%dma_start3A_509, %dma_start3A_510] : memref<80x128xi32, #tpu.memory_space<vmem>> -> memref<1x128xi32, #tpu.memory_space<vmem>>
    %dma_start3A_512 = tpu.memref_squeeze %dma_start3A_511 : memref<1x128xi32, #tpu.memory_space<vmem>> -> memref<128xi32, #tpu.memory_space<vmem>>
    %dma_start3A_513 = arith.constant 0 : i32
    %dma_start3A_514 = arith.constant 0 : i32
    %dma_start3A_515 = tpu.memref_slice %arg37[%dma_start3A_513, %dma_start3A_514] : memref<10240x32xf32, #tpu.memory_space<vmem_shared>> -> memref<10240x32xf32, #tpu.memory_space<vmem_shared>>
    tpu.enqueue_indirect_dma source(%arg36 : memref<128x32xf32, #tpu.memory_space<vmem>>) target(%dma_start3A_515 : memref<10240x32xf32, #tpu.memory_space<vmem_shared>>) offsets(%dma_start3A_512 : memref<128xi32, #tpu.memory_space<vmem>>) semaphore(%arg38 : memref<!tpu.dma_semaphore, #tpu.memory_space<semaphore_mem>>) {add = true}
    %dma_wait3A_516 = arith.constant 75 : i32
    %dma_wait3A_517 = arith.constant 0 : i32
    %dma_wait3A_518 = tpu.memref_slice %arg10[%dma_wait3A_516, %dma_wait3A_517] : memref<80x128xi32, #tpu.memory_space<vmem>> -> memref<1x128xi32, #tpu.memory_space<vmem>>
    %dma_wait3A_519 = tpu.memref_squeeze %dma_wait3A_518 : memref<1x128xi32, #tpu.memory_space<vmem>> -> memref<128xi32, #tpu.memory_space<vmem>>
    %dma_wait3A_520 = arith.constant 0 : i32
    %dma_wait3A_521 = arith.constant 0 : i32
    %dma_wait3A_522 = tpu.memref_slice %arg19[%dma_wait3A_520, %dma_wait3A_521] : memref<10240x32xf32, #tpu.memory_space<vmem_shared>> -> memref<10240x32xf32, #tpu.memory_space<vmem_shared>>
    tpu.wait_indirect_dma semaphore(%arg31 : memref<!tpu.dma_semaphore, #tpu.memory_space<semaphore_mem>>) src(%arg14 : memref<128x32xf32, #tpu.memory_space<vmem>>) dst(%dma_wait3A_522 : memref<10240x32xf32, #tpu.memory_space<vmem_shared>>)
    %dma_wait3A_523 = arith.constant 77 : i32
    %dma_wait3A_524 = arith.constant 0 : i32
    %dma_wait3A_525 = tpu.memref_slice %arg9[%dma_wait3A_523, %dma_wait3A_524] : memref<80x128xi32, #tpu.memory_space<vmem>> -> memref<1x128xi32, #tpu.memory_space<vmem>>
    %dma_wait3A_526 = tpu.memref_squeeze %dma_wait3A_525 : memref<1x128xi32, #tpu.memory_space<vmem>> -> memref<128xi32, #tpu.memory_space<vmem>>
    %dma_wait3A_527 = arith.constant 0 : i32
    %dma_wait3A_528 = arith.constant 0 : i32
    %dma_wait3A_529 = tpu.memref_slice %arg2[%dma_wait3A_527, %dma_wait3A_528] : memref<10000x32xf32, #tpu.memory_space<hbm>> -> memref<10000x32xf32, #tpu.memory_space<hbm>>
    tpu.wait_indirect_dma semaphore(%arg25 : memref<!tpu.dma_semaphore, #tpu.memory_space<semaphore_mem>>) src(%dma_wait3A_529 : memref<10000x32xf32, #tpu.memory_space<hbm>>) dst(%arg16 : memref<128x32xf32, #tpu.memory_space<vmem>>)
    %dma_start3A_530 = arith.constant 77 : i32
    %dma_start3A_531 = arith.constant 0 : i32
    %dma_start3A_532 = tpu.memref_slice %arg10[%dma_start3A_530, %dma_start3A_531] : memref<80x128xi32, #tpu.memory_space<vmem>> -> memref<1x128xi32, #tpu.memory_space<vmem>>
    %dma_start3A_533 = tpu.memref_squeeze %dma_start3A_532 : memref<1x128xi32, #tpu.memory_space<vmem>> -> memref<128xi32, #tpu.memory_space<vmem>>
    %dma_start3A_534 = arith.constant 0 : i32
    %dma_start3A_535 = arith.constant 0 : i32
    %dma_start3A_536 = tpu.memref_slice %arg19[%dma_start3A_534, %dma_start3A_535] : memref<10240x32xf32, #tpu.memory_space<vmem_shared>> -> memref<10240x32xf32, #tpu.memory_space<vmem_shared>>
    tpu.enqueue_indirect_dma source(%arg16 : memref<128x32xf32, #tpu.memory_space<vmem>>) target(%dma_start3A_536 : memref<10240x32xf32, #tpu.memory_space<vmem_shared>>) offsets(%dma_start3A_533 : memref<128xi32, #tpu.memory_space<vmem>>) semaphore(%arg33 : memref<!tpu.dma_semaphore, #tpu.memory_space<semaphore_mem>>) {add = true}
    %dma_start3A_537 = arith.constant 77 : i32
    %dma_start3A_538 = arith.constant 0 : i32
    %dma_start3A_539 = tpu.memref_slice %arg10[%dma_start3A_537, %dma_start3A_538] : memref<80x128xi32, #tpu.memory_space<vmem>> -> memref<1x128xi32, #tpu.memory_space<vmem>>
    %dma_start3A_540 = tpu.memref_squeeze %dma_start3A_539 : memref<1x128xi32, #tpu.memory_space<vmem>> -> memref<128xi32, #tpu.memory_space<vmem>>
    %dma_start3A_541 = arith.constant 0 : i32
    %dma_start3A_542 = arith.constant 0 : i32
    %dma_start3A_543 = tpu.memref_slice %arg37[%dma_start3A_541, %dma_start3A_542] : memref<10240x32xf32, #tpu.memory_space<vmem_shared>> -> memref<10240x32xf32, #tpu.memory_space<vmem_shared>>
    tpu.enqueue_indirect_dma source(%arg36 : memref<128x32xf32, #tpu.memory_space<vmem>>) target(%dma_start3A_543 : memref<10240x32xf32, #tpu.memory_space<vmem_shared>>) offsets(%dma_start3A_540 : memref<128xi32, #tpu.memory_space<vmem>>) semaphore(%arg38 : memref<!tpu.dma_semaphore, #tpu.memory_space<semaphore_mem>>) {add = true}
    %dma_wait3A_544 = arith.constant 76 : i32
    %dma_wait3A_545 = arith.constant 0 : i32
    %dma_wait3A_546 = tpu.memref_slice %arg10[%dma_wait3A_544, %dma_wait3A_545] : memref<80x128xi32, #tpu.memory_space<vmem>> -> memref<1x128xi32, #tpu.memory_space<vmem>>
    %dma_wait3A_547 = tpu.memref_squeeze %dma_wait3A_546 : memref<1x128xi32, #tpu.memory_space<vmem>> -> memref<128xi32, #tpu.memory_space<vmem>>
    %dma_wait3A_548 = arith.constant 0 : i32
    %dma_wait3A_549 = arith.constant 0 : i32
    %dma_wait3A_550 = tpu.memref_slice %arg19[%dma_wait3A_548, %dma_wait3A_549] : memref<10240x32xf32, #tpu.memory_space<vmem_shared>> -> memref<10240x32xf32, #tpu.memory_space<vmem_shared>>
    tpu.wait_indirect_dma semaphore(%arg32 : memref<!tpu.dma_semaphore, #tpu.memory_space<semaphore_mem>>) src(%arg15 : memref<128x32xf32, #tpu.memory_space<vmem>>) dst(%dma_wait3A_550 : memref<10240x32xf32, #tpu.memory_space<vmem_shared>>)
    %dma_wait3A_551 = arith.constant 78 : i32
    %dma_wait3A_552 = arith.constant 0 : i32
    %dma_wait3A_553 = tpu.memref_slice %arg9[%dma_wait3A_551, %dma_wait3A_552] : memref<80x128xi32, #tpu.memory_space<vmem>> -> memref<1x128xi32, #tpu.memory_space<vmem>>
    %dma_wait3A_554 = tpu.memref_squeeze %dma_wait3A_553 : memref<1x128xi32, #tpu.memory_space<vmem>> -> memref<128xi32, #tpu.memory_space<vmem>>
    %dma_wait3A_555 = arith.constant 0 : i32
    %dma_wait3A_556 = arith.constant 0 : i32
    %dma_wait3A_557 = tpu.memref_slice %arg2[%dma_wait3A_555, %dma_wait3A_556] : memref<10000x32xf32, #tpu.memory_space<hbm>> -> memref<10000x32xf32, #tpu.memory_space<hbm>>
    tpu.wait_indirect_dma semaphore(%arg26 : memref<!tpu.dma_semaphore, #tpu.memory_space<semaphore_mem>>) src(%dma_wait3A_557 : memref<10000x32xf32, #tpu.memory_space<hbm>>) dst(%arg17 : memref<128x32xf32, #tpu.memory_space<vmem>>)
    %dma_start3A_558 = arith.constant 78 : i32
    %dma_start3A_559 = arith.constant 0 : i32
    %dma_start3A_560 = tpu.memref_slice %arg10[%dma_start3A_558, %dma_start3A_559] : memref<80x128xi32, #tpu.memory_space<vmem>> -> memref<1x128xi32, #tpu.memory_space<vmem>>
    %dma_start3A_561 = tpu.memref_squeeze %dma_start3A_560 : memref<1x128xi32, #tpu.memory_space<vmem>> -> memref<128xi32, #tpu.memory_space<vmem>>
    %dma_start3A_562 = arith.constant 0 : i32
    %dma_start3A_563 = arith.constant 0 : i32
    %dma_start3A_564 = tpu.memref_slice %arg19[%dma_start3A_562, %dma_start3A_563] : memref<10240x32xf32, #tpu.memory_space<vmem_shared>> -> memref<10240x32xf32, #tpu.memory_space<vmem_shared>>
    tpu.enqueue_indirect_dma source(%arg17 : memref<128x32xf32, #tpu.memory_space<vmem>>) target(%dma_start3A_564 : memref<10240x32xf32, #tpu.memory_space<vmem_shared>>) offsets(%dma_start3A_561 : memref<128xi32, #tpu.memory_space<vmem>>) semaphore(%arg34 : memref<!tpu.dma_semaphore, #tpu.memory_space<semaphore_mem>>) {add = true}
    %dma_start3A_565 = arith.constant 78 : i32
    %dma_start3A_566 = arith.constant 0 : i32
    %dma_start3A_567 = tpu.memref_slice %arg10[%dma_start3A_565, %dma_start3A_566] : memref<80x128xi32, #tpu.memory_space<vmem>> -> memref<1x128xi32, #tpu.memory_space<vmem>>
    %dma_start3A_568 = tpu.memref_squeeze %dma_start3A_567 : memref<1x128xi32, #tpu.memory_space<vmem>> -> memref<128xi32, #tpu.memory_space<vmem>>
    %dma_start3A_569 = arith.constant 0 : i32
    %dma_start3A_570 = arith.constant 0 : i32
    %dma_start3A_571 = tpu.memref_slice %arg37[%dma_start3A_569, %dma_start3A_570] : memref<10240x32xf32, #tpu.memory_space<vmem_shared>> -> memref<10240x32xf32, #tpu.memory_space<vmem_shared>>
    tpu.enqueue_indirect_dma source(%arg36 : memref<128x32xf32, #tpu.memory_space<vmem>>) target(%dma_start3A_571 : memref<10240x32xf32, #tpu.memory_space<vmem_shared>>) offsets(%dma_start3A_568 : memref<128xi32, #tpu.memory_space<vmem>>) semaphore(%arg38 : memref<!tpu.dma_semaphore, #tpu.memory_space<semaphore_mem>>) {add = true}
    %dma_wait3A_572 = arith.constant 77 : i32
    %dma_wait3A_573 = arith.constant 0 : i32
    %dma_wait3A_574 = tpu.memref_slice %arg10[%dma_wait3A_572, %dma_wait3A_573] : memref<80x128xi32, #tpu.memory_space<vmem>> -> memref<1x128xi32, #tpu.memory_space<vmem>>
    %dma_wait3A_575 = tpu.memref_squeeze %dma_wait3A_574 : memref<1x128xi32, #tpu.memory_space<vmem>> -> memref<128xi32, #tpu.memory_space<vmem>>
    %dma_wait3A_576 = arith.constant 0 : i32
    %dma_wait3A_577 = arith.constant 0 : i32
    %dma_wait3A_578 = tpu.memref_slice %arg19[%dma_wait3A_576, %dma_wait3A_577] : memref<10240x32xf32, #tpu.memory_space<vmem_shared>> -> memref<10240x32xf32, #tpu.memory_space<vmem_shared>>
    tpu.wait_indirect_dma semaphore(%arg33 : memref<!tpu.dma_semaphore, #tpu.memory_space<semaphore_mem>>) src(%arg16 : memref<128x32xf32, #tpu.memory_space<vmem>>) dst(%dma_wait3A_578 : memref<10240x32xf32, #tpu.memory_space<vmem_shared>>)
    %dma_wait3A_579 = arith.constant 79 : i32
    %dma_wait3A_580 = arith.constant 0 : i32
    %dma_wait3A_581 = tpu.memref_slice %arg9[%dma_wait3A_579, %dma_wait3A_580] : memref<80x128xi32, #tpu.memory_space<vmem>> -> memref<1x128xi32, #tpu.memory_space<vmem>>
    %dma_wait3A_582 = tpu.memref_squeeze %dma_wait3A_581 : memref<1x128xi32, #tpu.memory_space<vmem>> -> memref<128xi32, #tpu.memory_space<vmem>>
    %dma_wait3A_583 = arith.constant 0 : i32
    %dma_wait3A_584 = arith.constant 0 : i32
    %dma_wait3A_585 = tpu.memref_slice %arg2[%dma_wait3A_583, %dma_wait3A_584] : memref<10000x32xf32, #tpu.memory_space<hbm>> -> memref<10000x32xf32, #tpu.memory_space<hbm>>
    tpu.wait_indirect_dma semaphore(%arg27 : memref<!tpu.dma_semaphore, #tpu.memory_space<semaphore_mem>>) src(%dma_wait3A_585 : memref<10000x32xf32, #tpu.memory_space<hbm>>) dst(%arg18 : memref<128x32xf32, #tpu.memory_space<vmem>>)
    %dma_start3A_586 = arith.constant 79 : i32
    %dma_start3A_587 = arith.constant 0 : i32
    %dma_start3A_588 = tpu.memref_slice %arg10[%dma_start3A_586, %dma_start3A_587] : memref<80x128xi32, #tpu.memory_space<vmem>> -> memref<1x128xi32, #tpu.memory_space<vmem>>
    %dma_start3A_589 = tpu.memref_squeeze %dma_start3A_588 : memref<1x128xi32, #tpu.memory_space<vmem>> -> memref<128xi32, #tpu.memory_space<vmem>>
    %dma_start3A_590 = arith.constant 0 : i32
    %dma_start3A_591 = arith.constant 0 : i32
    %dma_start3A_592 = tpu.memref_slice %arg19[%dma_start3A_590, %dma_start3A_591] : memref<10240x32xf32, #tpu.memory_space<vmem_shared>> -> memref<10240x32xf32, #tpu.memory_space<vmem_shared>>
    tpu.enqueue_indirect_dma source(%arg18 : memref<128x32xf32, #tpu.memory_space<vmem>>) target(%dma_start3A_592 : memref<10240x32xf32, #tpu.memory_space<vmem_shared>>) offsets(%dma_start3A_589 : memref<128xi32, #tpu.memory_space<vmem>>) semaphore(%arg35 : memref<!tpu.dma_semaphore, #tpu.memory_space<semaphore_mem>>) {add = true}
    %dma_start3A_593 = arith.constant 79 : i32
    %dma_start3A_594 = arith.constant 0 : i32
    %dma_start3A_595 = tpu.memref_slice %arg10[%dma_start3A_593, %dma_start3A_594] : memref<80x128xi32, #tpu.memory_space<vmem>> -> memref<1x128xi32, #tpu.memory_space<vmem>>
    %dma_start3A_596 = tpu.memref_squeeze %dma_start3A_595 : memref<1x128xi32, #tpu.memory_space<vmem>> -> memref<128xi32, #tpu.memory_space<vmem>>
    %dma_start3A_597 = arith.constant 0 : i32
    %dma_start3A_598 = arith.constant 0 : i32
    %dma_start3A_599 = tpu.memref_slice %arg37[%dma_start3A_597, %dma_start3A_598] : memref<10240x32xf32, #tpu.memory_space<vmem_shared>> -> memref<10240x32xf32, #tpu.memory_space<vmem_shared>>
    tpu.enqueue_indirect_dma source(%arg36 : memref<128x32xf32, #tpu.memory_space<vmem>>) target(%dma_start3A_599 : memref<10240x32xf32, #tpu.memory_space<vmem_shared>>) offsets(%dma_start3A_596 : memref<128xi32, #tpu.memory_space<vmem>>) semaphore(%arg38 : memref<!tpu.dma_semaphore, #tpu.memory_space<semaphore_mem>>) {add = true}
    %dma_wait3A_600 = arith.constant 78 : i32
    %dma_wait3A_601 = arith.constant 0 : i32
    %dma_wait3A_602 = tpu.memref_slice %arg10[%dma_wait3A_600, %dma_wait3A_601] : memref<80x128xi32, #tpu.memory_space<vmem>> -> memref<1x128xi32, #tpu.memory_space<vmem>>
    %dma_wait3A_603 = tpu.memref_squeeze %dma_wait3A_602 : memref<1x128xi32, #tpu.memory_space<vmem>> -> memref<128xi32, #tpu.memory_space<vmem>>
    %dma_wait3A_604 = arith.constant 0 : i32
    %dma_wait3A_605 = arith.constant 0 : i32
    %dma_wait3A_606 = tpu.memref_slice %arg19[%dma_wait3A_604, %dma_wait3A_605] : memref<10240x32xf32, #tpu.memory_space<vmem_shared>> -> memref<10240x32xf32, #tpu.memory_space<vmem_shared>>
    tpu.wait_indirect_dma semaphore(%arg34 : memref<!tpu.dma_semaphore, #tpu.memory_space<semaphore_mem>>) src(%arg17 : memref<128x32xf32, #tpu.memory_space<vmem>>) dst(%dma_wait3A_606 : memref<10240x32xf32, #tpu.memory_space<vmem_shared>>)
    %dma_wait3A_607 = arith.constant 79 : i32
    %dma_wait3A_608 = arith.constant 0 : i32
    %dma_wait3A_609 = tpu.memref_slice %arg10[%dma_wait3A_607, %dma_wait3A_608] : memref<80x128xi32, #tpu.memory_space<vmem>> -> memref<1x128xi32, #tpu.memory_space<vmem>>
    %dma_wait3A_610 = tpu.memref_squeeze %dma_wait3A_609 : memref<1x128xi32, #tpu.memory_space<vmem>> -> memref<128xi32, #tpu.memory_space<vmem>>
    %dma_wait3A_611 = arith.constant 0 : i32
    %dma_wait3A_612 = arith.constant 0 : i32
    %dma_wait3A_613 = tpu.memref_slice %arg19[%dma_wait3A_611, %dma_wait3A_612] : memref<10240x32xf32, #tpu.memory_space<vmem_shared>> -> memref<10240x32xf32, #tpu.memory_space<vmem_shared>>
    tpu.wait_indirect_dma semaphore(%arg35 : memref<!tpu.dma_semaphore, #tpu.memory_space<semaphore_mem>>) src(%arg18 : memref<128x32xf32, #tpu.memory_space<vmem>>) dst(%dma_wait3A_613 : memref<10240x32xf32, #tpu.memory_space<vmem_shared>>)
    %scan3A_614 = arith.constant 0 : i32
    %scan3A_615 = arith.constant 0 : i32
    %scan3A_616 = arith.constant 80 : i32
    %scan3A_617 = arith.addi %scan3A_615, %scan3A_616 : i32
    %scan3A_618 = arith.constant 1 : i32
    scf.for %scan3A_621 = %scan3A_615 to %scan3A_617 step %scan3A_618  : i32 {
      %dma_wait3A_622 = arith.constant 0 : i32
      %dma_wait3A_623 = tpu.memref_slice %arg10[%scan3A_621, %dma_wait3A_622] : memref<80x128xi32, #tpu.memory_space<vmem>> -> memref<1x128xi32, #tpu.memory_space<vmem>>
      %dma_wait3A_624 = tpu.memref_squeeze %dma_wait3A_623 : memref<1x128xi32, #tpu.memory_space<vmem>> -> memref<128xi32, #tpu.memory_space<vmem>>
      %dma_wait3A_625 = arith.constant 0 : i32
      %dma_wait3A_626 = arith.constant 0 : i32
      %dma_wait3A_627 = tpu.memref_slice %arg37[%dma_wait3A_625, %dma_wait3A_626] : memref<10240x32xf32, #tpu.memory_space<vmem_shared>> -> memref<10240x32xf32, #tpu.memory_space<vmem_shared>>
      tpu.wait_indirect_dma semaphore(%arg38 : memref<!tpu.dma_semaphore, #tpu.memory_space<semaphore_mem>>) src(%arg36 : memref<128x32xf32, #tpu.memory_space<vmem>>) dst(%dma_wait3A_627 : memref<10240x32xf32, #tpu.memory_space<vmem_shared>>)
    }
    %scan3A_619 = arith.constant 80 : i32
    %barrier3A_620 = arith.constant 0 : index
    tpu.barrier barrier_id(%barrier3A_620)
    "tpu.region"() ({
      %run_scoped3A = tpu.sem_alloc : memref<!tpu.dma_semaphore, #tpu.memory_space<semaphore_mem>>
      %dma_start3A_621 = arith.constant 0 : i32
      %dma_start3A_622 = tpu.memref_slice %arg7[%arg0, %mul3A_2, %dma_start3A_621] : memref<2x10240x32xf32, #tpu.memory_space<hbm>> -> memref<1x640x32xf32, #tpu.memory_space<hbm>>
      %dma_start3A_623 = tpu.memref_squeeze %dma_start3A_622 : memref<1x640x32xf32, #tpu.memory_space<hbm>> -> memref<640x32xf32, #tpu.memory_space<hbm>>
      %dma_start3A_624 = arith.constant 0 : i32
      %dma_start3A_625 = tpu.memref_slice %arg19[%mul3A_2, %dma_start3A_624] : memref<10240x32xf32, #tpu.memory_space<vmem_shared>> -> memref<640x32xf32, #tpu.memory_space<vmem_shared>>
      tpu.enqueue_dma source(%dma_start3A_625 : memref<640x32xf32, #tpu.memory_space<vmem_shared>>) target(%dma_start3A_623 : memref<640x32xf32, #tpu.memory_space<hbm>>) target_semaphore(%run_scoped3A : memref<!tpu.dma_semaphore, #tpu.memory_space<semaphore_mem>>)
      %dma_wait3A_626 = arith.constant 0 : i32
      %dma_wait3A_627 = tpu.memref_slice %arg7[%arg0, %mul3A_2, %dma_wait3A_626] : memref<2x10240x32xf32, #tpu.memory_space<hbm>> -> memref<1x640x32xf32, #tpu.memory_space<hbm>>
      %dma_wait3A_628 = tpu.memref_squeeze %dma_wait3A_627 : memref<1x640x32xf32, #tpu.memory_space<hbm>> -> memref<640x32xf32, #tpu.memory_space<hbm>>
      %dma_wait3A_629 = arith.constant 0 : i32
      %dma_wait3A_630 = tpu.memref_slice %arg19[%mul3A_2, %dma_wait3A_629] : memref<10240x32xf32, #tpu.memory_space<vmem_shared>> -> memref<640x32xf32, #tpu.memory_space<vmem_shared>>
      tpu.wait_dma2 semaphore(%run_scoped3A : memref<!tpu.dma_semaphore, #tpu.memory_space<semaphore_mem>>) src(%dma_wait3A_630 : memref<640x32xf32, #tpu.memory_space<vmem_shared>>) dst(%dma_wait3A_628 : memref<640x32xf32, #tpu.memory_space<hbm>>)
      tpu.yield
    }) : () -> ()
    "tpu.region"() ({
      %run_scoped3A = tpu.sem_alloc : memref<!tpu.dma_semaphore, #tpu.memory_space<semaphore_mem>>
      %dma_start3A_621 = arith.constant 0 : i32
      %dma_start3A_622 = tpu.memref_slice %arg8[%arg0, %mul3A_2, %dma_start3A_621] : memref<2x10240x32xf32, #tpu.memory_space<hbm>> -> memref<1x640x32xf32, #tpu.memory_space<hbm>>
      %dma_start3A_623 = tpu.memref_squeeze %dma_start3A_622 : memref<1x640x32xf32, #tpu.memory_space<hbm>> -> memref<640x32xf32, #tpu.memory_space<hbm>>
      %dma_start3A_624 = arith.constant 0 : i32
      %dma_start3A_625 = tpu.memref_slice %arg37[%mul3A_2, %dma_start3A_624] : memref<10240x32xf32, #tpu.memory_space<vmem_shared>> -> memref<640x32xf32, #tpu.memory_space<vmem_shared>>
      tpu.enqueue_dma source(%dma_start3A_625 : memref<640x32xf32, #tpu.memory_space<vmem_shared>>) target(%dma_start3A_623 : memref<640x32xf32, #tpu.memory_space<hbm>>) target_semaphore(%run_scoped3A : memref<!tpu.dma_semaphore, #tpu.memory_space<semaphore_mem>>)
      %dma_wait3A_626 = arith.constant 0 : i32
      %dma_wait3A_627 = tpu.memref_slice %arg8[%arg0, %mul3A_2, %dma_wait3A_626] : memref<2x10240x32xf32, #tpu.memory_space<hbm>> -> memref<1x640x32xf32, #tpu.memory_space<hbm>>
      %dma_wait3A_628 = tpu.memref_squeeze %dma_wait3A_627 : memref<1x640x32xf32, #tpu.memory_space<hbm>> -> memref<640x32xf32, #tpu.memory_space<hbm>>
      %dma_wait3A_629 = arith.constant 0 : i32
      %dma_wait3A_630 = tpu.memref_slice %arg37[%mul3A_2, %dma_wait3A_629] : memref<10240x32xf32, #tpu.memory_space<vmem_shared>> -> memref<640x32xf32, #tpu.memory_space<vmem_shared>>
      tpu.wait_dma2 semaphore(%run_scoped3A : memref<!tpu.dma_semaphore, #tpu.memory_space<semaphore_mem>>) src(%dma_wait3A_630 : memref<640x32xf32, #tpu.memory_space<vmem_shared>>) dst(%dma_wait3A_628 : memref<640x32xf32, #tpu.memory_space<hbm>>)
      tpu.yield
    }) : () -> ()
    return
  }
}

#map = affine_map<(d0, d1) -> (0, 0)>
#map1 = affine_map<(d0, d1) -> (0, 0, 0)>
module attributes {stable_mosaic.version = 14 : i64} {
  func.func @body(%arg0: i32, %arg1: i32, %arg2: memref<10000x32xf32, #tpu.memory_space<hbm>>, %arg3: memref<32x80x128xi32, #tpu.memory_space<hbm>>, %arg4: memref<32x80x128xi32, #tpu.memory_space<hbm>>, %arg5: memref<10240x32xf32, #tpu.memory_space<hbm>>, %arg6: memref<2x10240x32xf32, #tpu.memory_space<hbm>>, %arg7: memref<80x128xi32, #tpu.memory_space<vmem>>, %arg8: memref<80x128xi32, #tpu.memory_space<vmem>>, %arg9: memref<128x32xf32, #tpu.memory_space<vmem>>, %arg10: memref<128x32xf32, #tpu.memory_space<vmem>>, %arg11: memref<128x32xf32, #tpu.memory_space<vmem>>, %arg12: memref<128x32xf32, #tpu.memory_space<vmem>>, %arg13: memref<128x32xf32, #tpu.memory_space<vmem>>, %arg14: memref<128x32xf32, #tpu.memory_space<vmem>>, %arg15: memref<128x32xf32, #tpu.memory_space<vmem>>, %arg16: memref<128x32xf32, #tpu.memory_space<vmem>>, %arg17: memref<10240x32xf32, #tpu.memory_space<vmem_shared>>, %arg18: memref<!tpu.dma_semaphore, #tpu.memory_space<semaphore_mem>>, %arg19: memref<!tpu.dma_semaphore, #tpu.memory_space<semaphore_mem>>, %arg20: memref<!tpu.dma_semaphore, #tpu.memory_space<semaphore_mem>>, %arg21: memref<!tpu.dma_semaphore, #tpu.memory_space<semaphore_mem>>, %arg22: memref<!tpu.dma_semaphore, #tpu.memory_space<semaphore_mem>>, %arg23: memref<!tpu.dma_semaphore, #tpu.memory_space<semaphore_mem>>, %arg24: memref<!tpu.dma_semaphore, #tpu.memory_space<semaphore_mem>>, %arg25: memref<!tpu.dma_semaphore, #tpu.memory_space<semaphore_mem>>, %arg26: memref<!tpu.dma_semaphore, #tpu.memory_space<semaphore_mem>>, %arg27: memref<!tpu.dma_semaphore, #tpu.memory_space<semaphore_mem>>, %arg28: memref<!tpu.dma_semaphore, #tpu.memory_space<semaphore_mem>>, %arg29: memref<!tpu.dma_semaphore, #tpu.memory_space<semaphore_mem>>, %arg30: memref<!tpu.dma_semaphore, #tpu.memory_space<semaphore_mem>>, %arg31: memref<!tpu.dma_semaphore, #tpu.memory_space<semaphore_mem>>, %arg32: memref<!tpu.dma_semaphore, #tpu.memory_space<semaphore_mem>>, %arg33: memref<!tpu.dma_semaphore, #tpu.memory_space<semaphore_mem>>) attributes {dimension_semantics = [#tpu.dimension_semantics<core_parallel>, #tpu.dimension_semantics<subcore_parallel>], iteration_bounds = array<i64: 2, 16>, scalar_prefetch = 0 : i64, scratch_operands = 27 : i64, tpu.core_type = #tpu.core_type<sc_vector_subcore>, window_params = [{transform_indices = #map}, {transform_indices = #map1}, {transform_indices = #map1}, {transform_indices = #map}, {transform_indices = #map1}]} {
    %mul3A = arith.constant 2 : i32
    %mul3A_0 = arith.muli %arg1, %mul3A : i32
    %add3A = arith.addi %mul3A_0, %arg0 : i32
    %mul3A_1 = arith.constant 640 : i32
    %mul3A_2 = arith.muli %arg1, %mul3A_1 : i32
    %dma_start3A = arith.constant 0 : i32
    %dma_start3A_3 = tpu.memref_slice %arg17[%mul3A_2, %dma_start3A] : memref<10240x32xf32, #tpu.memory_space<vmem_shared>> -> memref<640x32xf32, #tpu.memory_space<vmem_shared>>
    %dma_start3A_4 = arith.constant 0 : i32
    %dma_start3A_5 = tpu.memref_slice %arg5[%mul3A_2, %dma_start3A_4] : memref<10240x32xf32, #tpu.memory_space<hbm>> -> memref<640x32xf32, #tpu.memory_space<hbm>>
    tpu.enqueue_dma source(%dma_start3A_5 : memref<640x32xf32, #tpu.memory_space<hbm>>) target(%dma_start3A_3 : memref<640x32xf32, #tpu.memory_space<vmem_shared>>) target_semaphore(%arg18 : memref<!tpu.dma_semaphore, #tpu.memory_space<semaphore_mem>>)
    %dma_start3A_6 = arith.constant 0 : i32
    %dma_start3A_7 = arith.constant 0 : i32
    %dma_start3A_8 = tpu.memref_slice %arg3[%add3A, %dma_start3A_6, %dma_start3A_7] : memref<32x80x128xi32, #tpu.memory_space<hbm>> -> memref<1x80x128xi32, #tpu.memory_space<hbm>>
    %dma_start3A_9 = tpu.memref_squeeze %dma_start3A_8 : memref<1x80x128xi32, #tpu.memory_space<hbm>> -> memref<80x128xi32, #tpu.memory_space<hbm>>
    %dma_start3A_10 = arith.constant 0 : i32
    %dma_start3A_11 = arith.constant 0 : i32
    %dma_start3A_12 = tpu.memref_slice %arg3[%add3A, %dma_start3A_10, %dma_start3A_11] : memref<32x80x128xi32, #tpu.memory_space<hbm>> -> memref<1x80x128xi32, #tpu.memory_space<hbm>>
    %dma_start3A_13 = tpu.memref_squeeze %dma_start3A_12 : memref<1x80x128xi32, #tpu.memory_space<hbm>> -> memref<80x128xi32, #tpu.memory_space<hbm>>
    tpu.enqueue_dma source(%dma_start3A_13 : memref<80x128xi32, #tpu.memory_space<hbm>>) target(%arg7 : memref<80x128xi32, #tpu.memory_space<vmem>>) target_semaphore(%arg19 : memref<!tpu.dma_semaphore, #tpu.memory_space<semaphore_mem>>)
    %dma_start3A_14 = arith.constant 0 : i32
    %dma_start3A_15 = arith.constant 0 : i32
    %dma_start3A_16 = tpu.memref_slice %arg4[%add3A, %dma_start3A_14, %dma_start3A_15] : memref<32x80x128xi32, #tpu.memory_space<hbm>> -> memref<1x80x128xi32, #tpu.memory_space<hbm>>
    %dma_start3A_17 = tpu.memref_squeeze %dma_start3A_16 : memref<1x80x128xi32, #tpu.memory_space<hbm>> -> memref<80x128xi32, #tpu.memory_space<hbm>>
    %dma_start3A_18 = arith.constant 0 : i32
    %dma_start3A_19 = arith.constant 0 : i32
    %dma_start3A_20 = tpu.memref_slice %arg4[%add3A, %dma_start3A_18, %dma_start3A_19] : memref<32x80x128xi32, #tpu.memory_space<hbm>> -> memref<1x80x128xi32, #tpu.memory_space<hbm>>
    %dma_start3A_21 = tpu.memref_squeeze %dma_start3A_20 : memref<1x80x128xi32, #tpu.memory_space<hbm>> -> memref<80x128xi32, #tpu.memory_space<hbm>>
    tpu.enqueue_dma source(%dma_start3A_21 : memref<80x128xi32, #tpu.memory_space<hbm>>) target(%arg8 : memref<80x128xi32, #tpu.memory_space<vmem>>) target_semaphore(%arg20 : memref<!tpu.dma_semaphore, #tpu.memory_space<semaphore_mem>>)
    %dma_wait3A = arith.constant 0 : i32
    %dma_wait3A_22 = tpu.memref_slice %arg17[%mul3A_2, %dma_wait3A] : memref<10240x32xf32, #tpu.memory_space<vmem_shared>> -> memref<640x32xf32, #tpu.memory_space<vmem_shared>>
    %dma_wait3A_23 = arith.constant 0 : i32
    %dma_wait3A_24 = tpu.memref_slice %arg5[%mul3A_2, %dma_wait3A_23] : memref<10240x32xf32, #tpu.memory_space<hbm>> -> memref<640x32xf32, #tpu.memory_space<hbm>>
    tpu.wait_dma2 semaphore(%arg18 : memref<!tpu.dma_semaphore, #tpu.memory_space<semaphore_mem>>) src(%dma_wait3A_24 : memref<640x32xf32, #tpu.memory_space<hbm>>) dst(%dma_wait3A_22 : memref<640x32xf32, #tpu.memory_space<vmem_shared>>)
    %dma_wait3A_25 = arith.constant 0 : i32
    %dma_wait3A_26 = arith.constant 0 : i32
    %dma_wait3A_27 = tpu.memref_slice %arg3[%add3A, %dma_wait3A_25, %dma_wait3A_26] : memref<32x80x128xi32, #tpu.memory_space<hbm>> -> memref<1x80x128xi32, #tpu.memory_space<hbm>>
    %dma_wait3A_28 = tpu.memref_squeeze %dma_wait3A_27 : memref<1x80x128xi32, #tpu.memory_space<hbm>> -> memref<80x128xi32, #tpu.memory_space<hbm>>
    %dma_wait3A_29 = arith.constant 0 : i32
    %dma_wait3A_30 = arith.constant 0 : i32
    %dma_wait3A_31 = tpu.memref_slice %arg3[%add3A, %dma_wait3A_29, %dma_wait3A_30] : memref<32x80x128xi32, #tpu.memory_space<hbm>> -> memref<1x80x128xi32, #tpu.memory_space<hbm>>
    %dma_wait3A_32 = tpu.memref_squeeze %dma_wait3A_31 : memref<1x80x128xi32, #tpu.memory_space<hbm>> -> memref<80x128xi32, #tpu.memory_space<hbm>>
    tpu.wait_dma2 semaphore(%arg19 : memref<!tpu.dma_semaphore, #tpu.memory_space<semaphore_mem>>) src(%dma_wait3A_32 : memref<80x128xi32, #tpu.memory_space<hbm>>) dst(%arg7 : memref<80x128xi32, #tpu.memory_space<vmem>>)
    %dma_wait3A_33 = arith.constant 0 : i32
    %dma_wait3A_34 = arith.constant 0 : i32
    %dma_wait3A_35 = tpu.memref_slice %arg4[%add3A, %dma_wait3A_33, %dma_wait3A_34] : memref<32x80x128xi32, #tpu.memory_space<hbm>> -> memref<1x80x128xi32, #tpu.memory_space<hbm>>
    %dma_wait3A_36 = tpu.memref_squeeze %dma_wait3A_35 : memref<1x80x128xi32, #tpu.memory_space<hbm>> -> memref<80x128xi32, #tpu.memory_space<hbm>>
    %dma_wait3A_37 = arith.constant 0 : i32
    %dma_wait3A_38 = arith.constant 0 : i32
    %dma_wait3A_39 = tpu.memref_slice %arg4[%add3A, %dma_wait3A_37, %dma_wait3A_38] : memref<32x80x128xi32, #tpu.memory_space<hbm>> -> memref<1x80x128xi32, #tpu.memory_space<hbm>>
    %dma_wait3A_40 = tpu.memref_squeeze %dma_wait3A_39 : memref<1x80x128xi32, #tpu.memory_space<hbm>> -> memref<80x128xi32, #tpu.memory_space<hbm>>
    tpu.wait_dma2 semaphore(%arg20 : memref<!tpu.dma_semaphore, #tpu.memory_space<semaphore_mem>>) src(%dma_wait3A_40 : memref<80x128xi32, #tpu.memory_space<hbm>>) dst(%arg8 : memref<80x128xi32, #tpu.memory_space<vmem>>)
    %barrier3A = arith.constant 0 : index
    tpu.barrier barrier_id(%barrier3A)
    %dma_start3A_41 = arith.constant 0 : i32
    %dma_start3A_42 = arith.constant 0 : i32
    %dma_start3A_43 = tpu.memref_slice %arg7[%dma_start3A_41, %dma_start3A_42] : memref<80x128xi32, #tpu.memory_space<vmem>> -> memref<1x128xi32, #tpu.memory_space<vmem>>
    %dma_start3A_44 = tpu.memref_squeeze %dma_start3A_43 : memref<1x128xi32, #tpu.memory_space<vmem>> -> memref<128xi32, #tpu.memory_space<vmem>>
    %dma_start3A_45 = arith.constant 0 : i32
    %dma_start3A_46 = arith.constant 0 : i32
    %dma_start3A_47 = tpu.memref_slice %arg2[%dma_start3A_45, %dma_start3A_46] : memref<10000x32xf32, #tpu.memory_space<hbm>> -> memref<10000x32xf32, #tpu.memory_space<hbm>>
    tpu.enqueue_indirect_dma source(%dma_start3A_47 : memref<10000x32xf32, #tpu.memory_space<hbm>>) target(%arg9 : memref<128x32xf32, #tpu.memory_space<vmem>>) offsets(%dma_start3A_44 : memref<128xi32, #tpu.memory_space<vmem>>) semaphore(%arg18 : memref<!tpu.dma_semaphore, #tpu.memory_space<semaphore_mem>>)
    %dma_start3A_48 = arith.constant 1 : i32
    %dma_start3A_49 = arith.constant 0 : i32
    %dma_start3A_50 = tpu.memref_slice %arg7[%dma_start3A_48, %dma_start3A_49] : memref<80x128xi32, #tpu.memory_space<vmem>> -> memref<1x128xi32, #tpu.memory_space<vmem>>
    %dma_start3A_51 = tpu.memref_squeeze %dma_start3A_50 : memref<1x128xi32, #tpu.memory_space<vmem>> -> memref<128xi32, #tpu.memory_space<vmem>>
    %dma_start3A_52 = arith.constant 0 : i32
    %dma_start3A_53 = arith.constant 0 : i32
    %dma_start3A_54 = tpu.memref_slice %arg2[%dma_start3A_52, %dma_start3A_53] : memref<10000x32xf32, #tpu.memory_space<hbm>> -> memref<10000x32xf32, #tpu.memory_space<hbm>>
    tpu.enqueue_indirect_dma source(%dma_start3A_54 : memref<10000x32xf32, #tpu.memory_space<hbm>>) target(%arg10 : memref<128x32xf32, #tpu.memory_space<vmem>>) offsets(%dma_start3A_51 : memref<128xi32, #tpu.memory_space<vmem>>) semaphore(%arg19 : memref<!tpu.dma_semaphore, #tpu.memory_space<semaphore_mem>>)
    %dma_start3A_55 = arith.constant 2 : i32
    %dma_start3A_56 = arith.constant 0 : i32
    %dma_start3A_57 = tpu.memref_slice %arg7[%dma_start3A_55, %dma_start3A_56] : memref<80x128xi32, #tpu.memory_space<vmem>> -> memref<1x128xi32, #tpu.memory_space<vmem>>
    %dma_start3A_58 = tpu.memref_squeeze %dma_start3A_57 : memref<1x128xi32, #tpu.memory_space<vmem>> -> memref<128xi32, #tpu.memory_space<vmem>>
    %dma_start3A_59 = arith.constant 0 : i32
    %dma_start3A_60 = arith.constant 0 : i32
    %dma_start3A_61 = tpu.memref_slice %arg2[%dma_start3A_59, %dma_start3A_60] : memref<10000x32xf32, #tpu.memory_space<hbm>> -> memref<10000x32xf32, #tpu.memory_space<hbm>>
    tpu.enqueue_indirect_dma source(%dma_start3A_61 : memref<10000x32xf32, #tpu.memory_space<hbm>>) target(%arg11 : memref<128x32xf32, #tpu.memory_space<vmem>>) offsets(%dma_start3A_58 : memref<128xi32, #tpu.memory_space<vmem>>) semaphore(%arg20 : memref<!tpu.dma_semaphore, #tpu.memory_space<semaphore_mem>>)
    %dma_start3A_62 = arith.constant 3 : i32
    %dma_start3A_63 = arith.constant 0 : i32
    %dma_start3A_64 = tpu.memref_slice %arg7[%dma_start3A_62, %dma_start3A_63] : memref<80x128xi32, #tpu.memory_space<vmem>> -> memref<1x128xi32, #tpu.memory_space<vmem>>
    %dma_start3A_65 = tpu.memref_squeeze %dma_start3A_64 : memref<1x128xi32, #tpu.memory_space<vmem>> -> memref<128xi32, #tpu.memory_space<vmem>>
    %dma_start3A_66 = arith.constant 0 : i32
    %dma_start3A_67 = arith.constant 0 : i32
    %dma_start3A_68 = tpu.memref_slice %arg2[%dma_start3A_66, %dma_start3A_67] : memref<10000x32xf32, #tpu.memory_space<hbm>> -> memref<10000x32xf32, #tpu.memory_space<hbm>>
    tpu.enqueue_indirect_dma source(%dma_start3A_68 : memref<10000x32xf32, #tpu.memory_space<hbm>>) target(%arg12 : memref<128x32xf32, #tpu.memory_space<vmem>>) offsets(%dma_start3A_65 : memref<128xi32, #tpu.memory_space<vmem>>) semaphore(%arg21 : memref<!tpu.dma_semaphore, #tpu.memory_space<semaphore_mem>>)
    %dma_start3A_69 = arith.constant 4 : i32
    %dma_start3A_70 = arith.constant 0 : i32
    %dma_start3A_71 = tpu.memref_slice %arg7[%dma_start3A_69, %dma_start3A_70] : memref<80x128xi32, #tpu.memory_space<vmem>> -> memref<1x128xi32, #tpu.memory_space<vmem>>
    %dma_start3A_72 = tpu.memref_squeeze %dma_start3A_71 : memref<1x128xi32, #tpu.memory_space<vmem>> -> memref<128xi32, #tpu.memory_space<vmem>>
    %dma_start3A_73 = arith.constant 0 : i32
    %dma_start3A_74 = arith.constant 0 : i32
    %dma_start3A_75 = tpu.memref_slice %arg2[%dma_start3A_73, %dma_start3A_74] : memref<10000x32xf32, #tpu.memory_space<hbm>> -> memref<10000x32xf32, #tpu.memory_space<hbm>>
    tpu.enqueue_indirect_dma source(%dma_start3A_75 : memref<10000x32xf32, #tpu.memory_space<hbm>>) target(%arg13 : memref<128x32xf32, #tpu.memory_space<vmem>>) offsets(%dma_start3A_72 : memref<128xi32, #tpu.memory_space<vmem>>) semaphore(%arg22 : memref<!tpu.dma_semaphore, #tpu.memory_space<semaphore_mem>>)
    %dma_start3A_76 = arith.constant 5 : i32
    %dma_start3A_77 = arith.constant 0 : i32
    %dma_start3A_78 = tpu.memref_slice %arg7[%dma_start3A_76, %dma_start3A_77] : memref<80x128xi32, #tpu.memory_space<vmem>> -> memref<1x128xi32, #tpu.memory_space<vmem>>
    %dma_start3A_79 = tpu.memref_squeeze %dma_start3A_78 : memref<1x128xi32, #tpu.memory_space<vmem>> -> memref<128xi32, #tpu.memory_space<vmem>>
    %dma_start3A_80 = arith.constant 0 : i32
    %dma_start3A_81 = arith.constant 0 : i32
    %dma_start3A_82 = tpu.memref_slice %arg2[%dma_start3A_80, %dma_start3A_81] : memref<10000x32xf32, #tpu.memory_space<hbm>> -> memref<10000x32xf32, #tpu.memory_space<hbm>>
    tpu.enqueue_indirect_dma source(%dma_start3A_82 : memref<10000x32xf32, #tpu.memory_space<hbm>>) target(%arg14 : memref<128x32xf32, #tpu.memory_space<vmem>>) offsets(%dma_start3A_79 : memref<128xi32, #tpu.memory_space<vmem>>) semaphore(%arg23 : memref<!tpu.dma_semaphore, #tpu.memory_space<semaphore_mem>>)
    %dma_start3A_83 = arith.constant 6 : i32
    %dma_start3A_84 = arith.constant 0 : i32
    %dma_start3A_85 = tpu.memref_slice %arg7[%dma_start3A_83, %dma_start3A_84] : memref<80x128xi32, #tpu.memory_space<vmem>> -> memref<1x128xi32, #tpu.memory_space<vmem>>
    %dma_start3A_86 = tpu.memref_squeeze %dma_start3A_85 : memref<1x128xi32, #tpu.memory_space<vmem>> -> memref<128xi32, #tpu.memory_space<vmem>>
    %dma_start3A_87 = arith.constant 0 : i32
    %dma_start3A_88 = arith.constant 0 : i32
    %dma_start3A_89 = tpu.memref_slice %arg2[%dma_start3A_87, %dma_start3A_88] : memref<10000x32xf32, #tpu.memory_space<hbm>> -> memref<10000x32xf32, #tpu.memory_space<hbm>>
    tpu.enqueue_indirect_dma source(%dma_start3A_89 : memref<10000x32xf32, #tpu.memory_space<hbm>>) target(%arg15 : memref<128x32xf32, #tpu.memory_space<vmem>>) offsets(%dma_start3A_86 : memref<128xi32, #tpu.memory_space<vmem>>) semaphore(%arg24 : memref<!tpu.dma_semaphore, #tpu.memory_space<semaphore_mem>>)
    %dma_wait3A_90 = arith.constant 0 : i32
    %dma_wait3A_91 = arith.constant 0 : i32
    %dma_wait3A_92 = tpu.memref_slice %arg7[%dma_wait3A_90, %dma_wait3A_91] : memref<80x128xi32, #tpu.memory_space<vmem>> -> memref<1x128xi32, #tpu.memory_space<vmem>>
    %dma_wait3A_93 = tpu.memref_squeeze %dma_wait3A_92 : memref<1x128xi32, #tpu.memory_space<vmem>> -> memref<128xi32, #tpu.memory_space<vmem>>
    %dma_wait3A_94 = arith.constant 0 : i32
    %dma_wait3A_95 = arith.constant 0 : i32
    %dma_wait3A_96 = tpu.memref_slice %arg2[%dma_wait3A_94, %dma_wait3A_95] : memref<10000x32xf32, #tpu.memory_space<hbm>> -> memref<10000x32xf32, #tpu.memory_space<hbm>>
    tpu.wait_indirect_dma semaphore(%arg18 : memref<!tpu.dma_semaphore, #tpu.memory_space<semaphore_mem>>) src(%dma_wait3A_96 : memref<10000x32xf32, #tpu.memory_space<hbm>>) dst(%arg9 : memref<128x32xf32, #tpu.memory_space<vmem>>)
    %dma_start3A_97 = arith.constant 0 : i32
    %dma_start3A_98 = arith.constant 0 : i32
    %dma_start3A_99 = tpu.memref_slice %arg8[%dma_start3A_97, %dma_start3A_98] : memref<80x128xi32, #tpu.memory_space<vmem>> -> memref<1x128xi32, #tpu.memory_space<vmem>>
    %dma_start3A_100 = tpu.memref_squeeze %dma_start3A_99 : memref<1x128xi32, #tpu.memory_space<vmem>> -> memref<128xi32, #tpu.memory_space<vmem>>
    %dma_start3A_101 = arith.constant 0 : i32
    %dma_start3A_102 = arith.constant 0 : i32
    %dma_start3A_103 = tpu.memref_slice %arg17[%dma_start3A_101, %dma_start3A_102] : memref<10240x32xf32, #tpu.memory_space<vmem_shared>> -> memref<10240x32xf32, #tpu.memory_space<vmem_shared>>
    tpu.enqueue_indirect_dma source(%arg9 : memref<128x32xf32, #tpu.memory_space<vmem>>) target(%dma_start3A_103 : memref<10240x32xf32, #tpu.memory_space<vmem_shared>>) offsets(%dma_start3A_100 : memref<128xi32, #tpu.memory_space<vmem>>) semaphore(%arg26 : memref<!tpu.dma_semaphore, #tpu.memory_space<semaphore_mem>>) {add = true}
    %dma_start3A_104 = arith.constant 7 : i32
    %dma_start3A_105 = arith.constant 0 : i32
    %dma_start3A_106 = tpu.memref_slice %arg7[%dma_start3A_104, %dma_start3A_105] : memref<80x128xi32, #tpu.memory_space<vmem>> -> memref<1x128xi32, #tpu.memory_space<vmem>>
    %dma_start3A_107 = tpu.memref_squeeze %dma_start3A_106 : memref<1x128xi32, #tpu.memory_space<vmem>> -> memref<128xi32, #tpu.memory_space<vmem>>
    %dma_start3A_108 = arith.constant 0 : i32
    %dma_start3A_109 = arith.constant 0 : i32
    %dma_start3A_110 = tpu.memref_slice %arg2[%dma_start3A_108, %dma_start3A_109] : memref<10000x32xf32, #tpu.memory_space<hbm>> -> memref<10000x32xf32, #tpu.memory_space<hbm>>
    tpu.enqueue_indirect_dma source(%dma_start3A_110 : memref<10000x32xf32, #tpu.memory_space<hbm>>) target(%arg16 : memref<128x32xf32, #tpu.memory_space<vmem>>) offsets(%dma_start3A_107 : memref<128xi32, #tpu.memory_space<vmem>>) semaphore(%arg25 : memref<!tpu.dma_semaphore, #tpu.memory_space<semaphore_mem>>)
    %dma_wait3A_111 = arith.constant 1 : i32
    %dma_wait3A_112 = arith.constant 0 : i32
    %dma_wait3A_113 = tpu.memref_slice %arg7[%dma_wait3A_111, %dma_wait3A_112] : memref<80x128xi32, #tpu.memory_space<vmem>> -> memref<1x128xi32, #tpu.memory_space<vmem>>
    %dma_wait3A_114 = tpu.memref_squeeze %dma_wait3A_113 : memref<1x128xi32, #tpu.memory_space<vmem>> -> memref<128xi32, #tpu.memory_space<vmem>>
    %dma_wait3A_115 = arith.constant 0 : i32
    %dma_wait3A_116 = arith.constant 0 : i32
    %dma_wait3A_117 = tpu.memref_slice %arg2[%dma_wait3A_115, %dma_wait3A_116] : memref<10000x32xf32, #tpu.memory_space<hbm>> -> memref<10000x32xf32, #tpu.memory_space<hbm>>
    tpu.wait_indirect_dma semaphore(%arg19 : memref<!tpu.dma_semaphore, #tpu.memory_space<semaphore_mem>>) src(%dma_wait3A_117 : memref<10000x32xf32, #tpu.memory_space<hbm>>) dst(%arg10 : memref<128x32xf32, #tpu.memory_space<vmem>>)
    %dma_start3A_118 = arith.constant 1 : i32
    %dma_start3A_119 = arith.constant 0 : i32
    %dma_start3A_120 = tpu.memref_slice %arg8[%dma_start3A_118, %dma_start3A_119] : memref<80x128xi32, #tpu.memory_space<vmem>> -> memref<1x128xi32, #tpu.memory_space<vmem>>
    %dma_start3A_121 = tpu.memref_squeeze %dma_start3A_120 : memref<1x128xi32, #tpu.memory_space<vmem>> -> memref<128xi32, #tpu.memory_space<vmem>>
    %dma_start3A_122 = arith.constant 0 : i32
    %dma_start3A_123 = arith.constant 0 : i32
    %dma_start3A_124 = tpu.memref_slice %arg17[%dma_start3A_122, %dma_start3A_123] : memref<10240x32xf32, #tpu.memory_space<vmem_shared>> -> memref<10240x32xf32, #tpu.memory_space<vmem_shared>>
    tpu.enqueue_indirect_dma source(%arg10 : memref<128x32xf32, #tpu.memory_space<vmem>>) target(%dma_start3A_124 : memref<10240x32xf32, #tpu.memory_space<vmem_shared>>) offsets(%dma_start3A_121 : memref<128xi32, #tpu.memory_space<vmem>>) semaphore(%arg27 : memref<!tpu.dma_semaphore, #tpu.memory_space<semaphore_mem>>) {add = true}
    %dma_wait3A_125 = arith.constant 0 : i32
    %dma_wait3A_126 = arith.constant 0 : i32
    %dma_wait3A_127 = tpu.memref_slice %arg8[%dma_wait3A_125, %dma_wait3A_126] : memref<80x128xi32, #tpu.memory_space<vmem>> -> memref<1x128xi32, #tpu.memory_space<vmem>>
    %dma_wait3A_128 = tpu.memref_squeeze %dma_wait3A_127 : memref<1x128xi32, #tpu.memory_space<vmem>> -> memref<128xi32, #tpu.memory_space<vmem>>
    %dma_wait3A_129 = arith.constant 0 : i32
    %dma_wait3A_130 = arith.constant 0 : i32
    %dma_wait3A_131 = tpu.memref_slice %arg17[%dma_wait3A_129, %dma_wait3A_130] : memref<10240x32xf32, #tpu.memory_space<vmem_shared>> -> memref<10240x32xf32, #tpu.memory_space<vmem_shared>>
    tpu.wait_indirect_dma semaphore(%arg26 : memref<!tpu.dma_semaphore, #tpu.memory_space<semaphore_mem>>) src(%arg9 : memref<128x32xf32, #tpu.memory_space<vmem>>) dst(%dma_wait3A_131 : memref<10240x32xf32, #tpu.memory_space<vmem_shared>>)
    %dma_start3A_132 = arith.constant 8 : i32
    %dma_start3A_133 = arith.constant 0 : i32
    %dma_start3A_134 = tpu.memref_slice %arg7[%dma_start3A_132, %dma_start3A_133] : memref<80x128xi32, #tpu.memory_space<vmem>> -> memref<1x128xi32, #tpu.memory_space<vmem>>
    %dma_start3A_135 = tpu.memref_squeeze %dma_start3A_134 : memref<1x128xi32, #tpu.memory_space<vmem>> -> memref<128xi32, #tpu.memory_space<vmem>>
    %dma_start3A_136 = arith.constant 0 : i32
    %dma_start3A_137 = arith.constant 0 : i32
    %dma_start3A_138 = tpu.memref_slice %arg2[%dma_start3A_136, %dma_start3A_137] : memref<10000x32xf32, #tpu.memory_space<hbm>> -> memref<10000x32xf32, #tpu.memory_space<hbm>>
    tpu.enqueue_indirect_dma source(%dma_start3A_138 : memref<10000x32xf32, #tpu.memory_space<hbm>>) target(%arg9 : memref<128x32xf32, #tpu.memory_space<vmem>>) offsets(%dma_start3A_135 : memref<128xi32, #tpu.memory_space<vmem>>) semaphore(%arg18 : memref<!tpu.dma_semaphore, #tpu.memory_space<semaphore_mem>>)
    %dma_wait3A_139 = arith.constant 2 : i32
    %dma_wait3A_140 = arith.constant 0 : i32
    %dma_wait3A_141 = tpu.memref_slice %arg7[%dma_wait3A_139, %dma_wait3A_140] : memref<80x128xi32, #tpu.memory_space<vmem>> -> memref<1x128xi32, #tpu.memory_space<vmem>>
    %dma_wait3A_142 = tpu.memref_squeeze %dma_wait3A_141 : memref<1x128xi32, #tpu.memory_space<vmem>> -> memref<128xi32, #tpu.memory_space<vmem>>
    %dma_wait3A_143 = arith.constant 0 : i32
    %dma_wait3A_144 = arith.constant 0 : i32
    %dma_wait3A_145 = tpu.memref_slice %arg2[%dma_wait3A_143, %dma_wait3A_144] : memref<10000x32xf32, #tpu.memory_space<hbm>> -> memref<10000x32xf32, #tpu.memory_space<hbm>>
    tpu.wait_indirect_dma semaphore(%arg20 : memref<!tpu.dma_semaphore, #tpu.memory_space<semaphore_mem>>) src(%dma_wait3A_145 : memref<10000x32xf32, #tpu.memory_space<hbm>>) dst(%arg11 : memref<128x32xf32, #tpu.memory_space<vmem>>)
    %dma_start3A_146 = arith.constant 2 : i32
    %dma_start3A_147 = arith.constant 0 : i32
    %dma_start3A_148 = tpu.memref_slice %arg8[%dma_start3A_146, %dma_start3A_147] : memref<80x128xi32, #tpu.memory_space<vmem>> -> memref<1x128xi32, #tpu.memory_space<vmem>>
    %dma_start3A_149 = tpu.memref_squeeze %dma_start3A_148 : memref<1x128xi32, #tpu.memory_space<vmem>> -> memref<128xi32, #tpu.memory_space<vmem>>
    %dma_start3A_150 = arith.constant 0 : i32
    %dma_start3A_151 = arith.constant 0 : i32
    %dma_start3A_152 = tpu.memref_slice %arg17[%dma_start3A_150, %dma_start3A_151] : memref<10240x32xf32, #tpu.memory_space<vmem_shared>> -> memref<10240x32xf32, #tpu.memory_space<vmem_shared>>
    tpu.enqueue_indirect_dma source(%arg11 : memref<128x32xf32, #tpu.memory_space<vmem>>) target(%dma_start3A_152 : memref<10240x32xf32, #tpu.memory_space<vmem_shared>>) offsets(%dma_start3A_149 : memref<128xi32, #tpu.memory_space<vmem>>) semaphore(%arg28 : memref<!tpu.dma_semaphore, #tpu.memory_space<semaphore_mem>>) {add = true}
    %dma_wait3A_153 = arith.constant 1 : i32
    %dma_wait3A_154 = arith.constant 0 : i32
    %dma_wait3A_155 = tpu.memref_slice %arg8[%dma_wait3A_153, %dma_wait3A_154] : memref<80x128xi32, #tpu.memory_space<vmem>> -> memref<1x128xi32, #tpu.memory_space<vmem>>
    %dma_wait3A_156 = tpu.memref_squeeze %dma_wait3A_155 : memref<1x128xi32, #tpu.memory_space<vmem>> -> memref<128xi32, #tpu.memory_space<vmem>>
    %dma_wait3A_157 = arith.constant 0 : i32
    %dma_wait3A_158 = arith.constant 0 : i32
    %dma_wait3A_159 = tpu.memref_slice %arg17[%dma_wait3A_157, %dma_wait3A_158] : memref<10240x32xf32, #tpu.memory_space<vmem_shared>> -> memref<10240x32xf32, #tpu.memory_space<vmem_shared>>
    tpu.wait_indirect_dma semaphore(%arg27 : memref<!tpu.dma_semaphore, #tpu.memory_space<semaphore_mem>>) src(%arg10 : memref<128x32xf32, #tpu.memory_space<vmem>>) dst(%dma_wait3A_159 : memref<10240x32xf32, #tpu.memory_space<vmem_shared>>)
    %dma_start3A_160 = arith.constant 9 : i32
    %dma_start3A_161 = arith.constant 0 : i32
    %dma_start3A_162 = tpu.memref_slice %arg7[%dma_start3A_160, %dma_start3A_161] : memref<80x128xi32, #tpu.memory_space<vmem>> -> memref<1x128xi32, #tpu.memory_space<vmem>>
    %dma_start3A_163 = tpu.memref_squeeze %dma_start3A_162 : memref<1x128xi32, #tpu.memory_space<vmem>> -> memref<128xi32, #tpu.memory_space<vmem>>
    %dma_start3A_164 = arith.constant 0 : i32
    %dma_start3A_165 = arith.constant 0 : i32
    %dma_start3A_166 = tpu.memref_slice %arg2[%dma_start3A_164, %dma_start3A_165] : memref<10000x32xf32, #tpu.memory_space<hbm>> -> memref<10000x32xf32, #tpu.memory_space<hbm>>
    tpu.enqueue_indirect_dma source(%dma_start3A_166 : memref<10000x32xf32, #tpu.memory_space<hbm>>) target(%arg10 : memref<128x32xf32, #tpu.memory_space<vmem>>) offsets(%dma_start3A_163 : memref<128xi32, #tpu.memory_space<vmem>>) semaphore(%arg19 : memref<!tpu.dma_semaphore, #tpu.memory_space<semaphore_mem>>)
    %dma_wait3A_167 = arith.constant 3 : i32
    %dma_wait3A_168 = arith.constant 0 : i32
    %dma_wait3A_169 = tpu.memref_slice %arg7[%dma_wait3A_167, %dma_wait3A_168] : memref<80x128xi32, #tpu.memory_space<vmem>> -> memref<1x128xi32, #tpu.memory_space<vmem>>
    %dma_wait3A_170 = tpu.memref_squeeze %dma_wait3A_169 : memref<1x128xi32, #tpu.memory_space<vmem>> -> memref<128xi32, #tpu.memory_space<vmem>>
    %dma_wait3A_171 = arith.constant 0 : i32
    %dma_wait3A_172 = arith.constant 0 : i32
    %dma_wait3A_173 = tpu.memref_slice %arg2[%dma_wait3A_171, %dma_wait3A_172] : memref<10000x32xf32, #tpu.memory_space<hbm>> -> memref<10000x32xf32, #tpu.memory_space<hbm>>
    tpu.wait_indirect_dma semaphore(%arg21 : memref<!tpu.dma_semaphore, #tpu.memory_space<semaphore_mem>>) src(%dma_wait3A_173 : memref<10000x32xf32, #tpu.memory_space<hbm>>) dst(%arg12 : memref<128x32xf32, #tpu.memory_space<vmem>>)
    %dma_start3A_174 = arith.constant 3 : i32
    %dma_start3A_175 = arith.constant 0 : i32
    %dma_start3A_176 = tpu.memref_slice %arg8[%dma_start3A_174, %dma_start3A_175] : memref<80x128xi32, #tpu.memory_space<vmem>> -> memref<1x128xi32, #tpu.memory_space<vmem>>
    %dma_start3A_177 = tpu.memref_squeeze %dma_start3A_176 : memref<1x128xi32, #tpu.memory_space<vmem>> -> memref<128xi32, #tpu.memory_space<vmem>>
    %dma_start3A_178 = arith.constant 0 : i32
    %dma_start3A_179 = arith.constant 0 : i32
    %dma_start3A_180 = tpu.memref_slice %arg17[%dma_start3A_178, %dma_start3A_179] : memref<10240x32xf32, #tpu.memory_space<vmem_shared>> -> memref<10240x32xf32, #tpu.memory_space<vmem_shared>>
    tpu.enqueue_indirect_dma source(%arg12 : memref<128x32xf32, #tpu.memory_space<vmem>>) target(%dma_start3A_180 : memref<10240x32xf32, #tpu.memory_space<vmem_shared>>) offsets(%dma_start3A_177 : memref<128xi32, #tpu.memory_space<vmem>>) semaphore(%arg29 : memref<!tpu.dma_semaphore, #tpu.memory_space<semaphore_mem>>) {add = true}
    %dma_wait3A_181 = arith.constant 2 : i32
    %dma_wait3A_182 = arith.constant 0 : i32
    %dma_wait3A_183 = tpu.memref_slice %arg8[%dma_wait3A_181, %dma_wait3A_182] : memref<80x128xi32, #tpu.memory_space<vmem>> -> memref<1x128xi32, #tpu.memory_space<vmem>>
    %dma_wait3A_184 = tpu.memref_squeeze %dma_wait3A_183 : memref<1x128xi32, #tpu.memory_space<vmem>> -> memref<128xi32, #tpu.memory_space<vmem>>
    %dma_wait3A_185 = arith.constant 0 : i32
    %dma_wait3A_186 = arith.constant 0 : i32
    %dma_wait3A_187 = tpu.memref_slice %arg17[%dma_wait3A_185, %dma_wait3A_186] : memref<10240x32xf32, #tpu.memory_space<vmem_shared>> -> memref<10240x32xf32, #tpu.memory_space<vmem_shared>>
    tpu.wait_indirect_dma semaphore(%arg28 : memref<!tpu.dma_semaphore, #tpu.memory_space<semaphore_mem>>) src(%arg11 : memref<128x32xf32, #tpu.memory_space<vmem>>) dst(%dma_wait3A_187 : memref<10240x32xf32, #tpu.memory_space<vmem_shared>>)
    %dma_start3A_188 = arith.constant 10 : i32
    %dma_start3A_189 = arith.constant 0 : i32
    %dma_start3A_190 = tpu.memref_slice %arg7[%dma_start3A_188, %dma_start3A_189] : memref<80x128xi32, #tpu.memory_space<vmem>> -> memref<1x128xi32, #tpu.memory_space<vmem>>
    %dma_start3A_191 = tpu.memref_squeeze %dma_start3A_190 : memref<1x128xi32, #tpu.memory_space<vmem>> -> memref<128xi32, #tpu.memory_space<vmem>>
    %dma_start3A_192 = arith.constant 0 : i32
    %dma_start3A_193 = arith.constant 0 : i32
    %dma_start3A_194 = tpu.memref_slice %arg2[%dma_start3A_192, %dma_start3A_193] : memref<10000x32xf32, #tpu.memory_space<hbm>> -> memref<10000x32xf32, #tpu.memory_space<hbm>>
    tpu.enqueue_indirect_dma source(%dma_start3A_194 : memref<10000x32xf32, #tpu.memory_space<hbm>>) target(%arg11 : memref<128x32xf32, #tpu.memory_space<vmem>>) offsets(%dma_start3A_191 : memref<128xi32, #tpu.memory_space<vmem>>) semaphore(%arg20 : memref<!tpu.dma_semaphore, #tpu.memory_space<semaphore_mem>>)
    %dma_wait3A_195 = arith.constant 4 : i32
    %dma_wait3A_196 = arith.constant 0 : i32
    %dma_wait3A_197 = tpu.memref_slice %arg7[%dma_wait3A_195, %dma_wait3A_196] : memref<80x128xi32, #tpu.memory_space<vmem>> -> memref<1x128xi32, #tpu.memory_space<vmem>>
    %dma_wait3A_198 = tpu.memref_squeeze %dma_wait3A_197 : memref<1x128xi32, #tpu.memory_space<vmem>> -> memref<128xi32, #tpu.memory_space<vmem>>
    %dma_wait3A_199 = arith.constant 0 : i32
    %dma_wait3A_200 = arith.constant 0 : i32
    %dma_wait3A_201 = tpu.memref_slice %arg2[%dma_wait3A_199, %dma_wait3A_200] : memref<10000x32xf32, #tpu.memory_space<hbm>> -> memref<10000x32xf32, #tpu.memory_space<hbm>>
    tpu.wait_indirect_dma semaphore(%arg22 : memref<!tpu.dma_semaphore, #tpu.memory_space<semaphore_mem>>) src(%dma_wait3A_201 : memref<10000x32xf32, #tpu.memory_space<hbm>>) dst(%arg13 : memref<128x32xf32, #tpu.memory_space<vmem>>)
    %dma_start3A_202 = arith.constant 4 : i32
    %dma_start3A_203 = arith.constant 0 : i32
    %dma_start3A_204 = tpu.memref_slice %arg8[%dma_start3A_202, %dma_start3A_203] : memref<80x128xi32, #tpu.memory_space<vmem>> -> memref<1x128xi32, #tpu.memory_space<vmem>>
    %dma_start3A_205 = tpu.memref_squeeze %dma_start3A_204 : memref<1x128xi32, #tpu.memory_space<vmem>> -> memref<128xi32, #tpu.memory_space<vmem>>
    %dma_start3A_206 = arith.constant 0 : i32
    %dma_start3A_207 = arith.constant 0 : i32
    %dma_start3A_208 = tpu.memref_slice %arg17[%dma_start3A_206, %dma_start3A_207] : memref<10240x32xf32, #tpu.memory_space<vmem_shared>> -> memref<10240x32xf32, #tpu.memory_space<vmem_shared>>
    tpu.enqueue_indirect_dma source(%arg13 : memref<128x32xf32, #tpu.memory_space<vmem>>) target(%dma_start3A_208 : memref<10240x32xf32, #tpu.memory_space<vmem_shared>>) offsets(%dma_start3A_205 : memref<128xi32, #tpu.memory_space<vmem>>) semaphore(%arg30 : memref<!tpu.dma_semaphore, #tpu.memory_space<semaphore_mem>>) {add = true}
    %dma_wait3A_209 = arith.constant 3 : i32
    %dma_wait3A_210 = arith.constant 0 : i32
    %dma_wait3A_211 = tpu.memref_slice %arg8[%dma_wait3A_209, %dma_wait3A_210] : memref<80x128xi32, #tpu.memory_space<vmem>> -> memref<1x128xi32, #tpu.memory_space<vmem>>
    %dma_wait3A_212 = tpu.memref_squeeze %dma_wait3A_211 : memref<1x128xi32, #tpu.memory_space<vmem>> -> memref<128xi32, #tpu.memory_space<vmem>>
    %dma_wait3A_213 = arith.constant 0 : i32
    %dma_wait3A_214 = arith.constant 0 : i32
    %dma_wait3A_215 = tpu.memref_slice %arg17[%dma_wait3A_213, %dma_wait3A_214] : memref<10240x32xf32, #tpu.memory_space<vmem_shared>> -> memref<10240x32xf32, #tpu.memory_space<vmem_shared>>
    tpu.wait_indirect_dma semaphore(%arg29 : memref<!tpu.dma_semaphore, #tpu.memory_space<semaphore_mem>>) src(%arg12 : memref<128x32xf32, #tpu.memory_space<vmem>>) dst(%dma_wait3A_215 : memref<10240x32xf32, #tpu.memory_space<vmem_shared>>)
    %dma_start3A_216 = arith.constant 11 : i32
    %dma_start3A_217 = arith.constant 0 : i32
    %dma_start3A_218 = tpu.memref_slice %arg7[%dma_start3A_216, %dma_start3A_217] : memref<80x128xi32, #tpu.memory_space<vmem>> -> memref<1x128xi32, #tpu.memory_space<vmem>>
    %dma_start3A_219 = tpu.memref_squeeze %dma_start3A_218 : memref<1x128xi32, #tpu.memory_space<vmem>> -> memref<128xi32, #tpu.memory_space<vmem>>
    %dma_start3A_220 = arith.constant 0 : i32
    %dma_start3A_221 = arith.constant 0 : i32
    %dma_start3A_222 = tpu.memref_slice %arg2[%dma_start3A_220, %dma_start3A_221] : memref<10000x32xf32, #tpu.memory_space<hbm>> -> memref<10000x32xf32, #tpu.memory_space<hbm>>
    tpu.enqueue_indirect_dma source(%dma_start3A_222 : memref<10000x32xf32, #tpu.memory_space<hbm>>) target(%arg12 : memref<128x32xf32, #tpu.memory_space<vmem>>) offsets(%dma_start3A_219 : memref<128xi32, #tpu.memory_space<vmem>>) semaphore(%arg21 : memref<!tpu.dma_semaphore, #tpu.memory_space<semaphore_mem>>)
    %dma_wait3A_223 = arith.constant 5 : i32
    %dma_wait3A_224 = arith.constant 0 : i32
    %dma_wait3A_225 = tpu.memref_slice %arg7[%dma_wait3A_223, %dma_wait3A_224] : memref<80x128xi32, #tpu.memory_space<vmem>> -> memref<1x128xi32, #tpu.memory_space<vmem>>
    %dma_wait3A_226 = tpu.memref_squeeze %dma_wait3A_225 : memref<1x128xi32, #tpu.memory_space<vmem>> -> memref<128xi32, #tpu.memory_space<vmem>>
    %dma_wait3A_227 = arith.constant 0 : i32
    %dma_wait3A_228 = arith.constant 0 : i32
    %dma_wait3A_229 = tpu.memref_slice %arg2[%dma_wait3A_227, %dma_wait3A_228] : memref<10000x32xf32, #tpu.memory_space<hbm>> -> memref<10000x32xf32, #tpu.memory_space<hbm>>
    tpu.wait_indirect_dma semaphore(%arg23 : memref<!tpu.dma_semaphore, #tpu.memory_space<semaphore_mem>>) src(%dma_wait3A_229 : memref<10000x32xf32, #tpu.memory_space<hbm>>) dst(%arg14 : memref<128x32xf32, #tpu.memory_space<vmem>>)
    %dma_start3A_230 = arith.constant 5 : i32
    %dma_start3A_231 = arith.constant 0 : i32
    %dma_start3A_232 = tpu.memref_slice %arg8[%dma_start3A_230, %dma_start3A_231] : memref<80x128xi32, #tpu.memory_space<vmem>> -> memref<1x128xi32, #tpu.memory_space<vmem>>
    %dma_start3A_233 = tpu.memref_squeeze %dma_start3A_232 : memref<1x128xi32, #tpu.memory_space<vmem>> -> memref<128xi32, #tpu.memory_space<vmem>>
    %dma_start3A_234 = arith.constant 0 : i32
    %dma_start3A_235 = arith.constant 0 : i32
    %dma_start3A_236 = tpu.memref_slice %arg17[%dma_start3A_234, %dma_start3A_235] : memref<10240x32xf32, #tpu.memory_space<vmem_shared>> -> memref<10240x32xf32, #tpu.memory_space<vmem_shared>>
    tpu.enqueue_indirect_dma source(%arg14 : memref<128x32xf32, #tpu.memory_space<vmem>>) target(%dma_start3A_236 : memref<10240x32xf32, #tpu.memory_space<vmem_shared>>) offsets(%dma_start3A_233 : memref<128xi32, #tpu.memory_space<vmem>>) semaphore(%arg31 : memref<!tpu.dma_semaphore, #tpu.memory_space<semaphore_mem>>) {add = true}
    %dma_wait3A_237 = arith.constant 4 : i32
    %dma_wait3A_238 = arith.constant 0 : i32
    %dma_wait3A_239 = tpu.memref_slice %arg8[%dma_wait3A_237, %dma_wait3A_238] : memref<80x128xi32, #tpu.memory_space<vmem>> -> memref<1x128xi32, #tpu.memory_space<vmem>>
    %dma_wait3A_240 = tpu.memref_squeeze %dma_wait3A_239 : memref<1x128xi32, #tpu.memory_space<vmem>> -> memref<128xi32, #tpu.memory_space<vmem>>
    %dma_wait3A_241 = arith.constant 0 : i32
    %dma_wait3A_242 = arith.constant 0 : i32
    %dma_wait3A_243 = tpu.memref_slice %arg17[%dma_wait3A_241, %dma_wait3A_242] : memref<10240x32xf32, #tpu.memory_space<vmem_shared>> -> memref<10240x32xf32, #tpu.memory_space<vmem_shared>>
    tpu.wait_indirect_dma semaphore(%arg30 : memref<!tpu.dma_semaphore, #tpu.memory_space<semaphore_mem>>) src(%arg13 : memref<128x32xf32, #tpu.memory_space<vmem>>) dst(%dma_wait3A_243 : memref<10240x32xf32, #tpu.memory_space<vmem_shared>>)
    %dma_start3A_244 = arith.constant 12 : i32
    %dma_start3A_245 = arith.constant 0 : i32
    %dma_start3A_246 = tpu.memref_slice %arg7[%dma_start3A_244, %dma_start3A_245] : memref<80x128xi32, #tpu.memory_space<vmem>> -> memref<1x128xi32, #tpu.memory_space<vmem>>
    %dma_start3A_247 = tpu.memref_squeeze %dma_start3A_246 : memref<1x128xi32, #tpu.memory_space<vmem>> -> memref<128xi32, #tpu.memory_space<vmem>>
    %dma_start3A_248 = arith.constant 0 : i32
    %dma_start3A_249 = arith.constant 0 : i32
    %dma_start3A_250 = tpu.memref_slice %arg2[%dma_start3A_248, %dma_start3A_249] : memref<10000x32xf32, #tpu.memory_space<hbm>> -> memref<10000x32xf32, #tpu.memory_space<hbm>>
    tpu.enqueue_indirect_dma source(%dma_start3A_250 : memref<10000x32xf32, #tpu.memory_space<hbm>>) target(%arg13 : memref<128x32xf32, #tpu.memory_space<vmem>>) offsets(%dma_start3A_247 : memref<128xi32, #tpu.memory_space<vmem>>) semaphore(%arg22 : memref<!tpu.dma_semaphore, #tpu.memory_space<semaphore_mem>>)
    %dma_wait3A_251 = arith.constant 6 : i32
    %dma_wait3A_252 = arith.constant 0 : i32
    %dma_wait3A_253 = tpu.memref_slice %arg7[%dma_wait3A_251, %dma_wait3A_252] : memref<80x128xi32, #tpu.memory_space<vmem>> -> memref<1x128xi32, #tpu.memory_space<vmem>>
    %dma_wait3A_254 = tpu.memref_squeeze %dma_wait3A_253 : memref<1x128xi32, #tpu.memory_space<vmem>> -> memref<128xi32, #tpu.memory_space<vmem>>
    %dma_wait3A_255 = arith.constant 0 : i32
    %dma_wait3A_256 = arith.constant 0 : i32
    %dma_wait3A_257 = tpu.memref_slice %arg2[%dma_wait3A_255, %dma_wait3A_256] : memref<10000x32xf32, #tpu.memory_space<hbm>> -> memref<10000x32xf32, #tpu.memory_space<hbm>>
    tpu.wait_indirect_dma semaphore(%arg24 : memref<!tpu.dma_semaphore, #tpu.memory_space<semaphore_mem>>) src(%dma_wait3A_257 : memref<10000x32xf32, #tpu.memory_space<hbm>>) dst(%arg15 : memref<128x32xf32, #tpu.memory_space<vmem>>)
    %dma_start3A_258 = arith.constant 6 : i32
    %dma_start3A_259 = arith.constant 0 : i32
    %dma_start3A_260 = tpu.memref_slice %arg8[%dma_start3A_258, %dma_start3A_259] : memref<80x128xi32, #tpu.memory_space<vmem>> -> memref<1x128xi32, #tpu.memory_space<vmem>>
    %dma_start3A_261 = tpu.memref_squeeze %dma_start3A_260 : memref<1x128xi32, #tpu.memory_space<vmem>> -> memref<128xi32, #tpu.memory_space<vmem>>
    %dma_start3A_262 = arith.constant 0 : i32
    %dma_start3A_263 = arith.constant 0 : i32
    %dma_start3A_264 = tpu.memref_slice %arg17[%dma_start3A_262, %dma_start3A_263] : memref<10240x32xf32, #tpu.memory_space<vmem_shared>> -> memref<10240x32xf32, #tpu.memory_space<vmem_shared>>
    tpu.enqueue_indirect_dma source(%arg15 : memref<128x32xf32, #tpu.memory_space<vmem>>) target(%dma_start3A_264 : memref<10240x32xf32, #tpu.memory_space<vmem_shared>>) offsets(%dma_start3A_261 : memref<128xi32, #tpu.memory_space<vmem>>) semaphore(%arg32 : memref<!tpu.dma_semaphore, #tpu.memory_space<semaphore_mem>>) {add = true}
    %dma_wait3A_265 = arith.constant 5 : i32
    %dma_wait3A_266 = arith.constant 0 : i32
    %dma_wait3A_267 = tpu.memref_slice %arg8[%dma_wait3A_265, %dma_wait3A_266] : memref<80x128xi32, #tpu.memory_space<vmem>> -> memref<1x128xi32, #tpu.memory_space<vmem>>
    %dma_wait3A_268 = tpu.memref_squeeze %dma_wait3A_267 : memref<1x128xi32, #tpu.memory_space<vmem>> -> memref<128xi32, #tpu.memory_space<vmem>>
    %dma_wait3A_269 = arith.constant 0 : i32
    %dma_wait3A_270 = arith.constant 0 : i32
    %dma_wait3A_271 = tpu.memref_slice %arg17[%dma_wait3A_269, %dma_wait3A_270] : memref<10240x32xf32, #tpu.memory_space<vmem_shared>> -> memref<10240x32xf32, #tpu.memory_space<vmem_shared>>
    tpu.wait_indirect_dma semaphore(%arg31 : memref<!tpu.dma_semaphore, #tpu.memory_space<semaphore_mem>>) src(%arg14 : memref<128x32xf32, #tpu.memory_space<vmem>>) dst(%dma_wait3A_271 : memref<10240x32xf32, #tpu.memory_space<vmem_shared>>)
    %dma_start3A_272 = arith.constant 13 : i32
    %dma_start3A_273 = arith.constant 0 : i32
    %dma_start3A_274 = tpu.memref_slice %arg7[%dma_start3A_272, %dma_start3A_273] : memref<80x128xi32, #tpu.memory_space<vmem>> -> memref<1x128xi32, #tpu.memory_space<vmem>>
    %dma_start3A_275 = tpu.memref_squeeze %dma_start3A_274 : memref<1x128xi32, #tpu.memory_space<vmem>> -> memref<128xi32, #tpu.memory_space<vmem>>
    %dma_start3A_276 = arith.constant 0 : i32
    %dma_start3A_277 = arith.constant 0 : i32
    %dma_start3A_278 = tpu.memref_slice %arg2[%dma_start3A_276, %dma_start3A_277] : memref<10000x32xf32, #tpu.memory_space<hbm>> -> memref<10000x32xf32, #tpu.memory_space<hbm>>
    tpu.enqueue_indirect_dma source(%dma_start3A_278 : memref<10000x32xf32, #tpu.memory_space<hbm>>) target(%arg14 : memref<128x32xf32, #tpu.memory_space<vmem>>) offsets(%dma_start3A_275 : memref<128xi32, #tpu.memory_space<vmem>>) semaphore(%arg23 : memref<!tpu.dma_semaphore, #tpu.memory_space<semaphore_mem>>)
    %dma_wait3A_279 = arith.constant 7 : i32
    %dma_wait3A_280 = arith.constant 0 : i32
    %dma_wait3A_281 = tpu.memref_slice %arg7[%dma_wait3A_279, %dma_wait3A_280] : memref<80x128xi32, #tpu.memory_space<vmem>> -> memref<1x128xi32, #tpu.memory_space<vmem>>
    %dma_wait3A_282 = tpu.memref_squeeze %dma_wait3A_281 : memref<1x128xi32, #tpu.memory_space<vmem>> -> memref<128xi32, #tpu.memory_space<vmem>>
    %dma_wait3A_283 = arith.constant 0 : i32
    %dma_wait3A_284 = arith.constant 0 : i32
    %dma_wait3A_285 = tpu.memref_slice %arg2[%dma_wait3A_283, %dma_wait3A_284] : memref<10000x32xf32, #tpu.memory_space<hbm>> -> memref<10000x32xf32, #tpu.memory_space<hbm>>
    tpu.wait_indirect_dma semaphore(%arg25 : memref<!tpu.dma_semaphore, #tpu.memory_space<semaphore_mem>>) src(%dma_wait3A_285 : memref<10000x32xf32, #tpu.memory_space<hbm>>) dst(%arg16 : memref<128x32xf32, #tpu.memory_space<vmem>>)
    %dma_start3A_286 = arith.constant 7 : i32
    %dma_start3A_287 = arith.constant 0 : i32
    %dma_start3A_288 = tpu.memref_slice %arg8[%dma_start3A_286, %dma_start3A_287] : memref<80x128xi32, #tpu.memory_space<vmem>> -> memref<1x128xi32, #tpu.memory_space<vmem>>
    %dma_start3A_289 = tpu.memref_squeeze %dma_start3A_288 : memref<1x128xi32, #tpu.memory_space<vmem>> -> memref<128xi32, #tpu.memory_space<vmem>>
    %dma_start3A_290 = arith.constant 0 : i32
    %dma_start3A_291 = arith.constant 0 : i32
    %dma_start3A_292 = tpu.memref_slice %arg17[%dma_start3A_290, %dma_start3A_291] : memref<10240x32xf32, #tpu.memory_space<vmem_shared>> -> memref<10240x32xf32, #tpu.memory_space<vmem_shared>>
    tpu.enqueue_indirect_dma source(%arg16 : memref<128x32xf32, #tpu.memory_space<vmem>>) target(%dma_start3A_292 : memref<10240x32xf32, #tpu.memory_space<vmem_shared>>) offsets(%dma_start3A_289 : memref<128xi32, #tpu.memory_space<vmem>>) semaphore(%arg33 : memref<!tpu.dma_semaphore, #tpu.memory_space<semaphore_mem>>) {add = true}
    %dma_wait3A_293 = arith.constant 6 : i32
    %dma_wait3A_294 = arith.constant 0 : i32
    %dma_wait3A_295 = tpu.memref_slice %arg8[%dma_wait3A_293, %dma_wait3A_294] : memref<80x128xi32, #tpu.memory_space<vmem>> -> memref<1x128xi32, #tpu.memory_space<vmem>>
    %dma_wait3A_296 = tpu.memref_squeeze %dma_wait3A_295 : memref<1x128xi32, #tpu.memory_space<vmem>> -> memref<128xi32, #tpu.memory_space<vmem>>
    %dma_wait3A_297 = arith.constant 0 : i32
    %dma_wait3A_298 = arith.constant 0 : i32
    %dma_wait3A_299 = tpu.memref_slice %arg17[%dma_wait3A_297, %dma_wait3A_298] : memref<10240x32xf32, #tpu.memory_space<vmem_shared>> -> memref<10240x32xf32, #tpu.memory_space<vmem_shared>>
    tpu.wait_indirect_dma semaphore(%arg32 : memref<!tpu.dma_semaphore, #tpu.memory_space<semaphore_mem>>) src(%arg15 : memref<128x32xf32, #tpu.memory_space<vmem>>) dst(%dma_wait3A_299 : memref<10240x32xf32, #tpu.memory_space<vmem_shared>>)
    %dma_start3A_300 = arith.constant 14 : i32
    %dma_start3A_301 = arith.constant 0 : i32
    %dma_start3A_302 = tpu.memref_slice %arg7[%dma_start3A_300, %dma_start3A_301] : memref<80x128xi32, #tpu.memory_space<vmem>> -> memref<1x128xi32, #tpu.memory_space<vmem>>
    %dma_start3A_303 = tpu.memref_squeeze %dma_start3A_302 : memref<1x128xi32, #tpu.memory_space<vmem>> -> memref<128xi32, #tpu.memory_space<vmem>>
    %dma_start3A_304 = arith.constant 0 : i32
    %dma_start3A_305 = arith.constant 0 : i32
    %dma_start3A_306 = tpu.memref_slice %arg2[%dma_start3A_304, %dma_start3A_305] : memref<10000x32xf32, #tpu.memory_space<hbm>> -> memref<10000x32xf32, #tpu.memory_space<hbm>>
    tpu.enqueue_indirect_dma source(%dma_start3A_306 : memref<10000x32xf32, #tpu.memory_space<hbm>>) target(%arg15 : memref<128x32xf32, #tpu.memory_space<vmem>>) offsets(%dma_start3A_303 : memref<128xi32, #tpu.memory_space<vmem>>) semaphore(%arg24 : memref<!tpu.dma_semaphore, #tpu.memory_space<semaphore_mem>>)
    %scan3A = arith.constant 0 : i32
    %scan3A_307 = arith.constant 1 : i32
    %scan3A_308 = arith.constant 8 : i32
    %scan3A_309 = arith.addi %scan3A_307, %scan3A_308 : i32
    %scan3A_310 = arith.constant 1 : i32
    scf.for %scan3A_495 = %scan3A_307 to %scan3A_309 step %scan3A_310  : i32 {
      %mul3A_496 = arith.constant 8 : i32
      %mul3A_497 = arith.muli %scan3A_495, %mul3A_496 : i32
      %add3A_498 = arith.constant 0 : i32
      %add3A_499 = arith.addi %mul3A_497, %add3A_498 : i32
      %dma_wait3A_500 = arith.constant 0 : i32
      %dma_wait3A_501 = tpu.memref_slice %arg7[%add3A_499, %dma_wait3A_500] : memref<80x128xi32, #tpu.memory_space<vmem>> -> memref<1x128xi32, #tpu.memory_space<vmem>>
      %dma_wait3A_502 = tpu.memref_squeeze %dma_wait3A_501 : memref<1x128xi32, #tpu.memory_space<vmem>> -> memref<128xi32, #tpu.memory_space<vmem>>
      %dma_wait3A_503 = arith.constant 0 : i32
      %dma_wait3A_504 = arith.constant 0 : i32
      %dma_wait3A_505 = tpu.memref_slice %arg2[%dma_wait3A_503, %dma_wait3A_504] : memref<10000x32xf32, #tpu.memory_space<hbm>> -> memref<10000x32xf32, #tpu.memory_space<hbm>>
      tpu.wait_indirect_dma semaphore(%arg18 : memref<!tpu.dma_semaphore, #tpu.memory_space<semaphore_mem>>) src(%dma_wait3A_505 : memref<10000x32xf32, #tpu.memory_space<hbm>>) dst(%arg9 : memref<128x32xf32, #tpu.memory_space<vmem>>)
      %dma_start3A_506 = arith.constant 0 : i32
      %dma_start3A_507 = tpu.memref_slice %arg8[%add3A_499, %dma_start3A_506] : memref<80x128xi32, #tpu.memory_space<vmem>> -> memref<1x128xi32, #tpu.memory_space<vmem>>
      %dma_start3A_508 = tpu.memref_squeeze %dma_start3A_507 : memref<1x128xi32, #tpu.memory_space<vmem>> -> memref<128xi32, #tpu.memory_space<vmem>>
      %dma_start3A_509 = arith.constant 0 : i32
      %dma_start3A_510 = arith.constant 0 : i32
      %dma_start3A_511 = tpu.memref_slice %arg17[%dma_start3A_509, %dma_start3A_510] : memref<10240x32xf32, #tpu.memory_space<vmem_shared>> -> memref<10240x32xf32, #tpu.memory_space<vmem_shared>>
      tpu.enqueue_indirect_dma source(%arg9 : memref<128x32xf32, #tpu.memory_space<vmem>>) target(%dma_start3A_511 : memref<10240x32xf32, #tpu.memory_space<vmem_shared>>) offsets(%dma_start3A_508 : memref<128xi32, #tpu.memory_space<vmem>>) semaphore(%arg26 : memref<!tpu.dma_semaphore, #tpu.memory_space<semaphore_mem>>) {add = true}
      %sub3A = arith.constant 1 : i32
      %sub3A_512 = arith.subi %add3A_499, %sub3A : i32
      %dma_wait3A_513 = arith.constant 0 : i32
      %dma_wait3A_514 = tpu.memref_slice %arg8[%sub3A_512, %dma_wait3A_513] : memref<80x128xi32, #tpu.memory_space<vmem>> -> memref<1x128xi32, #tpu.memory_space<vmem>>
      %dma_wait3A_515 = tpu.memref_squeeze %dma_wait3A_514 : memref<1x128xi32, #tpu.memory_space<vmem>> -> memref<128xi32, #tpu.memory_space<vmem>>
      %dma_wait3A_516 = arith.constant 0 : i32
      %dma_wait3A_517 = arith.constant 0 : i32
      %dma_wait3A_518 = tpu.memref_slice %arg17[%dma_wait3A_516, %dma_wait3A_517] : memref<10240x32xf32, #tpu.memory_space<vmem_shared>> -> memref<10240x32xf32, #tpu.memory_space<vmem_shared>>
      tpu.wait_indirect_dma semaphore(%arg33 : memref<!tpu.dma_semaphore, #tpu.memory_space<semaphore_mem>>) src(%arg16 : memref<128x32xf32, #tpu.memory_space<vmem>>) dst(%dma_wait3A_518 : memref<10240x32xf32, #tpu.memory_space<vmem_shared>>)
      %add3A_519 = arith.constant 8 : i32
      %add3A_520 = arith.addi %add3A_499, %add3A_519 : i32
      %sub3A_521 = arith.constant 1 : i32
      %sub3A_522 = arith.subi %add3A_520, %sub3A_521 : i32
      %dma_start3A_523 = arith.constant 0 : i32
      %dma_start3A_524 = tpu.memref_slice %arg7[%sub3A_522, %dma_start3A_523] : memref<80x128xi32, #tpu.memory_space<vmem>> -> memref<1x128xi32, #tpu.memory_space<vmem>>
      %dma_start3A_525 = tpu.memref_squeeze %dma_start3A_524 : memref<1x128xi32, #tpu.memory_space<vmem>> -> memref<128xi32, #tpu.memory_space<vmem>>
      %dma_start3A_526 = arith.constant 0 : i32
      %dma_start3A_527 = arith.constant 0 : i32
      %dma_start3A_528 = tpu.memref_slice %arg2[%dma_start3A_526, %dma_start3A_527] : memref<10000x32xf32, #tpu.memory_space<hbm>> -> memref<10000x32xf32, #tpu.memory_space<hbm>>
      tpu.enqueue_indirect_dma source(%dma_start3A_528 : memref<10000x32xf32, #tpu.memory_space<hbm>>) target(%arg16 : memref<128x32xf32, #tpu.memory_space<vmem>>) offsets(%dma_start3A_525 : memref<128xi32, #tpu.memory_space<vmem>>) semaphore(%arg25 : memref<!tpu.dma_semaphore, #tpu.memory_space<semaphore_mem>>)
      %add3A_529 = arith.constant 1 : i32
      %add3A_530 = arith.addi %mul3A_497, %add3A_529 : i32
      %dma_wait3A_531 = arith.constant 0 : i32
      %dma_wait3A_532 = tpu.memref_slice %arg7[%add3A_530, %dma_wait3A_531] : memref<80x128xi32, #tpu.memory_space<vmem>> -> memref<1x128xi32, #tpu.memory_space<vmem>>
      %dma_wait3A_533 = tpu.memref_squeeze %dma_wait3A_532 : memref<1x128xi32, #tpu.memory_space<vmem>> -> memref<128xi32, #tpu.memory_space<vmem>>
      %dma_wait3A_534 = arith.constant 0 : i32
      %dma_wait3A_535 = arith.constant 0 : i32
      %dma_wait3A_536 = tpu.memref_slice %arg2[%dma_wait3A_534, %dma_wait3A_535] : memref<10000x32xf32, #tpu.memory_space<hbm>> -> memref<10000x32xf32, #tpu.memory_space<hbm>>
      tpu.wait_indirect_dma semaphore(%arg19 : memref<!tpu.dma_semaphore, #tpu.memory_space<semaphore_mem>>) src(%dma_wait3A_536 : memref<10000x32xf32, #tpu.memory_space<hbm>>) dst(%arg10 : memref<128x32xf32, #tpu.memory_space<vmem>>)
      %dma_start3A_537 = arith.constant 0 : i32
      %dma_start3A_538 = tpu.memref_slice %arg8[%add3A_530, %dma_start3A_537] : memref<80x128xi32, #tpu.memory_space<vmem>> -> memref<1x128xi32, #tpu.memory_space<vmem>>
      %dma_start3A_539 = tpu.memref_squeeze %dma_start3A_538 : memref<1x128xi32, #tpu.memory_space<vmem>> -> memref<128xi32, #tpu.memory_space<vmem>>
      %dma_start3A_540 = arith.constant 0 : i32
      %dma_start3A_541 = arith.constant 0 : i32
      %dma_start3A_542 = tpu.memref_slice %arg17[%dma_start3A_540, %dma_start3A_541] : memref<10240x32xf32, #tpu.memory_space<vmem_shared>> -> memref<10240x32xf32, #tpu.memory_space<vmem_shared>>
      tpu.enqueue_indirect_dma source(%arg10 : memref<128x32xf32, #tpu.memory_space<vmem>>) target(%dma_start3A_542 : memref<10240x32xf32, #tpu.memory_space<vmem_shared>>) offsets(%dma_start3A_539 : memref<128xi32, #tpu.memory_space<vmem>>) semaphore(%arg27 : memref<!tpu.dma_semaphore, #tpu.memory_space<semaphore_mem>>) {add = true}
      %sub3A_543 = arith.constant 1 : i32
      %sub3A_544 = arith.subi %add3A_530, %sub3A_543 : i32
      %dma_wait3A_545 = arith.constant 0 : i32
      %dma_wait3A_546 = tpu.memref_slice %arg8[%sub3A_544, %dma_wait3A_545] : memref<80x128xi32, #tpu.memory_space<vmem>> -> memref<1x128xi32, #tpu.memory_space<vmem>>
      %dma_wait3A_547 = tpu.memref_squeeze %dma_wait3A_546 : memref<1x128xi32, #tpu.memory_space<vmem>> -> memref<128xi32, #tpu.memory_space<vmem>>
      %dma_wait3A_548 = arith.constant 0 : i32
      %dma_wait3A_549 = arith.constant 0 : i32
      %dma_wait3A_550 = tpu.memref_slice %arg17[%dma_wait3A_548, %dma_wait3A_549] : memref<10240x32xf32, #tpu.memory_space<vmem_shared>> -> memref<10240x32xf32, #tpu.memory_space<vmem_shared>>
      tpu.wait_indirect_dma semaphore(%arg26 : memref<!tpu.dma_semaphore, #tpu.memory_space<semaphore_mem>>) src(%arg9 : memref<128x32xf32, #tpu.memory_space<vmem>>) dst(%dma_wait3A_550 : memref<10240x32xf32, #tpu.memory_space<vmem_shared>>)
      %add3A_551 = arith.constant 8 : i32
      %add3A_552 = arith.addi %add3A_530, %add3A_551 : i32
      %sub3A_553 = arith.constant 1 : i32
      %sub3A_554 = arith.subi %add3A_552, %sub3A_553 : i32
      %dma_start3A_555 = arith.constant 0 : i32
      %dma_start3A_556 = tpu.memref_slice %arg7[%sub3A_554, %dma_start3A_555] : memref<80x128xi32, #tpu.memory_space<vmem>> -> memref<1x128xi32, #tpu.memory_space<vmem>>
      %dma_start3A_557 = tpu.memref_squeeze %dma_start3A_556 : memref<1x128xi32, #tpu.memory_space<vmem>> -> memref<128xi32, #tpu.memory_space<vmem>>
      %dma_start3A_558 = arith.constant 0 : i32
      %dma_start3A_559 = arith.constant 0 : i32
      %dma_start3A_560 = tpu.memref_slice %arg2[%dma_start3A_558, %dma_start3A_559] : memref<10000x32xf32, #tpu.memory_space<hbm>> -> memref<10000x32xf32, #tpu.memory_space<hbm>>
      tpu.enqueue_indirect_dma source(%dma_start3A_560 : memref<10000x32xf32, #tpu.memory_space<hbm>>) target(%arg9 : memref<128x32xf32, #tpu.memory_space<vmem>>) offsets(%dma_start3A_557 : memref<128xi32, #tpu.memory_space<vmem>>) semaphore(%arg18 : memref<!tpu.dma_semaphore, #tpu.memory_space<semaphore_mem>>)
      %add3A_561 = arith.constant 2 : i32
      %add3A_562 = arith.addi %mul3A_497, %add3A_561 : i32
      %dma_wait3A_563 = arith.constant 0 : i32
      %dma_wait3A_564 = tpu.memref_slice %arg7[%add3A_562, %dma_wait3A_563] : memref<80x128xi32, #tpu.memory_space<vmem>> -> memref<1x128xi32, #tpu.memory_space<vmem>>
      %dma_wait3A_565 = tpu.memref_squeeze %dma_wait3A_564 : memref<1x128xi32, #tpu.memory_space<vmem>> -> memref<128xi32, #tpu.memory_space<vmem>>
      %dma_wait3A_566 = arith.constant 0 : i32
      %dma_wait3A_567 = arith.constant 0 : i32
      %dma_wait3A_568 = tpu.memref_slice %arg2[%dma_wait3A_566, %dma_wait3A_567] : memref<10000x32xf32, #tpu.memory_space<hbm>> -> memref<10000x32xf32, #tpu.memory_space<hbm>>
      tpu.wait_indirect_dma semaphore(%arg20 : memref<!tpu.dma_semaphore, #tpu.memory_space<semaphore_mem>>) src(%dma_wait3A_568 : memref<10000x32xf32, #tpu.memory_space<hbm>>) dst(%arg11 : memref<128x32xf32, #tpu.memory_space<vmem>>)
      %dma_start3A_569 = arith.constant 0 : i32
      %dma_start3A_570 = tpu.memref_slice %arg8[%add3A_562, %dma_start3A_569] : memref<80x128xi32, #tpu.memory_space<vmem>> -> memref<1x128xi32, #tpu.memory_space<vmem>>
      %dma_start3A_571 = tpu.memref_squeeze %dma_start3A_570 : memref<1x128xi32, #tpu.memory_space<vmem>> -> memref<128xi32, #tpu.memory_space<vmem>>
      %dma_start3A_572 = arith.constant 0 : i32
      %dma_start3A_573 = arith.constant 0 : i32
      %dma_start3A_574 = tpu.memref_slice %arg17[%dma_start3A_572, %dma_start3A_573] : memref<10240x32xf32, #tpu.memory_space<vmem_shared>> -> memref<10240x32xf32, #tpu.memory_space<vmem_shared>>
      tpu.enqueue_indirect_dma source(%arg11 : memref<128x32xf32, #tpu.memory_space<vmem>>) target(%dma_start3A_574 : memref<10240x32xf32, #tpu.memory_space<vmem_shared>>) offsets(%dma_start3A_571 : memref<128xi32, #tpu.memory_space<vmem>>) semaphore(%arg28 : memref<!tpu.dma_semaphore, #tpu.memory_space<semaphore_mem>>) {add = true}
      %sub3A_575 = arith.constant 1 : i32
      %sub3A_576 = arith.subi %add3A_562, %sub3A_575 : i32
      %dma_wait3A_577 = arith.constant 0 : i32
      %dma_wait3A_578 = tpu.memref_slice %arg8[%sub3A_576, %dma_wait3A_577] : memref<80x128xi32, #tpu.memory_space<vmem>> -> memref<1x128xi32, #tpu.memory_space<vmem>>
      %dma_wait3A_579 = tpu.memref_squeeze %dma_wait3A_578 : memref<1x128xi32, #tpu.memory_space<vmem>> -> memref<128xi32, #tpu.memory_space<vmem>>
      %dma_wait3A_580 = arith.constant 0 : i32
      %dma_wait3A_581 = arith.constant 0 : i32
      %dma_wait3A_582 = tpu.memref_slice %arg17[%dma_wait3A_580, %dma_wait3A_581] : memref<10240x32xf32, #tpu.memory_space<vmem_shared>> -> memref<10240x32xf32, #tpu.memory_space<vmem_shared>>
      tpu.wait_indirect_dma semaphore(%arg27 : memref<!tpu.dma_semaphore, #tpu.memory_space<semaphore_mem>>) src(%arg10 : memref<128x32xf32, #tpu.memory_space<vmem>>) dst(%dma_wait3A_582 : memref<10240x32xf32, #tpu.memory_space<vmem_shared>>)
      %add3A_583 = arith.constant 8 : i32
      %add3A_584 = arith.addi %add3A_562, %add3A_583 : i32
      %sub3A_585 = arith.constant 1 : i32
      %sub3A_586 = arith.subi %add3A_584, %sub3A_585 : i32
      %dma_start3A_587 = arith.constant 0 : i32
      %dma_start3A_588 = tpu.memref_slice %arg7[%sub3A_586, %dma_start3A_587] : memref<80x128xi32, #tpu.memory_space<vmem>> -> memref<1x128xi32, #tpu.memory_space<vmem>>
      %dma_start3A_589 = tpu.memref_squeeze %dma_start3A_588 : memref<1x128xi32, #tpu.memory_space<vmem>> -> memref<128xi32, #tpu.memory_space<vmem>>
      %dma_start3A_590 = arith.constant 0 : i32
      %dma_start3A_591 = arith.constant 0 : i32
      %dma_start3A_592 = tpu.memref_slice %arg2[%dma_start3A_590, %dma_start3A_591] : memref<10000x32xf32, #tpu.memory_space<hbm>> -> memref<10000x32xf32, #tpu.memory_space<hbm>>
      tpu.enqueue_indirect_dma source(%dma_start3A_592 : memref<10000x32xf32, #tpu.memory_space<hbm>>) target(%arg10 : memref<128x32xf32, #tpu.memory_space<vmem>>) offsets(%dma_start3A_589 : memref<128xi32, #tpu.memory_space<vmem>>) semaphore(%arg19 : memref<!tpu.dma_semaphore, #tpu.memory_space<semaphore_mem>>)
      %add3A_593 = arith.constant 3 : i32
      %add3A_594 = arith.addi %mul3A_497, %add3A_593 : i32
      %dma_wait3A_595 = arith.constant 0 : i32
      %dma_wait3A_596 = tpu.memref_slice %arg7[%add3A_594, %dma_wait3A_595] : memref<80x128xi32, #tpu.memory_space<vmem>> -> memref<1x128xi32, #tpu.memory_space<vmem>>
      %dma_wait3A_597 = tpu.memref_squeeze %dma_wait3A_596 : memref<1x128xi32, #tpu.memory_space<vmem>> -> memref<128xi32, #tpu.memory_space<vmem>>
      %dma_wait3A_598 = arith.constant 0 : i32
      %dma_wait3A_599 = arith.constant 0 : i32
      %dma_wait3A_600 = tpu.memref_slice %arg2[%dma_wait3A_598, %dma_wait3A_599] : memref<10000x32xf32, #tpu.memory_space<hbm>> -> memref<10000x32xf32, #tpu.memory_space<hbm>>
      tpu.wait_indirect_dma semaphore(%arg21 : memref<!tpu.dma_semaphore, #tpu.memory_space<semaphore_mem>>) src(%dma_wait3A_600 : memref<10000x32xf32, #tpu.memory_space<hbm>>) dst(%arg12 : memref<128x32xf32, #tpu.memory_space<vmem>>)
      %dma_start3A_601 = arith.constant 0 : i32
      %dma_start3A_602 = tpu.memref_slice %arg8[%add3A_594, %dma_start3A_601] : memref<80x128xi32, #tpu.memory_space<vmem>> -> memref<1x128xi32, #tpu.memory_space<vmem>>
      %dma_start3A_603 = tpu.memref_squeeze %dma_start3A_602 : memref<1x128xi32, #tpu.memory_space<vmem>> -> memref<128xi32, #tpu.memory_space<vmem>>
      %dma_start3A_604 = arith.constant 0 : i32
      %dma_start3A_605 = arith.constant 0 : i32
      %dma_start3A_606 = tpu.memref_slice %arg17[%dma_start3A_604, %dma_start3A_605] : memref<10240x32xf32, #tpu.memory_space<vmem_shared>> -> memref<10240x32xf32, #tpu.memory_space<vmem_shared>>
      tpu.enqueue_indirect_dma source(%arg12 : memref<128x32xf32, #tpu.memory_space<vmem>>) target(%dma_start3A_606 : memref<10240x32xf32, #tpu.memory_space<vmem_shared>>) offsets(%dma_start3A_603 : memref<128xi32, #tpu.memory_space<vmem>>) semaphore(%arg29 : memref<!tpu.dma_semaphore, #tpu.memory_space<semaphore_mem>>) {add = true}
      %sub3A_607 = arith.constant 1 : i32
      %sub3A_608 = arith.subi %add3A_594, %sub3A_607 : i32
      %dma_wait3A_609 = arith.constant 0 : i32
      %dma_wait3A_610 = tpu.memref_slice %arg8[%sub3A_608, %dma_wait3A_609] : memref<80x128xi32, #tpu.memory_space<vmem>> -> memref<1x128xi32, #tpu.memory_space<vmem>>
      %dma_wait3A_611 = tpu.memref_squeeze %dma_wait3A_610 : memref<1x128xi32, #tpu.memory_space<vmem>> -> memref<128xi32, #tpu.memory_space<vmem>>
      %dma_wait3A_612 = arith.constant 0 : i32
      %dma_wait3A_613 = arith.constant 0 : i32
      %dma_wait3A_614 = tpu.memref_slice %arg17[%dma_wait3A_612, %dma_wait3A_613] : memref<10240x32xf32, #tpu.memory_space<vmem_shared>> -> memref<10240x32xf32, #tpu.memory_space<vmem_shared>>
      tpu.wait_indirect_dma semaphore(%arg28 : memref<!tpu.dma_semaphore, #tpu.memory_space<semaphore_mem>>) src(%arg11 : memref<128x32xf32, #tpu.memory_space<vmem>>) dst(%dma_wait3A_614 : memref<10240x32xf32, #tpu.memory_space<vmem_shared>>)
      %add3A_615 = arith.constant 8 : i32
      %add3A_616 = arith.addi %add3A_594, %add3A_615 : i32
      %sub3A_617 = arith.constant 1 : i32
      %sub3A_618 = arith.subi %add3A_616, %sub3A_617 : i32
      %dma_start3A_619 = arith.constant 0 : i32
      %dma_start3A_620 = tpu.memref_slice %arg7[%sub3A_618, %dma_start3A_619] : memref<80x128xi32, #tpu.memory_space<vmem>> -> memref<1x128xi32, #tpu.memory_space<vmem>>
      %dma_start3A_621 = tpu.memref_squeeze %dma_start3A_620 : memref<1x128xi32, #tpu.memory_space<vmem>> -> memref<128xi32, #tpu.memory_space<vmem>>
      %dma_start3A_622 = arith.constant 0 : i32
      %dma_start3A_623 = arith.constant 0 : i32
      %dma_start3A_624 = tpu.memref_slice %arg2[%dma_start3A_622, %dma_start3A_623] : memref<10000x32xf32, #tpu.memory_space<hbm>> -> memref<10000x32xf32, #tpu.memory_space<hbm>>
      tpu.enqueue_indirect_dma source(%dma_start3A_624 : memref<10000x32xf32, #tpu.memory_space<hbm>>) target(%arg11 : memref<128x32xf32, #tpu.memory_space<vmem>>) offsets(%dma_start3A_621 : memref<128xi32, #tpu.memory_space<vmem>>) semaphore(%arg20 : memref<!tpu.dma_semaphore, #tpu.memory_space<semaphore_mem>>)
      %add3A_625 = arith.constant 4 : i32
      %add3A_626 = arith.addi %mul3A_497, %add3A_625 : i32
      %dma_wait3A_627 = arith.constant 0 : i32
      %dma_wait3A_628 = tpu.memref_slice %arg7[%add3A_626, %dma_wait3A_627] : memref<80x128xi32, #tpu.memory_space<vmem>> -> memref<1x128xi32, #tpu.memory_space<vmem>>
      %dma_wait3A_629 = tpu.memref_squeeze %dma_wait3A_628 : memref<1x128xi32, #tpu.memory_space<vmem>> -> memref<128xi32, #tpu.memory_space<vmem>>
      %dma_wait3A_630 = arith.constant 0 : i32
      %dma_wait3A_631 = arith.constant 0 : i32
      %dma_wait3A_632 = tpu.memref_slice %arg2[%dma_wait3A_630, %dma_wait3A_631] : memref<10000x32xf32, #tpu.memory_space<hbm>> -> memref<10000x32xf32, #tpu.memory_space<hbm>>
      tpu.wait_indirect_dma semaphore(%arg22 : memref<!tpu.dma_semaphore, #tpu.memory_space<semaphore_mem>>) src(%dma_wait3A_632 : memref<10000x32xf32, #tpu.memory_space<hbm>>) dst(%arg13 : memref<128x32xf32, #tpu.memory_space<vmem>>)
      %dma_start3A_633 = arith.constant 0 : i32
      %dma_start3A_634 = tpu.memref_slice %arg8[%add3A_626, %dma_start3A_633] : memref<80x128xi32, #tpu.memory_space<vmem>> -> memref<1x128xi32, #tpu.memory_space<vmem>>
      %dma_start3A_635 = tpu.memref_squeeze %dma_start3A_634 : memref<1x128xi32, #tpu.memory_space<vmem>> -> memref<128xi32, #tpu.memory_space<vmem>>
      %dma_start3A_636 = arith.constant 0 : i32
      %dma_start3A_637 = arith.constant 0 : i32
      %dma_start3A_638 = tpu.memref_slice %arg17[%dma_start3A_636, %dma_start3A_637] : memref<10240x32xf32, #tpu.memory_space<vmem_shared>> -> memref<10240x32xf32, #tpu.memory_space<vmem_shared>>
      tpu.enqueue_indirect_dma source(%arg13 : memref<128x32xf32, #tpu.memory_space<vmem>>) target(%dma_start3A_638 : memref<10240x32xf32, #tpu.memory_space<vmem_shared>>) offsets(%dma_start3A_635 : memref<128xi32, #tpu.memory_space<vmem>>) semaphore(%arg30 : memref<!tpu.dma_semaphore, #tpu.memory_space<semaphore_mem>>) {add = true}
      %sub3A_639 = arith.constant 1 : i32
      %sub3A_640 = arith.subi %add3A_626, %sub3A_639 : i32
      %dma_wait3A_641 = arith.constant 0 : i32
      %dma_wait3A_642 = tpu.memref_slice %arg8[%sub3A_640, %dma_wait3A_641] : memref<80x128xi32, #tpu.memory_space<vmem>> -> memref<1x128xi32, #tpu.memory_space<vmem>>
      %dma_wait3A_643 = tpu.memref_squeeze %dma_wait3A_642 : memref<1x128xi32, #tpu.memory_space<vmem>> -> memref<128xi32, #tpu.memory_space<vmem>>
      %dma_wait3A_644 = arith.constant 0 : i32
      %dma_wait3A_645 = arith.constant 0 : i32
      %dma_wait3A_646 = tpu.memref_slice %arg17[%dma_wait3A_644, %dma_wait3A_645] : memref<10240x32xf32, #tpu.memory_space<vmem_shared>> -> memref<10240x32xf32, #tpu.memory_space<vmem_shared>>
      tpu.wait_indirect_dma semaphore(%arg29 : memref<!tpu.dma_semaphore, #tpu.memory_space<semaphore_mem>>) src(%arg12 : memref<128x32xf32, #tpu.memory_space<vmem>>) dst(%dma_wait3A_646 : memref<10240x32xf32, #tpu.memory_space<vmem_shared>>)
      %add3A_647 = arith.constant 8 : i32
      %add3A_648 = arith.addi %add3A_626, %add3A_647 : i32
      %sub3A_649 = arith.constant 1 : i32
      %sub3A_650 = arith.subi %add3A_648, %sub3A_649 : i32
      %dma_start3A_651 = arith.constant 0 : i32
      %dma_start3A_652 = tpu.memref_slice %arg7[%sub3A_650, %dma_start3A_651] : memref<80x128xi32, #tpu.memory_space<vmem>> -> memref<1x128xi32, #tpu.memory_space<vmem>>
      %dma_start3A_653 = tpu.memref_squeeze %dma_start3A_652 : memref<1x128xi32, #tpu.memory_space<vmem>> -> memref<128xi32, #tpu.memory_space<vmem>>
      %dma_start3A_654 = arith.constant 0 : i32
      %dma_start3A_655 = arith.constant 0 : i32
      %dma_start3A_656 = tpu.memref_slice %arg2[%dma_start3A_654, %dma_start3A_655] : memref<10000x32xf32, #tpu.memory_space<hbm>> -> memref<10000x32xf32, #tpu.memory_space<hbm>>
      tpu.enqueue_indirect_dma source(%dma_start3A_656 : memref<10000x32xf32, #tpu.memory_space<hbm>>) target(%arg12 : memref<128x32xf32, #tpu.memory_space<vmem>>) offsets(%dma_start3A_653 : memref<128xi32, #tpu.memory_space<vmem>>) semaphore(%arg21 : memref<!tpu.dma_semaphore, #tpu.memory_space<semaphore_mem>>)
      %add3A_657 = arith.constant 5 : i32
      %add3A_658 = arith.addi %mul3A_497, %add3A_657 : i32
      %dma_wait3A_659 = arith.constant 0 : i32
      %dma_wait3A_660 = tpu.memref_slice %arg7[%add3A_658, %dma_wait3A_659] : memref<80x128xi32, #tpu.memory_space<vmem>> -> memref<1x128xi32, #tpu.memory_space<vmem>>
      %dma_wait3A_661 = tpu.memref_squeeze %dma_wait3A_660 : memref<1x128xi32, #tpu.memory_space<vmem>> -> memref<128xi32, #tpu.memory_space<vmem>>
      %dma_wait3A_662 = arith.constant 0 : i32
      %dma_wait3A_663 = arith.constant 0 : i32
      %dma_wait3A_664 = tpu.memref_slice %arg2[%dma_wait3A_662, %dma_wait3A_663] : memref<10000x32xf32, #tpu.memory_space<hbm>> -> memref<10000x32xf32, #tpu.memory_space<hbm>>
      tpu.wait_indirect_dma semaphore(%arg23 : memref<!tpu.dma_semaphore, #tpu.memory_space<semaphore_mem>>) src(%dma_wait3A_664 : memref<10000x32xf32, #tpu.memory_space<hbm>>) dst(%arg14 : memref<128x32xf32, #tpu.memory_space<vmem>>)
      %dma_start3A_665 = arith.constant 0 : i32
      %dma_start3A_666 = tpu.memref_slice %arg8[%add3A_658, %dma_start3A_665] : memref<80x128xi32, #tpu.memory_space<vmem>> -> memref<1x128xi32, #tpu.memory_space<vmem>>
      %dma_start3A_667 = tpu.memref_squeeze %dma_start3A_666 : memref<1x128xi32, #tpu.memory_space<vmem>> -> memref<128xi32, #tpu.memory_space<vmem>>
      %dma_start3A_668 = arith.constant 0 : i32
      %dma_start3A_669 = arith.constant 0 : i32
      %dma_start3A_670 = tpu.memref_slice %arg17[%dma_start3A_668, %dma_start3A_669] : memref<10240x32xf32, #tpu.memory_space<vmem_shared>> -> memref<10240x32xf32, #tpu.memory_space<vmem_shared>>
      tpu.enqueue_indirect_dma source(%arg14 : memref<128x32xf32, #tpu.memory_space<vmem>>) target(%dma_start3A_670 : memref<10240x32xf32, #tpu.memory_space<vmem_shared>>) offsets(%dma_start3A_667 : memref<128xi32, #tpu.memory_space<vmem>>) semaphore(%arg31 : memref<!tpu.dma_semaphore, #tpu.memory_space<semaphore_mem>>) {add = true}
      %sub3A_671 = arith.constant 1 : i32
      %sub3A_672 = arith.subi %add3A_658, %sub3A_671 : i32
      %dma_wait3A_673 = arith.constant 0 : i32
      %dma_wait3A_674 = tpu.memref_slice %arg8[%sub3A_672, %dma_wait3A_673] : memref<80x128xi32, #tpu.memory_space<vmem>> -> memref<1x128xi32, #tpu.memory_space<vmem>>
      %dma_wait3A_675 = tpu.memref_squeeze %dma_wait3A_674 : memref<1x128xi32, #tpu.memory_space<vmem>> -> memref<128xi32, #tpu.memory_space<vmem>>
      %dma_wait3A_676 = arith.constant 0 : i32
      %dma_wait3A_677 = arith.constant 0 : i32
      %dma_wait3A_678 = tpu.memref_slice %arg17[%dma_wait3A_676, %dma_wait3A_677] : memref<10240x32xf32, #tpu.memory_space<vmem_shared>> -> memref<10240x32xf32, #tpu.memory_space<vmem_shared>>
      tpu.wait_indirect_dma semaphore(%arg30 : memref<!tpu.dma_semaphore, #tpu.memory_space<semaphore_mem>>) src(%arg13 : memref<128x32xf32, #tpu.memory_space<vmem>>) dst(%dma_wait3A_678 : memref<10240x32xf32, #tpu.memory_space<vmem_shared>>)
      %add3A_679 = arith.constant 8 : i32
      %add3A_680 = arith.addi %add3A_658, %add3A_679 : i32
      %sub3A_681 = arith.constant 1 : i32
      %sub3A_682 = arith.subi %add3A_680, %sub3A_681 : i32
      %dma_start3A_683 = arith.constant 0 : i32
      %dma_start3A_684 = tpu.memref_slice %arg7[%sub3A_682, %dma_start3A_683] : memref<80x128xi32, #tpu.memory_space<vmem>> -> memref<1x128xi32, #tpu.memory_space<vmem>>
      %dma_start3A_685 = tpu.memref_squeeze %dma_start3A_684 : memref<1x128xi32, #tpu.memory_space<vmem>> -> memref<128xi32, #tpu.memory_space<vmem>>
      %dma_start3A_686 = arith.constant 0 : i32
      %dma_start3A_687 = arith.constant 0 : i32
      %dma_start3A_688 = tpu.memref_slice %arg2[%dma_start3A_686, %dma_start3A_687] : memref<10000x32xf32, #tpu.memory_space<hbm>> -> memref<10000x32xf32, #tpu.memory_space<hbm>>
      tpu.enqueue_indirect_dma source(%dma_start3A_688 : memref<10000x32xf32, #tpu.memory_space<hbm>>) target(%arg13 : memref<128x32xf32, #tpu.memory_space<vmem>>) offsets(%dma_start3A_685 : memref<128xi32, #tpu.memory_space<vmem>>) semaphore(%arg22 : memref<!tpu.dma_semaphore, #tpu.memory_space<semaphore_mem>>)
      %add3A_689 = arith.constant 6 : i32
      %add3A_690 = arith.addi %mul3A_497, %add3A_689 : i32
      %dma_wait3A_691 = arith.constant 0 : i32
      %dma_wait3A_692 = tpu.memref_slice %arg7[%add3A_690, %dma_wait3A_691] : memref<80x128xi32, #tpu.memory_space<vmem>> -> memref<1x128xi32, #tpu.memory_space<vmem>>
      %dma_wait3A_693 = tpu.memref_squeeze %dma_wait3A_692 : memref<1x128xi32, #tpu.memory_space<vmem>> -> memref<128xi32, #tpu.memory_space<vmem>>
      %dma_wait3A_694 = arith.constant 0 : i32
      %dma_wait3A_695 = arith.constant 0 : i32
      %dma_wait3A_696 = tpu.memref_slice %arg2[%dma_wait3A_694, %dma_wait3A_695] : memref<10000x32xf32, #tpu.memory_space<hbm>> -> memref<10000x32xf32, #tpu.memory_space<hbm>>
      tpu.wait_indirect_dma semaphore(%arg24 : memref<!tpu.dma_semaphore, #tpu.memory_space<semaphore_mem>>) src(%dma_wait3A_696 : memref<10000x32xf32, #tpu.memory_space<hbm>>) dst(%arg15 : memref<128x32xf32, #tpu.memory_space<vmem>>)
      %dma_start3A_697 = arith.constant 0 : i32
      %dma_start3A_698 = tpu.memref_slice %arg8[%add3A_690, %dma_start3A_697] : memref<80x128xi32, #tpu.memory_space<vmem>> -> memref<1x128xi32, #tpu.memory_space<vmem>>
      %dma_start3A_699 = tpu.memref_squeeze %dma_start3A_698 : memref<1x128xi32, #tpu.memory_space<vmem>> -> memref<128xi32, #tpu.memory_space<vmem>>
      %dma_start3A_700 = arith.constant 0 : i32
      %dma_start3A_701 = arith.constant 0 : i32
      %dma_start3A_702 = tpu.memref_slice %arg17[%dma_start3A_700, %dma_start3A_701] : memref<10240x32xf32, #tpu.memory_space<vmem_shared>> -> memref<10240x32xf32, #tpu.memory_space<vmem_shared>>
      tpu.enqueue_indirect_dma source(%arg15 : memref<128x32xf32, #tpu.memory_space<vmem>>) target(%dma_start3A_702 : memref<10240x32xf32, #tpu.memory_space<vmem_shared>>) offsets(%dma_start3A_699 : memref<128xi32, #tpu.memory_space<vmem>>) semaphore(%arg32 : memref<!tpu.dma_semaphore, #tpu.memory_space<semaphore_mem>>) {add = true}
      %sub3A_703 = arith.constant 1 : i32
      %sub3A_704 = arith.subi %add3A_690, %sub3A_703 : i32
      %dma_wait3A_705 = arith.constant 0 : i32
      %dma_wait3A_706 = tpu.memref_slice %arg8[%sub3A_704, %dma_wait3A_705] : memref<80x128xi32, #tpu.memory_space<vmem>> -> memref<1x128xi32, #tpu.memory_space<vmem>>
      %dma_wait3A_707 = tpu.memref_squeeze %dma_wait3A_706 : memref<1x128xi32, #tpu.memory_space<vmem>> -> memref<128xi32, #tpu.memory_space<vmem>>
      %dma_wait3A_708 = arith.constant 0 : i32
      %dma_wait3A_709 = arith.constant 0 : i32
      %dma_wait3A_710 = tpu.memref_slice %arg17[%dma_wait3A_708, %dma_wait3A_709] : memref<10240x32xf32, #tpu.memory_space<vmem_shared>> -> memref<10240x32xf32, #tpu.memory_space<vmem_shared>>
      tpu.wait_indirect_dma semaphore(%arg31 : memref<!tpu.dma_semaphore, #tpu.memory_space<semaphore_mem>>) src(%arg14 : memref<128x32xf32, #tpu.memory_space<vmem>>) dst(%dma_wait3A_710 : memref<10240x32xf32, #tpu.memory_space<vmem_shared>>)
      %add3A_711 = arith.constant 8 : i32
      %add3A_712 = arith.addi %add3A_690, %add3A_711 : i32
      %sub3A_713 = arith.constant 1 : i32
      %sub3A_714 = arith.subi %add3A_712, %sub3A_713 : i32
      %dma_start3A_715 = arith.constant 0 : i32
      %dma_start3A_716 = tpu.memref_slice %arg7[%sub3A_714, %dma_start3A_715] : memref<80x128xi32, #tpu.memory_space<vmem>> -> memref<1x128xi32, #tpu.memory_space<vmem>>
      %dma_start3A_717 = tpu.memref_squeeze %dma_start3A_716 : memref<1x128xi32, #tpu.memory_space<vmem>> -> memref<128xi32, #tpu.memory_space<vmem>>
      %dma_start3A_718 = arith.constant 0 : i32
      %dma_start3A_719 = arith.constant 0 : i32
      %dma_start3A_720 = tpu.memref_slice %arg2[%dma_start3A_718, %dma_start3A_719] : memref<10000x32xf32, #tpu.memory_space<hbm>> -> memref<10000x32xf32, #tpu.memory_space<hbm>>
      tpu.enqueue_indirect_dma source(%dma_start3A_720 : memref<10000x32xf32, #tpu.memory_space<hbm>>) target(%arg14 : memref<128x32xf32, #tpu.memory_space<vmem>>) offsets(%dma_start3A_717 : memref<128xi32, #tpu.memory_space<vmem>>) semaphore(%arg23 : memref<!tpu.dma_semaphore, #tpu.memory_space<semaphore_mem>>)
      %add3A_721 = arith.constant 7 : i32
      %add3A_722 = arith.addi %mul3A_497, %add3A_721 : i32
      %dma_wait3A_723 = arith.constant 0 : i32
      %dma_wait3A_724 = tpu.memref_slice %arg7[%add3A_722, %dma_wait3A_723] : memref<80x128xi32, #tpu.memory_space<vmem>> -> memref<1x128xi32, #tpu.memory_space<vmem>>
      %dma_wait3A_725 = tpu.memref_squeeze %dma_wait3A_724 : memref<1x128xi32, #tpu.memory_space<vmem>> -> memref<128xi32, #tpu.memory_space<vmem>>
      %dma_wait3A_726 = arith.constant 0 : i32
      %dma_wait3A_727 = arith.constant 0 : i32
      %dma_wait3A_728 = tpu.memref_slice %arg2[%dma_wait3A_726, %dma_wait3A_727] : memref<10000x32xf32, #tpu.memory_space<hbm>> -> memref<10000x32xf32, #tpu.memory_space<hbm>>
      tpu.wait_indirect_dma semaphore(%arg25 : memref<!tpu.dma_semaphore, #tpu.memory_space<semaphore_mem>>) src(%dma_wait3A_728 : memref<10000x32xf32, #tpu.memory_space<hbm>>) dst(%arg16 : memref<128x32xf32, #tpu.memory_space<vmem>>)
      %dma_start3A_729 = arith.constant 0 : i32
      %dma_start3A_730 = tpu.memref_slice %arg8[%add3A_722, %dma_start3A_729] : memref<80x128xi32, #tpu.memory_space<vmem>> -> memref<1x128xi32, #tpu.memory_space<vmem>>
      %dma_start3A_731 = tpu.memref_squeeze %dma_start3A_730 : memref<1x128xi32, #tpu.memory_space<vmem>> -> memref<128xi32, #tpu.memory_space<vmem>>
      %dma_start3A_732 = arith.constant 0 : i32
      %dma_start3A_733 = arith.constant 0 : i32
      %dma_start3A_734 = tpu.memref_slice %arg17[%dma_start3A_732, %dma_start3A_733] : memref<10240x32xf32, #tpu.memory_space<vmem_shared>> -> memref<10240x32xf32, #tpu.memory_space<vmem_shared>>
      tpu.enqueue_indirect_dma source(%arg16 : memref<128x32xf32, #tpu.memory_space<vmem>>) target(%dma_start3A_734 : memref<10240x32xf32, #tpu.memory_space<vmem_shared>>) offsets(%dma_start3A_731 : memref<128xi32, #tpu.memory_space<vmem>>) semaphore(%arg33 : memref<!tpu.dma_semaphore, #tpu.memory_space<semaphore_mem>>) {add = true}
      %sub3A_735 = arith.constant 1 : i32
      %sub3A_736 = arith.subi %add3A_722, %sub3A_735 : i32
      %dma_wait3A_737 = arith.constant 0 : i32
      %dma_wait3A_738 = tpu.memref_slice %arg8[%sub3A_736, %dma_wait3A_737] : memref<80x128xi32, #tpu.memory_space<vmem>> -> memref<1x128xi32, #tpu.memory_space<vmem>>
      %dma_wait3A_739 = tpu.memref_squeeze %dma_wait3A_738 : memref<1x128xi32, #tpu.memory_space<vmem>> -> memref<128xi32, #tpu.memory_space<vmem>>
      %dma_wait3A_740 = arith.constant 0 : i32
      %dma_wait3A_741 = arith.constant 0 : i32
      %dma_wait3A_742 = tpu.memref_slice %arg17[%dma_wait3A_740, %dma_wait3A_741] : memref<10240x32xf32, #tpu.memory_space<vmem_shared>> -> memref<10240x32xf32, #tpu.memory_space<vmem_shared>>
      tpu.wait_indirect_dma semaphore(%arg32 : memref<!tpu.dma_semaphore, #tpu.memory_space<semaphore_mem>>) src(%arg15 : memref<128x32xf32, #tpu.memory_space<vmem>>) dst(%dma_wait3A_742 : memref<10240x32xf32, #tpu.memory_space<vmem_shared>>)
      %add3A_743 = arith.constant 8 : i32
      %add3A_744 = arith.addi %add3A_722, %add3A_743 : i32
      %sub3A_745 = arith.constant 1 : i32
      %sub3A_746 = arith.subi %add3A_744, %sub3A_745 : i32
      %dma_start3A_747 = arith.constant 0 : i32
      %dma_start3A_748 = tpu.memref_slice %arg7[%sub3A_746, %dma_start3A_747] : memref<80x128xi32, #tpu.memory_space<vmem>> -> memref<1x128xi32, #tpu.memory_space<vmem>>
      %dma_start3A_749 = tpu.memref_squeeze %dma_start3A_748 : memref<1x128xi32, #tpu.memory_space<vmem>> -> memref<128xi32, #tpu.memory_space<vmem>>
      %dma_start3A_750 = arith.constant 0 : i32
      %dma_start3A_751 = arith.constant 0 : i32
      %dma_start3A_752 = tpu.memref_slice %arg2[%dma_start3A_750, %dma_start3A_751] : memref<10000x32xf32, #tpu.memory_space<hbm>> -> memref<10000x32xf32, #tpu.memory_space<hbm>>
      tpu.enqueue_indirect_dma source(%dma_start3A_752 : memref<10000x32xf32, #tpu.memory_space<hbm>>) target(%arg15 : memref<128x32xf32, #tpu.memory_space<vmem>>) offsets(%dma_start3A_749 : memref<128xi32, #tpu.memory_space<vmem>>) semaphore(%arg24 : memref<!tpu.dma_semaphore, #tpu.memory_space<semaphore_mem>>)
    }
    %scan3A_311 = arith.constant 8 : i32
    %dma_wait3A_312 = arith.constant 72 : i32
    %dma_wait3A_313 = arith.constant 0 : i32
    %dma_wait3A_314 = tpu.memref_slice %arg7[%dma_wait3A_312, %dma_wait3A_313] : memref<80x128xi32, #tpu.memory_space<vmem>> -> memref<1x128xi32, #tpu.memory_space<vmem>>
    %dma_wait3A_315 = tpu.memref_squeeze %dma_wait3A_314 : memref<1x128xi32, #tpu.memory_space<vmem>> -> memref<128xi32, #tpu.memory_space<vmem>>
    %dma_wait3A_316 = arith.constant 0 : i32
    %dma_wait3A_317 = arith.constant 0 : i32
    %dma_wait3A_318 = tpu.memref_slice %arg2[%dma_wait3A_316, %dma_wait3A_317] : memref<10000x32xf32, #tpu.memory_space<hbm>> -> memref<10000x32xf32, #tpu.memory_space<hbm>>
    tpu.wait_indirect_dma semaphore(%arg18 : memref<!tpu.dma_semaphore, #tpu.memory_space<semaphore_mem>>) src(%dma_wait3A_318 : memref<10000x32xf32, #tpu.memory_space<hbm>>) dst(%arg9 : memref<128x32xf32, #tpu.memory_space<vmem>>)
    %dma_start3A_319 = arith.constant 72 : i32
    %dma_start3A_320 = arith.constant 0 : i32
    %dma_start3A_321 = tpu.memref_slice %arg8[%dma_start3A_319, %dma_start3A_320] : memref<80x128xi32, #tpu.memory_space<vmem>> -> memref<1x128xi32, #tpu.memory_space<vmem>>
    %dma_start3A_322 = tpu.memref_squeeze %dma_start3A_321 : memref<1x128xi32, #tpu.memory_space<vmem>> -> memref<128xi32, #tpu.memory_space<vmem>>
    %dma_start3A_323 = arith.constant 0 : i32
    %dma_start3A_324 = arith.constant 0 : i32
    %dma_start3A_325 = tpu.memref_slice %arg17[%dma_start3A_323, %dma_start3A_324] : memref<10240x32xf32, #tpu.memory_space<vmem_shared>> -> memref<10240x32xf32, #tpu.memory_space<vmem_shared>>
    tpu.enqueue_indirect_dma source(%arg9 : memref<128x32xf32, #tpu.memory_space<vmem>>) target(%dma_start3A_325 : memref<10240x32xf32, #tpu.memory_space<vmem_shared>>) offsets(%dma_start3A_322 : memref<128xi32, #tpu.memory_space<vmem>>) semaphore(%arg26 : memref<!tpu.dma_semaphore, #tpu.memory_space<semaphore_mem>>) {add = true}
    %dma_wait3A_326 = arith.constant 71 : i32
    %dma_wait3A_327 = arith.constant 0 : i32
    %dma_wait3A_328 = tpu.memref_slice %arg8[%dma_wait3A_326, %dma_wait3A_327] : memref<80x128xi32, #tpu.memory_space<vmem>> -> memref<1x128xi32, #tpu.memory_space<vmem>>
    %dma_wait3A_329 = tpu.memref_squeeze %dma_wait3A_328 : memref<1x128xi32, #tpu.memory_space<vmem>> -> memref<128xi32, #tpu.memory_space<vmem>>
    %dma_wait3A_330 = arith.constant 0 : i32
    %dma_wait3A_331 = arith.constant 0 : i32
    %dma_wait3A_332 = tpu.memref_slice %arg17[%dma_wait3A_330, %dma_wait3A_331] : memref<10240x32xf32, #tpu.memory_space<vmem_shared>> -> memref<10240x32xf32, #tpu.memory_space<vmem_shared>>
    tpu.wait_indirect_dma semaphore(%arg33 : memref<!tpu.dma_semaphore, #tpu.memory_space<semaphore_mem>>) src(%arg16 : memref<128x32xf32, #tpu.memory_space<vmem>>) dst(%dma_wait3A_332 : memref<10240x32xf32, #tpu.memory_space<vmem_shared>>)
    %dma_start3A_333 = arith.constant 79 : i32
    %dma_start3A_334 = arith.constant 0 : i32
    %dma_start3A_335 = tpu.memref_slice %arg7[%dma_start3A_333, %dma_start3A_334] : memref<80x128xi32, #tpu.memory_space<vmem>> -> memref<1x128xi32, #tpu.memory_space<vmem>>
    %dma_start3A_336 = tpu.memref_squeeze %dma_start3A_335 : memref<1x128xi32, #tpu.memory_space<vmem>> -> memref<128xi32, #tpu.memory_space<vmem>>
    %dma_start3A_337 = arith.constant 0 : i32
    %dma_start3A_338 = arith.constant 0 : i32
    %dma_start3A_339 = tpu.memref_slice %arg2[%dma_start3A_337, %dma_start3A_338] : memref<10000x32xf32, #tpu.memory_space<hbm>> -> memref<10000x32xf32, #tpu.memory_space<hbm>>
    tpu.enqueue_indirect_dma source(%dma_start3A_339 : memref<10000x32xf32, #tpu.memory_space<hbm>>) target(%arg16 : memref<128x32xf32, #tpu.memory_space<vmem>>) offsets(%dma_start3A_336 : memref<128xi32, #tpu.memory_space<vmem>>) semaphore(%arg25 : memref<!tpu.dma_semaphore, #tpu.memory_space<semaphore_mem>>)
    %dma_wait3A_340 = arith.constant 73 : i32
    %dma_wait3A_341 = arith.constant 0 : i32
    %dma_wait3A_342 = tpu.memref_slice %arg7[%dma_wait3A_340, %dma_wait3A_341] : memref<80x128xi32, #tpu.memory_space<vmem>> -> memref<1x128xi32, #tpu.memory_space<vmem>>
    %dma_wait3A_343 = tpu.memref_squeeze %dma_wait3A_342 : memref<1x128xi32, #tpu.memory_space<vmem>> -> memref<128xi32, #tpu.memory_space<vmem>>
    %dma_wait3A_344 = arith.constant 0 : i32
    %dma_wait3A_345 = arith.constant 0 : i32
    %dma_wait3A_346 = tpu.memref_slice %arg2[%dma_wait3A_344, %dma_wait3A_345] : memref<10000x32xf32, #tpu.memory_space<hbm>> -> memref<10000x32xf32, #tpu.memory_space<hbm>>
    tpu.wait_indirect_dma semaphore(%arg19 : memref<!tpu.dma_semaphore, #tpu.memory_space<semaphore_mem>>) src(%dma_wait3A_346 : memref<10000x32xf32, #tpu.memory_space<hbm>>) dst(%arg10 : memref<128x32xf32, #tpu.memory_space<vmem>>)
    %dma_start3A_347 = arith.constant 73 : i32
    %dma_start3A_348 = arith.constant 0 : i32
    %dma_start3A_349 = tpu.memref_slice %arg8[%dma_start3A_347, %dma_start3A_348] : memref<80x128xi32, #tpu.memory_space<vmem>> -> memref<1x128xi32, #tpu.memory_space<vmem>>
    %dma_start3A_350 = tpu.memref_squeeze %dma_start3A_349 : memref<1x128xi32, #tpu.memory_space<vmem>> -> memref<128xi32, #tpu.memory_space<vmem>>
    %dma_start3A_351 = arith.constant 0 : i32
    %dma_start3A_352 = arith.constant 0 : i32
    %dma_start3A_353 = tpu.memref_slice %arg17[%dma_start3A_351, %dma_start3A_352] : memref<10240x32xf32, #tpu.memory_space<vmem_shared>> -> memref<10240x32xf32, #tpu.memory_space<vmem_shared>>
    tpu.enqueue_indirect_dma source(%arg10 : memref<128x32xf32, #tpu.memory_space<vmem>>) target(%dma_start3A_353 : memref<10240x32xf32, #tpu.memory_space<vmem_shared>>) offsets(%dma_start3A_350 : memref<128xi32, #tpu.memory_space<vmem>>) semaphore(%arg27 : memref<!tpu.dma_semaphore, #tpu.memory_space<semaphore_mem>>) {add = true}
    %dma_wait3A_354 = arith.constant 72 : i32
    %dma_wait3A_355 = arith.constant 0 : i32
    %dma_wait3A_356 = tpu.memref_slice %arg8[%dma_wait3A_354, %dma_wait3A_355] : memref<80x128xi32, #tpu.memory_space<vmem>> -> memref<1x128xi32, #tpu.memory_space<vmem>>
    %dma_wait3A_357 = tpu.memref_squeeze %dma_wait3A_356 : memref<1x128xi32, #tpu.memory_space<vmem>> -> memref<128xi32, #tpu.memory_space<vmem>>
    %dma_wait3A_358 = arith.constant 0 : i32
    %dma_wait3A_359 = arith.constant 0 : i32
    %dma_wait3A_360 = tpu.memref_slice %arg17[%dma_wait3A_358, %dma_wait3A_359] : memref<10240x32xf32, #tpu.memory_space<vmem_shared>> -> memref<10240x32xf32, #tpu.memory_space<vmem_shared>>
    tpu.wait_indirect_dma semaphore(%arg26 : memref<!tpu.dma_semaphore, #tpu.memory_space<semaphore_mem>>) src(%arg9 : memref<128x32xf32, #tpu.memory_space<vmem>>) dst(%dma_wait3A_360 : memref<10240x32xf32, #tpu.memory_space<vmem_shared>>)
    %dma_wait3A_361 = arith.constant 74 : i32
    %dma_wait3A_362 = arith.constant 0 : i32
    %dma_wait3A_363 = tpu.memref_slice %arg7[%dma_wait3A_361, %dma_wait3A_362] : memref<80x128xi32, #tpu.memory_space<vmem>> -> memref<1x128xi32, #tpu.memory_space<vmem>>
    %dma_wait3A_364 = tpu.memref_squeeze %dma_wait3A_363 : memref<1x128xi32, #tpu.memory_space<vmem>> -> memref<128xi32, #tpu.memory_space<vmem>>
    %dma_wait3A_365 = arith.constant 0 : i32
    %dma_wait3A_366 = arith.constant 0 : i32
    %dma_wait3A_367 = tpu.memref_slice %arg2[%dma_wait3A_365, %dma_wait3A_366] : memref<10000x32xf32, #tpu.memory_space<hbm>> -> memref<10000x32xf32, #tpu.memory_space<hbm>>
    tpu.wait_indirect_dma semaphore(%arg20 : memref<!tpu.dma_semaphore, #tpu.memory_space<semaphore_mem>>) src(%dma_wait3A_367 : memref<10000x32xf32, #tpu.memory_space<hbm>>) dst(%arg11 : memref<128x32xf32, #tpu.memory_space<vmem>>)
    %dma_start3A_368 = arith.constant 74 : i32
    %dma_start3A_369 = arith.constant 0 : i32
    %dma_start3A_370 = tpu.memref_slice %arg8[%dma_start3A_368, %dma_start3A_369] : memref<80x128xi32, #tpu.memory_space<vmem>> -> memref<1x128xi32, #tpu.memory_space<vmem>>
    %dma_start3A_371 = tpu.memref_squeeze %dma_start3A_370 : memref<1x128xi32, #tpu.memory_space<vmem>> -> memref<128xi32, #tpu.memory_space<vmem>>
    %dma_start3A_372 = arith.constant 0 : i32
    %dma_start3A_373 = arith.constant 0 : i32
    %dma_start3A_374 = tpu.memref_slice %arg17[%dma_start3A_372, %dma_start3A_373] : memref<10240x32xf32, #tpu.memory_space<vmem_shared>> -> memref<10240x32xf32, #tpu.memory_space<vmem_shared>>
    tpu.enqueue_indirect_dma source(%arg11 : memref<128x32xf32, #tpu.memory_space<vmem>>) target(%dma_start3A_374 : memref<10240x32xf32, #tpu.memory_space<vmem_shared>>) offsets(%dma_start3A_371 : memref<128xi32, #tpu.memory_space<vmem>>) semaphore(%arg28 : memref<!tpu.dma_semaphore, #tpu.memory_space<semaphore_mem>>) {add = true}
    %dma_wait3A_375 = arith.constant 73 : i32
    %dma_wait3A_376 = arith.constant 0 : i32
    %dma_wait3A_377 = tpu.memref_slice %arg8[%dma_wait3A_375, %dma_wait3A_376] : memref<80x128xi32, #tpu.memory_space<vmem>> -> memref<1x128xi32, #tpu.memory_space<vmem>>
    %dma_wait3A_378 = tpu.memref_squeeze %dma_wait3A_377 : memref<1x128xi32, #tpu.memory_space<vmem>> -> memref<128xi32, #tpu.memory_space<vmem>>
    %dma_wait3A_379 = arith.constant 0 : i32
    %dma_wait3A_380 = arith.constant 0 : i32
    %dma_wait3A_381 = tpu.memref_slice %arg17[%dma_wait3A_379, %dma_wait3A_380] : memref<10240x32xf32, #tpu.memory_space<vmem_shared>> -> memref<10240x32xf32, #tpu.memory_space<vmem_shared>>
    tpu.wait_indirect_dma semaphore(%arg27 : memref<!tpu.dma_semaphore, #tpu.memory_space<semaphore_mem>>) src(%arg10 : memref<128x32xf32, #tpu.memory_space<vmem>>) dst(%dma_wait3A_381 : memref<10240x32xf32, #tpu.memory_space<vmem_shared>>)
    %dma_wait3A_382 = arith.constant 75 : i32
    %dma_wait3A_383 = arith.constant 0 : i32
    %dma_wait3A_384 = tpu.memref_slice %arg7[%dma_wait3A_382, %dma_wait3A_383] : memref<80x128xi32, #tpu.memory_space<vmem>> -> memref<1x128xi32, #tpu.memory_space<vmem>>
    %dma_wait3A_385 = tpu.memref_squeeze %dma_wait3A_384 : memref<1x128xi32, #tpu.memory_space<vmem>> -> memref<128xi32, #tpu.memory_space<vmem>>
    %dma_wait3A_386 = arith.constant 0 : i32
    %dma_wait3A_387 = arith.constant 0 : i32
    %dma_wait3A_388 = tpu.memref_slice %arg2[%dma_wait3A_386, %dma_wait3A_387] : memref<10000x32xf32, #tpu.memory_space<hbm>> -> memref<10000x32xf32, #tpu.memory_space<hbm>>
    tpu.wait_indirect_dma semaphore(%arg21 : memref<!tpu.dma_semaphore, #tpu.memory_space<semaphore_mem>>) src(%dma_wait3A_388 : memref<10000x32xf32, #tpu.memory_space<hbm>>) dst(%arg12 : memref<128x32xf32, #tpu.memory_space<vmem>>)
    %dma_start3A_389 = arith.constant 75 : i32
    %dma_start3A_390 = arith.constant 0 : i32
    %dma_start3A_391 = tpu.memref_slice %arg8[%dma_start3A_389, %dma_start3A_390] : memref<80x128xi32, #tpu.memory_space<vmem>> -> memref<1x128xi32, #tpu.memory_space<vmem>>
    %dma_start3A_392 = tpu.memref_squeeze %dma_start3A_391 : memref<1x128xi32, #tpu.memory_space<vmem>> -> memref<128xi32, #tpu.memory_space<vmem>>
    %dma_start3A_393 = arith.constant 0 : i32
    %dma_start3A_394 = arith.constant 0 : i32
    %dma_start3A_395 = tpu.memref_slice %arg17[%dma_start3A_393, %dma_start3A_394] : memref<10240x32xf32, #tpu.memory_space<vmem_shared>> -> memref<10240x32xf32, #tpu.memory_space<vmem_shared>>
    tpu.enqueue_indirect_dma source(%arg12 : memref<128x32xf32, #tpu.memory_space<vmem>>) target(%dma_start3A_395 : memref<10240x32xf32, #tpu.memory_space<vmem_shared>>) offsets(%dma_start3A_392 : memref<128xi32, #tpu.memory_space<vmem>>) semaphore(%arg29 : memref<!tpu.dma_semaphore, #tpu.memory_space<semaphore_mem>>) {add = true}
    %dma_wait3A_396 = arith.constant 74 : i32
    %dma_wait3A_397 = arith.constant 0 : i32
    %dma_wait3A_398 = tpu.memref_slice %arg8[%dma_wait3A_396, %dma_wait3A_397] : memref<80x128xi32, #tpu.memory_space<vmem>> -> memref<1x128xi32, #tpu.memory_space<vmem>>
    %dma_wait3A_399 = tpu.memref_squeeze %dma_wait3A_398 : memref<1x128xi32, #tpu.memory_space<vmem>> -> memref<128xi32, #tpu.memory_space<vmem>>
    %dma_wait3A_400 = arith.constant 0 : i32
    %dma_wait3A_401 = arith.constant 0 : i32
    %dma_wait3A_402 = tpu.memref_slice %arg17[%dma_wait3A_400, %dma_wait3A_401] : memref<10240x32xf32, #tpu.memory_space<vmem_shared>> -> memref<10240x32xf32, #tpu.memory_space<vmem_shared>>
    tpu.wait_indirect_dma semaphore(%arg28 : memref<!tpu.dma_semaphore, #tpu.memory_space<semaphore_mem>>) src(%arg11 : memref<128x32xf32, #tpu.memory_space<vmem>>) dst(%dma_wait3A_402 : memref<10240x32xf32, #tpu.memory_space<vmem_shared>>)
    %dma_wait3A_403 = arith.constant 76 : i32
    %dma_wait3A_404 = arith.constant 0 : i32
    %dma_wait3A_405 = tpu.memref_slice %arg7[%dma_wait3A_403, %dma_wait3A_404] : memref<80x128xi32, #tpu.memory_space<vmem>> -> memref<1x128xi32, #tpu.memory_space<vmem>>
    %dma_wait3A_406 = tpu.memref_squeeze %dma_wait3A_405 : memref<1x128xi32, #tpu.memory_space<vmem>> -> memref<128xi32, #tpu.memory_space<vmem>>
    %dma_wait3A_407 = arith.constant 0 : i32
    %dma_wait3A_408 = arith.constant 0 : i32
    %dma_wait3A_409 = tpu.memref_slice %arg2[%dma_wait3A_407, %dma_wait3A_408] : memref<10000x32xf32, #tpu.memory_space<hbm>> -> memref<10000x32xf32, #tpu.memory_space<hbm>>
    tpu.wait_indirect_dma semaphore(%arg22 : memref<!tpu.dma_semaphore, #tpu.memory_space<semaphore_mem>>) src(%dma_wait3A_409 : memref<10000x32xf32, #tpu.memory_space<hbm>>) dst(%arg13 : memref<128x32xf32, #tpu.memory_space<vmem>>)
    %dma_start3A_410 = arith.constant 76 : i32
    %dma_start3A_411 = arith.constant 0 : i32
    %dma_start3A_412 = tpu.memref_slice %arg8[%dma_start3A_410, %dma_start3A_411] : memref<80x128xi32, #tpu.memory_space<vmem>> -> memref<1x128xi32, #tpu.memory_space<vmem>>
    %dma_start3A_413 = tpu.memref_squeeze %dma_start3A_412 : memref<1x128xi32, #tpu.memory_space<vmem>> -> memref<128xi32, #tpu.memory_space<vmem>>
    %dma_start3A_414 = arith.constant 0 : i32
    %dma_start3A_415 = arith.constant 0 : i32
    %dma_start3A_416 = tpu.memref_slice %arg17[%dma_start3A_414, %dma_start3A_415] : memref<10240x32xf32, #tpu.memory_space<vmem_shared>> -> memref<10240x32xf32, #tpu.memory_space<vmem_shared>>
    tpu.enqueue_indirect_dma source(%arg13 : memref<128x32xf32, #tpu.memory_space<vmem>>) target(%dma_start3A_416 : memref<10240x32xf32, #tpu.memory_space<vmem_shared>>) offsets(%dma_start3A_413 : memref<128xi32, #tpu.memory_space<vmem>>) semaphore(%arg30 : memref<!tpu.dma_semaphore, #tpu.memory_space<semaphore_mem>>) {add = true}
    %dma_wait3A_417 = arith.constant 75 : i32
    %dma_wait3A_418 = arith.constant 0 : i32
    %dma_wait3A_419 = tpu.memref_slice %arg8[%dma_wait3A_417, %dma_wait3A_418] : memref<80x128xi32, #tpu.memory_space<vmem>> -> memref<1x128xi32, #tpu.memory_space<vmem>>
    %dma_wait3A_420 = tpu.memref_squeeze %dma_wait3A_419 : memref<1x128xi32, #tpu.memory_space<vmem>> -> memref<128xi32, #tpu.memory_space<vmem>>
    %dma_wait3A_421 = arith.constant 0 : i32
    %dma_wait3A_422 = arith.constant 0 : i32
    %dma_wait3A_423 = tpu.memref_slice %arg17[%dma_wait3A_421, %dma_wait3A_422] : memref<10240x32xf32, #tpu.memory_space<vmem_shared>> -> memref<10240x32xf32, #tpu.memory_space<vmem_shared>>
    tpu.wait_indirect_dma semaphore(%arg29 : memref<!tpu.dma_semaphore, #tpu.memory_space<semaphore_mem>>) src(%arg12 : memref<128x32xf32, #tpu.memory_space<vmem>>) dst(%dma_wait3A_423 : memref<10240x32xf32, #tpu.memory_space<vmem_shared>>)
    %dma_wait3A_424 = arith.constant 77 : i32
    %dma_wait3A_425 = arith.constant 0 : i32
    %dma_wait3A_426 = tpu.memref_slice %arg7[%dma_wait3A_424, %dma_wait3A_425] : memref<80x128xi32, #tpu.memory_space<vmem>> -> memref<1x128xi32, #tpu.memory_space<vmem>>
    %dma_wait3A_427 = tpu.memref_squeeze %dma_wait3A_426 : memref<1x128xi32, #tpu.memory_space<vmem>> -> memref<128xi32, #tpu.memory_space<vmem>>
    %dma_wait3A_428 = arith.constant 0 : i32
    %dma_wait3A_429 = arith.constant 0 : i32
    %dma_wait3A_430 = tpu.memref_slice %arg2[%dma_wait3A_428, %dma_wait3A_429] : memref<10000x32xf32, #tpu.memory_space<hbm>> -> memref<10000x32xf32, #tpu.memory_space<hbm>>
    tpu.wait_indirect_dma semaphore(%arg23 : memref<!tpu.dma_semaphore, #tpu.memory_space<semaphore_mem>>) src(%dma_wait3A_430 : memref<10000x32xf32, #tpu.memory_space<hbm>>) dst(%arg14 : memref<128x32xf32, #tpu.memory_space<vmem>>)
    %dma_start3A_431 = arith.constant 77 : i32
    %dma_start3A_432 = arith.constant 0 : i32
    %dma_start3A_433 = tpu.memref_slice %arg8[%dma_start3A_431, %dma_start3A_432] : memref<80x128xi32, #tpu.memory_space<vmem>> -> memref<1x128xi32, #tpu.memory_space<vmem>>
    %dma_start3A_434 = tpu.memref_squeeze %dma_start3A_433 : memref<1x128xi32, #tpu.memory_space<vmem>> -> memref<128xi32, #tpu.memory_space<vmem>>
    %dma_start3A_435 = arith.constant 0 : i32
    %dma_start3A_436 = arith.constant 0 : i32
    %dma_start3A_437 = tpu.memref_slice %arg17[%dma_start3A_435, %dma_start3A_436] : memref<10240x32xf32, #tpu.memory_space<vmem_shared>> -> memref<10240x32xf32, #tpu.memory_space<vmem_shared>>
    tpu.enqueue_indirect_dma source(%arg14 : memref<128x32xf32, #tpu.memory_space<vmem>>) target(%dma_start3A_437 : memref<10240x32xf32, #tpu.memory_space<vmem_shared>>) offsets(%dma_start3A_434 : memref<128xi32, #tpu.memory_space<vmem>>) semaphore(%arg31 : memref<!tpu.dma_semaphore, #tpu.memory_space<semaphore_mem>>) {add = true}
    %dma_wait3A_438 = arith.constant 76 : i32
    %dma_wait3A_439 = arith.constant 0 : i32
    %dma_wait3A_440 = tpu.memref_slice %arg8[%dma_wait3A_438, %dma_wait3A_439] : memref<80x128xi32, #tpu.memory_space<vmem>> -> memref<1x128xi32, #tpu.memory_space<vmem>>
    %dma_wait3A_441 = tpu.memref_squeeze %dma_wait3A_440 : memref<1x128xi32, #tpu.memory_space<vmem>> -> memref<128xi32, #tpu.memory_space<vmem>>
    %dma_wait3A_442 = arith.constant 0 : i32
    %dma_wait3A_443 = arith.constant 0 : i32
    %dma_wait3A_444 = tpu.memref_slice %arg17[%dma_wait3A_442, %dma_wait3A_443] : memref<10240x32xf32, #tpu.memory_space<vmem_shared>> -> memref<10240x32xf32, #tpu.memory_space<vmem_shared>>
    tpu.wait_indirect_dma semaphore(%arg30 : memref<!tpu.dma_semaphore, #tpu.memory_space<semaphore_mem>>) src(%arg13 : memref<128x32xf32, #tpu.memory_space<vmem>>) dst(%dma_wait3A_444 : memref<10240x32xf32, #tpu.memory_space<vmem_shared>>)
    %dma_wait3A_445 = arith.constant 78 : i32
    %dma_wait3A_446 = arith.constant 0 : i32
    %dma_wait3A_447 = tpu.memref_slice %arg7[%dma_wait3A_445, %dma_wait3A_446] : memref<80x128xi32, #tpu.memory_space<vmem>> -> memref<1x128xi32, #tpu.memory_space<vmem>>
    %dma_wait3A_448 = tpu.memref_squeeze %dma_wait3A_447 : memref<1x128xi32, #tpu.memory_space<vmem>> -> memref<128xi32, #tpu.memory_space<vmem>>
    %dma_wait3A_449 = arith.constant 0 : i32
    %dma_wait3A_450 = arith.constant 0 : i32
    %dma_wait3A_451 = tpu.memref_slice %arg2[%dma_wait3A_449, %dma_wait3A_450] : memref<10000x32xf32, #tpu.memory_space<hbm>> -> memref<10000x32xf32, #tpu.memory_space<hbm>>
    tpu.wait_indirect_dma semaphore(%arg24 : memref<!tpu.dma_semaphore, #tpu.memory_space<semaphore_mem>>) src(%dma_wait3A_451 : memref<10000x32xf32, #tpu.memory_space<hbm>>) dst(%arg15 : memref<128x32xf32, #tpu.memory_space<vmem>>)
    %dma_start3A_452 = arith.constant 78 : i32
    %dma_start3A_453 = arith.constant 0 : i32
    %dma_start3A_454 = tpu.memref_slice %arg8[%dma_start3A_452, %dma_start3A_453] : memref<80x128xi32, #tpu.memory_space<vmem>> -> memref<1x128xi32, #tpu.memory_space<vmem>>
    %dma_start3A_455 = tpu.memref_squeeze %dma_start3A_454 : memref<1x128xi32, #tpu.memory_space<vmem>> -> memref<128xi32, #tpu.memory_space<vmem>>
    %dma_start3A_456 = arith.constant 0 : i32
    %dma_start3A_457 = arith.constant 0 : i32
    %dma_start3A_458 = tpu.memref_slice %arg17[%dma_start3A_456, %dma_start3A_457] : memref<10240x32xf32, #tpu.memory_space<vmem_shared>> -> memref<10240x32xf32, #tpu.memory_space<vmem_shared>>
    tpu.enqueue_indirect_dma source(%arg15 : memref<128x32xf32, #tpu.memory_space<vmem>>) target(%dma_start3A_458 : memref<10240x32xf32, #tpu.memory_space<vmem_shared>>) offsets(%dma_start3A_455 : memref<128xi32, #tpu.memory_space<vmem>>) semaphore(%arg32 : memref<!tpu.dma_semaphore, #tpu.memory_space<semaphore_mem>>) {add = true}
    %dma_wait3A_459 = arith.constant 77 : i32
    %dma_wait3A_460 = arith.constant 0 : i32
    %dma_wait3A_461 = tpu.memref_slice %arg8[%dma_wait3A_459, %dma_wait3A_460] : memref<80x128xi32, #tpu.memory_space<vmem>> -> memref<1x128xi32, #tpu.memory_space<vmem>>
    %dma_wait3A_462 = tpu.memref_squeeze %dma_wait3A_461 : memref<1x128xi32, #tpu.memory_space<vmem>> -> memref<128xi32, #tpu.memory_space<vmem>>
    %dma_wait3A_463 = arith.constant 0 : i32
    %dma_wait3A_464 = arith.constant 0 : i32
    %dma_wait3A_465 = tpu.memref_slice %arg17[%dma_wait3A_463, %dma_wait3A_464] : memref<10240x32xf32, #tpu.memory_space<vmem_shared>> -> memref<10240x32xf32, #tpu.memory_space<vmem_shared>>
    tpu.wait_indirect_dma semaphore(%arg31 : memref<!tpu.dma_semaphore, #tpu.memory_space<semaphore_mem>>) src(%arg14 : memref<128x32xf32, #tpu.memory_space<vmem>>) dst(%dma_wait3A_465 : memref<10240x32xf32, #tpu.memory_space<vmem_shared>>)
    %dma_wait3A_466 = arith.constant 79 : i32
    %dma_wait3A_467 = arith.constant 0 : i32
    %dma_wait3A_468 = tpu.memref_slice %arg7[%dma_wait3A_466, %dma_wait3A_467] : memref<80x128xi32, #tpu.memory_space<vmem>> -> memref<1x128xi32, #tpu.memory_space<vmem>>
    %dma_wait3A_469 = tpu.memref_squeeze %dma_wait3A_468 : memref<1x128xi32, #tpu.memory_space<vmem>> -> memref<128xi32, #tpu.memory_space<vmem>>
    %dma_wait3A_470 = arith.constant 0 : i32
    %dma_wait3A_471 = arith.constant 0 : i32
    %dma_wait3A_472 = tpu.memref_slice %arg2[%dma_wait3A_470, %dma_wait3A_471] : memref<10000x32xf32, #tpu.memory_space<hbm>> -> memref<10000x32xf32, #tpu.memory_space<hbm>>
    tpu.wait_indirect_dma semaphore(%arg25 : memref<!tpu.dma_semaphore, #tpu.memory_space<semaphore_mem>>) src(%dma_wait3A_472 : memref<10000x32xf32, #tpu.memory_space<hbm>>) dst(%arg16 : memref<128x32xf32, #tpu.memory_space<vmem>>)
    %dma_start3A_473 = arith.constant 79 : i32
    %dma_start3A_474 = arith.constant 0 : i32
    %dma_start3A_475 = tpu.memref_slice %arg8[%dma_start3A_473, %dma_start3A_474] : memref<80x128xi32, #tpu.memory_space<vmem>> -> memref<1x128xi32, #tpu.memory_space<vmem>>
    %dma_start3A_476 = tpu.memref_squeeze %dma_start3A_475 : memref<1x128xi32, #tpu.memory_space<vmem>> -> memref<128xi32, #tpu.memory_space<vmem>>
    %dma_start3A_477 = arith.constant 0 : i32
    %dma_start3A_478 = arith.constant 0 : i32
    %dma_start3A_479 = tpu.memref_slice %arg17[%dma_start3A_477, %dma_start3A_478] : memref<10240x32xf32, #tpu.memory_space<vmem_shared>> -> memref<10240x32xf32, #tpu.memory_space<vmem_shared>>
    tpu.enqueue_indirect_dma source(%arg16 : memref<128x32xf32, #tpu.memory_space<vmem>>) target(%dma_start3A_479 : memref<10240x32xf32, #tpu.memory_space<vmem_shared>>) offsets(%dma_start3A_476 : memref<128xi32, #tpu.memory_space<vmem>>) semaphore(%arg33 : memref<!tpu.dma_semaphore, #tpu.memory_space<semaphore_mem>>) {add = true}
    %dma_wait3A_480 = arith.constant 78 : i32
    %dma_wait3A_481 = arith.constant 0 : i32
    %dma_wait3A_482 = tpu.memref_slice %arg8[%dma_wait3A_480, %dma_wait3A_481] : memref<80x128xi32, #tpu.memory_space<vmem>> -> memref<1x128xi32, #tpu.memory_space<vmem>>
    %dma_wait3A_483 = tpu.memref_squeeze %dma_wait3A_482 : memref<1x128xi32, #tpu.memory_space<vmem>> -> memref<128xi32, #tpu.memory_space<vmem>>
    %dma_wait3A_484 = arith.constant 0 : i32
    %dma_wait3A_485 = arith.constant 0 : i32
    %dma_wait3A_486 = tpu.memref_slice %arg17[%dma_wait3A_484, %dma_wait3A_485] : memref<10240x32xf32, #tpu.memory_space<vmem_shared>> -> memref<10240x32xf32, #tpu.memory_space<vmem_shared>>
    tpu.wait_indirect_dma semaphore(%arg32 : memref<!tpu.dma_semaphore, #tpu.memory_space<semaphore_mem>>) src(%arg15 : memref<128x32xf32, #tpu.memory_space<vmem>>) dst(%dma_wait3A_486 : memref<10240x32xf32, #tpu.memory_space<vmem_shared>>)
    %dma_wait3A_487 = arith.constant 79 : i32
    %dma_wait3A_488 = arith.constant 0 : i32
    %dma_wait3A_489 = tpu.memref_slice %arg8[%dma_wait3A_487, %dma_wait3A_488] : memref<80x128xi32, #tpu.memory_space<vmem>> -> memref<1x128xi32, #tpu.memory_space<vmem>>
    %dma_wait3A_490 = tpu.memref_squeeze %dma_wait3A_489 : memref<1x128xi32, #tpu.memory_space<vmem>> -> memref<128xi32, #tpu.memory_space<vmem>>
    %dma_wait3A_491 = arith.constant 0 : i32
    %dma_wait3A_492 = arith.constant 0 : i32
    %dma_wait3A_493 = tpu.memref_slice %arg17[%dma_wait3A_491, %dma_wait3A_492] : memref<10240x32xf32, #tpu.memory_space<vmem_shared>> -> memref<10240x32xf32, #tpu.memory_space<vmem_shared>>
    tpu.wait_indirect_dma semaphore(%arg33 : memref<!tpu.dma_semaphore, #tpu.memory_space<semaphore_mem>>) src(%arg16 : memref<128x32xf32, #tpu.memory_space<vmem>>) dst(%dma_wait3A_493 : memref<10240x32xf32, #tpu.memory_space<vmem_shared>>)
    %barrier3A_494 = arith.constant 0 : index
    tpu.barrier barrier_id(%barrier3A_494)
    "tpu.region"() ({
      %run_scoped3A = tpu.sem_alloc : memref<!tpu.dma_semaphore, #tpu.memory_space<semaphore_mem>>
      %dma_start3A_495 = arith.constant 0 : i32
      %dma_start3A_496 = tpu.memref_slice %arg6[%arg0, %mul3A_2, %dma_start3A_495] : memref<2x10240x32xf32, #tpu.memory_space<hbm>> -> memref<1x640x32xf32, #tpu.memory_space<hbm>>
      %dma_start3A_497 = tpu.memref_squeeze %dma_start3A_496 : memref<1x640x32xf32, #tpu.memory_space<hbm>> -> memref<640x32xf32, #tpu.memory_space<hbm>>
      %dma_start3A_498 = arith.constant 0 : i32
      %dma_start3A_499 = tpu.memref_slice %arg17[%mul3A_2, %dma_start3A_498] : memref<10240x32xf32, #tpu.memory_space<vmem_shared>> -> memref<640x32xf32, #tpu.memory_space<vmem_shared>>
      tpu.enqueue_dma source(%dma_start3A_499 : memref<640x32xf32, #tpu.memory_space<vmem_shared>>) target(%dma_start3A_497 : memref<640x32xf32, #tpu.memory_space<hbm>>) target_semaphore(%run_scoped3A : memref<!tpu.dma_semaphore, #tpu.memory_space<semaphore_mem>>)
      %dma_wait3A_500 = arith.constant 0 : i32
      %dma_wait3A_501 = tpu.memref_slice %arg6[%arg0, %mul3A_2, %dma_wait3A_500] : memref<2x10240x32xf32, #tpu.memory_space<hbm>> -> memref<1x640x32xf32, #tpu.memory_space<hbm>>
      %dma_wait3A_502 = tpu.memref_squeeze %dma_wait3A_501 : memref<1x640x32xf32, #tpu.memory_space<hbm>> -> memref<640x32xf32, #tpu.memory_space<hbm>>
      %dma_wait3A_503 = arith.constant 0 : i32
      %dma_wait3A_504 = tpu.memref_slice %arg17[%mul3A_2, %dma_wait3A_503] : memref<10240x32xf32, #tpu.memory_space<vmem_shared>> -> memref<640x32xf32, #tpu.memory_space<vmem_shared>>
      tpu.wait_dma2 semaphore(%run_scoped3A : memref<!tpu.dma_semaphore, #tpu.memory_space<semaphore_mem>>) src(%dma_wait3A_504 : memref<640x32xf32, #tpu.memory_space<vmem_shared>>) dst(%dma_wait3A_502 : memref<640x32xf32, #tpu.memory_space<hbm>>)
      tpu.yield
    }) : () -> ()
    return
  }
}

#map = affine_map<(d0, d1) -> (0, 0)>
#map1 = affine_map<(d0, d1) -> (0, 0, 0)>
module attributes {stable_mosaic.version = 14 : i64} {
  func.func @body(%arg0: i32, %arg1: i32, %arg2: memref<10000x32xf32, #tpu.memory_space<hbm>>, %arg3: memref<32x80x128xi32, #tpu.memory_space<hbm>>, %arg4: memref<32x80x128xi32, #tpu.memory_space<hbm>>, %arg5: memref<10240x32xf32, #tpu.memory_space<hbm>>, %arg6: memref<2x10240x32xf32, #tpu.memory_space<hbm>>, %arg7: memref<80x128xi32, #tpu.memory_space<vmem>>, %arg8: memref<80x128xi32, #tpu.memory_space<vmem>>, %arg9: memref<128x32xf32, #tpu.memory_space<vmem>>, %arg10: memref<128x32xf32, #tpu.memory_space<vmem>>, %arg11: memref<128x32xf32, #tpu.memory_space<vmem>>, %arg12: memref<128x32xf32, #tpu.memory_space<vmem>>, %arg13: memref<128x32xf32, #tpu.memory_space<vmem>>, %arg14: memref<128x32xf32, #tpu.memory_space<vmem>>, %arg15: memref<128x32xf32, #tpu.memory_space<vmem>>, %arg16: memref<128x32xf32, #tpu.memory_space<vmem>>, %arg17: memref<10240x32xf32, #tpu.memory_space<vmem_shared>>, %arg18: memref<!tpu.dma_semaphore, #tpu.memory_space<semaphore_mem>>, %arg19: memref<!tpu.dma_semaphore, #tpu.memory_space<semaphore_mem>>, %arg20: memref<!tpu.dma_semaphore, #tpu.memory_space<semaphore_mem>>, %arg21: memref<!tpu.dma_semaphore, #tpu.memory_space<semaphore_mem>>, %arg22: memref<!tpu.dma_semaphore, #tpu.memory_space<semaphore_mem>>, %arg23: memref<!tpu.dma_semaphore, #tpu.memory_space<semaphore_mem>>, %arg24: memref<!tpu.dma_semaphore, #tpu.memory_space<semaphore_mem>>, %arg25: memref<!tpu.dma_semaphore, #tpu.memory_space<semaphore_mem>>, %arg26: memref<!tpu.dma_semaphore, #tpu.memory_space<semaphore_mem>>, %arg27: memref<!tpu.dma_semaphore, #tpu.memory_space<semaphore_mem>>, %arg28: memref<!tpu.dma_semaphore, #tpu.memory_space<semaphore_mem>>, %arg29: memref<!tpu.dma_semaphore, #tpu.memory_space<semaphore_mem>>, %arg30: memref<!tpu.dma_semaphore, #tpu.memory_space<semaphore_mem>>, %arg31: memref<!tpu.dma_semaphore, #tpu.memory_space<semaphore_mem>>, %arg32: memref<!tpu.dma_semaphore, #tpu.memory_space<semaphore_mem>>, %arg33: memref<!tpu.dma_semaphore, #tpu.memory_space<semaphore_mem>>) attributes {dimension_semantics = [#tpu.dimension_semantics<core_parallel>, #tpu.dimension_semantics<subcore_parallel>], iteration_bounds = array<i64: 2, 16>, scalar_prefetch = 0 : i64, scratch_operands = 27 : i64, tpu.core_type = #tpu.core_type<sc_vector_subcore>, window_params = [{transform_indices = #map}, {transform_indices = #map1}, {transform_indices = #map1}, {transform_indices = #map}, {transform_indices = #map1}]} {
    %mul3A = arith.constant 2 : i32
    %mul3A_0 = arith.muli %arg1, %mul3A : i32
    %add3A = arith.addi %mul3A_0, %arg0 : i32
    %mul3A_1 = arith.constant 640 : i32
    %mul3A_2 = arith.muli %arg1, %mul3A_1 : i32
    %dma_start3A = arith.constant 0 : i32
    %dma_start3A_3 = tpu.memref_slice %arg17[%mul3A_2, %dma_start3A] : memref<10240x32xf32, #tpu.memory_space<vmem_shared>> -> memref<640x32xf32, #tpu.memory_space<vmem_shared>>
    %dma_start3A_4 = arith.constant 0 : i32
    %dma_start3A_5 = tpu.memref_slice %arg5[%mul3A_2, %dma_start3A_4] : memref<10240x32xf32, #tpu.memory_space<hbm>> -> memref<640x32xf32, #tpu.memory_space<hbm>>
    tpu.enqueue_dma source(%dma_start3A_5 : memref<640x32xf32, #tpu.memory_space<hbm>>) target(%dma_start3A_3 : memref<640x32xf32, #tpu.memory_space<vmem_shared>>) target_semaphore(%arg18 : memref<!tpu.dma_semaphore, #tpu.memory_space<semaphore_mem>>)
    %dma_start3A_6 = arith.constant 0 : i32
    %dma_start3A_7 = arith.constant 0 : i32
    %dma_start3A_8 = tpu.memref_slice %arg3[%add3A, %dma_start3A_6, %dma_start3A_7] : memref<32x80x128xi32, #tpu.memory_space<hbm>> -> memref<1x80x128xi32, #tpu.memory_space<hbm>>
    %dma_start3A_9 = tpu.memref_squeeze %dma_start3A_8 : memref<1x80x128xi32, #tpu.memory_space<hbm>> -> memref<80x128xi32, #tpu.memory_space<hbm>>
    %dma_start3A_10 = arith.constant 0 : i32
    %dma_start3A_11 = arith.constant 0 : i32
    %dma_start3A_12 = tpu.memref_slice %arg3[%add3A, %dma_start3A_10, %dma_start3A_11] : memref<32x80x128xi32, #tpu.memory_space<hbm>> -> memref<1x80x128xi32, #tpu.memory_space<hbm>>
    %dma_start3A_13 = tpu.memref_squeeze %dma_start3A_12 : memref<1x80x128xi32, #tpu.memory_space<hbm>> -> memref<80x128xi32, #tpu.memory_space<hbm>>
    tpu.enqueue_dma source(%dma_start3A_13 : memref<80x128xi32, #tpu.memory_space<hbm>>) target(%arg7 : memref<80x128xi32, #tpu.memory_space<vmem>>) target_semaphore(%arg19 : memref<!tpu.dma_semaphore, #tpu.memory_space<semaphore_mem>>)
    %dma_start3A_14 = arith.constant 0 : i32
    %dma_start3A_15 = arith.constant 0 : i32
    %dma_start3A_16 = tpu.memref_slice %arg4[%add3A, %dma_start3A_14, %dma_start3A_15] : memref<32x80x128xi32, #tpu.memory_space<hbm>> -> memref<1x80x128xi32, #tpu.memory_space<hbm>>
    %dma_start3A_17 = tpu.memref_squeeze %dma_start3A_16 : memref<1x80x128xi32, #tpu.memory_space<hbm>> -> memref<80x128xi32, #tpu.memory_space<hbm>>
    %dma_start3A_18 = arith.constant 0 : i32
    %dma_start3A_19 = arith.constant 0 : i32
    %dma_start3A_20 = tpu.memref_slice %arg4[%add3A, %dma_start3A_18, %dma_start3A_19] : memref<32x80x128xi32, #tpu.memory_space<hbm>> -> memref<1x80x128xi32, #tpu.memory_space<hbm>>
    %dma_start3A_21 = tpu.memref_squeeze %dma_start3A_20 : memref<1x80x128xi32, #tpu.memory_space<hbm>> -> memref<80x128xi32, #tpu.memory_space<hbm>>
    tpu.enqueue_dma source(%dma_start3A_21 : memref<80x128xi32, #tpu.memory_space<hbm>>) target(%arg8 : memref<80x128xi32, #tpu.memory_space<vmem>>) target_semaphore(%arg20 : memref<!tpu.dma_semaphore, #tpu.memory_space<semaphore_mem>>)
    %dma_wait3A = arith.constant 0 : i32
    %dma_wait3A_22 = tpu.memref_slice %arg17[%mul3A_2, %dma_wait3A] : memref<10240x32xf32, #tpu.memory_space<vmem_shared>> -> memref<640x32xf32, #tpu.memory_space<vmem_shared>>
    %dma_wait3A_23 = arith.constant 0 : i32
    %dma_wait3A_24 = tpu.memref_slice %arg5[%mul3A_2, %dma_wait3A_23] : memref<10240x32xf32, #tpu.memory_space<hbm>> -> memref<640x32xf32, #tpu.memory_space<hbm>>
    tpu.wait_dma2 semaphore(%arg18 : memref<!tpu.dma_semaphore, #tpu.memory_space<semaphore_mem>>) src(%dma_wait3A_24 : memref<640x32xf32, #tpu.memory_space<hbm>>) dst(%dma_wait3A_22 : memref<640x32xf32, #tpu.memory_space<vmem_shared>>)
    %dma_wait3A_25 = arith.constant 0 : i32
    %dma_wait3A_26 = arith.constant 0 : i32
    %dma_wait3A_27 = tpu.memref_slice %arg3[%add3A, %dma_wait3A_25, %dma_wait3A_26] : memref<32x80x128xi32, #tpu.memory_space<hbm>> -> memref<1x80x128xi32, #tpu.memory_space<hbm>>
    %dma_wait3A_28 = tpu.memref_squeeze %dma_wait3A_27 : memref<1x80x128xi32, #tpu.memory_space<hbm>> -> memref<80x128xi32, #tpu.memory_space<hbm>>
    %dma_wait3A_29 = arith.constant 0 : i32
    %dma_wait3A_30 = arith.constant 0 : i32
    %dma_wait3A_31 = tpu.memref_slice %arg3[%add3A, %dma_wait3A_29, %dma_wait3A_30] : memref<32x80x128xi32, #tpu.memory_space<hbm>> -> memref<1x80x128xi32, #tpu.memory_space<hbm>>
    %dma_wait3A_32 = tpu.memref_squeeze %dma_wait3A_31 : memref<1x80x128xi32, #tpu.memory_space<hbm>> -> memref<80x128xi32, #tpu.memory_space<hbm>>
    tpu.wait_dma2 semaphore(%arg19 : memref<!tpu.dma_semaphore, #tpu.memory_space<semaphore_mem>>) src(%dma_wait3A_32 : memref<80x128xi32, #tpu.memory_space<hbm>>) dst(%arg7 : memref<80x128xi32, #tpu.memory_space<vmem>>)
    %dma_wait3A_33 = arith.constant 0 : i32
    %dma_wait3A_34 = arith.constant 0 : i32
    %dma_wait3A_35 = tpu.memref_slice %arg4[%add3A, %dma_wait3A_33, %dma_wait3A_34] : memref<32x80x128xi32, #tpu.memory_space<hbm>> -> memref<1x80x128xi32, #tpu.memory_space<hbm>>
    %dma_wait3A_36 = tpu.memref_squeeze %dma_wait3A_35 : memref<1x80x128xi32, #tpu.memory_space<hbm>> -> memref<80x128xi32, #tpu.memory_space<hbm>>
    %dma_wait3A_37 = arith.constant 0 : i32
    %dma_wait3A_38 = arith.constant 0 : i32
    %dma_wait3A_39 = tpu.memref_slice %arg4[%add3A, %dma_wait3A_37, %dma_wait3A_38] : memref<32x80x128xi32, #tpu.memory_space<hbm>> -> memref<1x80x128xi32, #tpu.memory_space<hbm>>
    %dma_wait3A_40 = tpu.memref_squeeze %dma_wait3A_39 : memref<1x80x128xi32, #tpu.memory_space<hbm>> -> memref<80x128xi32, #tpu.memory_space<hbm>>
    tpu.wait_dma2 semaphore(%arg20 : memref<!tpu.dma_semaphore, #tpu.memory_space<semaphore_mem>>) src(%dma_wait3A_40 : memref<80x128xi32, #tpu.memory_space<hbm>>) dst(%arg8 : memref<80x128xi32, #tpu.memory_space<vmem>>)
    %barrier3A = arith.constant 0 : index
    tpu.barrier barrier_id(%barrier3A)
    %dma_start3A_41 = arith.constant 0 : i32
    %dma_start3A_42 = arith.constant 0 : i32
    %dma_start3A_43 = tpu.memref_slice %arg7[%dma_start3A_41, %dma_start3A_42] : memref<80x128xi32, #tpu.memory_space<vmem>> -> memref<1x128xi32, #tpu.memory_space<vmem>>
    %dma_start3A_44 = tpu.memref_squeeze %dma_start3A_43 : memref<1x128xi32, #tpu.memory_space<vmem>> -> memref<128xi32, #tpu.memory_space<vmem>>
    %dma_start3A_45 = arith.constant 0 : i32
    %dma_start3A_46 = arith.constant 0 : i32
    %dma_start3A_47 = tpu.memref_slice %arg2[%dma_start3A_45, %dma_start3A_46] : memref<10000x32xf32, #tpu.memory_space<hbm>> -> memref<10000x32xf32, #tpu.memory_space<hbm>>
    tpu.enqueue_indirect_dma source(%dma_start3A_47 : memref<10000x32xf32, #tpu.memory_space<hbm>>) target(%arg9 : memref<128x32xf32, #tpu.memory_space<vmem>>) offsets(%dma_start3A_44 : memref<128xi32, #tpu.memory_space<vmem>>) semaphore(%arg18 : memref<!tpu.dma_semaphore, #tpu.memory_space<semaphore_mem>>)
    %dma_start3A_48 = arith.constant 1 : i32
    %dma_start3A_49 = arith.constant 0 : i32
    %dma_start3A_50 = tpu.memref_slice %arg7[%dma_start3A_48, %dma_start3A_49] : memref<80x128xi32, #tpu.memory_space<vmem>> -> memref<1x128xi32, #tpu.memory_space<vmem>>
    %dma_start3A_51 = tpu.memref_squeeze %dma_start3A_50 : memref<1x128xi32, #tpu.memory_space<vmem>> -> memref<128xi32, #tpu.memory_space<vmem>>
    %dma_start3A_52 = arith.constant 0 : i32
    %dma_start3A_53 = arith.constant 0 : i32
    %dma_start3A_54 = tpu.memref_slice %arg2[%dma_start3A_52, %dma_start3A_53] : memref<10000x32xf32, #tpu.memory_space<hbm>> -> memref<10000x32xf32, #tpu.memory_space<hbm>>
    tpu.enqueue_indirect_dma source(%dma_start3A_54 : memref<10000x32xf32, #tpu.memory_space<hbm>>) target(%arg10 : memref<128x32xf32, #tpu.memory_space<vmem>>) offsets(%dma_start3A_51 : memref<128xi32, #tpu.memory_space<vmem>>) semaphore(%arg19 : memref<!tpu.dma_semaphore, #tpu.memory_space<semaphore_mem>>)
    %dma_start3A_55 = arith.constant 2 : i32
    %dma_start3A_56 = arith.constant 0 : i32
    %dma_start3A_57 = tpu.memref_slice %arg7[%dma_start3A_55, %dma_start3A_56] : memref<80x128xi32, #tpu.memory_space<vmem>> -> memref<1x128xi32, #tpu.memory_space<vmem>>
    %dma_start3A_58 = tpu.memref_squeeze %dma_start3A_57 : memref<1x128xi32, #tpu.memory_space<vmem>> -> memref<128xi32, #tpu.memory_space<vmem>>
    %dma_start3A_59 = arith.constant 0 : i32
    %dma_start3A_60 = arith.constant 0 : i32
    %dma_start3A_61 = tpu.memref_slice %arg2[%dma_start3A_59, %dma_start3A_60] : memref<10000x32xf32, #tpu.memory_space<hbm>> -> memref<10000x32xf32, #tpu.memory_space<hbm>>
    tpu.enqueue_indirect_dma source(%dma_start3A_61 : memref<10000x32xf32, #tpu.memory_space<hbm>>) target(%arg11 : memref<128x32xf32, #tpu.memory_space<vmem>>) offsets(%dma_start3A_58 : memref<128xi32, #tpu.memory_space<vmem>>) semaphore(%arg20 : memref<!tpu.dma_semaphore, #tpu.memory_space<semaphore_mem>>)
    %dma_start3A_62 = arith.constant 3 : i32
    %dma_start3A_63 = arith.constant 0 : i32
    %dma_start3A_64 = tpu.memref_slice %arg7[%dma_start3A_62, %dma_start3A_63] : memref<80x128xi32, #tpu.memory_space<vmem>> -> memref<1x128xi32, #tpu.memory_space<vmem>>
    %dma_start3A_65 = tpu.memref_squeeze %dma_start3A_64 : memref<1x128xi32, #tpu.memory_space<vmem>> -> memref<128xi32, #tpu.memory_space<vmem>>
    %dma_start3A_66 = arith.constant 0 : i32
    %dma_start3A_67 = arith.constant 0 : i32
    %dma_start3A_68 = tpu.memref_slice %arg2[%dma_start3A_66, %dma_start3A_67] : memref<10000x32xf32, #tpu.memory_space<hbm>> -> memref<10000x32xf32, #tpu.memory_space<hbm>>
    tpu.enqueue_indirect_dma source(%dma_start3A_68 : memref<10000x32xf32, #tpu.memory_space<hbm>>) target(%arg12 : memref<128x32xf32, #tpu.memory_space<vmem>>) offsets(%dma_start3A_65 : memref<128xi32, #tpu.memory_space<vmem>>) semaphore(%arg21 : memref<!tpu.dma_semaphore, #tpu.memory_space<semaphore_mem>>)
    %dma_start3A_69 = arith.constant 4 : i32
    %dma_start3A_70 = arith.constant 0 : i32
    %dma_start3A_71 = tpu.memref_slice %arg7[%dma_start3A_69, %dma_start3A_70] : memref<80x128xi32, #tpu.memory_space<vmem>> -> memref<1x128xi32, #tpu.memory_space<vmem>>
    %dma_start3A_72 = tpu.memref_squeeze %dma_start3A_71 : memref<1x128xi32, #tpu.memory_space<vmem>> -> memref<128xi32, #tpu.memory_space<vmem>>
    %dma_start3A_73 = arith.constant 0 : i32
    %dma_start3A_74 = arith.constant 0 : i32
    %dma_start3A_75 = tpu.memref_slice %arg2[%dma_start3A_73, %dma_start3A_74] : memref<10000x32xf32, #tpu.memory_space<hbm>> -> memref<10000x32xf32, #tpu.memory_space<hbm>>
    tpu.enqueue_indirect_dma source(%dma_start3A_75 : memref<10000x32xf32, #tpu.memory_space<hbm>>) target(%arg13 : memref<128x32xf32, #tpu.memory_space<vmem>>) offsets(%dma_start3A_72 : memref<128xi32, #tpu.memory_space<vmem>>) semaphore(%arg22 : memref<!tpu.dma_semaphore, #tpu.memory_space<semaphore_mem>>)
    %dma_start3A_76 = arith.constant 5 : i32
    %dma_start3A_77 = arith.constant 0 : i32
    %dma_start3A_78 = tpu.memref_slice %arg7[%dma_start3A_76, %dma_start3A_77] : memref<80x128xi32, #tpu.memory_space<vmem>> -> memref<1x128xi32, #tpu.memory_space<vmem>>
    %dma_start3A_79 = tpu.memref_squeeze %dma_start3A_78 : memref<1x128xi32, #tpu.memory_space<vmem>> -> memref<128xi32, #tpu.memory_space<vmem>>
    %dma_start3A_80 = arith.constant 0 : i32
    %dma_start3A_81 = arith.constant 0 : i32
    %dma_start3A_82 = tpu.memref_slice %arg2[%dma_start3A_80, %dma_start3A_81] : memref<10000x32xf32, #tpu.memory_space<hbm>> -> memref<10000x32xf32, #tpu.memory_space<hbm>>
    tpu.enqueue_indirect_dma source(%dma_start3A_82 : memref<10000x32xf32, #tpu.memory_space<hbm>>) target(%arg14 : memref<128x32xf32, #tpu.memory_space<vmem>>) offsets(%dma_start3A_79 : memref<128xi32, #tpu.memory_space<vmem>>) semaphore(%arg23 : memref<!tpu.dma_semaphore, #tpu.memory_space<semaphore_mem>>)
    %dma_start3A_83 = arith.constant 6 : i32
    %dma_start3A_84 = arith.constant 0 : i32
    %dma_start3A_85 = tpu.memref_slice %arg7[%dma_start3A_83, %dma_start3A_84] : memref<80x128xi32, #tpu.memory_space<vmem>> -> memref<1x128xi32, #tpu.memory_space<vmem>>
    %dma_start3A_86 = tpu.memref_squeeze %dma_start3A_85 : memref<1x128xi32, #tpu.memory_space<vmem>> -> memref<128xi32, #tpu.memory_space<vmem>>
    %dma_start3A_87 = arith.constant 0 : i32
    %dma_start3A_88 = arith.constant 0 : i32
    %dma_start3A_89 = tpu.memref_slice %arg2[%dma_start3A_87, %dma_start3A_88] : memref<10000x32xf32, #tpu.memory_space<hbm>> -> memref<10000x32xf32, #tpu.memory_space<hbm>>
    tpu.enqueue_indirect_dma source(%dma_start3A_89 : memref<10000x32xf32, #tpu.memory_space<hbm>>) target(%arg15 : memref<128x32xf32, #tpu.memory_space<vmem>>) offsets(%dma_start3A_86 : memref<128xi32, #tpu.memory_space<vmem>>) semaphore(%arg24 : memref<!tpu.dma_semaphore, #tpu.memory_space<semaphore_mem>>)
    %dma_wait3A_90 = arith.constant 0 : i32
    %dma_wait3A_91 = arith.constant 0 : i32
    %dma_wait3A_92 = tpu.memref_slice %arg7[%dma_wait3A_90, %dma_wait3A_91] : memref<80x128xi32, #tpu.memory_space<vmem>> -> memref<1x128xi32, #tpu.memory_space<vmem>>
    %dma_wait3A_93 = tpu.memref_squeeze %dma_wait3A_92 : memref<1x128xi32, #tpu.memory_space<vmem>> -> memref<128xi32, #tpu.memory_space<vmem>>
    %dma_wait3A_94 = arith.constant 0 : i32
    %dma_wait3A_95 = arith.constant 0 : i32
    %dma_wait3A_96 = tpu.memref_slice %arg2[%dma_wait3A_94, %dma_wait3A_95] : memref<10000x32xf32, #tpu.memory_space<hbm>> -> memref<10000x32xf32, #tpu.memory_space<hbm>>
    tpu.wait_indirect_dma semaphore(%arg18 : memref<!tpu.dma_semaphore, #tpu.memory_space<semaphore_mem>>) src(%dma_wait3A_96 : memref<10000x32xf32, #tpu.memory_space<hbm>>) dst(%arg9 : memref<128x32xf32, #tpu.memory_space<vmem>>)
    %dma_start3A_97 = arith.constant 0 : i32
    %dma_start3A_98 = arith.constant 0 : i32
    %dma_start3A_99 = tpu.memref_slice %arg8[%dma_start3A_97, %dma_start3A_98] : memref<80x128xi32, #tpu.memory_space<vmem>> -> memref<1x128xi32, #tpu.memory_space<vmem>>
    %dma_start3A_100 = tpu.memref_squeeze %dma_start3A_99 : memref<1x128xi32, #tpu.memory_space<vmem>> -> memref<128xi32, #tpu.memory_space<vmem>>
    %dma_start3A_101 = arith.constant 0 : i32
    %dma_start3A_102 = arith.constant 0 : i32
    %dma_start3A_103 = tpu.memref_slice %arg17[%dma_start3A_101, %dma_start3A_102] : memref<10240x32xf32, #tpu.memory_space<vmem_shared>> -> memref<10240x32xf32, #tpu.memory_space<vmem_shared>>
    tpu.enqueue_indirect_dma source(%arg9 : memref<128x32xf32, #tpu.memory_space<vmem>>) target(%dma_start3A_103 : memref<10240x32xf32, #tpu.memory_space<vmem_shared>>) offsets(%dma_start3A_100 : memref<128xi32, #tpu.memory_space<vmem>>) semaphore(%arg26 : memref<!tpu.dma_semaphore, #tpu.memory_space<semaphore_mem>>) {add = true}
    %dma_start3A_104 = arith.constant 7 : i32
    %dma_start3A_105 = arith.constant 0 : i32
    %dma_start3A_106 = tpu.memref_slice %arg7[%dma_start3A_104, %dma_start3A_105] : memref<80x128xi32, #tpu.memory_space<vmem>> -> memref<1x128xi32, #tpu.memory_space<vmem>>
    %dma_start3A_107 = tpu.memref_squeeze %dma_start3A_106 : memref<1x128xi32, #tpu.memory_space<vmem>> -> memref<128xi32, #tpu.memory_space<vmem>>
    %dma_start3A_108 = arith.constant 0 : i32
    %dma_start3A_109 = arith.constant 0 : i32
    %dma_start3A_110 = tpu.memref_slice %arg2[%dma_start3A_108, %dma_start3A_109] : memref<10000x32xf32, #tpu.memory_space<hbm>> -> memref<10000x32xf32, #tpu.memory_space<hbm>>
    tpu.enqueue_indirect_dma source(%dma_start3A_110 : memref<10000x32xf32, #tpu.memory_space<hbm>>) target(%arg16 : memref<128x32xf32, #tpu.memory_space<vmem>>) offsets(%dma_start3A_107 : memref<128xi32, #tpu.memory_space<vmem>>) semaphore(%arg25 : memref<!tpu.dma_semaphore, #tpu.memory_space<semaphore_mem>>)
    %dma_wait3A_111 = arith.constant 1 : i32
    %dma_wait3A_112 = arith.constant 0 : i32
    %dma_wait3A_113 = tpu.memref_slice %arg7[%dma_wait3A_111, %dma_wait3A_112] : memref<80x128xi32, #tpu.memory_space<vmem>> -> memref<1x128xi32, #tpu.memory_space<vmem>>
    %dma_wait3A_114 = tpu.memref_squeeze %dma_wait3A_113 : memref<1x128xi32, #tpu.memory_space<vmem>> -> memref<128xi32, #tpu.memory_space<vmem>>
    %dma_wait3A_115 = arith.constant 0 : i32
    %dma_wait3A_116 = arith.constant 0 : i32
    %dma_wait3A_117 = tpu.memref_slice %arg2[%dma_wait3A_115, %dma_wait3A_116] : memref<10000x32xf32, #tpu.memory_space<hbm>> -> memref<10000x32xf32, #tpu.memory_space<hbm>>
    tpu.wait_indirect_dma semaphore(%arg19 : memref<!tpu.dma_semaphore, #tpu.memory_space<semaphore_mem>>) src(%dma_wait3A_117 : memref<10000x32xf32, #tpu.memory_space<hbm>>) dst(%arg10 : memref<128x32xf32, #tpu.memory_space<vmem>>)
    %dma_start3A_118 = arith.constant 1 : i32
    %dma_start3A_119 = arith.constant 0 : i32
    %dma_start3A_120 = tpu.memref_slice %arg8[%dma_start3A_118, %dma_start3A_119] : memref<80x128xi32, #tpu.memory_space<vmem>> -> memref<1x128xi32, #tpu.memory_space<vmem>>
    %dma_start3A_121 = tpu.memref_squeeze %dma_start3A_120 : memref<1x128xi32, #tpu.memory_space<vmem>> -> memref<128xi32, #tpu.memory_space<vmem>>
    %dma_start3A_122 = arith.constant 0 : i32
    %dma_start3A_123 = arith.constant 0 : i32
    %dma_start3A_124 = tpu.memref_slice %arg17[%dma_start3A_122, %dma_start3A_123] : memref<10240x32xf32, #tpu.memory_space<vmem_shared>> -> memref<10240x32xf32, #tpu.memory_space<vmem_shared>>
    tpu.enqueue_indirect_dma source(%arg10 : memref<128x32xf32, #tpu.memory_space<vmem>>) target(%dma_start3A_124 : memref<10240x32xf32, #tpu.memory_space<vmem_shared>>) offsets(%dma_start3A_121 : memref<128xi32, #tpu.memory_space<vmem>>) semaphore(%arg27 : memref<!tpu.dma_semaphore, #tpu.memory_space<semaphore_mem>>) {add = true}
    %dma_wait3A_125 = arith.constant 0 : i32
    %dma_wait3A_126 = arith.constant 0 : i32
    %dma_wait3A_127 = tpu.memref_slice %arg8[%dma_wait3A_125, %dma_wait3A_126] : memref<80x128xi32, #tpu.memory_space<vmem>> -> memref<1x128xi32, #tpu.memory_space<vmem>>
    %dma_wait3A_128 = tpu.memref_squeeze %dma_wait3A_127 : memref<1x128xi32, #tpu.memory_space<vmem>> -> memref<128xi32, #tpu.memory_space<vmem>>
    %dma_wait3A_129 = arith.constant 0 : i32
    %dma_wait3A_130 = arith.constant 0 : i32
    %dma_wait3A_131 = tpu.memref_slice %arg17[%dma_wait3A_129, %dma_wait3A_130] : memref<10240x32xf32, #tpu.memory_space<vmem_shared>> -> memref<10240x32xf32, #tpu.memory_space<vmem_shared>>
    tpu.wait_indirect_dma semaphore(%arg26 : memref<!tpu.dma_semaphore, #tpu.memory_space<semaphore_mem>>) src(%arg9 : memref<128x32xf32, #tpu.memory_space<vmem>>) dst(%dma_wait3A_131 : memref<10240x32xf32, #tpu.memory_space<vmem_shared>>)
    %dma_start3A_132 = arith.constant 8 : i32
    %dma_start3A_133 = arith.constant 0 : i32
    %dma_start3A_134 = tpu.memref_slice %arg7[%dma_start3A_132, %dma_start3A_133] : memref<80x128xi32, #tpu.memory_space<vmem>> -> memref<1x128xi32, #tpu.memory_space<vmem>>
    %dma_start3A_135 = tpu.memref_squeeze %dma_start3A_134 : memref<1x128xi32, #tpu.memory_space<vmem>> -> memref<128xi32, #tpu.memory_space<vmem>>
    %dma_start3A_136 = arith.constant 0 : i32
    %dma_start3A_137 = arith.constant 0 : i32
    %dma_start3A_138 = tpu.memref_slice %arg2[%dma_start3A_136, %dma_start3A_137] : memref<10000x32xf32, #tpu.memory_space<hbm>> -> memref<10000x32xf32, #tpu.memory_space<hbm>>
    tpu.enqueue_indirect_dma source(%dma_start3A_138 : memref<10000x32xf32, #tpu.memory_space<hbm>>) target(%arg9 : memref<128x32xf32, #tpu.memory_space<vmem>>) offsets(%dma_start3A_135 : memref<128xi32, #tpu.memory_space<vmem>>) semaphore(%arg18 : memref<!tpu.dma_semaphore, #tpu.memory_space<semaphore_mem>>)
    %dma_wait3A_139 = arith.constant 2 : i32
    %dma_wait3A_140 = arith.constant 0 : i32
    %dma_wait3A_141 = tpu.memref_slice %arg7[%dma_wait3A_139, %dma_wait3A_140] : memref<80x128xi32, #tpu.memory_space<vmem>> -> memref<1x128xi32, #tpu.memory_space<vmem>>
    %dma_wait3A_142 = tpu.memref_squeeze %dma_wait3A_141 : memref<1x128xi32, #tpu.memory_space<vmem>> -> memref<128xi32, #tpu.memory_space<vmem>>
    %dma_wait3A_143 = arith.constant 0 : i32
    %dma_wait3A_144 = arith.constant 0 : i32
    %dma_wait3A_145 = tpu.memref_slice %arg2[%dma_wait3A_143, %dma_wait3A_144] : memref<10000x32xf32, #tpu.memory_space<hbm>> -> memref<10000x32xf32, #tpu.memory_space<hbm>>
    tpu.wait_indirect_dma semaphore(%arg20 : memref<!tpu.dma_semaphore, #tpu.memory_space<semaphore_mem>>) src(%dma_wait3A_145 : memref<10000x32xf32, #tpu.memory_space<hbm>>) dst(%arg11 : memref<128x32xf32, #tpu.memory_space<vmem>>)
    %dma_start3A_146 = arith.constant 2 : i32
    %dma_start3A_147 = arith.constant 0 : i32
    %dma_start3A_148 = tpu.memref_slice %arg8[%dma_start3A_146, %dma_start3A_147] : memref<80x128xi32, #tpu.memory_space<vmem>> -> memref<1x128xi32, #tpu.memory_space<vmem>>
    %dma_start3A_149 = tpu.memref_squeeze %dma_start3A_148 : memref<1x128xi32, #tpu.memory_space<vmem>> -> memref<128xi32, #tpu.memory_space<vmem>>
    %dma_start3A_150 = arith.constant 0 : i32
    %dma_start3A_151 = arith.constant 0 : i32
    %dma_start3A_152 = tpu.memref_slice %arg17[%dma_start3A_150, %dma_start3A_151] : memref<10240x32xf32, #tpu.memory_space<vmem_shared>> -> memref<10240x32xf32, #tpu.memory_space<vmem_shared>>
    tpu.enqueue_indirect_dma source(%arg11 : memref<128x32xf32, #tpu.memory_space<vmem>>) target(%dma_start3A_152 : memref<10240x32xf32, #tpu.memory_space<vmem_shared>>) offsets(%dma_start3A_149 : memref<128xi32, #tpu.memory_space<vmem>>) semaphore(%arg28 : memref<!tpu.dma_semaphore, #tpu.memory_space<semaphore_mem>>) {add = true}
    %dma_wait3A_153 = arith.constant 1 : i32
    %dma_wait3A_154 = arith.constant 0 : i32
    %dma_wait3A_155 = tpu.memref_slice %arg8[%dma_wait3A_153, %dma_wait3A_154] : memref<80x128xi32, #tpu.memory_space<vmem>> -> memref<1x128xi32, #tpu.memory_space<vmem>>
    %dma_wait3A_156 = tpu.memref_squeeze %dma_wait3A_155 : memref<1x128xi32, #tpu.memory_space<vmem>> -> memref<128xi32, #tpu.memory_space<vmem>>
    %dma_wait3A_157 = arith.constant 0 : i32
    %dma_wait3A_158 = arith.constant 0 : i32
    %dma_wait3A_159 = tpu.memref_slice %arg17[%dma_wait3A_157, %dma_wait3A_158] : memref<10240x32xf32, #tpu.memory_space<vmem_shared>> -> memref<10240x32xf32, #tpu.memory_space<vmem_shared>>
    tpu.wait_indirect_dma semaphore(%arg27 : memref<!tpu.dma_semaphore, #tpu.memory_space<semaphore_mem>>) src(%arg10 : memref<128x32xf32, #tpu.memory_space<vmem>>) dst(%dma_wait3A_159 : memref<10240x32xf32, #tpu.memory_space<vmem_shared>>)
    %dma_start3A_160 = arith.constant 9 : i32
    %dma_start3A_161 = arith.constant 0 : i32
    %dma_start3A_162 = tpu.memref_slice %arg7[%dma_start3A_160, %dma_start3A_161] : memref<80x128xi32, #tpu.memory_space<vmem>> -> memref<1x128xi32, #tpu.memory_space<vmem>>
    %dma_start3A_163 = tpu.memref_squeeze %dma_start3A_162 : memref<1x128xi32, #tpu.memory_space<vmem>> -> memref<128xi32, #tpu.memory_space<vmem>>
    %dma_start3A_164 = arith.constant 0 : i32
    %dma_start3A_165 = arith.constant 0 : i32
    %dma_start3A_166 = tpu.memref_slice %arg2[%dma_start3A_164, %dma_start3A_165] : memref<10000x32xf32, #tpu.memory_space<hbm>> -> memref<10000x32xf32, #tpu.memory_space<hbm>>
    tpu.enqueue_indirect_dma source(%dma_start3A_166 : memref<10000x32xf32, #tpu.memory_space<hbm>>) target(%arg10 : memref<128x32xf32, #tpu.memory_space<vmem>>) offsets(%dma_start3A_163 : memref<128xi32, #tpu.memory_space<vmem>>) semaphore(%arg19 : memref<!tpu.dma_semaphore, #tpu.memory_space<semaphore_mem>>)
    %dma_wait3A_167 = arith.constant 3 : i32
    %dma_wait3A_168 = arith.constant 0 : i32
    %dma_wait3A_169 = tpu.memref_slice %arg7[%dma_wait3A_167, %dma_wait3A_168] : memref<80x128xi32, #tpu.memory_space<vmem>> -> memref<1x128xi32, #tpu.memory_space<vmem>>
    %dma_wait3A_170 = tpu.memref_squeeze %dma_wait3A_169 : memref<1x128xi32, #tpu.memory_space<vmem>> -> memref<128xi32, #tpu.memory_space<vmem>>
    %dma_wait3A_171 = arith.constant 0 : i32
    %dma_wait3A_172 = arith.constant 0 : i32
    %dma_wait3A_173 = tpu.memref_slice %arg2[%dma_wait3A_171, %dma_wait3A_172] : memref<10000x32xf32, #tpu.memory_space<hbm>> -> memref<10000x32xf32, #tpu.memory_space<hbm>>
    tpu.wait_indirect_dma semaphore(%arg21 : memref<!tpu.dma_semaphore, #tpu.memory_space<semaphore_mem>>) src(%dma_wait3A_173 : memref<10000x32xf32, #tpu.memory_space<hbm>>) dst(%arg12 : memref<128x32xf32, #tpu.memory_space<vmem>>)
    %dma_start3A_174 = arith.constant 3 : i32
    %dma_start3A_175 = arith.constant 0 : i32
    %dma_start3A_176 = tpu.memref_slice %arg8[%dma_start3A_174, %dma_start3A_175] : memref<80x128xi32, #tpu.memory_space<vmem>> -> memref<1x128xi32, #tpu.memory_space<vmem>>
    %dma_start3A_177 = tpu.memref_squeeze %dma_start3A_176 : memref<1x128xi32, #tpu.memory_space<vmem>> -> memref<128xi32, #tpu.memory_space<vmem>>
    %dma_start3A_178 = arith.constant 0 : i32
    %dma_start3A_179 = arith.constant 0 : i32
    %dma_start3A_180 = tpu.memref_slice %arg17[%dma_start3A_178, %dma_start3A_179] : memref<10240x32xf32, #tpu.memory_space<vmem_shared>> -> memref<10240x32xf32, #tpu.memory_space<vmem_shared>>
    tpu.enqueue_indirect_dma source(%arg12 : memref<128x32xf32, #tpu.memory_space<vmem>>) target(%dma_start3A_180 : memref<10240x32xf32, #tpu.memory_space<vmem_shared>>) offsets(%dma_start3A_177 : memref<128xi32, #tpu.memory_space<vmem>>) semaphore(%arg29 : memref<!tpu.dma_semaphore, #tpu.memory_space<semaphore_mem>>) {add = true}
    %dma_wait3A_181 = arith.constant 2 : i32
    %dma_wait3A_182 = arith.constant 0 : i32
    %dma_wait3A_183 = tpu.memref_slice %arg8[%dma_wait3A_181, %dma_wait3A_182] : memref<80x128xi32, #tpu.memory_space<vmem>> -> memref<1x128xi32, #tpu.memory_space<vmem>>
    %dma_wait3A_184 = tpu.memref_squeeze %dma_wait3A_183 : memref<1x128xi32, #tpu.memory_space<vmem>> -> memref<128xi32, #tpu.memory_space<vmem>>
    %dma_wait3A_185 = arith.constant 0 : i32
    %dma_wait3A_186 = arith.constant 0 : i32
    %dma_wait3A_187 = tpu.memref_slice %arg17[%dma_wait3A_185, %dma_wait3A_186] : memref<10240x32xf32, #tpu.memory_space<vmem_shared>> -> memref<10240x32xf32, #tpu.memory_space<vmem_shared>>
    tpu.wait_indirect_dma semaphore(%arg28 : memref<!tpu.dma_semaphore, #tpu.memory_space<semaphore_mem>>) src(%arg11 : memref<128x32xf32, #tpu.memory_space<vmem>>) dst(%dma_wait3A_187 : memref<10240x32xf32, #tpu.memory_space<vmem_shared>>)
    %dma_start3A_188 = arith.constant 10 : i32
    %dma_start3A_189 = arith.constant 0 : i32
    %dma_start3A_190 = tpu.memref_slice %arg7[%dma_start3A_188, %dma_start3A_189] : memref<80x128xi32, #tpu.memory_space<vmem>> -> memref<1x128xi32, #tpu.memory_space<vmem>>
    %dma_start3A_191 = tpu.memref_squeeze %dma_start3A_190 : memref<1x128xi32, #tpu.memory_space<vmem>> -> memref<128xi32, #tpu.memory_space<vmem>>
    %dma_start3A_192 = arith.constant 0 : i32
    %dma_start3A_193 = arith.constant 0 : i32
    %dma_start3A_194 = tpu.memref_slice %arg2[%dma_start3A_192, %dma_start3A_193] : memref<10000x32xf32, #tpu.memory_space<hbm>> -> memref<10000x32xf32, #tpu.memory_space<hbm>>
    tpu.enqueue_indirect_dma source(%dma_start3A_194 : memref<10000x32xf32, #tpu.memory_space<hbm>>) target(%arg11 : memref<128x32xf32, #tpu.memory_space<vmem>>) offsets(%dma_start3A_191 : memref<128xi32, #tpu.memory_space<vmem>>) semaphore(%arg20 : memref<!tpu.dma_semaphore, #tpu.memory_space<semaphore_mem>>)
    %dma_wait3A_195 = arith.constant 4 : i32
    %dma_wait3A_196 = arith.constant 0 : i32
    %dma_wait3A_197 = tpu.memref_slice %arg7[%dma_wait3A_195, %dma_wait3A_196] : memref<80x128xi32, #tpu.memory_space<vmem>> -> memref<1x128xi32, #tpu.memory_space<vmem>>
    %dma_wait3A_198 = tpu.memref_squeeze %dma_wait3A_197 : memref<1x128xi32, #tpu.memory_space<vmem>> -> memref<128xi32, #tpu.memory_space<vmem>>
    %dma_wait3A_199 = arith.constant 0 : i32
    %dma_wait3A_200 = arith.constant 0 : i32
    %dma_wait3A_201 = tpu.memref_slice %arg2[%dma_wait3A_199, %dma_wait3A_200] : memref<10000x32xf32, #tpu.memory_space<hbm>> -> memref<10000x32xf32, #tpu.memory_space<hbm>>
    tpu.wait_indirect_dma semaphore(%arg22 : memref<!tpu.dma_semaphore, #tpu.memory_space<semaphore_mem>>) src(%dma_wait3A_201 : memref<10000x32xf32, #tpu.memory_space<hbm>>) dst(%arg13 : memref<128x32xf32, #tpu.memory_space<vmem>>)
    %dma_start3A_202 = arith.constant 4 : i32
    %dma_start3A_203 = arith.constant 0 : i32
    %dma_start3A_204 = tpu.memref_slice %arg8[%dma_start3A_202, %dma_start3A_203] : memref<80x128xi32, #tpu.memory_space<vmem>> -> memref<1x128xi32, #tpu.memory_space<vmem>>
    %dma_start3A_205 = tpu.memref_squeeze %dma_start3A_204 : memref<1x128xi32, #tpu.memory_space<vmem>> -> memref<128xi32, #tpu.memory_space<vmem>>
    %dma_start3A_206 = arith.constant 0 : i32
    %dma_start3A_207 = arith.constant 0 : i32
    %dma_start3A_208 = tpu.memref_slice %arg17[%dma_start3A_206, %dma_start3A_207] : memref<10240x32xf32, #tpu.memory_space<vmem_shared>> -> memref<10240x32xf32, #tpu.memory_space<vmem_shared>>
    tpu.enqueue_indirect_dma source(%arg13 : memref<128x32xf32, #tpu.memory_space<vmem>>) target(%dma_start3A_208 : memref<10240x32xf32, #tpu.memory_space<vmem_shared>>) offsets(%dma_start3A_205 : memref<128xi32, #tpu.memory_space<vmem>>) semaphore(%arg30 : memref<!tpu.dma_semaphore, #tpu.memory_space<semaphore_mem>>) {add = true}
    %dma_wait3A_209 = arith.constant 3 : i32
    %dma_wait3A_210 = arith.constant 0 : i32
    %dma_wait3A_211 = tpu.memref_slice %arg8[%dma_wait3A_209, %dma_wait3A_210] : memref<80x128xi32, #tpu.memory_space<vmem>> -> memref<1x128xi32, #tpu.memory_space<vmem>>
    %dma_wait3A_212 = tpu.memref_squeeze %dma_wait3A_211 : memref<1x128xi32, #tpu.memory_space<vmem>> -> memref<128xi32, #tpu.memory_space<vmem>>
    %dma_wait3A_213 = arith.constant 0 : i32
    %dma_wait3A_214 = arith.constant 0 : i32
    %dma_wait3A_215 = tpu.memref_slice %arg17[%dma_wait3A_213, %dma_wait3A_214] : memref<10240x32xf32, #tpu.memory_space<vmem_shared>> -> memref<10240x32xf32, #tpu.memory_space<vmem_shared>>
    tpu.wait_indirect_dma semaphore(%arg29 : memref<!tpu.dma_semaphore, #tpu.memory_space<semaphore_mem>>) src(%arg12 : memref<128x32xf32, #tpu.memory_space<vmem>>) dst(%dma_wait3A_215 : memref<10240x32xf32, #tpu.memory_space<vmem_shared>>)
    %dma_start3A_216 = arith.constant 11 : i32
    %dma_start3A_217 = arith.constant 0 : i32
    %dma_start3A_218 = tpu.memref_slice %arg7[%dma_start3A_216, %dma_start3A_217] : memref<80x128xi32, #tpu.memory_space<vmem>> -> memref<1x128xi32, #tpu.memory_space<vmem>>
    %dma_start3A_219 = tpu.memref_squeeze %dma_start3A_218 : memref<1x128xi32, #tpu.memory_space<vmem>> -> memref<128xi32, #tpu.memory_space<vmem>>
    %dma_start3A_220 = arith.constant 0 : i32
    %dma_start3A_221 = arith.constant 0 : i32
    %dma_start3A_222 = tpu.memref_slice %arg2[%dma_start3A_220, %dma_start3A_221] : memref<10000x32xf32, #tpu.memory_space<hbm>> -> memref<10000x32xf32, #tpu.memory_space<hbm>>
    tpu.enqueue_indirect_dma source(%dma_start3A_222 : memref<10000x32xf32, #tpu.memory_space<hbm>>) target(%arg12 : memref<128x32xf32, #tpu.memory_space<vmem>>) offsets(%dma_start3A_219 : memref<128xi32, #tpu.memory_space<vmem>>) semaphore(%arg21 : memref<!tpu.dma_semaphore, #tpu.memory_space<semaphore_mem>>)
    %dma_wait3A_223 = arith.constant 5 : i32
    %dma_wait3A_224 = arith.constant 0 : i32
    %dma_wait3A_225 = tpu.memref_slice %arg7[%dma_wait3A_223, %dma_wait3A_224] : memref<80x128xi32, #tpu.memory_space<vmem>> -> memref<1x128xi32, #tpu.memory_space<vmem>>
    %dma_wait3A_226 = tpu.memref_squeeze %dma_wait3A_225 : memref<1x128xi32, #tpu.memory_space<vmem>> -> memref<128xi32, #tpu.memory_space<vmem>>
    %dma_wait3A_227 = arith.constant 0 : i32
    %dma_wait3A_228 = arith.constant 0 : i32
    %dma_wait3A_229 = tpu.memref_slice %arg2[%dma_wait3A_227, %dma_wait3A_228] : memref<10000x32xf32, #tpu.memory_space<hbm>> -> memref<10000x32xf32, #tpu.memory_space<hbm>>
    tpu.wait_indirect_dma semaphore(%arg23 : memref<!tpu.dma_semaphore, #tpu.memory_space<semaphore_mem>>) src(%dma_wait3A_229 : memref<10000x32xf32, #tpu.memory_space<hbm>>) dst(%arg14 : memref<128x32xf32, #tpu.memory_space<vmem>>)
    %dma_start3A_230 = arith.constant 5 : i32
    %dma_start3A_231 = arith.constant 0 : i32
    %dma_start3A_232 = tpu.memref_slice %arg8[%dma_start3A_230, %dma_start3A_231] : memref<80x128xi32, #tpu.memory_space<vmem>> -> memref<1x128xi32, #tpu.memory_space<vmem>>
    %dma_start3A_233 = tpu.memref_squeeze %dma_start3A_232 : memref<1x128xi32, #tpu.memory_space<vmem>> -> memref<128xi32, #tpu.memory_space<vmem>>
    %dma_start3A_234 = arith.constant 0 : i32
    %dma_start3A_235 = arith.constant 0 : i32
    %dma_start3A_236 = tpu.memref_slice %arg17[%dma_start3A_234, %dma_start3A_235] : memref<10240x32xf32, #tpu.memory_space<vmem_shared>> -> memref<10240x32xf32, #tpu.memory_space<vmem_shared>>
    tpu.enqueue_indirect_dma source(%arg14 : memref<128x32xf32, #tpu.memory_space<vmem>>) target(%dma_start3A_236 : memref<10240x32xf32, #tpu.memory_space<vmem_shared>>) offsets(%dma_start3A_233 : memref<128xi32, #tpu.memory_space<vmem>>) semaphore(%arg31 : memref<!tpu.dma_semaphore, #tpu.memory_space<semaphore_mem>>) {add = true}
    %dma_wait3A_237 = arith.constant 4 : i32
    %dma_wait3A_238 = arith.constant 0 : i32
    %dma_wait3A_239 = tpu.memref_slice %arg8[%dma_wait3A_237, %dma_wait3A_238] : memref<80x128xi32, #tpu.memory_space<vmem>> -> memref<1x128xi32, #tpu.memory_space<vmem>>
    %dma_wait3A_240 = tpu.memref_squeeze %dma_wait3A_239 : memref<1x128xi32, #tpu.memory_space<vmem>> -> memref<128xi32, #tpu.memory_space<vmem>>
    %dma_wait3A_241 = arith.constant 0 : i32
    %dma_wait3A_242 = arith.constant 0 : i32
    %dma_wait3A_243 = tpu.memref_slice %arg17[%dma_wait3A_241, %dma_wait3A_242] : memref<10240x32xf32, #tpu.memory_space<vmem_shared>> -> memref<10240x32xf32, #tpu.memory_space<vmem_shared>>
    tpu.wait_indirect_dma semaphore(%arg30 : memref<!tpu.dma_semaphore, #tpu.memory_space<semaphore_mem>>) src(%arg13 : memref<128x32xf32, #tpu.memory_space<vmem>>) dst(%dma_wait3A_243 : memref<10240x32xf32, #tpu.memory_space<vmem_shared>>)
    %dma_start3A_244 = arith.constant 12 : i32
    %dma_start3A_245 = arith.constant 0 : i32
    %dma_start3A_246 = tpu.memref_slice %arg7[%dma_start3A_244, %dma_start3A_245] : memref<80x128xi32, #tpu.memory_space<vmem>> -> memref<1x128xi32, #tpu.memory_space<vmem>>
    %dma_start3A_247 = tpu.memref_squeeze %dma_start3A_246 : memref<1x128xi32, #tpu.memory_space<vmem>> -> memref<128xi32, #tpu.memory_space<vmem>>
    %dma_start3A_248 = arith.constant 0 : i32
    %dma_start3A_249 = arith.constant 0 : i32
    %dma_start3A_250 = tpu.memref_slice %arg2[%dma_start3A_248, %dma_start3A_249] : memref<10000x32xf32, #tpu.memory_space<hbm>> -> memref<10000x32xf32, #tpu.memory_space<hbm>>
    tpu.enqueue_indirect_dma source(%dma_start3A_250 : memref<10000x32xf32, #tpu.memory_space<hbm>>) target(%arg13 : memref<128x32xf32, #tpu.memory_space<vmem>>) offsets(%dma_start3A_247 : memref<128xi32, #tpu.memory_space<vmem>>) semaphore(%arg22 : memref<!tpu.dma_semaphore, #tpu.memory_space<semaphore_mem>>)
    %dma_wait3A_251 = arith.constant 6 : i32
    %dma_wait3A_252 = arith.constant 0 : i32
    %dma_wait3A_253 = tpu.memref_slice %arg7[%dma_wait3A_251, %dma_wait3A_252] : memref<80x128xi32, #tpu.memory_space<vmem>> -> memref<1x128xi32, #tpu.memory_space<vmem>>
    %dma_wait3A_254 = tpu.memref_squeeze %dma_wait3A_253 : memref<1x128xi32, #tpu.memory_space<vmem>> -> memref<128xi32, #tpu.memory_space<vmem>>
    %dma_wait3A_255 = arith.constant 0 : i32
    %dma_wait3A_256 = arith.constant 0 : i32
    %dma_wait3A_257 = tpu.memref_slice %arg2[%dma_wait3A_255, %dma_wait3A_256] : memref<10000x32xf32, #tpu.memory_space<hbm>> -> memref<10000x32xf32, #tpu.memory_space<hbm>>
    tpu.wait_indirect_dma semaphore(%arg24 : memref<!tpu.dma_semaphore, #tpu.memory_space<semaphore_mem>>) src(%dma_wait3A_257 : memref<10000x32xf32, #tpu.memory_space<hbm>>) dst(%arg15 : memref<128x32xf32, #tpu.memory_space<vmem>>)
    %dma_start3A_258 = arith.constant 6 : i32
    %dma_start3A_259 = arith.constant 0 : i32
    %dma_start3A_260 = tpu.memref_slice %arg8[%dma_start3A_258, %dma_start3A_259] : memref<80x128xi32, #tpu.memory_space<vmem>> -> memref<1x128xi32, #tpu.memory_space<vmem>>
    %dma_start3A_261 = tpu.memref_squeeze %dma_start3A_260 : memref<1x128xi32, #tpu.memory_space<vmem>> -> memref<128xi32, #tpu.memory_space<vmem>>
    %dma_start3A_262 = arith.constant 0 : i32
    %dma_start3A_263 = arith.constant 0 : i32
    %dma_start3A_264 = tpu.memref_slice %arg17[%dma_start3A_262, %dma_start3A_263] : memref<10240x32xf32, #tpu.memory_space<vmem_shared>> -> memref<10240x32xf32, #tpu.memory_space<vmem_shared>>
    tpu.enqueue_indirect_dma source(%arg15 : memref<128x32xf32, #tpu.memory_space<vmem>>) target(%dma_start3A_264 : memref<10240x32xf32, #tpu.memory_space<vmem_shared>>) offsets(%dma_start3A_261 : memref<128xi32, #tpu.memory_space<vmem>>) semaphore(%arg32 : memref<!tpu.dma_semaphore, #tpu.memory_space<semaphore_mem>>) {add = true}
    %dma_wait3A_265 = arith.constant 5 : i32
    %dma_wait3A_266 = arith.constant 0 : i32
    %dma_wait3A_267 = tpu.memref_slice %arg8[%dma_wait3A_265, %dma_wait3A_266] : memref<80x128xi32, #tpu.memory_space<vmem>> -> memref<1x128xi32, #tpu.memory_space<vmem>>
    %dma_wait3A_268 = tpu.memref_squeeze %dma_wait3A_267 : memref<1x128xi32, #tpu.memory_space<vmem>> -> memref<128xi32, #tpu.memory_space<vmem>>
    %dma_wait3A_269 = arith.constant 0 : i32
    %dma_wait3A_270 = arith.constant 0 : i32
    %dma_wait3A_271 = tpu.memref_slice %arg17[%dma_wait3A_269, %dma_wait3A_270] : memref<10240x32xf32, #tpu.memory_space<vmem_shared>> -> memref<10240x32xf32, #tpu.memory_space<vmem_shared>>
    tpu.wait_indirect_dma semaphore(%arg31 : memref<!tpu.dma_semaphore, #tpu.memory_space<semaphore_mem>>) src(%arg14 : memref<128x32xf32, #tpu.memory_space<vmem>>) dst(%dma_wait3A_271 : memref<10240x32xf32, #tpu.memory_space<vmem_shared>>)
    %dma_start3A_272 = arith.constant 13 : i32
    %dma_start3A_273 = arith.constant 0 : i32
    %dma_start3A_274 = tpu.memref_slice %arg7[%dma_start3A_272, %dma_start3A_273] : memref<80x128xi32, #tpu.memory_space<vmem>> -> memref<1x128xi32, #tpu.memory_space<vmem>>
    %dma_start3A_275 = tpu.memref_squeeze %dma_start3A_274 : memref<1x128xi32, #tpu.memory_space<vmem>> -> memref<128xi32, #tpu.memory_space<vmem>>
    %dma_start3A_276 = arith.constant 0 : i32
    %dma_start3A_277 = arith.constant 0 : i32
    %dma_start3A_278 = tpu.memref_slice %arg2[%dma_start3A_276, %dma_start3A_277] : memref<10000x32xf32, #tpu.memory_space<hbm>> -> memref<10000x32xf32, #tpu.memory_space<hbm>>
    tpu.enqueue_indirect_dma source(%dma_start3A_278 : memref<10000x32xf32, #tpu.memory_space<hbm>>) target(%arg14 : memref<128x32xf32, #tpu.memory_space<vmem>>) offsets(%dma_start3A_275 : memref<128xi32, #tpu.memory_space<vmem>>) semaphore(%arg23 : memref<!tpu.dma_semaphore, #tpu.memory_space<semaphore_mem>>)
    %dma_wait3A_279 = arith.constant 7 : i32
    %dma_wait3A_280 = arith.constant 0 : i32
    %dma_wait3A_281 = tpu.memref_slice %arg7[%dma_wait3A_279, %dma_wait3A_280] : memref<80x128xi32, #tpu.memory_space<vmem>> -> memref<1x128xi32, #tpu.memory_space<vmem>>
    %dma_wait3A_282 = tpu.memref_squeeze %dma_wait3A_281 : memref<1x128xi32, #tpu.memory_space<vmem>> -> memref<128xi32, #tpu.memory_space<vmem>>
    %dma_wait3A_283 = arith.constant 0 : i32
    %dma_wait3A_284 = arith.constant 0 : i32
    %dma_wait3A_285 = tpu.memref_slice %arg2[%dma_wait3A_283, %dma_wait3A_284] : memref<10000x32xf32, #tpu.memory_space<hbm>> -> memref<10000x32xf32, #tpu.memory_space<hbm>>
    tpu.wait_indirect_dma semaphore(%arg25 : memref<!tpu.dma_semaphore, #tpu.memory_space<semaphore_mem>>) src(%dma_wait3A_285 : memref<10000x32xf32, #tpu.memory_space<hbm>>) dst(%arg16 : memref<128x32xf32, #tpu.memory_space<vmem>>)
    %dma_start3A_286 = arith.constant 7 : i32
    %dma_start3A_287 = arith.constant 0 : i32
    %dma_start3A_288 = tpu.memref_slice %arg8[%dma_start3A_286, %dma_start3A_287] : memref<80x128xi32, #tpu.memory_space<vmem>> -> memref<1x128xi32, #tpu.memory_space<vmem>>
    %dma_start3A_289 = tpu.memref_squeeze %dma_start3A_288 : memref<1x128xi32, #tpu.memory_space<vmem>> -> memref<128xi32, #tpu.memory_space<vmem>>
    %dma_start3A_290 = arith.constant 0 : i32
    %dma_start3A_291 = arith.constant 0 : i32
    %dma_start3A_292 = tpu.memref_slice %arg17[%dma_start3A_290, %dma_start3A_291] : memref<10240x32xf32, #tpu.memory_space<vmem_shared>> -> memref<10240x32xf32, #tpu.memory_space<vmem_shared>>
    tpu.enqueue_indirect_dma source(%arg16 : memref<128x32xf32, #tpu.memory_space<vmem>>) target(%dma_start3A_292 : memref<10240x32xf32, #tpu.memory_space<vmem_shared>>) offsets(%dma_start3A_289 : memref<128xi32, #tpu.memory_space<vmem>>) semaphore(%arg33 : memref<!tpu.dma_semaphore, #tpu.memory_space<semaphore_mem>>) {add = true}
    %dma_wait3A_293 = arith.constant 6 : i32
    %dma_wait3A_294 = arith.constant 0 : i32
    %dma_wait3A_295 = tpu.memref_slice %arg8[%dma_wait3A_293, %dma_wait3A_294] : memref<80x128xi32, #tpu.memory_space<vmem>> -> memref<1x128xi32, #tpu.memory_space<vmem>>
    %dma_wait3A_296 = tpu.memref_squeeze %dma_wait3A_295 : memref<1x128xi32, #tpu.memory_space<vmem>> -> memref<128xi32, #tpu.memory_space<vmem>>
    %dma_wait3A_297 = arith.constant 0 : i32
    %dma_wait3A_298 = arith.constant 0 : i32
    %dma_wait3A_299 = tpu.memref_slice %arg17[%dma_wait3A_297, %dma_wait3A_298] : memref<10240x32xf32, #tpu.memory_space<vmem_shared>> -> memref<10240x32xf32, #tpu.memory_space<vmem_shared>>
    tpu.wait_indirect_dma semaphore(%arg32 : memref<!tpu.dma_semaphore, #tpu.memory_space<semaphore_mem>>) src(%arg15 : memref<128x32xf32, #tpu.memory_space<vmem>>) dst(%dma_wait3A_299 : memref<10240x32xf32, #tpu.memory_space<vmem_shared>>)
    %dma_start3A_300 = arith.constant 14 : i32
    %dma_start3A_301 = arith.constant 0 : i32
    %dma_start3A_302 = tpu.memref_slice %arg7[%dma_start3A_300, %dma_start3A_301] : memref<80x128xi32, #tpu.memory_space<vmem>> -> memref<1x128xi32, #tpu.memory_space<vmem>>
    %dma_start3A_303 = tpu.memref_squeeze %dma_start3A_302 : memref<1x128xi32, #tpu.memory_space<vmem>> -> memref<128xi32, #tpu.memory_space<vmem>>
    %dma_start3A_304 = arith.constant 0 : i32
    %dma_start3A_305 = arith.constant 0 : i32
    %dma_start3A_306 = tpu.memref_slice %arg2[%dma_start3A_304, %dma_start3A_305] : memref<10000x32xf32, #tpu.memory_space<hbm>> -> memref<10000x32xf32, #tpu.memory_space<hbm>>
    tpu.enqueue_indirect_dma source(%dma_start3A_306 : memref<10000x32xf32, #tpu.memory_space<hbm>>) target(%arg15 : memref<128x32xf32, #tpu.memory_space<vmem>>) offsets(%dma_start3A_303 : memref<128xi32, #tpu.memory_space<vmem>>) semaphore(%arg24 : memref<!tpu.dma_semaphore, #tpu.memory_space<semaphore_mem>>)
    %scan3A = arith.constant 0 : i32
    %scan3A_307 = arith.constant 1 : i32
    %scan3A_308 = arith.constant 8 : i32
    %scan3A_309 = arith.addi %scan3A_307, %scan3A_308 : i32
    %scan3A_310 = arith.constant 1 : i32
    scf.for %scan3A_495 = %scan3A_307 to %scan3A_309 step %scan3A_310  : i32 {
      %mul3A_496 = arith.constant 8 : i32
      %mul3A_497 = arith.muli %scan3A_495, %mul3A_496 : i32
      %add3A_498 = arith.constant 0 : i32
      %add3A_499 = arith.addi %mul3A_497, %add3A_498 : i32
      %dma_wait3A_500 = arith.constant 0 : i32
      %dma_wait3A_501 = tpu.memref_slice %arg7[%add3A_499, %dma_wait3A_500] : memref<80x128xi32, #tpu.memory_space<vmem>> -> memref<1x128xi32, #tpu.memory_space<vmem>>
      %dma_wait3A_502 = tpu.memref_squeeze %dma_wait3A_501 : memref<1x128xi32, #tpu.memory_space<vmem>> -> memref<128xi32, #tpu.memory_space<vmem>>
      %dma_wait3A_503 = arith.constant 0 : i32
      %dma_wait3A_504 = arith.constant 0 : i32
      %dma_wait3A_505 = tpu.memref_slice %arg2[%dma_wait3A_503, %dma_wait3A_504] : memref<10000x32xf32, #tpu.memory_space<hbm>> -> memref<10000x32xf32, #tpu.memory_space<hbm>>
      tpu.wait_indirect_dma semaphore(%arg18 : memref<!tpu.dma_semaphore, #tpu.memory_space<semaphore_mem>>) src(%dma_wait3A_505 : memref<10000x32xf32, #tpu.memory_space<hbm>>) dst(%arg9 : memref<128x32xf32, #tpu.memory_space<vmem>>)
      %dma_start3A_506 = arith.constant 0 : i32
      %dma_start3A_507 = tpu.memref_slice %arg8[%add3A_499, %dma_start3A_506] : memref<80x128xi32, #tpu.memory_space<vmem>> -> memref<1x128xi32, #tpu.memory_space<vmem>>
      %dma_start3A_508 = tpu.memref_squeeze %dma_start3A_507 : memref<1x128xi32, #tpu.memory_space<vmem>> -> memref<128xi32, #tpu.memory_space<vmem>>
      %dma_start3A_509 = arith.constant 0 : i32
      %dma_start3A_510 = arith.constant 0 : i32
      %dma_start3A_511 = tpu.memref_slice %arg17[%dma_start3A_509, %dma_start3A_510] : memref<10240x32xf32, #tpu.memory_space<vmem_shared>> -> memref<10240x32xf32, #tpu.memory_space<vmem_shared>>
      tpu.enqueue_indirect_dma source(%arg9 : memref<128x32xf32, #tpu.memory_space<vmem>>) target(%dma_start3A_511 : memref<10240x32xf32, #tpu.memory_space<vmem_shared>>) offsets(%dma_start3A_508 : memref<128xi32, #tpu.memory_space<vmem>>) semaphore(%arg26 : memref<!tpu.dma_semaphore, #tpu.memory_space<semaphore_mem>>) {add = true}
      %sub3A = arith.constant 1 : i32
      %sub3A_512 = arith.subi %add3A_499, %sub3A : i32
      %dma_wait3A_513 = arith.constant 0 : i32
      %dma_wait3A_514 = tpu.memref_slice %arg8[%sub3A_512, %dma_wait3A_513] : memref<80x128xi32, #tpu.memory_space<vmem>> -> memref<1x128xi32, #tpu.memory_space<vmem>>
      %dma_wait3A_515 = tpu.memref_squeeze %dma_wait3A_514 : memref<1x128xi32, #tpu.memory_space<vmem>> -> memref<128xi32, #tpu.memory_space<vmem>>
      %dma_wait3A_516 = arith.constant 0 : i32
      %dma_wait3A_517 = arith.constant 0 : i32
      %dma_wait3A_518 = tpu.memref_slice %arg17[%dma_wait3A_516, %dma_wait3A_517] : memref<10240x32xf32, #tpu.memory_space<vmem_shared>> -> memref<10240x32xf32, #tpu.memory_space<vmem_shared>>
      tpu.wait_indirect_dma semaphore(%arg33 : memref<!tpu.dma_semaphore, #tpu.memory_space<semaphore_mem>>) src(%arg16 : memref<128x32xf32, #tpu.memory_space<vmem>>) dst(%dma_wait3A_518 : memref<10240x32xf32, #tpu.memory_space<vmem_shared>>)
      %add3A_519 = arith.constant 8 : i32
      %add3A_520 = arith.addi %add3A_499, %add3A_519 : i32
      %sub3A_521 = arith.constant 1 : i32
      %sub3A_522 = arith.subi %add3A_520, %sub3A_521 : i32
      %dma_start3A_523 = arith.constant 0 : i32
      %dma_start3A_524 = tpu.memref_slice %arg7[%sub3A_522, %dma_start3A_523] : memref<80x128xi32, #tpu.memory_space<vmem>> -> memref<1x128xi32, #tpu.memory_space<vmem>>
      %dma_start3A_525 = tpu.memref_squeeze %dma_start3A_524 : memref<1x128xi32, #tpu.memory_space<vmem>> -> memref<128xi32, #tpu.memory_space<vmem>>
      %dma_start3A_526 = arith.constant 0 : i32
      %dma_start3A_527 = arith.constant 0 : i32
      %dma_start3A_528 = tpu.memref_slice %arg2[%dma_start3A_526, %dma_start3A_527] : memref<10000x32xf32, #tpu.memory_space<hbm>> -> memref<10000x32xf32, #tpu.memory_space<hbm>>
      tpu.enqueue_indirect_dma source(%dma_start3A_528 : memref<10000x32xf32, #tpu.memory_space<hbm>>) target(%arg16 : memref<128x32xf32, #tpu.memory_space<vmem>>) offsets(%dma_start3A_525 : memref<128xi32, #tpu.memory_space<vmem>>) semaphore(%arg25 : memref<!tpu.dma_semaphore, #tpu.memory_space<semaphore_mem>>)
      %add3A_529 = arith.constant 1 : i32
      %add3A_530 = arith.addi %mul3A_497, %add3A_529 : i32
      %dma_wait3A_531 = arith.constant 0 : i32
      %dma_wait3A_532 = tpu.memref_slice %arg7[%add3A_530, %dma_wait3A_531] : memref<80x128xi32, #tpu.memory_space<vmem>> -> memref<1x128xi32, #tpu.memory_space<vmem>>
      %dma_wait3A_533 = tpu.memref_squeeze %dma_wait3A_532 : memref<1x128xi32, #tpu.memory_space<vmem>> -> memref<128xi32, #tpu.memory_space<vmem>>
      %dma_wait3A_534 = arith.constant 0 : i32
      %dma_wait3A_535 = arith.constant 0 : i32
      %dma_wait3A_536 = tpu.memref_slice %arg2[%dma_wait3A_534, %dma_wait3A_535] : memref<10000x32xf32, #tpu.memory_space<hbm>> -> memref<10000x32xf32, #tpu.memory_space<hbm>>
      tpu.wait_indirect_dma semaphore(%arg19 : memref<!tpu.dma_semaphore, #tpu.memory_space<semaphore_mem>>) src(%dma_wait3A_536 : memref<10000x32xf32, #tpu.memory_space<hbm>>) dst(%arg10 : memref<128x32xf32, #tpu.memory_space<vmem>>)
      %dma_start3A_537 = arith.constant 0 : i32
      %dma_start3A_538 = tpu.memref_slice %arg8[%add3A_530, %dma_start3A_537] : memref<80x128xi32, #tpu.memory_space<vmem>> -> memref<1x128xi32, #tpu.memory_space<vmem>>
      %dma_start3A_539 = tpu.memref_squeeze %dma_start3A_538 : memref<1x128xi32, #tpu.memory_space<vmem>> -> memref<128xi32, #tpu.memory_space<vmem>>
      %dma_start3A_540 = arith.constant 0 : i32
      %dma_start3A_541 = arith.constant 0 : i32
      %dma_start3A_542 = tpu.memref_slice %arg17[%dma_start3A_540, %dma_start3A_541] : memref<10240x32xf32, #tpu.memory_space<vmem_shared>> -> memref<10240x32xf32, #tpu.memory_space<vmem_shared>>
      tpu.enqueue_indirect_dma source(%arg10 : memref<128x32xf32, #tpu.memory_space<vmem>>) target(%dma_start3A_542 : memref<10240x32xf32, #tpu.memory_space<vmem_shared>>) offsets(%dma_start3A_539 : memref<128xi32, #tpu.memory_space<vmem>>) semaphore(%arg27 : memref<!tpu.dma_semaphore, #tpu.memory_space<semaphore_mem>>) {add = true}
      %sub3A_543 = arith.constant 1 : i32
      %sub3A_544 = arith.subi %add3A_530, %sub3A_543 : i32
      %dma_wait3A_545 = arith.constant 0 : i32
      %dma_wait3A_546 = tpu.memref_slice %arg8[%sub3A_544, %dma_wait3A_545] : memref<80x128xi32, #tpu.memory_space<vmem>> -> memref<1x128xi32, #tpu.memory_space<vmem>>
      %dma_wait3A_547 = tpu.memref_squeeze %dma_wait3A_546 : memref<1x128xi32, #tpu.memory_space<vmem>> -> memref<128xi32, #tpu.memory_space<vmem>>
      %dma_wait3A_548 = arith.constant 0 : i32
      %dma_wait3A_549 = arith.constant 0 : i32
      %dma_wait3A_550 = tpu.memref_slice %arg17[%dma_wait3A_548, %dma_wait3A_549] : memref<10240x32xf32, #tpu.memory_space<vmem_shared>> -> memref<10240x32xf32, #tpu.memory_space<vmem_shared>>
      tpu.wait_indirect_dma semaphore(%arg26 : memref<!tpu.dma_semaphore, #tpu.memory_space<semaphore_mem>>) src(%arg9 : memref<128x32xf32, #tpu.memory_space<vmem>>) dst(%dma_wait3A_550 : memref<10240x32xf32, #tpu.memory_space<vmem_shared>>)
      %add3A_551 = arith.constant 8 : i32
      %add3A_552 = arith.addi %add3A_530, %add3A_551 : i32
      %sub3A_553 = arith.constant 1 : i32
      %sub3A_554 = arith.subi %add3A_552, %sub3A_553 : i32
      %dma_start3A_555 = arith.constant 0 : i32
      %dma_start3A_556 = tpu.memref_slice %arg7[%sub3A_554, %dma_start3A_555] : memref<80x128xi32, #tpu.memory_space<vmem>> -> memref<1x128xi32, #tpu.memory_space<vmem>>
      %dma_start3A_557 = tpu.memref_squeeze %dma_start3A_556 : memref<1x128xi32, #tpu.memory_space<vmem>> -> memref<128xi32, #tpu.memory_space<vmem>>
      %dma_start3A_558 = arith.constant 0 : i32
      %dma_start3A_559 = arith.constant 0 : i32
      %dma_start3A_560 = tpu.memref_slice %arg2[%dma_start3A_558, %dma_start3A_559] : memref<10000x32xf32, #tpu.memory_space<hbm>> -> memref<10000x32xf32, #tpu.memory_space<hbm>>
      tpu.enqueue_indirect_dma source(%dma_start3A_560 : memref<10000x32xf32, #tpu.memory_space<hbm>>) target(%arg9 : memref<128x32xf32, #tpu.memory_space<vmem>>) offsets(%dma_start3A_557 : memref<128xi32, #tpu.memory_space<vmem>>) semaphore(%arg18 : memref<!tpu.dma_semaphore, #tpu.memory_space<semaphore_mem>>)
      %add3A_561 = arith.constant 2 : i32
      %add3A_562 = arith.addi %mul3A_497, %add3A_561 : i32
      %dma_wait3A_563 = arith.constant 0 : i32
      %dma_wait3A_564 = tpu.memref_slice %arg7[%add3A_562, %dma_wait3A_563] : memref<80x128xi32, #tpu.memory_space<vmem>> -> memref<1x128xi32, #tpu.memory_space<vmem>>
      %dma_wait3A_565 = tpu.memref_squeeze %dma_wait3A_564 : memref<1x128xi32, #tpu.memory_space<vmem>> -> memref<128xi32, #tpu.memory_space<vmem>>
      %dma_wait3A_566 = arith.constant 0 : i32
      %dma_wait3A_567 = arith.constant 0 : i32
      %dma_wait3A_568 = tpu.memref_slice %arg2[%dma_wait3A_566, %dma_wait3A_567] : memref<10000x32xf32, #tpu.memory_space<hbm>> -> memref<10000x32xf32, #tpu.memory_space<hbm>>
      tpu.wait_indirect_dma semaphore(%arg20 : memref<!tpu.dma_semaphore, #tpu.memory_space<semaphore_mem>>) src(%dma_wait3A_568 : memref<10000x32xf32, #tpu.memory_space<hbm>>) dst(%arg11 : memref<128x32xf32, #tpu.memory_space<vmem>>)
      %dma_start3A_569 = arith.constant 0 : i32
      %dma_start3A_570 = tpu.memref_slice %arg8[%add3A_562, %dma_start3A_569] : memref<80x128xi32, #tpu.memory_space<vmem>> -> memref<1x128xi32, #tpu.memory_space<vmem>>
      %dma_start3A_571 = tpu.memref_squeeze %dma_start3A_570 : memref<1x128xi32, #tpu.memory_space<vmem>> -> memref<128xi32, #tpu.memory_space<vmem>>
      %dma_start3A_572 = arith.constant 0 : i32
      %dma_start3A_573 = arith.constant 0 : i32
      %dma_start3A_574 = tpu.memref_slice %arg17[%dma_start3A_572, %dma_start3A_573] : memref<10240x32xf32, #tpu.memory_space<vmem_shared>> -> memref<10240x32xf32, #tpu.memory_space<vmem_shared>>
      tpu.enqueue_indirect_dma source(%arg11 : memref<128x32xf32, #tpu.memory_space<vmem>>) target(%dma_start3A_574 : memref<10240x32xf32, #tpu.memory_space<vmem_shared>>) offsets(%dma_start3A_571 : memref<128xi32, #tpu.memory_space<vmem>>) semaphore(%arg28 : memref<!tpu.dma_semaphore, #tpu.memory_space<semaphore_mem>>) {add = true}
      %sub3A_575 = arith.constant 1 : i32
      %sub3A_576 = arith.subi %add3A_562, %sub3A_575 : i32
      %dma_wait3A_577 = arith.constant 0 : i32
      %dma_wait3A_578 = tpu.memref_slice %arg8[%sub3A_576, %dma_wait3A_577] : memref<80x128xi32, #tpu.memory_space<vmem>> -> memref<1x128xi32, #tpu.memory_space<vmem>>
      %dma_wait3A_579 = tpu.memref_squeeze %dma_wait3A_578 : memref<1x128xi32, #tpu.memory_space<vmem>> -> memref<128xi32, #tpu.memory_space<vmem>>
      %dma_wait3A_580 = arith.constant 0 : i32
      %dma_wait3A_581 = arith.constant 0 : i32
      %dma_wait3A_582 = tpu.memref_slice %arg17[%dma_wait3A_580, %dma_wait3A_581] : memref<10240x32xf32, #tpu.memory_space<vmem_shared>> -> memref<10240x32xf32, #tpu.memory_space<vmem_shared>>
      tpu.wait_indirect_dma semaphore(%arg27 : memref<!tpu.dma_semaphore, #tpu.memory_space<semaphore_mem>>) src(%arg10 : memref<128x32xf32, #tpu.memory_space<vmem>>) dst(%dma_wait3A_582 : memref<10240x32xf32, #tpu.memory_space<vmem_shared>>)
      %add3A_583 = arith.constant 8 : i32
      %add3A_584 = arith.addi %add3A_562, %add3A_583 : i32
      %sub3A_585 = arith.constant 1 : i32
      %sub3A_586 = arith.subi %add3A_584, %sub3A_585 : i32
      %dma_start3A_587 = arith.constant 0 : i32
      %dma_start3A_588 = tpu.memref_slice %arg7[%sub3A_586, %dma_start3A_587] : memref<80x128xi32, #tpu.memory_space<vmem>> -> memref<1x128xi32, #tpu.memory_space<vmem>>
      %dma_start3A_589 = tpu.memref_squeeze %dma_start3A_588 : memref<1x128xi32, #tpu.memory_space<vmem>> -> memref<128xi32, #tpu.memory_space<vmem>>
      %dma_start3A_590 = arith.constant 0 : i32
      %dma_start3A_591 = arith.constant 0 : i32
      %dma_start3A_592 = tpu.memref_slice %arg2[%dma_start3A_590, %dma_start3A_591] : memref<10000x32xf32, #tpu.memory_space<hbm>> -> memref<10000x32xf32, #tpu.memory_space<hbm>>
      tpu.enqueue_indirect_dma source(%dma_start3A_592 : memref<10000x32xf32, #tpu.memory_space<hbm>>) target(%arg10 : memref<128x32xf32, #tpu.memory_space<vmem>>) offsets(%dma_start3A_589 : memref<128xi32, #tpu.memory_space<vmem>>) semaphore(%arg19 : memref<!tpu.dma_semaphore, #tpu.memory_space<semaphore_mem>>)
      %add3A_593 = arith.constant 3 : i32
      %add3A_594 = arith.addi %mul3A_497, %add3A_593 : i32
      %dma_wait3A_595 = arith.constant 0 : i32
      %dma_wait3A_596 = tpu.memref_slice %arg7[%add3A_594, %dma_wait3A_595] : memref<80x128xi32, #tpu.memory_space<vmem>> -> memref<1x128xi32, #tpu.memory_space<vmem>>
      %dma_wait3A_597 = tpu.memref_squeeze %dma_wait3A_596 : memref<1x128xi32, #tpu.memory_space<vmem>> -> memref<128xi32, #tpu.memory_space<vmem>>
      %dma_wait3A_598 = arith.constant 0 : i32
      %dma_wait3A_599 = arith.constant 0 : i32
      %dma_wait3A_600 = tpu.memref_slice %arg2[%dma_wait3A_598, %dma_wait3A_599] : memref<10000x32xf32, #tpu.memory_space<hbm>> -> memref<10000x32xf32, #tpu.memory_space<hbm>>
      tpu.wait_indirect_dma semaphore(%arg21 : memref<!tpu.dma_semaphore, #tpu.memory_space<semaphore_mem>>) src(%dma_wait3A_600 : memref<10000x32xf32, #tpu.memory_space<hbm>>) dst(%arg12 : memref<128x32xf32, #tpu.memory_space<vmem>>)
      %dma_start3A_601 = arith.constant 0 : i32
      %dma_start3A_602 = tpu.memref_slice %arg8[%add3A_594, %dma_start3A_601] : memref<80x128xi32, #tpu.memory_space<vmem>> -> memref<1x128xi32, #tpu.memory_space<vmem>>
      %dma_start3A_603 = tpu.memref_squeeze %dma_start3A_602 : memref<1x128xi32, #tpu.memory_space<vmem>> -> memref<128xi32, #tpu.memory_space<vmem>>
      %dma_start3A_604 = arith.constant 0 : i32
      %dma_start3A_605 = arith.constant 0 : i32
      %dma_start3A_606 = tpu.memref_slice %arg17[%dma_start3A_604, %dma_start3A_605] : memref<10240x32xf32, #tpu.memory_space<vmem_shared>> -> memref<10240x32xf32, #tpu.memory_space<vmem_shared>>
      tpu.enqueue_indirect_dma source(%arg12 : memref<128x32xf32, #tpu.memory_space<vmem>>) target(%dma_start3A_606 : memref<10240x32xf32, #tpu.memory_space<vmem_shared>>) offsets(%dma_start3A_603 : memref<128xi32, #tpu.memory_space<vmem>>) semaphore(%arg29 : memref<!tpu.dma_semaphore, #tpu.memory_space<semaphore_mem>>) {add = true}
      %sub3A_607 = arith.constant 1 : i32
      %sub3A_608 = arith.subi %add3A_594, %sub3A_607 : i32
      %dma_wait3A_609 = arith.constant 0 : i32
      %dma_wait3A_610 = tpu.memref_slice %arg8[%sub3A_608, %dma_wait3A_609] : memref<80x128xi32, #tpu.memory_space<vmem>> -> memref<1x128xi32, #tpu.memory_space<vmem>>
      %dma_wait3A_611 = tpu.memref_squeeze %dma_wait3A_610 : memref<1x128xi32, #tpu.memory_space<vmem>> -> memref<128xi32, #tpu.memory_space<vmem>>
      %dma_wait3A_612 = arith.constant 0 : i32
      %dma_wait3A_613 = arith.constant 0 : i32
      %dma_wait3A_614 = tpu.memref_slice %arg17[%dma_wait3A_612, %dma_wait3A_613] : memref<10240x32xf32, #tpu.memory_space<vmem_shared>> -> memref<10240x32xf32, #tpu.memory_space<vmem_shared>>
      tpu.wait_indirect_dma semaphore(%arg28 : memref<!tpu.dma_semaphore, #tpu.memory_space<semaphore_mem>>) src(%arg11 : memref<128x32xf32, #tpu.memory_space<vmem>>) dst(%dma_wait3A_614 : memref<10240x32xf32, #tpu.memory_space<vmem_shared>>)
      %add3A_615 = arith.constant 8 : i32
      %add3A_616 = arith.addi %add3A_594, %add3A_615 : i32
      %sub3A_617 = arith.constant 1 : i32
      %sub3A_618 = arith.subi %add3A_616, %sub3A_617 : i32
      %dma_start3A_619 = arith.constant 0 : i32
      %dma_start3A_620 = tpu.memref_slice %arg7[%sub3A_618, %dma_start3A_619] : memref<80x128xi32, #tpu.memory_space<vmem>> -> memref<1x128xi32, #tpu.memory_space<vmem>>
      %dma_start3A_621 = tpu.memref_squeeze %dma_start3A_620 : memref<1x128xi32, #tpu.memory_space<vmem>> -> memref<128xi32, #tpu.memory_space<vmem>>
      %dma_start3A_622 = arith.constant 0 : i32
      %dma_start3A_623 = arith.constant 0 : i32
      %dma_start3A_624 = tpu.memref_slice %arg2[%dma_start3A_622, %dma_start3A_623] : memref<10000x32xf32, #tpu.memory_space<hbm>> -> memref<10000x32xf32, #tpu.memory_space<hbm>>
      tpu.enqueue_indirect_dma source(%dma_start3A_624 : memref<10000x32xf32, #tpu.memory_space<hbm>>) target(%arg11 : memref<128x32xf32, #tpu.memory_space<vmem>>) offsets(%dma_start3A_621 : memref<128xi32, #tpu.memory_space<vmem>>) semaphore(%arg20 : memref<!tpu.dma_semaphore, #tpu.memory_space<semaphore_mem>>)
      %add3A_625 = arith.constant 4 : i32
      %add3A_626 = arith.addi %mul3A_497, %add3A_625 : i32
      %dma_wait3A_627 = arith.constant 0 : i32
      %dma_wait3A_628 = tpu.memref_slice %arg7[%add3A_626, %dma_wait3A_627] : memref<80x128xi32, #tpu.memory_space<vmem>> -> memref<1x128xi32, #tpu.memory_space<vmem>>
      %dma_wait3A_629 = tpu.memref_squeeze %dma_wait3A_628 : memref<1x128xi32, #tpu.memory_space<vmem>> -> memref<128xi32, #tpu.memory_space<vmem>>
      %dma_wait3A_630 = arith.constant 0 : i32
      %dma_wait3A_631 = arith.constant 0 : i32
      %dma_wait3A_632 = tpu.memref_slice %arg2[%dma_wait3A_630, %dma_wait3A_631] : memref<10000x32xf32, #tpu.memory_space<hbm>> -> memref<10000x32xf32, #tpu.memory_space<hbm>>
      tpu.wait_indirect_dma semaphore(%arg22 : memref<!tpu.dma_semaphore, #tpu.memory_space<semaphore_mem>>) src(%dma_wait3A_632 : memref<10000x32xf32, #tpu.memory_space<hbm>>) dst(%arg13 : memref<128x32xf32, #tpu.memory_space<vmem>>)
      %dma_start3A_633 = arith.constant 0 : i32
      %dma_start3A_634 = tpu.memref_slice %arg8[%add3A_626, %dma_start3A_633] : memref<80x128xi32, #tpu.memory_space<vmem>> -> memref<1x128xi32, #tpu.memory_space<vmem>>
      %dma_start3A_635 = tpu.memref_squeeze %dma_start3A_634 : memref<1x128xi32, #tpu.memory_space<vmem>> -> memref<128xi32, #tpu.memory_space<vmem>>
      %dma_start3A_636 = arith.constant 0 : i32
      %dma_start3A_637 = arith.constant 0 : i32
      %dma_start3A_638 = tpu.memref_slice %arg17[%dma_start3A_636, %dma_start3A_637] : memref<10240x32xf32, #tpu.memory_space<vmem_shared>> -> memref<10240x32xf32, #tpu.memory_space<vmem_shared>>
      tpu.enqueue_indirect_dma source(%arg13 : memref<128x32xf32, #tpu.memory_space<vmem>>) target(%dma_start3A_638 : memref<10240x32xf32, #tpu.memory_space<vmem_shared>>) offsets(%dma_start3A_635 : memref<128xi32, #tpu.memory_space<vmem>>) semaphore(%arg30 : memref<!tpu.dma_semaphore, #tpu.memory_space<semaphore_mem>>) {add = true}
      %sub3A_639 = arith.constant 1 : i32
      %sub3A_640 = arith.subi %add3A_626, %sub3A_639 : i32
      %dma_wait3A_641 = arith.constant 0 : i32
      %dma_wait3A_642 = tpu.memref_slice %arg8[%sub3A_640, %dma_wait3A_641] : memref<80x128xi32, #tpu.memory_space<vmem>> -> memref<1x128xi32, #tpu.memory_space<vmem>>
      %dma_wait3A_643 = tpu.memref_squeeze %dma_wait3A_642 : memref<1x128xi32, #tpu.memory_space<vmem>> -> memref<128xi32, #tpu.memory_space<vmem>>
      %dma_wait3A_644 = arith.constant 0 : i32
      %dma_wait3A_645 = arith.constant 0 : i32
      %dma_wait3A_646 = tpu.memref_slice %arg17[%dma_wait3A_644, %dma_wait3A_645] : memref<10240x32xf32, #tpu.memory_space<vmem_shared>> -> memref<10240x32xf32, #tpu.memory_space<vmem_shared>>
      tpu.wait_indirect_dma semaphore(%arg29 : memref<!tpu.dma_semaphore, #tpu.memory_space<semaphore_mem>>) src(%arg12 : memref<128x32xf32, #tpu.memory_space<vmem>>) dst(%dma_wait3A_646 : memref<10240x32xf32, #tpu.memory_space<vmem_shared>>)
      %add3A_647 = arith.constant 8 : i32
      %add3A_648 = arith.addi %add3A_626, %add3A_647 : i32
      %sub3A_649 = arith.constant 1 : i32
      %sub3A_650 = arith.subi %add3A_648, %sub3A_649 : i32
      %dma_start3A_651 = arith.constant 0 : i32
      %dma_start3A_652 = tpu.memref_slice %arg7[%sub3A_650, %dma_start3A_651] : memref<80x128xi32, #tpu.memory_space<vmem>> -> memref<1x128xi32, #tpu.memory_space<vmem>>
      %dma_start3A_653 = tpu.memref_squeeze %dma_start3A_652 : memref<1x128xi32, #tpu.memory_space<vmem>> -> memref<128xi32, #tpu.memory_space<vmem>>
      %dma_start3A_654 = arith.constant 0 : i32
      %dma_start3A_655 = arith.constant 0 : i32
      %dma_start3A_656 = tpu.memref_slice %arg2[%dma_start3A_654, %dma_start3A_655] : memref<10000x32xf32, #tpu.memory_space<hbm>> -> memref<10000x32xf32, #tpu.memory_space<hbm>>
      tpu.enqueue_indirect_dma source(%dma_start3A_656 : memref<10000x32xf32, #tpu.memory_space<hbm>>) target(%arg12 : memref<128x32xf32, #tpu.memory_space<vmem>>) offsets(%dma_start3A_653 : memref<128xi32, #tpu.memory_space<vmem>>) semaphore(%arg21 : memref<!tpu.dma_semaphore, #tpu.memory_space<semaphore_mem>>)
      %add3A_657 = arith.constant 5 : i32
      %add3A_658 = arith.addi %mul3A_497, %add3A_657 : i32
      %dma_wait3A_659 = arith.constant 0 : i32
      %dma_wait3A_660 = tpu.memref_slice %arg7[%add3A_658, %dma_wait3A_659] : memref<80x128xi32, #tpu.memory_space<vmem>> -> memref<1x128xi32, #tpu.memory_space<vmem>>
      %dma_wait3A_661 = tpu.memref_squeeze %dma_wait3A_660 : memref<1x128xi32, #tpu.memory_space<vmem>> -> memref<128xi32, #tpu.memory_space<vmem>>
      %dma_wait3A_662 = arith.constant 0 : i32
      %dma_wait3A_663 = arith.constant 0 : i32
      %dma_wait3A_664 = tpu.memref_slice %arg2[%dma_wait3A_662, %dma_wait3A_663] : memref<10000x32xf32, #tpu.memory_space<hbm>> -> memref<10000x32xf32, #tpu.memory_space<hbm>>
      tpu.wait_indirect_dma semaphore(%arg23 : memref<!tpu.dma_semaphore, #tpu.memory_space<semaphore_mem>>) src(%dma_wait3A_664 : memref<10000x32xf32, #tpu.memory_space<hbm>>) dst(%arg14 : memref<128x32xf32, #tpu.memory_space<vmem>>)
      %dma_start3A_665 = arith.constant 0 : i32
      %dma_start3A_666 = tpu.memref_slice %arg8[%add3A_658, %dma_start3A_665] : memref<80x128xi32, #tpu.memory_space<vmem>> -> memref<1x128xi32, #tpu.memory_space<vmem>>
      %dma_start3A_667 = tpu.memref_squeeze %dma_start3A_666 : memref<1x128xi32, #tpu.memory_space<vmem>> -> memref<128xi32, #tpu.memory_space<vmem>>
      %dma_start3A_668 = arith.constant 0 : i32
      %dma_start3A_669 = arith.constant 0 : i32
      %dma_start3A_670 = tpu.memref_slice %arg17[%dma_start3A_668, %dma_start3A_669] : memref<10240x32xf32, #tpu.memory_space<vmem_shared>> -> memref<10240x32xf32, #tpu.memory_space<vmem_shared>>
      tpu.enqueue_indirect_dma source(%arg14 : memref<128x32xf32, #tpu.memory_space<vmem>>) target(%dma_start3A_670 : memref<10240x32xf32, #tpu.memory_space<vmem_shared>>) offsets(%dma_start3A_667 : memref<128xi32, #tpu.memory_space<vmem>>) semaphore(%arg31 : memref<!tpu.dma_semaphore, #tpu.memory_space<semaphore_mem>>) {add = true}
      %sub3A_671 = arith.constant 1 : i32
      %sub3A_672 = arith.subi %add3A_658, %sub3A_671 : i32
      %dma_wait3A_673 = arith.constant 0 : i32
      %dma_wait3A_674 = tpu.memref_slice %arg8[%sub3A_672, %dma_wait3A_673] : memref<80x128xi32, #tpu.memory_space<vmem>> -> memref<1x128xi32, #tpu.memory_space<vmem>>
      %dma_wait3A_675 = tpu.memref_squeeze %dma_wait3A_674 : memref<1x128xi32, #tpu.memory_space<vmem>> -> memref<128xi32, #tpu.memory_space<vmem>>
      %dma_wait3A_676 = arith.constant 0 : i32
      %dma_wait3A_677 = arith.constant 0 : i32
      %dma_wait3A_678 = tpu.memref_slice %arg17[%dma_wait3A_676, %dma_wait3A_677] : memref<10240x32xf32, #tpu.memory_space<vmem_shared>> -> memref<10240x32xf32, #tpu.memory_space<vmem_shared>>
      tpu.wait_indirect_dma semaphore(%arg30 : memref<!tpu.dma_semaphore, #tpu.memory_space<semaphore_mem>>) src(%arg13 : memref<128x32xf32, #tpu.memory_space<vmem>>) dst(%dma_wait3A_678 : memref<10240x32xf32, #tpu.memory_space<vmem_shared>>)
      %add3A_679 = arith.constant 8 : i32
      %add3A_680 = arith.addi %add3A_658, %add3A_679 : i32
      %sub3A_681 = arith.constant 1 : i32
      %sub3A_682 = arith.subi %add3A_680, %sub3A_681 : i32
      %dma_start3A_683 = arith.constant 0 : i32
      %dma_start3A_684 = tpu.memref_slice %arg7[%sub3A_682, %dma_start3A_683] : memref<80x128xi32, #tpu.memory_space<vmem>> -> memref<1x128xi32, #tpu.memory_space<vmem>>
      %dma_start3A_685 = tpu.memref_squeeze %dma_start3A_684 : memref<1x128xi32, #tpu.memory_space<vmem>> -> memref<128xi32, #tpu.memory_space<vmem>>
      %dma_start3A_686 = arith.constant 0 : i32
      %dma_start3A_687 = arith.constant 0 : i32
      %dma_start3A_688 = tpu.memref_slice %arg2[%dma_start3A_686, %dma_start3A_687] : memref<10000x32xf32, #tpu.memory_space<hbm>> -> memref<10000x32xf32, #tpu.memory_space<hbm>>
      tpu.enqueue_indirect_dma source(%dma_start3A_688 : memref<10000x32xf32, #tpu.memory_space<hbm>>) target(%arg13 : memref<128x32xf32, #tpu.memory_space<vmem>>) offsets(%dma_start3A_685 : memref<128xi32, #tpu.memory_space<vmem>>) semaphore(%arg22 : memref<!tpu.dma_semaphore, #tpu.memory_space<semaphore_mem>>)
      %add3A_689 = arith.constant 6 : i32
      %add3A_690 = arith.addi %mul3A_497, %add3A_689 : i32
      %dma_wait3A_691 = arith.constant 0 : i32
      %dma_wait3A_692 = tpu.memref_slice %arg7[%add3A_690, %dma_wait3A_691] : memref<80x128xi32, #tpu.memory_space<vmem>> -> memref<1x128xi32, #tpu.memory_space<vmem>>
      %dma_wait3A_693 = tpu.memref_squeeze %dma_wait3A_692 : memref<1x128xi32, #tpu.memory_space<vmem>> -> memref<128xi32, #tpu.memory_space<vmem>>
      %dma_wait3A_694 = arith.constant 0 : i32
      %dma_wait3A_695 = arith.constant 0 : i32
      %dma_wait3A_696 = tpu.memref_slice %arg2[%dma_wait3A_694, %dma_wait3A_695] : memref<10000x32xf32, #tpu.memory_space<hbm>> -> memref<10000x32xf32, #tpu.memory_space<hbm>>
      tpu.wait_indirect_dma semaphore(%arg24 : memref<!tpu.dma_semaphore, #tpu.memory_space<semaphore_mem>>) src(%dma_wait3A_696 : memref<10000x32xf32, #tpu.memory_space<hbm>>) dst(%arg15 : memref<128x32xf32, #tpu.memory_space<vmem>>)
      %dma_start3A_697 = arith.constant 0 : i32
      %dma_start3A_698 = tpu.memref_slice %arg8[%add3A_690, %dma_start3A_697] : memref<80x128xi32, #tpu.memory_space<vmem>> -> memref<1x128xi32, #tpu.memory_space<vmem>>
      %dma_start3A_699 = tpu.memref_squeeze %dma_start3A_698 : memref<1x128xi32, #tpu.memory_space<vmem>> -> memref<128xi32, #tpu.memory_space<vmem>>
      %dma_start3A_700 = arith.constant 0 : i32
      %dma_start3A_701 = arith.constant 0 : i32
      %dma_start3A_702 = tpu.memref_slice %arg17[%dma_start3A_700, %dma_start3A_701] : memref<10240x32xf32, #tpu.memory_space<vmem_shared>> -> memref<10240x32xf32, #tpu.memory_space<vmem_shared>>
      tpu.enqueue_indirect_dma source(%arg15 : memref<128x32xf32, #tpu.memory_space<vmem>>) target(%dma_start3A_702 : memref<10240x32xf32, #tpu.memory_space<vmem_shared>>) offsets(%dma_start3A_699 : memref<128xi32, #tpu.memory_space<vmem>>) semaphore(%arg32 : memref<!tpu.dma_semaphore, #tpu.memory_space<semaphore_mem>>) {add = true}
      %sub3A_703 = arith.constant 1 : i32
      %sub3A_704 = arith.subi %add3A_690, %sub3A_703 : i32
      %dma_wait3A_705 = arith.constant 0 : i32
      %dma_wait3A_706 = tpu.memref_slice %arg8[%sub3A_704, %dma_wait3A_705] : memref<80x128xi32, #tpu.memory_space<vmem>> -> memref<1x128xi32, #tpu.memory_space<vmem>>
      %dma_wait3A_707 = tpu.memref_squeeze %dma_wait3A_706 : memref<1x128xi32, #tpu.memory_space<vmem>> -> memref<128xi32, #tpu.memory_space<vmem>>
      %dma_wait3A_708 = arith.constant 0 : i32
      %dma_wait3A_709 = arith.constant 0 : i32
      %dma_wait3A_710 = tpu.memref_slice %arg17[%dma_wait3A_708, %dma_wait3A_709] : memref<10240x32xf32, #tpu.memory_space<vmem_shared>> -> memref<10240x32xf32, #tpu.memory_space<vmem_shared>>
      tpu.wait_indirect_dma semaphore(%arg31 : memref<!tpu.dma_semaphore, #tpu.memory_space<semaphore_mem>>) src(%arg14 : memref<128x32xf32, #tpu.memory_space<vmem>>) dst(%dma_wait3A_710 : memref<10240x32xf32, #tpu.memory_space<vmem_shared>>)
      %add3A_711 = arith.constant 8 : i32
      %add3A_712 = arith.addi %add3A_690, %add3A_711 : i32
      %sub3A_713 = arith.constant 1 : i32
      %sub3A_714 = arith.subi %add3A_712, %sub3A_713 : i32
      %dma_start3A_715 = arith.constant 0 : i32
      %dma_start3A_716 = tpu.memref_slice %arg7[%sub3A_714, %dma_start3A_715] : memref<80x128xi32, #tpu.memory_space<vmem>> -> memref<1x128xi32, #tpu.memory_space<vmem>>
      %dma_start3A_717 = tpu.memref_squeeze %dma_start3A_716 : memref<1x128xi32, #tpu.memory_space<vmem>> -> memref<128xi32, #tpu.memory_space<vmem>>
      %dma_start3A_718 = arith.constant 0 : i32
      %dma_start3A_719 = arith.constant 0 : i32
      %dma_start3A_720 = tpu.memref_slice %arg2[%dma_start3A_718, %dma_start3A_719] : memref<10000x32xf32, #tpu.memory_space<hbm>> -> memref<10000x32xf32, #tpu.memory_space<hbm>>
      tpu.enqueue_indirect_dma source(%dma_start3A_720 : memref<10000x32xf32, #tpu.memory_space<hbm>>) target(%arg14 : memref<128x32xf32, #tpu.memory_space<vmem>>) offsets(%dma_start3A_717 : memref<128xi32, #tpu.memory_space<vmem>>) semaphore(%arg23 : memref<!tpu.dma_semaphore, #tpu.memory_space<semaphore_mem>>)
      %add3A_721 = arith.constant 7 : i32
      %add3A_722 = arith.addi %mul3A_497, %add3A_721 : i32
      %dma_wait3A_723 = arith.constant 0 : i32
      %dma_wait3A_724 = tpu.memref_slice %arg7[%add3A_722, %dma_wait3A_723] : memref<80x128xi32, #tpu.memory_space<vmem>> -> memref<1x128xi32, #tpu.memory_space<vmem>>
      %dma_wait3A_725 = tpu.memref_squeeze %dma_wait3A_724 : memref<1x128xi32, #tpu.memory_space<vmem>> -> memref<128xi32, #tpu.memory_space<vmem>>
      %dma_wait3A_726 = arith.constant 0 : i32
      %dma_wait3A_727 = arith.constant 0 : i32
      %dma_wait3A_728 = tpu.memref_slice %arg2[%dma_wait3A_726, %dma_wait3A_727] : memref<10000x32xf32, #tpu.memory_space<hbm>> -> memref<10000x32xf32, #tpu.memory_space<hbm>>
      tpu.wait_indirect_dma semaphore(%arg25 : memref<!tpu.dma_semaphore, #tpu.memory_space<semaphore_mem>>) src(%dma_wait3A_728 : memref<10000x32xf32, #tpu.memory_space<hbm>>) dst(%arg16 : memref<128x32xf32, #tpu.memory_space<vmem>>)
      %dma_start3A_729 = arith.constant 0 : i32
      %dma_start3A_730 = tpu.memref_slice %arg8[%add3A_722, %dma_start3A_729] : memref<80x128xi32, #tpu.memory_space<vmem>> -> memref<1x128xi32, #tpu.memory_space<vmem>>
      %dma_start3A_731 = tpu.memref_squeeze %dma_start3A_730 : memref<1x128xi32, #tpu.memory_space<vmem>> -> memref<128xi32, #tpu.memory_space<vmem>>
      %dma_start3A_732 = arith.constant 0 : i32
      %dma_start3A_733 = arith.constant 0 : i32
      %dma_start3A_734 = tpu.memref_slice %arg17[%dma_start3A_732, %dma_start3A_733] : memref<10240x32xf32, #tpu.memory_space<vmem_shared>> -> memref<10240x32xf32, #tpu.memory_space<vmem_shared>>
      tpu.enqueue_indirect_dma source(%arg16 : memref<128x32xf32, #tpu.memory_space<vmem>>) target(%dma_start3A_734 : memref<10240x32xf32, #tpu.memory_space<vmem_shared>>) offsets(%dma_start3A_731 : memref<128xi32, #tpu.memory_space<vmem>>) semaphore(%arg33 : memref<!tpu.dma_semaphore, #tpu.memory_space<semaphore_mem>>) {add = true}
      %sub3A_735 = arith.constant 1 : i32
      %sub3A_736 = arith.subi %add3A_722, %sub3A_735 : i32
      %dma_wait3A_737 = arith.constant 0 : i32
      %dma_wait3A_738 = tpu.memref_slice %arg8[%sub3A_736, %dma_wait3A_737] : memref<80x128xi32, #tpu.memory_space<vmem>> -> memref<1x128xi32, #tpu.memory_space<vmem>>
      %dma_wait3A_739 = tpu.memref_squeeze %dma_wait3A_738 : memref<1x128xi32, #tpu.memory_space<vmem>> -> memref<128xi32, #tpu.memory_space<vmem>>
      %dma_wait3A_740 = arith.constant 0 : i32
      %dma_wait3A_741 = arith.constant 0 : i32
      %dma_wait3A_742 = tpu.memref_slice %arg17[%dma_wait3A_740, %dma_wait3A_741] : memref<10240x32xf32, #tpu.memory_space<vmem_shared>> -> memref<10240x32xf32, #tpu.memory_space<vmem_shared>>
      tpu.wait_indirect_dma semaphore(%arg32 : memref<!tpu.dma_semaphore, #tpu.memory_space<semaphore_mem>>) src(%arg15 : memref<128x32xf32, #tpu.memory_space<vmem>>) dst(%dma_wait3A_742 : memref<10240x32xf32, #tpu.memory_space<vmem_shared>>)
      %add3A_743 = arith.constant 8 : i32
      %add3A_744 = arith.addi %add3A_722, %add3A_743 : i32
      %sub3A_745 = arith.constant 1 : i32
      %sub3A_746 = arith.subi %add3A_744, %sub3A_745 : i32
      %dma_start3A_747 = arith.constant 0 : i32
      %dma_start3A_748 = tpu.memref_slice %arg7[%sub3A_746, %dma_start3A_747] : memref<80x128xi32, #tpu.memory_space<vmem>> -> memref<1x128xi32, #tpu.memory_space<vmem>>
      %dma_start3A_749 = tpu.memref_squeeze %dma_start3A_748 : memref<1x128xi32, #tpu.memory_space<vmem>> -> memref<128xi32, #tpu.memory_space<vmem>>
      %dma_start3A_750 = arith.constant 0 : i32
      %dma_start3A_751 = arith.constant 0 : i32
      %dma_start3A_752 = tpu.memref_slice %arg2[%dma_start3A_750, %dma_start3A_751] : memref<10000x32xf32, #tpu.memory_space<hbm>> -> memref<10000x32xf32, #tpu.memory_space<hbm>>
      tpu.enqueue_indirect_dma source(%dma_start3A_752 : memref<10000x32xf32, #tpu.memory_space<hbm>>) target(%arg15 : memref<128x32xf32, #tpu.memory_space<vmem>>) offsets(%dma_start3A_749 : memref<128xi32, #tpu.memory_space<vmem>>) semaphore(%arg24 : memref<!tpu.dma_semaphore, #tpu.memory_space<semaphore_mem>>)
    }
    %scan3A_311 = arith.constant 8 : i32
    %dma_wait3A_312 = arith.constant 72 : i32
    %dma_wait3A_313 = arith.constant 0 : i32
    %dma_wait3A_314 = tpu.memref_slice %arg7[%dma_wait3A_312, %dma_wait3A_313] : memref<80x128xi32, #tpu.memory_space<vmem>> -> memref<1x128xi32, #tpu.memory_space<vmem>>
    %dma_wait3A_315 = tpu.memref_squeeze %dma_wait3A_314 : memref<1x128xi32, #tpu.memory_space<vmem>> -> memref<128xi32, #tpu.memory_space<vmem>>
    %dma_wait3A_316 = arith.constant 0 : i32
    %dma_wait3A_317 = arith.constant 0 : i32
    %dma_wait3A_318 = tpu.memref_slice %arg2[%dma_wait3A_316, %dma_wait3A_317] : memref<10000x32xf32, #tpu.memory_space<hbm>> -> memref<10000x32xf32, #tpu.memory_space<hbm>>
    tpu.wait_indirect_dma semaphore(%arg18 : memref<!tpu.dma_semaphore, #tpu.memory_space<semaphore_mem>>) src(%dma_wait3A_318 : memref<10000x32xf32, #tpu.memory_space<hbm>>) dst(%arg9 : memref<128x32xf32, #tpu.memory_space<vmem>>)
    %dma_start3A_319 = arith.constant 72 : i32
    %dma_start3A_320 = arith.constant 0 : i32
    %dma_start3A_321 = tpu.memref_slice %arg8[%dma_start3A_319, %dma_start3A_320] : memref<80x128xi32, #tpu.memory_space<vmem>> -> memref<1x128xi32, #tpu.memory_space<vmem>>
    %dma_start3A_322 = tpu.memref_squeeze %dma_start3A_321 : memref<1x128xi32, #tpu.memory_space<vmem>> -> memref<128xi32, #tpu.memory_space<vmem>>
    %dma_start3A_323 = arith.constant 0 : i32
    %dma_start3A_324 = arith.constant 0 : i32
    %dma_start3A_325 = tpu.memref_slice %arg17[%dma_start3A_323, %dma_start3A_324] : memref<10240x32xf32, #tpu.memory_space<vmem_shared>> -> memref<10240x32xf32, #tpu.memory_space<vmem_shared>>
    tpu.enqueue_indirect_dma source(%arg9 : memref<128x32xf32, #tpu.memory_space<vmem>>) target(%dma_start3A_325 : memref<10240x32xf32, #tpu.memory_space<vmem_shared>>) offsets(%dma_start3A_322 : memref<128xi32, #tpu.memory_space<vmem>>) semaphore(%arg26 : memref<!tpu.dma_semaphore, #tpu.memory_space<semaphore_mem>>) {add = true}
    %dma_wait3A_326 = arith.constant 71 : i32
    %dma_wait3A_327 = arith.constant 0 : i32
    %dma_wait3A_328 = tpu.memref_slice %arg8[%dma_wait3A_326, %dma_wait3A_327] : memref<80x128xi32, #tpu.memory_space<vmem>> -> memref<1x128xi32, #tpu.memory_space<vmem>>
    %dma_wait3A_329 = tpu.memref_squeeze %dma_wait3A_328 : memref<1x128xi32, #tpu.memory_space<vmem>> -> memref<128xi32, #tpu.memory_space<vmem>>
    %dma_wait3A_330 = arith.constant 0 : i32
    %dma_wait3A_331 = arith.constant 0 : i32
    %dma_wait3A_332 = tpu.memref_slice %arg17[%dma_wait3A_330, %dma_wait3A_331] : memref<10240x32xf32, #tpu.memory_space<vmem_shared>> -> memref<10240x32xf32, #tpu.memory_space<vmem_shared>>
    tpu.wait_indirect_dma semaphore(%arg33 : memref<!tpu.dma_semaphore, #tpu.memory_space<semaphore_mem>>) src(%arg16 : memref<128x32xf32, #tpu.memory_space<vmem>>) dst(%dma_wait3A_332 : memref<10240x32xf32, #tpu.memory_space<vmem_shared>>)
    %dma_start3A_333 = arith.constant 79 : i32
    %dma_start3A_334 = arith.constant 0 : i32
    %dma_start3A_335 = tpu.memref_slice %arg7[%dma_start3A_333, %dma_start3A_334] : memref<80x128xi32, #tpu.memory_space<vmem>> -> memref<1x128xi32, #tpu.memory_space<vmem>>
    %dma_start3A_336 = tpu.memref_squeeze %dma_start3A_335 : memref<1x128xi32, #tpu.memory_space<vmem>> -> memref<128xi32, #tpu.memory_space<vmem>>
    %dma_start3A_337 = arith.constant 0 : i32
    %dma_start3A_338 = arith.constant 0 : i32
    %dma_start3A_339 = tpu.memref_slice %arg2[%dma_start3A_337, %dma_start3A_338] : memref<10000x32xf32, #tpu.memory_space<hbm>> -> memref<10000x32xf32, #tpu.memory_space<hbm>>
    tpu.enqueue_indirect_dma source(%dma_start3A_339 : memref<10000x32xf32, #tpu.memory_space<hbm>>) target(%arg16 : memref<128x32xf32, #tpu.memory_space<vmem>>) offsets(%dma_start3A_336 : memref<128xi32, #tpu.memory_space<vmem>>) semaphore(%arg25 : memref<!tpu.dma_semaphore, #tpu.memory_space<semaphore_mem>>)
    %dma_wait3A_340 = arith.constant 73 : i32
    %dma_wait3A_341 = arith.constant 0 : i32
    %dma_wait3A_342 = tpu.memref_slice %arg7[%dma_wait3A_340, %dma_wait3A_341] : memref<80x128xi32, #tpu.memory_space<vmem>> -> memref<1x128xi32, #tpu.memory_space<vmem>>
    %dma_wait3A_343 = tpu.memref_squeeze %dma_wait3A_342 : memref<1x128xi32, #tpu.memory_space<vmem>> -> memref<128xi32, #tpu.memory_space<vmem>>
    %dma_wait3A_344 = arith.constant 0 : i32
    %dma_wait3A_345 = arith.constant 0 : i32
    %dma_wait3A_346 = tpu.memref_slice %arg2[%dma_wait3A_344, %dma_wait3A_345] : memref<10000x32xf32, #tpu.memory_space<hbm>> -> memref<10000x32xf32, #tpu.memory_space<hbm>>
    tpu.wait_indirect_dma semaphore(%arg19 : memref<!tpu.dma_semaphore, #tpu.memory_space<semaphore_mem>>) src(%dma_wait3A_346 : memref<10000x32xf32, #tpu.memory_space<hbm>>) dst(%arg10 : memref<128x32xf32, #tpu.memory_space<vmem>>)
    %dma_start3A_347 = arith.constant 73 : i32
    %dma_start3A_348 = arith.constant 0 : i32
    %dma_start3A_349 = tpu.memref_slice %arg8[%dma_start3A_347, %dma_start3A_348] : memref<80x128xi32, #tpu.memory_space<vmem>> -> memref<1x128xi32, #tpu.memory_space<vmem>>
    %dma_start3A_350 = tpu.memref_squeeze %dma_start3A_349 : memref<1x128xi32, #tpu.memory_space<vmem>> -> memref<128xi32, #tpu.memory_space<vmem>>
    %dma_start3A_351 = arith.constant 0 : i32
    %dma_start3A_352 = arith.constant 0 : i32
    %dma_start3A_353 = tpu.memref_slice %arg17[%dma_start3A_351, %dma_start3A_352] : memref<10240x32xf32, #tpu.memory_space<vmem_shared>> -> memref<10240x32xf32, #tpu.memory_space<vmem_shared>>
    tpu.enqueue_indirect_dma source(%arg10 : memref<128x32xf32, #tpu.memory_space<vmem>>) target(%dma_start3A_353 : memref<10240x32xf32, #tpu.memory_space<vmem_shared>>) offsets(%dma_start3A_350 : memref<128xi32, #tpu.memory_space<vmem>>) semaphore(%arg27 : memref<!tpu.dma_semaphore, #tpu.memory_space<semaphore_mem>>) {add = true}
    %dma_wait3A_354 = arith.constant 72 : i32
    %dma_wait3A_355 = arith.constant 0 : i32
    %dma_wait3A_356 = tpu.memref_slice %arg8[%dma_wait3A_354, %dma_wait3A_355] : memref<80x128xi32, #tpu.memory_space<vmem>> -> memref<1x128xi32, #tpu.memory_space<vmem>>
    %dma_wait3A_357 = tpu.memref_squeeze %dma_wait3A_356 : memref<1x128xi32, #tpu.memory_space<vmem>> -> memref<128xi32, #tpu.memory_space<vmem>>
    %dma_wait3A_358 = arith.constant 0 : i32
    %dma_wait3A_359 = arith.constant 0 : i32
    %dma_wait3A_360 = tpu.memref_slice %arg17[%dma_wait3A_358, %dma_wait3A_359] : memref<10240x32xf32, #tpu.memory_space<vmem_shared>> -> memref<10240x32xf32, #tpu.memory_space<vmem_shared>>
    tpu.wait_indirect_dma semaphore(%arg26 : memref<!tpu.dma_semaphore, #tpu.memory_space<semaphore_mem>>) src(%arg9 : memref<128x32xf32, #tpu.memory_space<vmem>>) dst(%dma_wait3A_360 : memref<10240x32xf32, #tpu.memory_space<vmem_shared>>)
    %dma_wait3A_361 = arith.constant 74 : i32
    %dma_wait3A_362 = arith.constant 0 : i32
    %dma_wait3A_363 = tpu.memref_slice %arg7[%dma_wait3A_361, %dma_wait3A_362] : memref<80x128xi32, #tpu.memory_space<vmem>> -> memref<1x128xi32, #tpu.memory_space<vmem>>
    %dma_wait3A_364 = tpu.memref_squeeze %dma_wait3A_363 : memref<1x128xi32, #tpu.memory_space<vmem>> -> memref<128xi32, #tpu.memory_space<vmem>>
    %dma_wait3A_365 = arith.constant 0 : i32
    %dma_wait3A_366 = arith.constant 0 : i32
    %dma_wait3A_367 = tpu.memref_slice %arg2[%dma_wait3A_365, %dma_wait3A_366] : memref<10000x32xf32, #tpu.memory_space<hbm>> -> memref<10000x32xf32, #tpu.memory_space<hbm>>
    tpu.wait_indirect_dma semaphore(%arg20 : memref<!tpu.dma_semaphore, #tpu.memory_space<semaphore_mem>>) src(%dma_wait3A_367 : memref<10000x32xf32, #tpu.memory_space<hbm>>) dst(%arg11 : memref<128x32xf32, #tpu.memory_space<vmem>>)
    %dma_start3A_368 = arith.constant 74 : i32
    %dma_start3A_369 = arith.constant 0 : i32
    %dma_start3A_370 = tpu.memref_slice %arg8[%dma_start3A_368, %dma_start3A_369] : memref<80x128xi32, #tpu.memory_space<vmem>> -> memref<1x128xi32, #tpu.memory_space<vmem>>
    %dma_start3A_371 = tpu.memref_squeeze %dma_start3A_370 : memref<1x128xi32, #tpu.memory_space<vmem>> -> memref<128xi32, #tpu.memory_space<vmem>>
    %dma_start3A_372 = arith.constant 0 : i32
    %dma_start3A_373 = arith.constant 0 : i32
    %dma_start3A_374 = tpu.memref_slice %arg17[%dma_start3A_372, %dma_start3A_373] : memref<10240x32xf32, #tpu.memory_space<vmem_shared>> -> memref<10240x32xf32, #tpu.memory_space<vmem_shared>>
    tpu.enqueue_indirect_dma source(%arg11 : memref<128x32xf32, #tpu.memory_space<vmem>>) target(%dma_start3A_374 : memref<10240x32xf32, #tpu.memory_space<vmem_shared>>) offsets(%dma_start3A_371 : memref<128xi32, #tpu.memory_space<vmem>>) semaphore(%arg28 : memref<!tpu.dma_semaphore, #tpu.memory_space<semaphore_mem>>) {add = true}
    %dma_wait3A_375 = arith.constant 73 : i32
    %dma_wait3A_376 = arith.constant 0 : i32
    %dma_wait3A_377 = tpu.memref_slice %arg8[%dma_wait3A_375, %dma_wait3A_376] : memref<80x128xi32, #tpu.memory_space<vmem>> -> memref<1x128xi32, #tpu.memory_space<vmem>>
    %dma_wait3A_378 = tpu.memref_squeeze %dma_wait3A_377 : memref<1x128xi32, #tpu.memory_space<vmem>> -> memref<128xi32, #tpu.memory_space<vmem>>
    %dma_wait3A_379 = arith.constant 0 : i32
    %dma_wait3A_380 = arith.constant 0 : i32
    %dma_wait3A_381 = tpu.memref_slice %arg17[%dma_wait3A_379, %dma_wait3A_380] : memref<10240x32xf32, #tpu.memory_space<vmem_shared>> -> memref<10240x32xf32, #tpu.memory_space<vmem_shared>>
    tpu.wait_indirect_dma semaphore(%arg27 : memref<!tpu.dma_semaphore, #tpu.memory_space<semaphore_mem>>) src(%arg10 : memref<128x32xf32, #tpu.memory_space<vmem>>) dst(%dma_wait3A_381 : memref<10240x32xf32, #tpu.memory_space<vmem_shared>>)
    %dma_wait3A_382 = arith.constant 75 : i32
    %dma_wait3A_383 = arith.constant 0 : i32
    %dma_wait3A_384 = tpu.memref_slice %arg7[%dma_wait3A_382, %dma_wait3A_383] : memref<80x128xi32, #tpu.memory_space<vmem>> -> memref<1x128xi32, #tpu.memory_space<vmem>>
    %dma_wait3A_385 = tpu.memref_squeeze %dma_wait3A_384 : memref<1x128xi32, #tpu.memory_space<vmem>> -> memref<128xi32, #tpu.memory_space<vmem>>
    %dma_wait3A_386 = arith.constant 0 : i32
    %dma_wait3A_387 = arith.constant 0 : i32
    %dma_wait3A_388 = tpu.memref_slice %arg2[%dma_wait3A_386, %dma_wait3A_387] : memref<10000x32xf32, #tpu.memory_space<hbm>> -> memref<10000x32xf32, #tpu.memory_space<hbm>>
    tpu.wait_indirect_dma semaphore(%arg21 : memref<!tpu.dma_semaphore, #tpu.memory_space<semaphore_mem>>) src(%dma_wait3A_388 : memref<10000x32xf32, #tpu.memory_space<hbm>>) dst(%arg12 : memref<128x32xf32, #tpu.memory_space<vmem>>)
    %dma_start3A_389 = arith.constant 75 : i32
    %dma_start3A_390 = arith.constant 0 : i32
    %dma_start3A_391 = tpu.memref_slice %arg8[%dma_start3A_389, %dma_start3A_390] : memref<80x128xi32, #tpu.memory_space<vmem>> -> memref<1x128xi32, #tpu.memory_space<vmem>>
    %dma_start3A_392 = tpu.memref_squeeze %dma_start3A_391 : memref<1x128xi32, #tpu.memory_space<vmem>> -> memref<128xi32, #tpu.memory_space<vmem>>
    %dma_start3A_393 = arith.constant 0 : i32
    %dma_start3A_394 = arith.constant 0 : i32
    %dma_start3A_395 = tpu.memref_slice %arg17[%dma_start3A_393, %dma_start3A_394] : memref<10240x32xf32, #tpu.memory_space<vmem_shared>> -> memref<10240x32xf32, #tpu.memory_space<vmem_shared>>
    tpu.enqueue_indirect_dma source(%arg12 : memref<128x32xf32, #tpu.memory_space<vmem>>) target(%dma_start3A_395 : memref<10240x32xf32, #tpu.memory_space<vmem_shared>>) offsets(%dma_start3A_392 : memref<128xi32, #tpu.memory_space<vmem>>) semaphore(%arg29 : memref<!tpu.dma_semaphore, #tpu.memory_space<semaphore_mem>>) {add = true}
    %dma_wait3A_396 = arith.constant 74 : i32
    %dma_wait3A_397 = arith.constant 0 : i32
    %dma_wait3A_398 = tpu.memref_slice %arg8[%dma_wait3A_396, %dma_wait3A_397] : memref<80x128xi32, #tpu.memory_space<vmem>> -> memref<1x128xi32, #tpu.memory_space<vmem>>
    %dma_wait3A_399 = tpu.memref_squeeze %dma_wait3A_398 : memref<1x128xi32, #tpu.memory_space<vmem>> -> memref<128xi32, #tpu.memory_space<vmem>>
    %dma_wait3A_400 = arith.constant 0 : i32
    %dma_wait3A_401 = arith.constant 0 : i32
    %dma_wait3A_402 = tpu.memref_slice %arg17[%dma_wait3A_400, %dma_wait3A_401] : memref<10240x32xf32, #tpu.memory_space<vmem_shared>> -> memref<10240x32xf32, #tpu.memory_space<vmem_shared>>
    tpu.wait_indirect_dma semaphore(%arg28 : memref<!tpu.dma_semaphore, #tpu.memory_space<semaphore_mem>>) src(%arg11 : memref<128x32xf32, #tpu.memory_space<vmem>>) dst(%dma_wait3A_402 : memref<10240x32xf32, #tpu.memory_space<vmem_shared>>)
    %dma_wait3A_403 = arith.constant 76 : i32
    %dma_wait3A_404 = arith.constant 0 : i32
    %dma_wait3A_405 = tpu.memref_slice %arg7[%dma_wait3A_403, %dma_wait3A_404] : memref<80x128xi32, #tpu.memory_space<vmem>> -> memref<1x128xi32, #tpu.memory_space<vmem>>
    %dma_wait3A_406 = tpu.memref_squeeze %dma_wait3A_405 : memref<1x128xi32, #tpu.memory_space<vmem>> -> memref<128xi32, #tpu.memory_space<vmem>>
    %dma_wait3A_407 = arith.constant 0 : i32
    %dma_wait3A_408 = arith.constant 0 : i32
    %dma_wait3A_409 = tpu.memref_slice %arg2[%dma_wait3A_407, %dma_wait3A_408] : memref<10000x32xf32, #tpu.memory_space<hbm>> -> memref<10000x32xf32, #tpu.memory_space<hbm>>
    tpu.wait_indirect_dma semaphore(%arg22 : memref<!tpu.dma_semaphore, #tpu.memory_space<semaphore_mem>>) src(%dma_wait3A_409 : memref<10000x32xf32, #tpu.memory_space<hbm>>) dst(%arg13 : memref<128x32xf32, #tpu.memory_space<vmem>>)
    %dma_start3A_410 = arith.constant 76 : i32
    %dma_start3A_411 = arith.constant 0 : i32
    %dma_start3A_412 = tpu.memref_slice %arg8[%dma_start3A_410, %dma_start3A_411] : memref<80x128xi32, #tpu.memory_space<vmem>> -> memref<1x128xi32, #tpu.memory_space<vmem>>
    %dma_start3A_413 = tpu.memref_squeeze %dma_start3A_412 : memref<1x128xi32, #tpu.memory_space<vmem>> -> memref<128xi32, #tpu.memory_space<vmem>>
    %dma_start3A_414 = arith.constant 0 : i32
    %dma_start3A_415 = arith.constant 0 : i32
    %dma_start3A_416 = tpu.memref_slice %arg17[%dma_start3A_414, %dma_start3A_415] : memref<10240x32xf32, #tpu.memory_space<vmem_shared>> -> memref<10240x32xf32, #tpu.memory_space<vmem_shared>>
    tpu.enqueue_indirect_dma source(%arg13 : memref<128x32xf32, #tpu.memory_space<vmem>>) target(%dma_start3A_416 : memref<10240x32xf32, #tpu.memory_space<vmem_shared>>) offsets(%dma_start3A_413 : memref<128xi32, #tpu.memory_space<vmem>>) semaphore(%arg30 : memref<!tpu.dma_semaphore, #tpu.memory_space<semaphore_mem>>) {add = true}
    %dma_wait3A_417 = arith.constant 75 : i32
    %dma_wait3A_418 = arith.constant 0 : i32
    %dma_wait3A_419 = tpu.memref_slice %arg8[%dma_wait3A_417, %dma_wait3A_418] : memref<80x128xi32, #tpu.memory_space<vmem>> -> memref<1x128xi32, #tpu.memory_space<vmem>>
    %dma_wait3A_420 = tpu.memref_squeeze %dma_wait3A_419 : memref<1x128xi32, #tpu.memory_space<vmem>> -> memref<128xi32, #tpu.memory_space<vmem>>
    %dma_wait3A_421 = arith.constant 0 : i32
    %dma_wait3A_422 = arith.constant 0 : i32
    %dma_wait3A_423 = tpu.memref_slice %arg17[%dma_wait3A_421, %dma_wait3A_422] : memref<10240x32xf32, #tpu.memory_space<vmem_shared>> -> memref<10240x32xf32, #tpu.memory_space<vmem_shared>>
    tpu.wait_indirect_dma semaphore(%arg29 : memref<!tpu.dma_semaphore, #tpu.memory_space<semaphore_mem>>) src(%arg12 : memref<128x32xf32, #tpu.memory_space<vmem>>) dst(%dma_wait3A_423 : memref<10240x32xf32, #tpu.memory_space<vmem_shared>>)
    %dma_wait3A_424 = arith.constant 77 : i32
    %dma_wait3A_425 = arith.constant 0 : i32
    %dma_wait3A_426 = tpu.memref_slice %arg7[%dma_wait3A_424, %dma_wait3A_425] : memref<80x128xi32, #tpu.memory_space<vmem>> -> memref<1x128xi32, #tpu.memory_space<vmem>>
    %dma_wait3A_427 = tpu.memref_squeeze %dma_wait3A_426 : memref<1x128xi32, #tpu.memory_space<vmem>> -> memref<128xi32, #tpu.memory_space<vmem>>
    %dma_wait3A_428 = arith.constant 0 : i32
    %dma_wait3A_429 = arith.constant 0 : i32
    %dma_wait3A_430 = tpu.memref_slice %arg2[%dma_wait3A_428, %dma_wait3A_429] : memref<10000x32xf32, #tpu.memory_space<hbm>> -> memref<10000x32xf32, #tpu.memory_space<hbm>>
    tpu.wait_indirect_dma semaphore(%arg23 : memref<!tpu.dma_semaphore, #tpu.memory_space<semaphore_mem>>) src(%dma_wait3A_430 : memref<10000x32xf32, #tpu.memory_space<hbm>>) dst(%arg14 : memref<128x32xf32, #tpu.memory_space<vmem>>)
    %dma_start3A_431 = arith.constant 77 : i32
    %dma_start3A_432 = arith.constant 0 : i32
    %dma_start3A_433 = tpu.memref_slice %arg8[%dma_start3A_431, %dma_start3A_432] : memref<80x128xi32, #tpu.memory_space<vmem>> -> memref<1x128xi32, #tpu.memory_space<vmem>>
    %dma_start3A_434 = tpu.memref_squeeze %dma_start3A_433 : memref<1x128xi32, #tpu.memory_space<vmem>> -> memref<128xi32, #tpu.memory_space<vmem>>
    %dma_start3A_435 = arith.constant 0 : i32
    %dma_start3A_436 = arith.constant 0 : i32
    %dma_start3A_437 = tpu.memref_slice %arg17[%dma_start3A_435, %dma_start3A_436] : memref<10240x32xf32, #tpu.memory_space<vmem_shared>> -> memref<10240x32xf32, #tpu.memory_space<vmem_shared>>
    tpu.enqueue_indirect_dma source(%arg14 : memref<128x32xf32, #tpu.memory_space<vmem>>) target(%dma_start3A_437 : memref<10240x32xf32, #tpu.memory_space<vmem_shared>>) offsets(%dma_start3A_434 : memref<128xi32, #tpu.memory_space<vmem>>) semaphore(%arg31 : memref<!tpu.dma_semaphore, #tpu.memory_space<semaphore_mem>>) {add = true}
    %dma_wait3A_438 = arith.constant 76 : i32
    %dma_wait3A_439 = arith.constant 0 : i32
    %dma_wait3A_440 = tpu.memref_slice %arg8[%dma_wait3A_438, %dma_wait3A_439] : memref<80x128xi32, #tpu.memory_space<vmem>> -> memref<1x128xi32, #tpu.memory_space<vmem>>
    %dma_wait3A_441 = tpu.memref_squeeze %dma_wait3A_440 : memref<1x128xi32, #tpu.memory_space<vmem>> -> memref<128xi32, #tpu.memory_space<vmem>>
    %dma_wait3A_442 = arith.constant 0 : i32
    %dma_wait3A_443 = arith.constant 0 : i32
    %dma_wait3A_444 = tpu.memref_slice %arg17[%dma_wait3A_442, %dma_wait3A_443] : memref<10240x32xf32, #tpu.memory_space<vmem_shared>> -> memref<10240x32xf32, #tpu.memory_space<vmem_shared>>
    tpu.wait_indirect_dma semaphore(%arg30 : memref<!tpu.dma_semaphore, #tpu.memory_space<semaphore_mem>>) src(%arg13 : memref<128x32xf32, #tpu.memory_space<vmem>>) dst(%dma_wait3A_444 : memref<10240x32xf32, #tpu.memory_space<vmem_shared>>)
    %dma_wait3A_445 = arith.constant 78 : i32
    %dma_wait3A_446 = arith.constant 0 : i32
    %dma_wait3A_447 = tpu.memref_slice %arg7[%dma_wait3A_445, %dma_wait3A_446] : memref<80x128xi32, #tpu.memory_space<vmem>> -> memref<1x128xi32, #tpu.memory_space<vmem>>
    %dma_wait3A_448 = tpu.memref_squeeze %dma_wait3A_447 : memref<1x128xi32, #tpu.memory_space<vmem>> -> memref<128xi32, #tpu.memory_space<vmem>>
    %dma_wait3A_449 = arith.constant 0 : i32
    %dma_wait3A_450 = arith.constant 0 : i32
    %dma_wait3A_451 = tpu.memref_slice %arg2[%dma_wait3A_449, %dma_wait3A_450] : memref<10000x32xf32, #tpu.memory_space<hbm>> -> memref<10000x32xf32, #tpu.memory_space<hbm>>
    tpu.wait_indirect_dma semaphore(%arg24 : memref<!tpu.dma_semaphore, #tpu.memory_space<semaphore_mem>>) src(%dma_wait3A_451 : memref<10000x32xf32, #tpu.memory_space<hbm>>) dst(%arg15 : memref<128x32xf32, #tpu.memory_space<vmem>>)
    %dma_start3A_452 = arith.constant 78 : i32
    %dma_start3A_453 = arith.constant 0 : i32
    %dma_start3A_454 = tpu.memref_slice %arg8[%dma_start3A_452, %dma_start3A_453] : memref<80x128xi32, #tpu.memory_space<vmem>> -> memref<1x128xi32, #tpu.memory_space<vmem>>
    %dma_start3A_455 = tpu.memref_squeeze %dma_start3A_454 : memref<1x128xi32, #tpu.memory_space<vmem>> -> memref<128xi32, #tpu.memory_space<vmem>>
    %dma_start3A_456 = arith.constant 0 : i32
    %dma_start3A_457 = arith.constant 0 : i32
    %dma_start3A_458 = tpu.memref_slice %arg17[%dma_start3A_456, %dma_start3A_457] : memref<10240x32xf32, #tpu.memory_space<vmem_shared>> -> memref<10240x32xf32, #tpu.memory_space<vmem_shared>>
    tpu.enqueue_indirect_dma source(%arg15 : memref<128x32xf32, #tpu.memory_space<vmem>>) target(%dma_start3A_458 : memref<10240x32xf32, #tpu.memory_space<vmem_shared>>) offsets(%dma_start3A_455 : memref<128xi32, #tpu.memory_space<vmem>>) semaphore(%arg32 : memref<!tpu.dma_semaphore, #tpu.memory_space<semaphore_mem>>) {add = true}
    %dma_wait3A_459 = arith.constant 77 : i32
    %dma_wait3A_460 = arith.constant 0 : i32
    %dma_wait3A_461 = tpu.memref_slice %arg8[%dma_wait3A_459, %dma_wait3A_460] : memref<80x128xi32, #tpu.memory_space<vmem>> -> memref<1x128xi32, #tpu.memory_space<vmem>>
    %dma_wait3A_462 = tpu.memref_squeeze %dma_wait3A_461 : memref<1x128xi32, #tpu.memory_space<vmem>> -> memref<128xi32, #tpu.memory_space<vmem>>
    %dma_wait3A_463 = arith.constant 0 : i32
    %dma_wait3A_464 = arith.constant 0 : i32
    %dma_wait3A_465 = tpu.memref_slice %arg17[%dma_wait3A_463, %dma_wait3A_464] : memref<10240x32xf32, #tpu.memory_space<vmem_shared>> -> memref<10240x32xf32, #tpu.memory_space<vmem_shared>>
    tpu.wait_indirect_dma semaphore(%arg31 : memref<!tpu.dma_semaphore, #tpu.memory_space<semaphore_mem>>) src(%arg14 : memref<128x32xf32, #tpu.memory_space<vmem>>) dst(%dma_wait3A_465 : memref<10240x32xf32, #tpu.memory_space<vmem_shared>>)
    %dma_wait3A_466 = arith.constant 79 : i32
    %dma_wait3A_467 = arith.constant 0 : i32
    %dma_wait3A_468 = tpu.memref_slice %arg7[%dma_wait3A_466, %dma_wait3A_467] : memref<80x128xi32, #tpu.memory_space<vmem>> -> memref<1x128xi32, #tpu.memory_space<vmem>>
    %dma_wait3A_469 = tpu.memref_squeeze %dma_wait3A_468 : memref<1x128xi32, #tpu.memory_space<vmem>> -> memref<128xi32, #tpu.memory_space<vmem>>
    %dma_wait3A_470 = arith.constant 0 : i32
    %dma_wait3A_471 = arith.constant 0 : i32
    %dma_wait3A_472 = tpu.memref_slice %arg2[%dma_wait3A_470, %dma_wait3A_471] : memref<10000x32xf32, #tpu.memory_space<hbm>> -> memref<10000x32xf32, #tpu.memory_space<hbm>>
    tpu.wait_indirect_dma semaphore(%arg25 : memref<!tpu.dma_semaphore, #tpu.memory_space<semaphore_mem>>) src(%dma_wait3A_472 : memref<10000x32xf32, #tpu.memory_space<hbm>>) dst(%arg16 : memref<128x32xf32, #tpu.memory_space<vmem>>)
    %dma_start3A_473 = arith.constant 79 : i32
    %dma_start3A_474 = arith.constant 0 : i32
    %dma_start3A_475 = tpu.memref_slice %arg8[%dma_start3A_473, %dma_start3A_474] : memref<80x128xi32, #tpu.memory_space<vmem>> -> memref<1x128xi32, #tpu.memory_space<vmem>>
    %dma_start3A_476 = tpu.memref_squeeze %dma_start3A_475 : memref<1x128xi32, #tpu.memory_space<vmem>> -> memref<128xi32, #tpu.memory_space<vmem>>
    %dma_start3A_477 = arith.constant 0 : i32
    %dma_start3A_478 = arith.constant 0 : i32
    %dma_start3A_479 = tpu.memref_slice %arg17[%dma_start3A_477, %dma_start3A_478] : memref<10240x32xf32, #tpu.memory_space<vmem_shared>> -> memref<10240x32xf32, #tpu.memory_space<vmem_shared>>
    tpu.enqueue_indirect_dma source(%arg16 : memref<128x32xf32, #tpu.memory_space<vmem>>) target(%dma_start3A_479 : memref<10240x32xf32, #tpu.memory_space<vmem_shared>>) offsets(%dma_start3A_476 : memref<128xi32, #tpu.memory_space<vmem>>) semaphore(%arg33 : memref<!tpu.dma_semaphore, #tpu.memory_space<semaphore_mem>>) {add = true}
    %dma_wait3A_480 = arith.constant 78 : i32
    %dma_wait3A_481 = arith.constant 0 : i32
    %dma_wait3A_482 = tpu.memref_slice %arg8[%dma_wait3A_480, %dma_wait3A_481] : memref<80x128xi32, #tpu.memory_space<vmem>> -> memref<1x128xi32, #tpu.memory_space<vmem>>
    %dma_wait3A_483 = tpu.memref_squeeze %dma_wait3A_482 : memref<1x128xi32, #tpu.memory_space<vmem>> -> memref<128xi32, #tpu.memory_space<vmem>>
    %dma_wait3A_484 = arith.constant 0 : i32
    %dma_wait3A_485 = arith.constant 0 : i32
    %dma_wait3A_486 = tpu.memref_slice %arg17[%dma_wait3A_484, %dma_wait3A_485] : memref<10240x32xf32, #tpu.memory_space<vmem_shared>> -> memref<10240x32xf32, #tpu.memory_space<vmem_shared>>
    tpu.wait_indirect_dma semaphore(%arg32 : memref<!tpu.dma_semaphore, #tpu.memory_space<semaphore_mem>>) src(%arg15 : memref<128x32xf32, #tpu.memory_space<vmem>>) dst(%dma_wait3A_486 : memref<10240x32xf32, #tpu.memory_space<vmem_shared>>)
    %dma_wait3A_487 = arith.constant 79 : i32
    %dma_wait3A_488 = arith.constant 0 : i32
    %dma_wait3A_489 = tpu.memref_slice %arg8[%dma_wait3A_487, %dma_wait3A_488] : memref<80x128xi32, #tpu.memory_space<vmem>> -> memref<1x128xi32, #tpu.memory_space<vmem>>
    %dma_wait3A_490 = tpu.memref_squeeze %dma_wait3A_489 : memref<1x128xi32, #tpu.memory_space<vmem>> -> memref<128xi32, #tpu.memory_space<vmem>>
    %dma_wait3A_491 = arith.constant 0 : i32
    %dma_wait3A_492 = arith.constant 0 : i32
    %dma_wait3A_493 = tpu.memref_slice %arg17[%dma_wait3A_491, %dma_wait3A_492] : memref<10240x32xf32, #tpu.memory_space<vmem_shared>> -> memref<10240x32xf32, #tpu.memory_space<vmem_shared>>
    tpu.wait_indirect_dma semaphore(%arg33 : memref<!tpu.dma_semaphore, #tpu.memory_space<semaphore_mem>>) src(%arg16 : memref<128x32xf32, #tpu.memory_space<vmem>>) dst(%dma_wait3A_493 : memref<10240x32xf32, #tpu.memory_space<vmem_shared>>)
    %barrier3A_494 = arith.constant 0 : index
    tpu.barrier barrier_id(%barrier3A_494)
    "tpu.region"() ({
      %run_scoped3A = tpu.sem_alloc : memref<!tpu.dma_semaphore, #tpu.memory_space<semaphore_mem>>
      %dma_start3A_495 = arith.constant 0 : i32
      %dma_start3A_496 = tpu.memref_slice %arg6[%arg0, %mul3A_2, %dma_start3A_495] : memref<2x10240x32xf32, #tpu.memory_space<hbm>> -> memref<1x640x32xf32, #tpu.memory_space<hbm>>
      %dma_start3A_497 = tpu.memref_squeeze %dma_start3A_496 : memref<1x640x32xf32, #tpu.memory_space<hbm>> -> memref<640x32xf32, #tpu.memory_space<hbm>>
      %dma_start3A_498 = arith.constant 0 : i32
      %dma_start3A_499 = tpu.memref_slice %arg17[%mul3A_2, %dma_start3A_498] : memref<10240x32xf32, #tpu.memory_space<vmem_shared>> -> memref<640x32xf32, #tpu.memory_space<vmem_shared>>
      tpu.enqueue_dma source(%dma_start3A_499 : memref<640x32xf32, #tpu.memory_space<vmem_shared>>) target(%dma_start3A_497 : memref<640x32xf32, #tpu.memory_space<hbm>>) target_semaphore(%run_scoped3A : memref<!tpu.dma_semaphore, #tpu.memory_space<semaphore_mem>>)
      %dma_wait3A_500 = arith.constant 0 : i32
      %dma_wait3A_501 = tpu.memref_slice %arg6[%arg0, %mul3A_2, %dma_wait3A_500] : memref<2x10240x32xf32, #tpu.memory_space<hbm>> -> memref<1x640x32xf32, #tpu.memory_space<hbm>>
      %dma_wait3A_502 = tpu.memref_squeeze %dma_wait3A_501 : memref<1x640x32xf32, #tpu.memory_space<hbm>> -> memref<640x32xf32, #tpu.memory_space<hbm>>
      %dma_wait3A_503 = arith.constant 0 : i32
      %dma_wait3A_504 = tpu.memref_slice %arg17[%mul3A_2, %dma_wait3A_503] : memref<10240x32xf32, #tpu.memory_space<vmem_shared>> -> memref<640x32xf32, #tpu.memory_space<vmem_shared>>
      tpu.wait_dma2 semaphore(%run_scoped3A : memref<!tpu.dma_semaphore, #tpu.memory_space<semaphore_mem>>) src(%dma_wait3A_504 : memref<640x32xf32, #tpu.memory_space<vmem_shared>>) dst(%dma_wait3A_502 : memref<640x32xf32, #tpu.memory_space<hbm>>)
      tpu.yield
    }) : () -> ()
    return
  }
}

module attributes {stable_mosaic.version = 14 : i64} {
  func.func @_tc_proj(%arg0: memref<10000x128xf32, #tpu.memory_space<vmem>>, %arg1: memref<128x32xf32, #tpu.memory_space<vmem>>, %arg2: memref<128x32xf32, #tpu.memory_space<vmem>>, %arg3: memref<10000x32xf32, #tpu.memory_space<vmem>>, %arg4: memref<10000x32xf32, #tpu.memory_space<vmem>>) attributes {dimension_semantics = [], scalar_prefetch = 0 : i64, scratch_operands = 0 : i64, tpu.core_type = #tpu.core_type<tc>} {
    %get3A = arith.constant 0 : index
    %get3A_0 = arith.constant 0 : index
    %get3A_1 = vector.load %arg0[%get3A, %get3A_0] : memref<10000x128xf32, #tpu.memory_space<vmem>>, vector<10000x128xf32>
    %get3A_2 = arith.constant 0 : index
    %get3A_3 = arith.constant 0 : index
    %get3A_4 = vector.load %arg1[%get3A_2, %get3A_3] : memref<128x32xf32, #tpu.memory_space<vmem>>, vector<128x32xf32>
    %dot_general3A = arith.constant dense<0.000000e+00> : vector<10000x32xf32>
    %dot_general3A_5 = tpu.matmul %get3A_1, %get3A_4, %dot_general3A {dimension_numbers = #tpu.dot_dimension_numbers<[1], [0], [0], [1], [0, 0, 1, 1], [], []>, transpose_lhs_hint = false} : vector<10000x128xf32>, vector<128x32xf32>, vector<10000x32xf32> -> vector<10000x32xf32>
    %swap3A = arith.constant 0 : index
    %swap3A_6 = arith.constant 0 : index
    %swap3A_7 = vector.load %arg3[%swap3A, %swap3A_6] : memref<10000x32xf32, #tpu.memory_space<vmem>>, vector<10000x32xf32>
    tpu.vector_store %arg3[%swap3A, %swap3A_6], %dot_general3A_5 {strides = array<i32>} : memref<10000x32xf32, #tpu.memory_space<vmem>>, vector<10000x32xf32>,
    %get3A_8 = arith.constant 0 : index
    %get3A_9 = arith.constant 0 : index
    %get3A_10 = vector.load %arg2[%get3A_8, %get3A_9] : memref<128x32xf32, #tpu.memory_space<vmem>>, vector<128x32xf32>
    %dot_general3A_11 = arith.constant dense<0.000000e+00> : vector<10000x32xf32>
    %dot_general3A_12 = tpu.matmul %get3A_1, %get3A_10, %dot_general3A_11 {dimension_numbers = #tpu.dot_dimension_numbers<[1], [0], [0], [1], [0, 0, 1, 1], [], []>, transpose_lhs_hint = false} : vector<10000x128xf32>, vector<128x32xf32>, vector<10000x32xf32> -> vector<10000x32xf32>
    %swap3A_13 = arith.constant 0 : index
    %swap3A_14 = arith.constant 0 : index
    %swap3A_15 = vector.load %arg4[%swap3A_13, %swap3A_14] : memref<10000x32xf32, #tpu.memory_space<vmem>>, vector<10000x32xf32>
    tpu.vector_store %arg4[%swap3A_13, %swap3A_14], %dot_general3A_12 {strides = array<i32>} : memref<10000x32xf32, #tpu.memory_space<vmem>>, vector<10000x32xf32>,
    return
  }
}

module attributes {stable_mosaic.version = 14 : i64} {
  func.func @_tc_combine_proj(%arg0: memref<2x10240x32xf32, #tpu.memory_space<vmem>>, %arg1: memref<2x10240x32xf32, #tpu.memory_space<vmem>>, %arg2: memref<10000x32xf32, #tpu.memory_space<vmem>>, %arg3: memref<1x32xf32, #tpu.memory_space<vmem>>, %arg4: memref<32x32xf32, #tpu.memory_space<vmem>>, %arg5: memref<32x32xf32, #tpu.memory_space<vmem>>, %arg6: memref<10000x32xf32, #tpu.memory_space<vmem>>, %arg7: memref<10000x32xf32, #tpu.memory_space<vmem>>) attributes {dimension_semantics = [], scalar_prefetch = 0 : i64, scratch_operands = 0 : i64, tpu.core_type = #tpu.core_type<tc>} {
    %get3A = arith.constant 0 : index
    %get3A_0 = arith.constant 0 : index
    %get3A_1 = arith.constant 0 : index
    %get3A_2 = vector.load %arg0[%get3A, %get3A_0, %get3A_1] : memref<2x10240x32xf32, #tpu.memory_space<vmem>>, vector<1x10000x32xf32>
    %get3A_3 = vector.shape_cast %get3A_2 : vector<1x10000x32xf32> to vector<10000x32xf32>
    %get3A_4 = arith.constant 1 : index
    %get3A_5 = arith.constant 0 : index
    %get3A_6 = arith.constant 0 : index
    %get3A_7 = vector.load %arg0[%get3A_4, %get3A_5, %get3A_6] : memref<2x10240x32xf32, #tpu.memory_space<vmem>>, vector<1x10000x32xf32>
    %get3A_8 = vector.shape_cast %get3A_7 : vector<1x10000x32xf32> to vector<10000x32xf32>
    %add3A = arith.addf %get3A_3, %get3A_8 : vector<10000x32xf32>
    %get3A_9 = arith.constant 0 : index
    %get3A_10 = arith.constant 0 : index
    %get3A_11 = arith.constant 0 : index
    %get3A_12 = vector.load %arg1[%get3A_9, %get3A_10, %get3A_11] : memref<2x10240x32xf32, #tpu.memory_space<vmem>>, vector<1x10000x32xf32>
    %get3A_13 = vector.shape_cast %get3A_12 : vector<1x10000x32xf32> to vector<10000x32xf32>
    %get3A_14 = arith.constant 1 : index
    %get3A_15 = arith.constant 0 : index
    %get3A_16 = arith.constant 0 : index
    %get3A_17 = vector.load %arg1[%get3A_14, %get3A_15, %get3A_16] : memref<2x10240x32xf32, #tpu.memory_space<vmem>>, vector<1x10000x32xf32>
    %get3A_18 = vector.shape_cast %get3A_17 : vector<1x10000x32xf32> to vector<10000x32xf32>
    %add3A_19 = arith.addf %get3A_13, %get3A_18 : vector<10000x32xf32>
    %max3A = arith.constant 1.000000e+00 : f32
    %max3A_20 = vector.broadcast %max3A : f32 to vector<10000x32xf32>
    %max3A_21 = arith.maximumf %add3A_19, %max3A_20 : vector<10000x32xf32>
    %div3A = arith.constant 1.000000e+00 : f32
    %div3A_22 = vector.broadcast %div3A : f32 to vector<10000x32xf32>
    %div3A_23 = arith.divf %div3A_22, %max3A_21 : vector<10000x32xf32>
    %mul3A = arith.mulf %add3A, %div3A_23 : vector<10000x32xf32>
    %get3A_24 = arith.constant 0 : index
    %get3A_25 = arith.constant 0 : index
    %get3A_26 = vector.load %arg3[%get3A_24, %get3A_25] : memref<1x32xf32, #tpu.memory_space<vmem>>, vector<1x32xf32>
    %add3A_27 = vector.broadcast %get3A_26 : vector<1x32xf32> to vector<10000x32xf32>
    %add3A_28 = arith.addf %mul3A, %add3A_27 : vector<10000x32xf32>
    %get3A_29 = arith.constant 0 : index
    %get3A_30 = arith.constant 0 : index
    %get3A_31 = vector.load %arg2[%get3A_29, %get3A_30] : memref<10000x32xf32, #tpu.memory_space<vmem>>, vector<10000x32xf32>
    %add3A_32 = arith.addf %add3A_28, %get3A_31 : vector<10000x32xf32>
    %max3A_33 = arith.constant 0.000000e+00 : f32
    %max3A_34 = vector.broadcast %max3A_33 : f32 to vector<10000x32xf32>
    %max3A_35 = arith.maximumf %add3A_32, %max3A_34 : vector<10000x32xf32>
    %get3A_36 = arith.constant 0 : index
    %get3A_37 = arith.constant 0 : index
    %get3A_38 = vector.load %arg4[%get3A_36, %get3A_37] : memref<32x32xf32, #tpu.memory_space<vmem>>, vector<32x32xf32>
    %dot_general3A = arith.constant dense<0.000000e+00> : vector<10000x32xf32>
    %dot_general3A_39 = tpu.matmul %max3A_35, %get3A_38, %dot_general3A {dimension_numbers = #tpu.dot_dimension_numbers<[1], [0], [0], [1], [0, 0, 1, 1], [], []>, transpose_lhs_hint = false} : vector<10000x32xf32>, vector<32x32xf32>, vector<10000x32xf32> -> vector<10000x32xf32>
    %swap3A = arith.constant 0 : index
    %swap3A_40 = arith.constant 0 : index
    %swap3A_41 = vector.load %arg6[%swap3A, %swap3A_40] : memref<10000x32xf32, #tpu.memory_space<vmem>>, vector<10000x32xf32>
    tpu.vector_store %arg6[%swap3A, %swap3A_40], %dot_general3A_39 {strides = array<i32>} : memref<10000x32xf32, #tpu.memory_space<vmem>>, vector<10000x32xf32>,
    %get3A_42 = arith.constant 0 : index
    %get3A_43 = arith.constant 0 : index
    %get3A_44 = vector.load %arg5[%get3A_42, %get3A_43] : memref<32x32xf32, #tpu.memory_space<vmem>>, vector<32x32xf32>
    %dot_general3A_45 = arith.constant dense<0.000000e+00> : vector<10000x32xf32>
    %dot_general3A_46 = tpu.matmul %max3A_35, %get3A_44, %dot_general3A_45 {dimension_numbers = #tpu.dot_dimension_numbers<[1], [0], [0], [1], [0, 0, 1, 1], [], []>, transpose_lhs_hint = false} : vector<10000x32xf32>, vector<32x32xf32>, vector<10000x32xf32> -> vector<10000x32xf32>
    %swap3A_47 = arith.constant 0 : index
    %swap3A_48 = arith.constant 0 : index
    %swap3A_49 = vector.load %arg7[%swap3A_47, %swap3A_48] : memref<10000x32xf32, #tpu.memory_space<vmem>>, vector<10000x32xf32>
    tpu.vector_store %arg7[%swap3A_47, %swap3A_48], %dot_general3A_46 {strides = array<i32>} : memref<10000x32xf32, #tpu.memory_space<vmem>>, vector<10000x32xf32>,
    return
  }
}

module attributes {stable_mosaic.version = 14 : i64} {
  func.func @_tc_combine_final(%arg0: memref<2x10240x32xf32, #tpu.memory_space<vmem>>, %arg1: memref<2x10240x32xf32, #tpu.memory_space<vmem>>, %arg2: memref<10000x32xf32, #tpu.memory_space<vmem>>, %arg3: memref<1x32xf32, #tpu.memory_space<vmem>>, %arg4: memref<32x128xf32, #tpu.memory_space<vmem>>, %arg5: memref<1x128xf32, #tpu.memory_space<vmem>>, %arg6: memref<10000x128xf32, #tpu.memory_space<vmem>>) attributes {dimension_semantics = [], scalar_prefetch = 0 : i64, scratch_operands = 0 : i64, tpu.core_type = #tpu.core_type<tc>} {
    %get3A = arith.constant 0 : index
    %get3A_0 = arith.constant 0 : index
    %get3A_1 = arith.constant 0 : index
    %get3A_2 = vector.load %arg0[%get3A, %get3A_0, %get3A_1] : memref<2x10240x32xf32, #tpu.memory_space<vmem>>, vector<1x10000x32xf32>
    %get3A_3 = vector.shape_cast %get3A_2 : vector<1x10000x32xf32> to vector<10000x32xf32>
    %get3A_4 = arith.constant 1 : index
    %get3A_5 = arith.constant 0 : index
    %get3A_6 = arith.constant 0 : index
    %get3A_7 = vector.load %arg0[%get3A_4, %get3A_5, %get3A_6] : memref<2x10240x32xf32, #tpu.memory_space<vmem>>, vector<1x10000x32xf32>
    %get3A_8 = vector.shape_cast %get3A_7 : vector<1x10000x32xf32> to vector<10000x32xf32>
    %add3A = arith.addf %get3A_3, %get3A_8 : vector<10000x32xf32>
    %get3A_9 = arith.constant 0 : index
    %get3A_10 = arith.constant 0 : index
    %get3A_11 = arith.constant 0 : index
    %get3A_12 = vector.load %arg1[%get3A_9, %get3A_10, %get3A_11] : memref<2x10240x32xf32, #tpu.memory_space<vmem>>, vector<1x10000x32xf32>
    %get3A_13 = vector.shape_cast %get3A_12 : vector<1x10000x32xf32> to vector<10000x32xf32>
    %get3A_14 = arith.constant 1 : index
    %get3A_15 = arith.constant 0 : index
    %get3A_16 = arith.constant 0 : index
    %get3A_17 = vector.load %arg1[%get3A_14, %get3A_15, %get3A_16] : memref<2x10240x32xf32, #tpu.memory_space<vmem>>, vector<1x10000x32xf32>
    %get3A_18 = vector.shape_cast %get3A_17 : vector<1x10000x32xf32> to vector<10000x32xf32>
    %add3A_19 = arith.addf %get3A_13, %get3A_18 : vector<10000x32xf32>
    %max3A = arith.constant 1.000000e+00 : f32
    %max3A_20 = vector.broadcast %max3A : f32 to vector<10000x32xf32>
    %max3A_21 = arith.maximumf %add3A_19, %max3A_20 : vector<10000x32xf32>
    %div3A = arith.constant 1.000000e+00 : f32
    %div3A_22 = vector.broadcast %div3A : f32 to vector<10000x32xf32>
    %div3A_23 = arith.divf %div3A_22, %max3A_21 : vector<10000x32xf32>
    %mul3A = arith.mulf %add3A, %div3A_23 : vector<10000x32xf32>
    %get3A_24 = arith.constant 0 : index
    %get3A_25 = arith.constant 0 : index
    %get3A_26 = vector.load %arg3[%get3A_24, %get3A_25] : memref<1x32xf32, #tpu.memory_space<vmem>>, vector<1x32xf32>
    %add3A_27 = vector.broadcast %get3A_26 : vector<1x32xf32> to vector<10000x32xf32>
    %add3A_28 = arith.addf %mul3A, %add3A_27 : vector<10000x32xf32>
    %get3A_29 = arith.constant 0 : index
    %get3A_30 = arith.constant 0 : index
    %get3A_31 = vector.load %arg2[%get3A_29, %get3A_30] : memref<10000x32xf32, #tpu.memory_space<vmem>>, vector<10000x32xf32>
    %add3A_32 = arith.addf %add3A_28, %get3A_31 : vector<10000x32xf32>
    %max3A_33 = arith.constant 0.000000e+00 : f32
    %max3A_34 = vector.broadcast %max3A_33 : f32 to vector<10000x32xf32>
    %max3A_35 = arith.maximumf %add3A_32, %max3A_34 : vector<10000x32xf32>
    %get3A_36 = arith.constant 0 : index
    %get3A_37 = arith.constant 0 : index
    %get3A_38 = vector.load %arg4[%get3A_36, %get3A_37] : memref<32x128xf32, #tpu.memory_space<vmem>>, vector<32x128xf32>
    %dot_general3A = arith.constant dense<0.000000e+00> : vector<10000x128xf32>
    %dot_general3A_39 = tpu.matmul %max3A_35, %get3A_38, %dot_general3A {dimension_numbers = #tpu.dot_dimension_numbers<[1], [0], [0], [1], [0, 0, 1, 1], [], []>, transpose_lhs_hint = false} : vector<10000x32xf32>, vector<32x128xf32>, vector<10000x128xf32> -> vector<10000x128xf32>
    %get3A_40 = arith.constant 0 : index
    %get3A_41 = arith.constant 0 : index
    %get3A_42 = vector.load %arg5[%get3A_40, %get3A_41] : memref<1x128xf32, #tpu.memory_space<vmem>>, vector<1x128xf32>
    %add3A_43 = vector.broadcast %get3A_42 : vector<1x128xf32> to vector<10000x128xf32>
    %add3A_44 = arith.addf %dot_general3A_39, %add3A_43 : vector<10000x128xf32>
    %swap3A = arith.constant 0 : index
    %swap3A_45 = arith.constant 0 : index
    %swap3A_46 = vector.load %arg6[%swap3A, %swap3A_45] : memref<10000x128xf32, #tpu.memory_space<vmem>>, vector<10000x128xf32>
    tpu.vector_store %arg6[%swap3A, %swap3A_45], %add3A_44 {strides = array<i32>} : memref<10000x128xf32, #tpu.memory_space<vmem>>, vector<10000x128xf32>,
    return
  }
}

</mosaic_0001>

<sc_bundles>
// kernel: kernel.12.cloned.1.call-start
scs
__scs_entry_jumppad:
0x0: {  	(pc) =	sbr.rel $0x88, $3  }
0x1: {  	(tag) =	ssettag $0x0;
	lr =	simm.s32 $0x1  }
0x2: {  	[smem:$0x3F94] =	sst lr;
	_ =	strace $0xD0000000  }
0x3: {  	_ = 	snop  }
0x4: {  	_ = 	snop  }
0x5: {  	_ = 	snop  }
0x6: {  	_ = 	snop  }
0x7: {  	_ = 	snop  }
__scs_overlays_trampoline_lowered:
0x8: {  	[smem:$0x3FA3] =	sst s0  }
0x9: {  	[smem:$0x3FA4] =	sst s1  }
0xa: {  	[smem:$0x3FA5] =	sst s2  }
0xb: {  	[smem:$0x3FA6] =	sst s3  }
0xc: {  	[smem:$0x3FA7] =	sst s4  }
0xd: {  	[smem:$0x3FA8] =	sst s5  }
0xe: {  	[smem:$0x3FA9] =	sst s6  }
0xf: {  	[smem:$0x3FAA] =	sst s7  }
0x10: {  	[smem:$0x3FAB] =	sst s8  }
0x11: {  	[smem:$0x3FAC] =	sst s9;
	s0 =	simm.s32 @!p0 $0x0  }
0x12: {  	s1 =	sld [smem:$0x3F92];
	s0 =	simm.s32 @p0 $0x1  }
0x13: {  	[smem:$0x3FAD] =	sst s0;
	s0 =	simm.s32 @!p1 $0x0  }
0x14: {  	s2 =	sld [smem:$0x3F91];
	s0 =	simm.s32 @p1 $0x1  }
0x15: {  	[smem:$0x3FAE] =	sst s0;
	s0 =	simm.s32 @!p2 $0x0  }
0x16: {  	s3 =	sld [smem:$0x3FDB];
	s0 =	simm.s32 @p2 $0x1  }
0x17: {  	s4 =	simm.s32 $0x1BF5;
	[smem:$0x3FB0] =	sst s0  }
0x18: {  	s0 =	sld [smem:$0x3F93];
	_ =	swait.ge [sflag:s4], $0x0  }
0x19: {  	s7 =	sld [smem:$0x3F94]  }
0x1a: {  	s8 =	sadd.s32 $0xFFFFE003, lr  }
0x1b: {  	s9 =	sadd.s32 $0xFFFFFEF7, lr;
	s5 =	simm.s32 $0xFFFFFFFF;
	p2 =	slt.u32 s8, $0xFFFFF086  }
0x1c: {  	p1 =	slt.u32 s9, $0xF7A;
	s5 =	simm.s32 @!p2 $0x0  }
0x1d: {  	s5 =	simm.s32 @p1 $0x1;
	p0 =	seq.s32 s7, s2  }
0x1e: {  	s7 =	smul.u32 @!p0 $0xF7A, s2;
	p2 =	seq.s32 @!p0 s5, $0x0  }
0x1f: {  	s9 =	smul.u32 $0xF7A, s1;
	s8 =	simm.s32 @!p0 $0x1BF5;
	p2 =	por !p2, p0  }
0x20: {  	[sflag:s8] =	ssyncset.s32 @!p0 $0xFFFFF086;
	s6 =	sadd.s32 @!p0 s3, s7;
	s7 =	simm.s32 @!p0 $0x108  }
0x21: {  	s3 =	sadd.s32 s3, s9;
	s6 =	sadd.s32 @!p0 $0x88, s6;
	s7 =	simm.s32 @p2 $0x1082  }
0x22: {  	[simem:s7], [sflag:s8] =	dma.local @!p0 [hbm:s6], $0xF7A  }
0x23: {  	s9 =	sor.u32 $0xD0000000, s2;
	s6 =	simm.s32 $0x108;
	_ =	swait.ge @!p0 [sflag:s8], $0x0  }
0x24: {  	s3 =	sadd.s32 $0x88, s3;
	s6 =	simm.s32 @!p1 $0x1082;
	[sflag:s4] =	ssyncset.s32 $0xFFFFF086  }
0x25: {  	[simem:s6], [sflag:s4] =	dma.local [hbm:s3], $0xF7A  }
0x26: {  	[smem:$0x3F94] =	sst s1;
	(tag) =	ssettag s2;
	_ =	strace s9  }
0x27: {  	s1 =	sld [smem:$0x3FA4]  }
0x28: {  	s2 =	sld [smem:$0x3FA5]  }
0x29: {  	s4 =	sld [smem:$0x3FA7]  }
0x2a: {  	p0 =	seq.s32 s5, $0x0;
	s5 =	sld [smem:$0x3FA8]  }
0x2b: {  	s6 =	sld [smem:$0x3FA9]  }
0x2c: {  	s7 =	sld [smem:$0x3FAA]  }
0x2d: {  	s3 =	simm.s32 $0x108;
	s8 =	sld [smem:$0x3FAB]  }
0x2e: {  	s3 =	simm.s32 @!p0 $0x1082;
	s9 =	sld [smem:$0x3FAC]  }
0x2f: {  	lr =	sadd.s32 s0, s3;
	s0 =	sld [smem:$0x3FA3]  }
0x30: {  	s3 =	sld [smem:$0x3FA6]  }
0x31: {  	[smem:$0x3FAF] =	sst s10  }
0x32: {  	s10 =	sld [smem:$0x3FAD];
	_ =	sdelay $0x3  }
0x33: {  	p0 =	seq.s32 s10, $0x1;
	s10 =	sld [smem:$0x3FAF];
	_ =	sdelay $0x3  }
0x34: {  	[smem:$0x3FAF] =	sst s10  }
0x35: {  	s10 =	sld [smem:$0x3FAE];
	_ =	sdelay $0x3  }
0x36: {  	p1 =	seq.s32 s10, $0x1;
	s10 =	sld [smem:$0x3FAF];
	_ =	sdelay $0x3  }
0x37: {  	[smem:$0x3FAF] =	sst s10  }
0x38: {  	s10 =	sld [smem:$0x3FB0]  }
0x39: {  	_ = 	snop;
	(pc) =	sbr.ind lr, $3  }
0x3a: {  	_ = 	snop  }
0x3b: {  	_ = 	snop  }
0x3c: {  	p2 =	seq.s32 s10, $0x1;
	s10 =	sld [smem:$0x3FAF]  }
0x3d: {  	_ =	shalt  }
0x3e: {  	_ =	shalt  }
0x3f: {  	_ =	shalt  }
0x40: {  	_ =	shalt  }
0x41: {  	_ =	shalt  }
0x42: {  	_ =	shalt  }
0x43: {  	_ =	shalt  }
0x44: {  	_ =	shalt  }
0x45: {  	_ =	shalt  }
0x46: {  	_ =	shalt  }
0x47: {  	_ =	shalt  }
0x48: {  	_ =	shalt  }
0x49: {  	_ =	shalt  }
0x4a: {  	_ =	shalt  }
0x4b: {  	_ =	shalt  }
0x4c: {  	_ =	shalt  }
0x4d: {  	_ =	shalt  }
0x4e: {  	_ =	shalt  }
0x4f: {  	_ =	shalt  }
0x50: {  	_ =	shalt  }
0x51: {  	_ =	shalt  }
0x52: {  	_ =	shalt  }
0x53: {  	_ =	shalt  }
0x54: {  	_ =	shalt  }
0x55: {  	_ =	shalt  }
0x56: {  	_ =	shalt  }
0x57: {  	_ =	shalt  }
0x58: {  	_ =	shalt  }
0x59: {  	_ =	shalt  }
0x5a: {  	_ =	shalt  }
0x5b: {  	_ =	shalt  }
0x5c: {  	_ =	shalt  }
0x5d: {  	_ =	shalt  }
0x5e: {  	_ =	shalt  }
0x5f: {  	_ =	shalt  }
0x60: {  	_ =	shalt  }
0x61: {  	_ =	shalt  }
0x62: {  	_ =	shalt  }
0x63: {  	_ =	shalt  }
0x64: {  	_ =	shalt  }
0x65: {  	_ =	shalt  }
0x66: {  	_ =	shalt  }
0x67: {  	_ =	shalt  }
0x68: {  	_ =	shalt  }
0x69: {  	_ =	shalt  }
0x6a: {  	_ =	shalt  }
0x6b: {  	_ =	shalt  }
0x6c: {  	_ =	shalt  }
0x6d: {  	_ =	shalt  }
0x6e: {  	_ =	shalt  }
0x6f: {  	_ =	shalt  }
0x70: {  	_ =	shalt  }
0x71: {  	_ =	shalt  }
0x72: {  	_ =	shalt  }
0x73: {  	_ =	shalt  }
0x74: {  	_ =	shalt  }
0x75: {  	_ =	shalt  }
0x76: {  	_ =	shalt  }
0x77: {  	_ =	shalt  }
0x78: {  	_ =	shalt  }
0x79: {  	_ =	shalt  }
0x7a: {  	_ =	shalt  }
0x7b: {  	_ =	shalt  }
0x7c: {  	_ =	shalt  }
0x7d: {  	_ =	shalt  }
0x7e: {  	_ =	shalt  }
0x7f: {  	_ =	shalt  }
0x80: {  	_ =	shalt  }
0x81: {  	_ =	shalt  }
0x82: {  	_ =	shalt  }
0x83: {  	_ =	shalt  }
0x84: {  	_ =	shalt  }
0x85: {  	_ =	shalt  }
0x86: {  	_ =	shalt  }
0x87: {  	_ =	shalt  }
.Lfunc_end0:
.L_simem_size_0:
called_computation.1_lowered:
.L_overlay_start_0:
0x88: {  	s2 =	sld [smem:$0x3FD9]  }
0x89: {  	s3 =	sld [smem:$0x3FFE];
	_ =	sdelay $0x1  }
0x8a: {  	s1 =	srdreg.scid  }
0x8b: {  	s0 =	sand.u32 $0x1, s1  }
0x8c: {  	s17 =	sshll.u32 s0, $0xA;
	s2 =	sadd.s32 s3, s2  }
0x8d: {  	s2 =	sadd.s32 s2, s17  }
0x8e: {  	[smem:$0x3FBB] =	sst s2  }
0x8f: {  	_ = 	snop  }
0x90: {  	s2 =	sld [smem:$0x3FD0];
	(tm) =	ssettm $0x1  }
0x91: {  	s18 =	sld [smem:$0x3FFB];
	_ =	sdelay $0x3  }
0x92: {  	_ =	strace s18  }
0x93: {  	s3 =	sld [smem:$0x3FFC];
	_ =	sdelay $0x3  }
0x94: {  	_ =	strace s3  }
0x95: {  	s3 =	sld [smem:$0x3FFD];
	_ =	sdelay $0x3  }
0x96: {  	_ =	strace s3  }
0x97: {  	_ =	strace $0x8FFFFFFF  }
0x98: {  	s19 =	sld [smem:$0x3FDB];
	_ =	sdelay $0x1  }
0x99: {  	s4 =	simm.s32 $_scs_section_size  }
0x9a: {  	s5 =	simm.s32 $_size__tile_overlayer_lowered;
	s6 =	simm.s32 $_tile_overlayer_lowered  }
0x9b: {  	s22 =	simm.s32 $0x1BFF;
	s21 =	sshll.u32 s6, $0x1;
	s3 =	sadd.s32 s4, s19  }
0x9c: {  	s7 =	simm.s32 $0x0;
	s20 =	sshll.u32 s5, $0x1;
	s5 =	sadd.s32 s21, s3  }
0x9d: {  	[timem:s7], [sflag:s22] =	dma.local [hbm:s5], s20  }
0x9e: {  	_ =	swait.ge [sflag:s22], s20  }
0x9f: {  	s4 =	ssub.s32 $0x0, s20;
	[sflag:s22] =	ssyncset.done $0x0  }
0xa0: {  	[sflag:s22] =	ssyncadd.s32 s4;
	_ =	sdelay $0x1  }
0xa1: {  	s23 =	simm.s32 $0x1B8B  }
0xa2: {  	_ =	swait.ge [sflag:s23], $0x1  }
0xa3: {  	[sflag:s23] =	ssyncset.done $0x0  }
0xa4: {  	s25 =	simm.s32 $0x1B8E;
	s24 =	sld [smem:$0x3FFE];
	[sflag:s23] =	ssyncadd.s32 $0xFFFFFFFF  }
0xa5: {  	s26 =	simm.s32 $execute0_lowered;
	[smem:$0x3FD2] =	sst s25  }
0xa6: {  	s5 =	sshll.u32 s26, $0x1;
	_ =	strace $0x80000049;
	[dreg:$0x1] =	wrdreg $0xFFFFFFFF  }
0xa7: {  	s28 =	simm.s32 $_size_execute0_lowered;
	s3 =	sadd.s32 s3, s5;
	[dreg:$0x0] =	wrdreg $0x0  }
0xa8: {  	s5 =	sshll.u32 s28, $0x1;
	[dreg:$0x2] =	wrdreg s3  }
0xa9: {  	[dreg:$0x3] =	wrdreg s5  }
0xaa: {  	[dreg:$0x4] =	wrdreg $0xC0  }
0xab: {  	_ =	task [dreg:s7], $0x5FFFF  }
0xac: {  	[dreg:$0x1] =	wrdreg $0xFFFFFFFF  }
0xad: {  	[dreg:$0x0] =	wrdreg $0x60  }
0xae: {  	[dreg:$0x2] =	wrdreg s24  }
0xaf: {  	[dreg:$0x3] =	wrdreg s2  }
0xb0: {  	[dreg:$0x4] =	wrdreg $0xD0000  }
0xb1: {  	[dreg:$0x5] =	wrdreg $0x9  }
0xb2: {  	_ =	task.clear_ibuf [dreg:s7], $0x6FFFF;
	_ =	strace $0x90000049  }
0xb3: {  	s29 =	simm.s32 $0x9;
	_ =	strace $0x8000004B  }
0xb4: {  	_ =	swait.ge [sflag:s29], $0x1  }
0xb5: {  	[sflag:s29] =	ssyncadd.s32 $0xFFFFFFFF  }
0xb6: {  	_ =	strace $0x9000004B  }
0xb7: {  	_ =	sfence  }
0xb8: {  	s30 =	sld [smem:$0x0];
	_ =	sdelay $0x2  }
0xb9: {  	s31 =	sshll.u32 s1, $0xD;
	s1 =	sshrl.u32 s1, $0x2  }
0xba: {  	s3 =	sand.u32 $0x4000, s31;
	s1 =	sadd.s32 s1, s30  }
0xbb: {  	s0 =	sor.u32 s3, s0;
	s1 =	sshll.u32 s1, $0x11  }
0xbc: {  	s0 =	sor.u32 s1, s0  }
0xbd: {  	s0 =	sadd.s32 $0x8F2B, s0  }
0xbe: {  	[sflag:s0] =	ssyncadd.remote.s32 $0x1  }
0xbf: {  	_ =	sfence.sel $0xFFFF  }
0xc0: {  	[dreg:$0x0] =	wrdreg $0xFFFFFFFF;
	(pc) =	sbr.abs _section_cstart, $3  }
0xc1: {  	[dreg:$0x1] =	wrdreg $0xFFFFFFFF  }
0xc2: {  	_ =	task.clear_ibuf [dreg:s7], $0x2FFFF;
	_ =	strace $0x9FFFFFFF  }
0xc3: {  	(tm) =	ssettm $0x7FFFFFFF  }
tec
execute0_lowered:
.L_overlay_start_1:
0x0: {  	(tag) =	ssettag $0x1  }
0x1: {  	s0 =	rddreg [dreg:$0x0]  }
0x2: {  	s1 =	srdreg.scid;
	s3 =	rddreg [dreg:$0x1]  }
0x3: {  	s9 =	stileid.u32;
	s2 =	rddreg [dreg:$0x2];
	s6 =	simm.s32 $0x0  }
0x4: {  	s14 =	simm.s32 $0x1;
	s15 =	simm.s32 $0x2;
	s16 =	simm.s32 $0x3  }
0x5: {  	s17 =	simm.s32 $0x80;
	s18 =	simm.s32 $0x5000;
	s28 =	simm.s32 $0xA000  }
0x6: {  	s30 =	simm.s32 $0xB000;
	s31 =	simm.s32 $0x4;
	s29 =	simm.s32 $0x5  }
0x7: {  	s13 =	simm.s32 $0xE;
	s10 =	simm.s32 $0x10;
	s1 =	sand.u32 $0x1, s1  }
0x8: {  	s4 =	sshll.u32 s9, $0x1;
	[smem:$0x7FF] =	sst s6;
	s19 =	smul.u32 $0x5000, s9  }
0x9: {  	s9 =	sshll.u32 s9, $0x6;
	s6 =	simm.s32 $0xD;
	s4 =	sor.u32 s1, s4  }
0xa: {  	_ =	strace $0x8000004A;
	s8 =	ssub.s32 $0x2, s1;
	s1 =	smul.u32 $0x50000, s1  }
0xb: {  	[dreg:$0x4] =	wrdreg s9;
	s22 =	sor.u32 $0x1C01, s9;
	s9 =	simm.s32 $0xF  }
0xc: {  	s5 =	smul.u32 $0x500, s4;
	s4 =	sadd.s32 $0x2800, s0;
	s7 =	sshrl.u32 s19, $0x3  }
0xd: {  	s20 =	sshrl.u32 s8, $0x1;
	s21 =	sadd.s32 s19, s2;
	[dreg:$0x6] =	wrdreg s22  }
0xe: {  	s22 =	simm.s32 $0xB;
	s23 =	sadd.s32 s19, s1;
	s12 =	sshrl.u32 s21, $0x3  }
0xf: {  	s19 =	simm.s32 $0x6000;
	s21 =	simm.s32 $0x7000;
	s1 =	simm.s32 $0xC000  }
0x10: {  	s5 =	sadd.s32 s5, s0;
	s0 =	sadd.s32 s7, s0;
	s7 =	ssub.s32 s8, s20  }
0x11: {  	s20 =	simm.s32 $0x9;
	[dreg:$0xb] =	wrdreg s12;
	s0 =	sadd.s32 $0x20600, s0  }
0x12: {  	s8 =	simm.s32 $0x8;
	s24 =	sadd.s32 $0xC600, s5;
	[dreg:$0x5] =	wrdreg s0  }
0x13: {  	s25 =	sadd.s32 $0x16600, s5;
	s26 =	smax.u32 s7, $0x1;
	[dreg:$0x7] =	wrdreg s24  }
0x14: {  	s7 =	simm.s32 $0x7;
	s5 =	simm.s32 $0x0;
	[dreg:$0x8] =	wrdreg s25  }
0x15: {  	s0 =	sshrl.u32 s23, $0x3;
	[dreg:$0xa] =	wrdreg s26;
	s23 =	simm.s32 $0x8000  }
0x16: {  	s25 =	simm.s32 $0x9000;
	s26 =	simm.s32 $0xA;
	s0 =	sadd.s32 s3, s0  }
0x17: {  	s24 =	simm.s32 $0xC;
	[dreg:$0x9] =	wrdreg s0;
	s0 =	simm.s32 $0x6  }
.LBB2_1:
0x18: {  	s3 =	rddreg [dreg:$0x5]  }
0x19: {  	s11 =	rddreg [dreg:$0x6]  }
0x1a: {  	[spmem:s12], [sflag:s11] =	dma.local [hbm:s3], $0xA00  }
0x1b: {  	s3 =	simm.s32 $0x0;
	s11 =	rddreg [dreg:$0x7]  }
0x1c: {  	[tilespmem:s3], [sflag:$0x2] =	stream.linear.gather [hbm4b:s11+s3], $0x2800, $0x38;
	[tilespmem:$0x12000] =	vst v63  }
0x1d: {  	s12 =	simm.s32 $0x2800;
	s11 =	rddreg [dreg:$0x8]  }
0x1e: {  	[tilespmem:s12], [sflag:$0x3] =	stream.linear.gather [hbm4b:s11+s3], $0x2800, $0x38;
	[tilespmem:$0x12000] =	vst v63  }
0x1f: {  	_ =	swait.ge [sflag:s14], $0xA00  }
0x20: {  	[sflag:s14] =	ssyncset.done $0x0  }
0x21: {  	[sflag:s14] =	ssyncadd.s32 $0xFFFFF600  }
0x22: {  	_ =	swait.ge [sflag:s15], $0x2800  }
0x23: {  	[sflag:s15] =	ssyncset.done $0x0  }
0x24: {  	[sflag:s15] =	ssyncadd.s32 $0xFFFFD800  }
0x25: {  	_ =	swait.ge [sflag:s16], $0x2800  }
0x26: {  	[sflag:s16] =	ssyncset.done $0x0  }
0x27: {  	[sflag:s16] =	ssyncadd.s32 $0xFFFFD800  }
0x28: {  	[bflag:$0x0] =	sbarrier.arrive $0xFFFF  }
0x29: {  	[tilespmem:s18], [sflag:$0x1] =	stream.indirect.gather [hbm4b:s4+s17], $0x20, s3, s17, $0xb8;
	[tilespmem:$0x12000] =	vst v63  }
0x2a: {  	_ = 	snop  }
0x2b: {  	[tilespmem:s19], [sflag:$0x2] =	stream.indirect.gather [hbm4b:s4+s17], $0x20, s17, s17, $0xb8;
	[tilespmem:$0x12000] =	vst v63  }
0x2c: {  	s11 =	simm.s32 $0x100  }
0x2d: {  	[tilespmem:s21], [sflag:$0x3] =	stream.indirect.gather [hbm4b:s4+s17], $0x20, s11, s17, $0xb8;
	[tilespmem:$0x12000] =	vst v63  }
0x2e: {  	s11 =	simm.s32 $0x180  }
0x2f: {  	[tilespmem:s23], [sflag:$0x4] =	stream.indirect.gather [hbm4b:s4+s17], $0x20, s11, s17, $0xb8;
	[tilespmem:$0x12000] =	vst v63  }
0x30: {  	s11 =	simm.s32 $0x200  }
0x31: {  	[tilespmem:s25], [sflag:$0x5] =	stream.indirect.gather [hbm4b:s4+s17], $0x20, s11, s17, $0xb8;
	[tilespmem:$0x12000] =	vst v63  }
0x32: {  	s11 =	simm.s32 $0x280  }
0x33: {  	[tilespmem:s28], [sflag:$0x6] =	stream.indirect.gather [hbm4b:s4+s17], $0x20, s11, s17, $0xb8;
	[tilespmem:$0x12000] =	vst v63  }
0x34: {  	s11 =	simm.s32 $0x300  }
0x35: {  	[tilespmem:s30], [sflag:$0x7] =	stream.indirect.gather [hbm4b:s4+s17], $0x20, s11, s17, $0xb8;
	[tilespmem:$0x12000] =	vst v63  }
0x36: {  	_ =	swait.ge [sflag:s14], $0x1000  }
0x37: {  	[sflag:s14] =	ssyncset.done $0x0  }
0x38: {  	[sflag:s14] =	ssyncadd.s32 $0xFFFFF000  }
0x39: {  	[spmem:s2] =	stream.indirect.scatter.add.f32 [tilespmem:s18], [sflag:$0x9], $0x20, s12, s17, $0xb8;
	[tilespmem:$0x12000] =	vst v63  }
0x3a: {  	s11 =	simm.s32 $0x380  }
0x3b: {  	[tilespmem:s1], [sflag:$0x8] =	stream.indirect.gather [hbm4b:s4+s17], $0x20, s11, s17, $0xb8;
	[tilespmem:$0x12000] =	vst v63  }
0x3c: {  	_ =	swait.ge [sflag:s15], $0x1000  }
0x3d: {  	[sflag:s15] =	ssyncset.done $0x0  }
0x3e: {  	s12 =	simm.s32 $0x2880;
	[sflag:s15] =	ssyncadd.s32 $0xFFFFF000  }
0x3f: {  	[spmem:s2] =	stream.indirect.scatter.add.f32 [tilespmem:s19], [sflag:$0xA], $0x20, s12, s17, $0xb8;
	[tilespmem:$0x12000] =	vst v63  }
0x40: {  	_ =	swait.ge [sflag:s20], $0x1000  }
0x41: {  	[sflag:s20] =	ssyncset.done $0x0  }
0x42: {  	s11 =	simm.s32 $0x400;
	[sflag:s20] =	ssyncadd.s32 $0xFFFFF000  }
0x43: {  	[tilespmem:s18], [sflag:$0x1] =	stream.indirect.gather [hbm4b:s4+s17], $0x20, s11, s17, $0xb8;
	[tilespmem:$0x12000] =	vst v63  }
0x44: {  	_ =	swait.ge [sflag:s16], $0x1000  }
0x45: {  	[sflag:s16] =	ssyncset.done $0x0  }
0x46: {  	s12 =	simm.s32 $0x2900;
	[sflag:s16] =	ssyncadd.s32 $0xFFFFF000  }
0x47: {  	[spmem:s2] =	stream.indirect.scatter.add.f32 [tilespmem:s21], [sflag:$0xB], $0x20, s12, s17, $0xb8;
	[tilespmem:$0x12000] =	vst v63  }
0x48: {  	_ =	swait.ge [sflag:s26], $0x1000  }
0x49: {  	[sflag:s26] =	ssyncset.done $0x0  }
0x4a: {  	s11 =	simm.s32 $0x480;
	[sflag:s26] =	ssyncadd.s32 $0xFFFFF000  }
0x4b: {  	[tilespmem:s19], [sflag:$0x2] =	stream.indirect.gather [hbm4b:s4+s17], $0x20, s11, s17, $0xb8;
	[tilespmem:$0x12000] =	vst v63  }
0x4c: {  	_ =	swait.ge [sflag:s31], $0x1000  }
0x4d: {  	[sflag:s31] =	ssyncset.done $0x0  }
0x4e: {  	s12 =	simm.s32 $0x2980;
	[sflag:s31] =	ssyncadd.s32 $0xFFFFF000  }
0x4f: {  	[spmem:s2] =	stream.indirect.scatter.add.f32 [tilespmem:s23], [sflag:$0xC], $0x20, s12, s17, $0xb8;
	[tilespmem:$0x12000] =	vst v63  }
0x50: {  	_ =	swait.ge [sflag:s22], $0x1000  }
0x51: {  	[sflag:s22] =	ssyncset.done $0x0  }
0x52: {  	s11 =	simm.s32 $0x500;
	[sflag:s22] =	ssyncadd.s32 $0xFFFFF000  }
0x53: {  	[tilespmem:s21], [sflag:$0x3] =	stream.indirect.gather [hbm4b:s4+s17], $0x20, s11, s17, $0xb8;
	[tilespmem:$0x12000] =	vst v63  }
0x54: {  	_ =	swait.ge [sflag:s29], $0x1000  }
0x55: {  	[sflag:s29] =	ssyncset.done $0x0  }
0x56: {  	s12 =	simm.s32 $0x2A00;
	[sflag:s29] =	ssyncadd.s32 $0xFFFFF000  }
0x57: {  	[spmem:s2] =	stream.indirect.scatter.add.f32 [tilespmem:s25], [sflag:$0xD], $0x20, s12, s17, $0xb8;
	[tilespmem:$0x12000] =	vst v63  }
0x58: {  	_ =	swait.ge [sflag:s24], $0x1000  }
0x59: {  	[sflag:s24] =	ssyncset.done $0x0  }
0x5a: {  	s11 =	simm.s32 $0x580;
	[sflag:s24] =	ssyncadd.s32 $0xFFFFF000  }
0x5b: {  	[tilespmem:s23], [sflag:$0x4] =	stream.indirect.gather [hbm4b:s4+s17], $0x20, s11, s17, $0xb8;
	[tilespmem:$0x12000] =	vst v63  }
0x5c: {  	_ =	swait.ge [sflag:s0], $0x1000  }
0x5d: {  	[sflag:s0] =	ssyncset.done $0x0  }
0x5e: {  	s12 =	simm.s32 $0x2A80;
	[sflag:s0] =	ssyncadd.s32 $0xFFFFF000  }
0x5f: {  	[spmem:s2] =	stream.indirect.scatter.add.f32 [tilespmem:s28], [sflag:$0xE], $0x20, s12, s17, $0xb8;
	[tilespmem:$0x12000] =	vst v63  }
0x60: {  	_ =	swait.ge [sflag:s6], $0x1000  }
0x61: {  	[sflag:s6] =	ssyncset.done $0x0  }
0x62: {  	s11 =	simm.s32 $0x600;
	[sflag:s6] =	ssyncadd.s32 $0xFFFFF000  }
0x63: {  	[tilespmem:s25], [sflag:$0x5] =	stream.indirect.gather [hbm4b:s4+s17], $0x20, s11, s17, $0xb8;
	[tilespmem:$0x12000] =	vst v63  }
0x64: {  	_ =	swait.ge [sflag:s7], $0x1000  }
0x65: {  	[sflag:s7] =	ssyncset.done $0x0  }
0x66: {  	s12 =	simm.s32 $0x2B00;
	[sflag:s7] =	ssyncadd.s32 $0xFFFFF000  }
0x67: {  	[spmem:s2] =	stream.indirect.scatter.add.f32 [tilespmem:s30], [sflag:$0xF], $0x20, s12, s17, $0xb8;
	[tilespmem:$0x12000] =	vst v63  }
0x68: {  	_ =	swait.ge [sflag:s13], $0x1000  }
0x69: {  	[sflag:s13] =	ssyncset.done $0x0  }
0x6a: {  	s11 =	simm.s32 $0x680;
	[sflag:s13] =	ssyncadd.s32 $0xFFFFF000  }
0x6b: {  	[tilespmem:s28], [sflag:$0x6] =	stream.indirect.gather [hbm4b:s4+s17], $0x20, s11, s17, $0xb8;
	[tilespmem:$0x12000] =	vst v63  }
0x6c: {  	_ =	swait.ge [sflag:s8], $0x1000  }
0x6d: {  	[sflag:s8] =	ssyncset.done $0x0  }
0x6e: {  	s12 =	simm.s32 $0x2B80;
	[sflag:s8] =	ssyncadd.s32 $0xFFFFF000  }
0x6f: {  	[spmem:s2] =	stream.indirect.scatter.add.f32 [tilespmem:s1], [sflag:$0x10], $0x20, s12, s17, $0xb8;
	[tilespmem:$0x12000] =	vst v63  }
0x70: {  	_ =	swait.ge [sflag:s9], $0x1000  }
0x71: {  	[sflag:s9] =	ssyncset.done $0x0  }
0x72: {  	s11 =	simm.s32 $0x700;
	[sflag:s9] =	ssyncadd.s32 $0xFFFFF000  }
0x73: {  	[tilespmem:s30], [sflag:$0x7] =	stream.indirect.gather [hbm4b:s4+s17], $0x20, s11, s17, $0xb8;
	[tilespmem:$0x12000] =	vst v63  }
0x74: {  	_ =	swait.ge [sflag:s14], $0x1000  }
0x75: {  	[sflag:s14] =	ssyncset.done $0x0  }
0x76: {  	s12 =	simm.s32 $0x2C00;
	[sflag:s14] =	ssyncadd.s32 $0xFFFFF000  }
0x77: {  	[spmem:s2] =	stream.indirect.scatter.add.f32 [tilespmem:s18], [sflag:$0x9], $0x20, s12, s17, $0xb8;
	[tilespmem:$0x12000] =	vst v63  }
0x78: {  	_ =	swait.ge [sflag:s10], $0x1000  }
0x79: {  	[sflag:s10] =	ssyncset.done $0x0  }
0x7a: {  	s11 =	simm.s32 $0x780;
	[sflag:s10] =	ssyncadd.s32 $0xFFFFF000  }
0x7b: {  	[tilespmem:s1], [sflag:$0x8] =	stream.indirect.gather [hbm4b:s4+s17], $0x20, s11, s17, $0xb8;
	[tilespmem:$0x12000] =	vst v63  }
0x7c: {  	_ =	swait.ge [sflag:s15], $0x1000  }
0x7d: {  	[sflag:s15] =	ssyncset.done $0x0  }
0x7e: {  	s12 =	simm.s32 $0x2C80;
	[sflag:s15] =	ssyncadd.s32 $0xFFFFF000  }
0x7f: {  	[spmem:s2] =	stream.indirect.scatter.add.f32 [tilespmem:s19], [sflag:$0xA], $0x20, s12, s17, $0xb8;
	[tilespmem:$0x12000] =	vst v63  }
0x80: {  	_ =	swait.ge [sflag:s20], $0x1000  }
0x81: {  	[sflag:s20] =	ssyncset.done $0x0  }
0x82: {  	s11 =	simm.s32 $0x800;
	[sflag:s20] =	ssyncadd.s32 $0xFFFFF000  }
0x83: {  	[tilespmem:s18], [sflag:$0x1] =	stream.indirect.gather [hbm4b:s4+s17], $0x20, s11, s17, $0xb8;
	[tilespmem:$0x12000] =	vst v63  }
0x84: {  	_ =	swait.ge [sflag:s16], $0x1000  }
0x85: {  	[sflag:s16] =	ssyncset.done $0x0  }
0x86: {  	s12 =	simm.s32 $0x2D00;
	[sflag:s16] =	ssyncadd.s32 $0xFFFFF000  }
0x87: {  	[spmem:s2] =	stream.indirect.scatter.add.f32 [tilespmem:s21], [sflag:$0xB], $0x20, s12, s17, $0xb8;
	[tilespmem:$0x12000] =	vst v63  }
0x88: {  	_ =	swait.ge [sflag:s26], $0x1000  }
0x89: {  	[sflag:s26] =	ssyncset.done $0x0  }
0x8a: {  	s11 =	simm.s32 $0x880;
	[sflag:s26] =	ssyncadd.s32 $0xFFFFF000  }
0x8b: {  	[tilespmem:s19], [sflag:$0x2] =	stream.indirect.gather [hbm4b:s4+s17], $0x20, s11, s17, $0xb8;
	[tilespmem:$0x12000] =	vst v63  }
0x8c: {  	_ =	swait.ge [sflag:s31], $0x1000  }
0x8d: {  	[sflag:s31] =	ssyncset.done $0x0  }
0x8e: {  	s12 =	simm.s32 $0x2D80;
	[sflag:s31] =	ssyncadd.s32 $0xFFFFF000  }
0x8f: {  	[spmem:s2] =	stream.indirect.scatter.add.f32 [tilespmem:s23], [sflag:$0xC], $0x20, s12, s17, $0xb8;
	[tilespmem:$0x12000] =	vst v63  }
0x90: {  	_ =	swait.ge [sflag:s22], $0x1000  }
0x91: {  	[sflag:s22] =	ssyncset.done $0x0  }
0x92: {  	s11 =	simm.s32 $0x900;
	[sflag:s22] =	ssyncadd.s32 $0xFFFFF000  }
0x93: {  	[tilespmem:s21], [sflag:$0x3] =	stream.indirect.gather [hbm4b:s4+s17], $0x20, s11, s17, $0xb8;
	[tilespmem:$0x12000] =	vst v63  }
0x94: {  	_ =	swait.ge [sflag:s29], $0x1000  }
0x95: {  	[sflag:s29] =	ssyncset.done $0x0  }
0x96: {  	s12 =	simm.s32 $0x2E00;
	[sflag:s29] =	ssyncadd.s32 $0xFFFFF000  }
0x97: {  	[spmem:s2] =	stream.indirect.scatter.add.f32 [tilespmem:s25], [sflag:$0xD], $0x20, s12, s17, $0xb8;
	[tilespmem:$0x12000] =	vst v63  }
0x98: {  	_ =	swait.ge [sflag:s24], $0x1000  }
0x99: {  	[sflag:s24] =	ssyncset.done $0x0  }
0x9a: {  	s11 =	simm.s32 $0x980;
	[sflag:s24] =	ssyncadd.s32 $0xFFFFF000  }
0x9b: {  	[tilespmem:s23], [sflag:$0x4] =	stream.indirect.gather [hbm4b:s4+s17], $0x20, s11, s17, $0xb8;
	[tilespmem:$0x12000] =	vst v63  }
0x9c: {  	_ =	swait.ge [sflag:s0], $0x1000  }
0x9d: {  	[sflag:s0] =	ssyncset.done $0x0  }
0x9e: {  	s12 =	simm.s32 $0x2E80;
	[sflag:s0] =	ssyncadd.s32 $0xFFFFF000  }
0x9f: {  	[spmem:s2] =	stream.indirect.scatter.add.f32 [tilespmem:s28], [sflag:$0xE], $0x20, s12, s17, $0xb8;
	[tilespmem:$0x12000] =	vst v63  }
0xa0: {  	_ =	swait.ge [sflag:s6], $0x1000  }
0xa1: {  	[sflag:s6] =	ssyncset.done $0x0  }
0xa2: {  	s11 =	simm.s32 $0xA00;
	[sflag:s6] =	ssyncadd.s32 $0xFFFFF000  }
0xa3: {  	[tilespmem:s25], [sflag:$0x5] =	stream.indirect.gather [hbm4b:s4+s17], $0x20, s11, s17, $0xb8;
	[tilespmem:$0x12000] =	vst v63  }
0xa4: {  	_ =	swait.ge [sflag:s7], $0x1000  }
0xa5: {  	[sflag:s7] =	ssyncset.done $0x0  }
0xa6: {  	s12 =	simm.s32 $0x2F00;
	[sflag:s7] =	ssyncadd.s32 $0xFFFFF000  }
0xa7: {  	[spmem:s2] =	stream.indirect.scatter.add.f32 [tilespmem:s30], [sflag:$0xF], $0x20, s12, s17, $0xb8;
	[tilespmem:$0x12000] =	vst v63  }
0xa8: {  	_ =	swait.ge [sflag:s13], $0x1000  }
0xa9: {  	[sflag:s13] =	ssyncset.done $0x0  }
0xaa: {  	s11 =	simm.s32 $0xA80;
	[sflag:s13] =	ssyncadd.s32 $0xFFFFF000  }
0xab: {  	[tilespmem:s28], [sflag:$0x6] =	stream.indirect.gather [hbm4b:s4+s17], $0x20, s11, s17, $0xb8;
	[tilespmem:$0x12000] =	vst v63  }
0xac: {  	_ =	swait.ge [sflag:s8], $0x1000  }
0xad: {  	[sflag:s8] =	ssyncset.done $0x0  }
0xae: {  	s12 =	simm.s32 $0x2F80;
	[sflag:s8] =	ssyncadd.s32 $0xFFFFF000  }
0xaf: {  	[spmem:s2] =	stream.indirect.scatter.add.f32 [tilespmem:s1], [sflag:$0x10], $0x20, s12, s17, $0xb8;
	[tilespmem:$0x12000] =	vst v63  }
0xb0: {  	_ =	swait.ge [sflag:s9], $0x1000  }
0xb1: {  	[sflag:s9] =	ssyncset.done $0x0  }
0xb2: {  	s3 =	simm.s32 $0x1000;
	s11 =	simm.s32 $0xB00;
	[sflag:s9] =	ssyncadd.s32 $0xFFFFF000  }
.LBB2_2:
0xb3: {  	[tilespmem:s30], [sflag:$0x7] =	stream.indirect.gather [hbm4b:s4+s17], $0x20, s11, s17, $0xb8;
	[tilespmem:$0x12000] =	vst v63  }
0xb4: {  	s11 =	smov.u32 s3  }
0xb5: {  	p0 =	sne.s32 s3, $0x7000;
	s3 =	sadd.s32 $0x1000, s3;
	_ =	swait.ge [sflag:s14], $0x1000  }
0xb6: {  	s11 =	sshra.s32 s11, $0x2;
	[sflag:s14] =	ssyncset.done $0x0  }
0xb7: {  	s12 =	sadd.s32 $0x2C00, s11;
	[sflag:s14] =	ssyncadd.s32 $0xFFFFF000  }
0xb8: {  	[spmem:s2] =	stream.indirect.scatter.add.f32 [tilespmem:s18], [sflag:$0x9], $0x20, s12, s17, $0xb8;
	[tilespmem:$0x12000] =	vst v63  }
0xb9: {  	_ =	swait.ge [sflag:s10], $0x1000  }
0xba: {  	[sflag:s10] =	ssyncset.done $0x0  }
0xbb: {  	s12 =	sadd.s32 $0x780, s11;
	[sflag:s10] =	ssyncadd.s32 $0xFFFFF000  }
0xbc: {  	[tilespmem:s1], [sflag:$0x8] =	stream.indirect.gather [hbm4b:s4+s17], $0x20, s12, s17, $0xb8;
	[tilespmem:$0x12000] =	vst v63  }
0xbd: {  	_ =	swait.ge [sflag:s15], $0x1000  }
0xbe: {  	[sflag:s15] =	ssyncset.done $0x0  }
0xbf: {  	s12 =	sadd.s32 $0x2C80, s11;
	[sflag:s15] =	ssyncadd.s32 $0xFFFFF000  }
0xc0: {  	[spmem:s2] =	stream.indirect.scatter.add.f32 [tilespmem:s19], [sflag:$0xA], $0x20, s12, s17, $0xb8;
	[tilespmem:$0x12000] =	vst v63  }
0xc1: {  	_ =	swait.ge [sflag:s20], $0x1000  }
0xc2: {  	[sflag:s20] =	ssyncset.done $0x0  }
0xc3: {  	s12 =	sadd.s32 $0x800, s11;
	[sflag:s20] =	ssyncadd.s32 $0xFFFFF000  }
0xc4: {  	[tilespmem:s18], [sflag:$0x1] =	stream.indirect.gather [hbm4b:s4+s17], $0x20, s12, s17, $0xb8;
	[tilespmem:$0x12000] =	vst v63  }
0xc5: {  	_ =	swait.ge [sflag:s16], $0x1000  }
0xc6: {  	[sflag:s16] =	ssyncset.done $0x0  }
0xc7: {  	s12 =	sadd.s32 $0x2D00, s11;
	[sflag:s16] =	ssyncadd.s32 $0xFFFFF000  }
0xc8: {  	[spmem:s2] =	stream.indirect.scatter.add.f32 [tilespmem:s21], [sflag:$0xB], $0x20, s12, s17, $0xb8;
	[tilespmem:$0x12000] =	vst v63  }
0xc9: {  	_ =	swait.ge [sflag:s26], $0x1000  }
0xca: {  	[sflag:s26] =	ssyncset.done $0x0  }
0xcb: {  	s12 =	sadd.s32 $0x880, s11;
	[sflag:s26] =	ssyncadd.s32 $0xFFFFF000  }
0xcc: {  	[tilespmem:s19], [sflag:$0x2] =	stream.indirect.gather [hbm4b:s4+s17], $0x20, s12, s17, $0xb8;
	[tilespmem:$0x12000] =	vst v63  }
0xcd: {  	_ =	swait.ge [sflag:s31], $0x1000  }
0xce: {  	[sflag:s31] =	ssyncset.done $0x0  }
0xcf: {  	s12 =	sadd.s32 $0x2D80, s11;
	[sflag:s31] =	ssyncadd.s32 $0xFFFFF000  }
0xd0: {  	[spmem:s2] =	stream.indirect.scatter.add.f32 [tilespmem:s23], [sflag:$0xC], $0x20, s12, s17, $0xb8;
	[tilespmem:$0x12000] =	vst v63  }
0xd1: {  	_ =	swait.ge [sflag:s22], $0x1000  }
0xd2: {  	[sflag:s22] =	ssyncset.done $0x0  }
0xd3: {  	s12 =	sadd.s32 $0x900, s11;
	[sflag:s22] =	ssyncadd.s32 $0xFFFFF000  }
0xd4: {  	[tilespmem:s21], [sflag:$0x3] =	stream.indirect.gather [hbm4b:s4+s17], $0x20, s12, s17, $0xb8;
	[tilespmem:$0x12000] =	vst v63  }
0xd5: {  	_ =	swait.ge [sflag:s29], $0x1000  }
0xd6: {  	[sflag:s29] =	ssyncset.done $0x0  }
0xd7: {  	s12 =	sadd.s32 $0x2E00, s11;
	[sflag:s29] =	ssyncadd.s32 $0xFFFFF000  }
0xd8: {  	[spmem:s2] =	stream.indirect.scatter.add.f32 [tilespmem:s25], [sflag:$0xD], $0x20, s12, s17, $0xb8;
	[tilespmem:$0x12000] =	vst v63  }
0xd9: {  	_ =	swait.ge [sflag:s24], $0x1000  }
0xda: {  	[sflag:s24] =	ssyncset.done $0x0  }
0xdb: {  	s12 =	sadd.s32 $0x980, s11;
	[sflag:s24] =	ssyncadd.s32 $0xFFFFF000  }
0xdc: {  	[tilespmem:s23], [sflag:$0x4] =	stream.indirect.gather [hbm4b:s4+s17], $0x20, s12, s17, $0xb8;
	[tilespmem:$0x12000] =	vst v63  }
0xdd: {  	_ =	swait.ge [sflag:s0], $0x1000  }
0xde: {  	[sflag:s0] =	ssyncset.done $0x0  }
0xdf: {  	s12 =	sadd.s32 $0x2E80, s11;
	[sflag:s0] =	ssyncadd.s32 $0xFFFFF000  }
0xe0: {  	[spmem:s2] =	stream.indirect.scatter.add.f32 [tilespmem:s28], [sflag:$0xE], $0x20, s12, s17, $0xb8;
	[tilespmem:$0x12000] =	vst v63  }
0xe1: {  	_ =	swait.ge [sflag:s6], $0x1000  }
0xe2: {  	[sflag:s6] =	ssyncset.done $0x0  }
0xe3: {  	s12 =	sadd.s32 $0xA00, s11;
	[sflag:s6] =	ssyncadd.s32 $0xFFFFF000  }
0xe4: {  	[tilespmem:s25], [sflag:$0x5] =	stream.indirect.gather [hbm4b:s4+s17], $0x20, s12, s17, $0xb8;
	[tilespmem:$0x12000] =	vst v63  }
0xe5: {  	_ =	swait.ge [sflag:s7], $0x1000  }
0xe6: {  	[sflag:s7] =	ssyncset.done $0x0  }
0xe7: {  	s12 =	sadd.s32 $0x2F00, s11;
	[sflag:s7] =	ssyncadd.s32 $0xFFFFF000  }
0xe8: {  	[spmem:s2] =	stream.indirect.scatter.add.f32 [tilespmem:s30], [sflag:$0xF], $0x20, s12, s17, $0xb8;
	[tilespmem:$0x12000] =	vst v63  }
0xe9: {  	_ =	swait.ge [sflag:s13], $0x1000  }
0xea: {  	[sflag:s13] =	ssyncset.done $0x0  }
0xeb: {  	s12 =	sadd.s32 $0xA80, s11;
	[sflag:s13] =	ssyncadd.s32 $0xFFFFF000  }
0xec: {  	[tilespmem:s28], [sflag:$0x6] =	stream.indirect.gather [hbm4b:s4+s17], $0x20, s12, s17, $0xb8;
	[tilespmem:$0x12000] =	vst v63  }
0xed: {  	_ =	swait.ge [sflag:s8], $0x1000  }
0xee: {  	[sflag:s8] =	ssyncset.done $0x0  }
.Ltmp0:
0xef: {  	s12 =	sadd.s32 $0x2F80, s11;
	[sflag:s8] =	ssyncadd.s32 $0xFFFFF000;
	(pc) =	sbr.rel @p0 .LBB2_2-.Ltmp0, $4  }
0xf0: {  	[spmem:s2] =	stream.indirect.scatter.add.f32 [tilespmem:s1], [sflag:$0x10], $0x20, s12, s17, $0xb8;
	[tilespmem:$0x12000] =	vst v63  }
0xf1: {  	_ =	swait.ge [sflag:s9], $0x1000  }
0xf2: {  	[sflag:s9] =	ssyncset.done $0x0  }
0xf3: {  	s11 =	sadd.s32 $0xB00, s11;
	[sflag:s9] =	ssyncadd.s32 $0xFFFFF000  }
0xf4: {  	[tilespmem:s30], [sflag:$0x7] =	stream.indirect.gather [hbm4b:s4+s17], $0x20, s11, s17, $0xb8;
	[tilespmem:$0x12000] =	vst v63  }
0xf5: {  	_ =	swait.ge [sflag:s14], $0x1000  }
0xf6: {  	[sflag:s14] =	ssyncset.done $0x0  }
0xf7: {  	s3 =	simm.s32 $0x4C00;
	[sflag:s14] =	ssyncadd.s32 $0xFFFFF000  }
0xf8: {  	[spmem:s2] =	stream.indirect.scatter.add.f32 [tilespmem:s18], [sflag:$0x9], $0x20, s3, s17, $0xb8;
	[tilespmem:$0x12000] =	vst v63  }
0xf9: {  	_ =	swait.ge [sflag:s10], $0x1000  }
0xfa: {  	[sflag:s10] =	ssyncset.done $0x0  }
0xfb: {  	s12 =	simm.s32 $0x2780;
	[sflag:s10] =	ssyncadd.s32 $0xFFFFF000  }
0xfc: {  	[tilespmem:s1], [sflag:$0x8] =	stream.indirect.gather [hbm4b:s4+s17], $0x20, s12, s17, $0xb8;
	[tilespmem:$0x12000] =	vst v63  }
0xfd: {  	_ =	swait.ge [sflag:s15], $0x1000  }
0xfe: {  	[sflag:s15] =	ssyncset.done $0x0  }
0xff: {  	s11 =	simm.s32 $0x4C80;
	[sflag:s15] =	ssyncadd.s32 $0xFFFFF000  }
0x100: {  	[spmem:s2] =	stream.indirect.scatter.add.f32 [tilespmem:s19], [sflag:$0xA], $0x20, s11, s17, $0xb8;
	[tilespmem:$0x12000] =	vst v63  }
0x101: {  	_ =	swait.ge [sflag:s20], $0x1000  }
0x102: {  	[sflag:s20] =	ssyncset.done $0x0  }
0x103: {  	[sflag:s20] =	ssyncadd.s32 $0xFFFFF000  }
0x104: {  	_ =	swait.ge [sflag:s16], $0x1000  }
0x105: {  	[sflag:s16] =	ssyncset.done $0x0  }
0x106: {  	s12 =	simm.s32 $0x4D00;
	[sflag:s16] =	ssyncadd.s32 $0xFFFFF000  }
0x107: {  	[spmem:s2] =	stream.indirect.scatter.add.f32 [tilespmem:s21], [sflag:$0xB], $0x20, s12, s17, $0xb8;
	[tilespmem:$0x12000] =	vst v63  }
0x108: {  	_ =	swait.ge [sflag:s26], $0x1000  }
0x109: {  	[sflag:s26] =	ssyncset.done $0x0  }
0x10a: {  	[sflag:s26] =	ssyncadd.s32 $0xFFFFF000  }
0x10b: {  	_ =	swait.ge [sflag:s31], $0x1000  }
0x10c: {  	[sflag:s31] =	ssyncset.done $0x0  }
0x10d: {  	s11 =	simm.s32 $0x4D80;
	[sflag:s31] =	ssyncadd.s32 $0xFFFFF000  }
0x10e: {  	[spmem:s2] =	stream.indirect.scatter.add.f32 [tilespmem:s23], [sflag:$0xC], $0x20, s11, s17, $0xb8;
	[tilespmem:$0x12000] =	vst v63  }
0x10f: {  	_ =	swait.ge [sflag:s22], $0x1000  }
0x110: {  	[sflag:s22] =	ssyncset.done $0x0  }
0x111: {  	[sflag:s22] =	ssyncadd.s32 $0xFFFFF000  }
0x112: {  	_ =	swait.ge [sflag:s29], $0x1000  }
0x113: {  	[sflag:s29] =	ssyncset.done $0x0  }
0x114: {  	s12 =	simm.s32 $0x4E00;
	[sflag:s29] =	ssyncadd.s32 $0xFFFFF000  }
0x115: {  	[spmem:s2] =	stream.indirect.scatter.add.f32 [tilespmem:s25], [sflag:$0xD], $0x20, s12, s17, $0xb8;
	[tilespmem:$0x12000] =	vst v63  }
0x116: {  	_ =	swait.ge [sflag:s24], $0x1000  }
0x117: {  	[sflag:s24] =	ssyncset.done $0x0  }
0x118: {  	[sflag:s24] =	ssyncadd.s32 $0xFFFFF000  }
0x119: {  	_ =	swait.ge [sflag:s0], $0x1000  }
0x11a: {  	[sflag:s0] =	ssyncset.done $0x0  }
0x11b: {  	s11 =	simm.s32 $0x4E80;
	[sflag:s0] =	ssyncadd.s32 $0xFFFFF000  }
0x11c: {  	[spmem:s2] =	stream.indirect.scatter.add.f32 [tilespmem:s28], [sflag:$0xE], $0x20, s11, s17, $0xb8;
	[tilespmem:$0x12000] =	vst v63  }
0x11d: {  	_ =	swait.ge [sflag:s6], $0x1000  }
0x11e: {  	[sflag:s6] =	ssyncset.done $0x0  }
0x11f: {  	[sflag:s6] =	ssyncadd.s32 $0xFFFFF000  }
0x120: {  	_ =	swait.ge [sflag:s7], $0x1000  }
0x121: {  	[sflag:s7] =	ssyncset.done $0x0  }
0x122: {  	s12 =	simm.s32 $0x4F00;
	[sflag:s7] =	ssyncadd.s32 $0xFFFFF000  }
0x123: {  	[spmem:s2] =	stream.indirect.scatter.add.f32 [tilespmem:s30], [sflag:$0xF], $0x20, s12, s17, $0xb8;
	[tilespmem:$0x12000] =	vst v63  }
0x124: {  	_ =	swait.ge [sflag:s13], $0x1000  }
0x125: {  	[sflag:s13] =	ssyncset.done $0x0  }
0x126: {  	[sflag:s13] =	ssyncadd.s32 $0xFFFFF000  }
0x127: {  	_ =	swait.ge [sflag:s8], $0x1000  }
0x128: {  	[sflag:s8] =	ssyncset.done $0x0  }
0x129: {  	s11 =	simm.s32 $0x4F80;
	[sflag:s8] =	ssyncadd.s32 $0xFFFFF000  }
0x12a: {  	[spmem:s2] =	stream.indirect.scatter.add.f32 [tilespmem:s1], [sflag:$0x10], $0x20, s11, s17, $0xb8;
	[tilespmem:$0x12000] =	vst v63  }
0x12b: {  	_ =	swait.ge [sflag:s9], $0x1000  }
0x12c: {  	[sflag:s9] =	ssyncset.done $0x0  }
0x12d: {  	[sflag:s9] =	ssyncadd.s32 $0xFFFFF000  }
0x12e: {  	_ =	swait.ge [sflag:s10], $0x1000  }
0x12f: {  	[sflag:s10] =	ssyncset.done $0x0  }
0x130: {  	[sflag:s10] =	ssyncadd.s32 $0xFFFFF000  }
0x131: {  	[bflag:$0x0] =	sbarrier.arrive $0xFFFF  }
0x132: {  	s12 =	rddreg [dreg:$0x4]  }
0x133: {  	s11 =	rddreg [dreg:$0x9]  }
0x134: {  	s3 =	sor.u32 $0x1C11, s12;
	s12 =	rddreg [dreg:$0xb]  }
0x135: {  	[hbm:s11], [sflag:s3] =	dma.local [spmem:s12], $0xA00  }
0x136: {  	s11 =	simm.s32 $0x11  }
0x137: {  	_ =	swait.ge [sflag:s11], $0xA00  }
0x138: {  	s5 =	sadd.s32 $0x1, s5;
	s3 =	rddreg [dreg:$0xa]  }
0x139: {  	p0 =	sne.s32 s5, s3  }
.Ltmp1:
0x13a: {  	_ = 	snop;
	(pc) =	sbr.rel @p0 .LBB2_1-.Ltmp1, $3  }
0x13b: {  	_ =	sdelay $0x1  }
0x13c: {  	[sflag:s11] =	ssyncset.done $0x0  }
0x13d: {  	[sflag:s11] =	ssyncadd.s32 $0xFFFFF600  }
0x13e: {  	_ =	sfence.sel $0x180000  }
0x13f: {  	[bflag:$0x0] =	sbarrier.arrive $0xFFFF  }
0x140: {  	_ =	strace $0x9000004A  }
0x141: {  	s0 =	stileid.u32;
	[bflag:$0x2] =	sbarrier.arrive $0xFFFF  }
0x142: {  	p0 =	sne.s32 s0, $0x0;
	s0 =	rddreg [dreg:$0x3]  }
0x143: {  	s0 =	sadd.s32 @!p0 $0x100000, s0  }
0x144: {  	[sflag:s0] =	ssyncadd.tile.s32 @!p0 $0x1;
	_ =	shalt  }
.Lfunc_end2:
_tile_overlayer_lowered:
.L_overlay_start_2:
0x145: {  	(tag) =	ssettag $0x2  }
0x146: {  	s0 =	rddreg [dreg:$0x0];
	s2 =	stileid.u32  }
0x147: {  	s1 =	rddreg [dreg:$0x1];
	p0 =	sne.s32 s2, $0x0  }
0x148: {  	s3 =	rddreg [dreg:$0x2];
	[bflag:$0x3] =	sbarrier.arrive $0xFFFF;
	s2 =	simm.s32 @!p0 $0x1C11  }
0x149: {  	[timem:s3], [sflag:s2] =	dma.local @!p0 [hbm:s0], s1  }
0x14a: {  	s0 =	simm.s32 @!p0 $0x11  }
0x14b: {  	_ =	swait.ge @!p0 [sflag:s0], s1  }
0x14c: {  	s1 =	ssub.s32 @!p0 $0x0, s1;
	[sflag:s0] =	ssyncset.done @!p0 $0x0  }
0x14d: {  	[sflag:s0] =	ssyncadd.s32 @!p0 s1  }
0x14e: {  	[bflag:$0x3] =	sbarrier.arrive $0xFFFF  }
0x14f: {  	_ =	shalt  }

// kernel: kernel.15.cloned.1.call-start
scs
__scs_entry_jumppad:
0x0: {  	(pc) =	sbr.rel $0x88, $3  }
0x1: {  	(tag) =	ssettag $0x0;
	lr =	simm.s32 $0x1  }
0x2: {  	[smem:$0x3F94] =	sst lr;
	_ =	strace $0xD0000000  }
0x3: {  	_ = 	snop  }
0x4: {  	_ = 	snop  }
0x5: {  	_ = 	snop  }
0x6: {  	_ = 	snop  }
0x7: {  	_ = 	snop  }
__scs_overlays_trampoline_lowered:
0x8: {  	[smem:$0x3FA3] =	sst s0  }
0x9: {  	[smem:$0x3FA4] =	sst s1  }
0xa: {  	[smem:$0x3FA5] =	sst s2  }
0xb: {  	[smem:$0x3FA6] =	sst s3  }
0xc: {  	[smem:$0x3FA7] =	sst s4  }
0xd: {  	[smem:$0x3FA8] =	sst s5  }
0xe: {  	[smem:$0x3FA9] =	sst s6  }
0xf: {  	[smem:$0x3FAA] =	sst s7  }
0x10: {  	[smem:$0x3FAB] =	sst s8  }
0x11: {  	[smem:$0x3FAC] =	sst s9;
	s0 =	simm.s32 @!p0 $0x0  }
0x12: {  	s1 =	sld [smem:$0x3F92];
	s0 =	simm.s32 @p0 $0x1  }
0x13: {  	[smem:$0x3FAD] =	sst s0;
	s0 =	simm.s32 @!p1 $0x0  }
0x14: {  	s2 =	sld [smem:$0x3F91];
	s0 =	simm.s32 @p1 $0x1  }
0x15: {  	[smem:$0x3FAE] =	sst s0;
	s0 =	simm.s32 @!p2 $0x0  }
0x16: {  	s3 =	sld [smem:$0x3FDB];
	s0 =	simm.s32 @p2 $0x1  }
0x17: {  	s4 =	simm.s32 $0x1BF5;
	[smem:$0x3FB0] =	sst s0  }
0x18: {  	s0 =	sld [smem:$0x3F93];
	_ =	swait.ge [sflag:s4], $0x0  }
0x19: {  	s7 =	sld [smem:$0x3F94]  }
0x1a: {  	s8 =	sadd.s32 $0xFFFFE003, lr  }
0x1b: {  	s9 =	sadd.s32 $0xFFFFFEF7, lr;
	s5 =	simm.s32 $0xFFFFFFFF;
	p2 =	slt.u32 s8, $0xFFFFF086  }
0x1c: {  	p1 =	slt.u32 s9, $0xF7A;
	s5 =	simm.s32 @!p2 $0x0  }
0x1d: {  	s5 =	simm.s32 @p1 $0x1;
	p0 =	seq.s32 s7, s2  }
0x1e: {  	s7 =	smul.u32 @!p0 $0xF7A, s2;
	p2 =	seq.s32 @!p0 s5, $0x0  }
0x1f: {  	s9 =	smul.u32 $0xF7A, s1;
	s8 =	simm.s32 @!p0 $0x1BF5;
	p2 =	por !p2, p0  }
0x20: {  	[sflag:s8] =	ssyncset.s32 @!p0 $0xFFFFF086;
	s6 =	sadd.s32 @!p0 s3, s7;
	s7 =	simm.s32 @!p0 $0x108  }
0x21: {  	s3 =	sadd.s32 s3, s9;
	s6 =	sadd.s32 @!p0 $0x88, s6;
	s7 =	simm.s32 @p2 $0x1082  }
0x22: {  	[simem:s7], [sflag:s8] =	dma.local @!p0 [hbm:s6], $0xF7A  }
0x23: {  	s9 =	sor.u32 $0xD0000000, s2;
	s6 =	simm.s32 $0x108;
	_ =	swait.ge @!p0 [sflag:s8], $0x0  }
0x24: {  	s3 =	sadd.s32 $0x88, s3;
	s6 =	simm.s32 @!p1 $0x1082;
	[sflag:s4] =	ssyncset.s32 $0xFFFFF086  }
0x25: {  	[simem:s6], [sflag:s4] =	dma.local [hbm:s3], $0xF7A  }
0x26: {  	[smem:$0x3F94] =	sst s1;
	(tag) =	ssettag s2;
	_ =	strace s9  }
0x27: {  	s1 =	sld [smem:$0x3FA4]  }
0x28: {  	s2 =	sld [smem:$0x3FA5]  }
0x29: {  	s4 =	sld [smem:$0x3FA7]  }
0x2a: {  	p0 =	seq.s32 s5, $0x0;
	s5 =	sld [smem:$0x3FA8]  }
0x2b: {  	s6 =	sld [smem:$0x3FA9]  }
0x2c: {  	s7 =	sld [smem:$0x3FAA]  }
0x2d: {  	s3 =	simm.s32 $0x108;
	s8 =	sld [smem:$0x3FAB]  }
0x2e: {  	s3 =	simm.s32 @!p0 $0x1082;
	s9 =	sld [smem:$0x3FAC]  }
0x2f: {  	lr =	sadd.s32 s0, s3;
	s0 =	sld [smem:$0x3FA3]  }
0x30: {  	s3 =	sld [smem:$0x3FA6]  }
0x31: {  	[smem:$0x3FAF] =	sst s10  }
0x32: {  	s10 =	sld [smem:$0x3FAD];
	_ =	sdelay $0x3  }
0x33: {  	p0 =	seq.s32 s10, $0x1;
	s10 =	sld [smem:$0x3FAF];
	_ =	sdelay $0x3  }
0x34: {  	[smem:$0x3FAF] =	sst s10  }
0x35: {  	s10 =	sld [smem:$0x3FAE];
	_ =	sdelay $0x3  }
0x36: {  	p1 =	seq.s32 s10, $0x1;
	s10 =	sld [smem:$0x3FAF];
	_ =	sdelay $0x3  }
0x37: {  	[smem:$0x3FAF] =	sst s10  }
0x38: {  	s10 =	sld [smem:$0x3FB0]  }
0x39: {  	_ = 	snop;
	(pc) =	sbr.ind lr, $3  }
0x3a: {  	_ = 	snop  }
0x3b: {  	_ = 	snop  }
0x3c: {  	p2 =	seq.s32 s10, $0x1;
	s10 =	sld [smem:$0x3FAF]  }
0x3d: {  	_ =	shalt  }
0x3e: {  	_ =	shalt  }
0x3f: {  	_ =	shalt  }
0x40: {  	_ =	shalt  }
0x41: {  	_ =	shalt  }
0x42: {  	_ =	shalt  }
0x43: {  	_ =	shalt  }
0x44: {  	_ =	shalt  }
0x45: {  	_ =	shalt  }
0x46: {  	_ =	shalt  }
0x47: {  	_ =	shalt  }
0x48: {  	_ =	shalt  }
0x49: {  	_ =	shalt  }
0x4a: {  	_ =	shalt  }
0x4b: {  	_ =	shalt  }
0x4c: {  	_ =	shalt  }
0x4d: {  	_ =	shalt  }
0x4e: {  	_ =	shalt  }
0x4f: {  	_ =	shalt  }
0x50: {  	_ =	shalt  }
0x51: {  	_ =	shalt  }
0x52: {  	_ =	shalt  }
0x53: {  	_ =	shalt  }
0x54: {  	_ =	shalt  }
0x55: {  	_ =	shalt  }
0x56: {  	_ =	shalt  }
0x57: {  	_ =	shalt  }
0x58: {  	_ =	shalt  }
0x59: {  	_ =	shalt  }
0x5a: {  	_ =	shalt  }
0x5b: {  	_ =	shalt  }
0x5c: {  	_ =	shalt  }
0x5d: {  	_ =	shalt  }
0x5e: {  	_ =	shalt  }
0x5f: {  	_ =	shalt  }
0x60: {  	_ =	shalt  }
0x61: {  	_ =	shalt  }
0x62: {  	_ =	shalt  }
0x63: {  	_ =	shalt  }
0x64: {  	_ =	shalt  }
0x65: {  	_ =	shalt  }
0x66: {  	_ =	shalt  }
0x67: {  	_ =	shalt  }
0x68: {  	_ =	shalt  }
0x69: {  	_ =	shalt  }
0x6a: {  	_ =	shalt  }
0x6b: {  	_ =	shalt  }
0x6c: {  	_ =	shalt  }
0x6d: {  	_ =	shalt  }
0x6e: {  	_ =	shalt  }
0x6f: {  	_ =	shalt  }
0x70: {  	_ =	shalt  }
0x71: {  	_ =	shalt  }
0x72: {  	_ =	shalt  }
0x73: {  	_ =	shalt  }
0x74: {  	_ =	shalt  }
0x75: {  	_ =	shalt  }
0x76: {  	_ =	shalt  }
0x77: {  	_ =	shalt  }
0x78: {  	_ =	shalt  }
0x79: {  	_ =	shalt  }
0x7a: {  	_ =	shalt  }
0x7b: {  	_ =	shalt  }
0x7c: {  	_ =	shalt  }
0x7d: {  	_ =	shalt  }
0x7e: {  	_ =	shalt  }
0x7f: {  	_ =	shalt  }
0x80: {  	_ =	shalt  }
0x81: {  	_ =	shalt  }
0x82: {  	_ =	shalt  }
0x83: {  	_ =	shalt  }
0x84: {  	_ =	shalt  }
0x85: {  	_ =	shalt  }
0x86: {  	_ =	shalt  }
0x87: {  	_ =	shalt  }
.Lfunc_end0:
.L_simem_size_0:
called_computation.2_lowered:
.L_overlay_start_0:
0x88: {  	s2 =	sld [smem:$0x3FD9]  }
0x89: {  	s3 =	sld [smem:$0x3FFE];
	_ =	sdelay $0x1  }
0x8a: {  	s1 =	srdreg.scid  }
0x8b: {  	s0 =	sand.u32 $0x1, s1  }
0x8c: {  	s17 =	sshll.u32 s0, $0xA;
	s2 =	sadd.s32 s3, s2  }
0x8d: {  	s2 =	sadd.s32 s2, s17  }
0x8e: {  	[smem:$0x3FBB] =	sst s2  }
0x8f: {  	_ = 	snop  }
0x90: {  	s2 =	sld [smem:$0x3FD0];
	(tm) =	ssettm $0x1  }
0x91: {  	s18 =	sld [smem:$0x3FFB];
	_ =	sdelay $0x3  }
0x92: {  	_ =	strace s18  }
0x93: {  	s3 =	sld [smem:$0x3FFC];
	_ =	sdelay $0x3  }
0x94: {  	_ =	strace s3  }
0x95: {  	s3 =	sld [smem:$0x3FFD];
	_ =	sdelay $0x3  }
0x96: {  	_ =	strace s3  }
0x97: {  	_ =	strace $0x8FFFFFFF  }
0x98: {  	s19 =	sld [smem:$0x3FDB];
	_ =	sdelay $0x1  }
0x99: {  	s4 =	simm.s32 $_scs_section_size  }
0x9a: {  	s5 =	simm.s32 $_size__tile_overlayer_lowered;
	s6 =	simm.s32 $_tile_overlayer_lowered  }
0x9b: {  	s22 =	simm.s32 $0x1BFF;
	s21 =	sshll.u32 s6, $0x1;
	s3 =	sadd.s32 s4, s19  }
0x9c: {  	s7 =	simm.s32 $0x0;
	s20 =	sshll.u32 s5, $0x1;
	s5 =	sadd.s32 s21, s3  }
0x9d: {  	[timem:s7], [sflag:s22] =	dma.local [hbm:s5], s20  }
0x9e: {  	_ =	swait.ge [sflag:s22], s20  }
0x9f: {  	s4 =	ssub.s32 $0x0, s20;
	[sflag:s22] =	ssyncset.done $0x0  }
0xa0: {  	[sflag:s22] =	ssyncadd.s32 s4;
	_ =	sdelay $0x1  }
0xa1: {  	s23 =	simm.s32 $0x1B8B  }
0xa2: {  	_ =	swait.ge [sflag:s23], $0x1  }
0xa3: {  	[sflag:s23] =	ssyncset.done $0x0  }
0xa4: {  	s25 =	simm.s32 $0x1B8E;
	s24 =	sld [smem:$0x3FFE];
	[sflag:s23] =	ssyncadd.s32 $0xFFFFFFFF  }
0xa5: {  	s26 =	simm.s32 $execute0_lowered;
	[smem:$0x3FD2] =	sst s25  }
0xa6: {  	s5 =	sshll.u32 s26, $0x1;
	_ =	strace $0x8000004C;
	[dreg:$0x1] =	wrdreg $0xFFFFFFFF  }
0xa7: {  	s28 =	simm.s32 $_size_execute0_lowered;
	s3 =	sadd.s32 s3, s5;
	[dreg:$0x0] =	wrdreg $0x0  }
0xa8: {  	s5 =	sshll.u32 s28, $0x1;
	[dreg:$0x2] =	wrdreg s3  }
0xa9: {  	[dreg:$0x3] =	wrdreg s5  }
0xaa: {  	[dreg:$0x4] =	wrdreg $0xC0  }
0xab: {  	_ =	task [dreg:s7], $0x5FFFF  }
0xac: {  	[dreg:$0x1] =	wrdreg $0xFFFFFFFF  }
0xad: {  	[dreg:$0x0] =	wrdreg $0x60  }
0xae: {  	[dreg:$0x2] =	wrdreg s24  }
0xaf: {  	[dreg:$0x3] =	wrdreg s2  }
0xb0: {  	[dreg:$0x4] =	wrdreg $0xD0000  }
0xb1: {  	[dreg:$0x5] =	wrdreg $0x9  }
0xb2: {  	_ =	task.clear_ibuf [dreg:s7], $0x6FFFF;
	_ =	strace $0x9000004C  }
0xb3: {  	s29 =	simm.s32 $0x9;
	_ =	strace $0x8000004E  }
0xb4: {  	_ =	swait.ge [sflag:s29], $0x1  }
0xb5: {  	[sflag:s29] =	ssyncadd.s32 $0xFFFFFFFF  }
0xb6: {  	_ =	strace $0x9000004E  }
0xb7: {  	_ =	sfence  }
0xb8: {  	s30 =	sld [smem:$0x0];
	_ =	sdelay $0x2  }
0xb9: {  	s31 =	sshll.u32 s1, $0xD;
	s1 =	sshrl.u32 s1, $0x2  }
0xba: {  	s3 =	sand.u32 $0x4000, s31;
	s1 =	sadd.s32 s1, s30  }
0xbb: {  	s0 =	sor.u32 s3, s0;
	s1 =	sshll.u32 s1, $0x11  }
0xbc: {  	s0 =	sor.u32 s1, s0  }
0xbd: {  	s0 =	sadd.s32 $0x8F2B, s0  }
0xbe: {  	[sflag:s0] =	ssyncadd.remote.s32 $0x1  }
0xbf: {  	_ =	sfence.sel $0xFFFF  }
0xc0: {  	[dreg:$0x0] =	wrdreg $0xFFFFFFFF;
	(pc) =	sbr.abs _section_cstart, $3  }
0xc1: {  	[dreg:$0x1] =	wrdreg $0xFFFFFFFF  }
0xc2: {  	_ =	task.clear_ibuf [dreg:s7], $0x2FFFF;
	_ =	strace $0x9FFFFFFF  }
0xc3: {  	(tm) =	ssettm $0x7FFFFFFF  }
tec
execute0_lowered:
.L_overlay_start_1:
0x0: {  	(tag) =	ssettag $0x1  }
0x1: {  	s0 =	rddreg [dreg:$0x0]  }
0x2: {  	s1 =	srdreg.scid;
	s3 =	rddreg [dreg:$0x1]  }
0x3: {  	s9 =	stileid.u32;
	s2 =	rddreg [dreg:$0x2];
	s6 =	simm.s32 $0x0  }
0x4: {  	s14 =	simm.s32 $0x1;
	s15 =	simm.s32 $0x2;
	s16 =	simm.s32 $0x3  }
0x5: {  	s17 =	simm.s32 $0x80;
	s18 =	simm.s32 $0x5000;
	s28 =	simm.s32 $0xA000  }
0x6: {  	s30 =	simm.s32 $0xB000;
	s31 =	simm.s32 $0x4;
	s29 =	simm.s32 $0x5  }
0x7: {  	s13 =	simm.s32 $0xE;
	s10 =	simm.s32 $0x10;
	s1 =	sand.u32 $0x1, s1  }
0x8: {  	s4 =	sshll.u32 s9, $0x1;
	[smem:$0x7FF] =	sst s6;
	s19 =	smul.u32 $0x5000, s9  }
0x9: {  	s9 =	sshll.u32 s9, $0x6;
	s6 =	simm.s32 $0xD;
	s4 =	sor.u32 s1, s4  }
0xa: {  	_ =	strace $0x8000004D;
	s8 =	ssub.s32 $0x2, s1;
	s1 =	smul.u32 $0x50000, s1  }
0xb: {  	[dreg:$0x4] =	wrdreg s9;
	s22 =	sor.u32 $0x1C01, s9;
	s9 =	simm.s32 $0xF  }
0xc: {  	s5 =	smul.u32 $0x500, s4;
	s4 =	sadd.s32 $0x2800, s0;
	s7 =	sshrl.u32 s19, $0x3  }
0xd: {  	s20 =	sshrl.u32 s8, $0x1;
	s21 =	sadd.s32 s19, s2;
	[dreg:$0x6] =	wrdreg s22  }
0xe: {  	s22 =	simm.s32 $0xB;
	s23 =	sadd.s32 s19, s1;
	s12 =	sshrl.u32 s21, $0x3  }
0xf: {  	s19 =	simm.s32 $0x6000;
	s21 =	simm.s32 $0x7000;
	s1 =	simm.s32 $0xC000  }
0x10: {  	s5 =	sadd.s32 s5, s0;
	s0 =	sadd.s32 s7, s0;
	s7 =	ssub.s32 s8, s20  }
0x11: {  	s20 =	simm.s32 $0x9;
	[dreg:$0xb] =	wrdreg s12;
	s0 =	sadd.s32 $0x20600, s0  }
0x12: {  	s8 =	simm.s32 $0x8;
	s24 =	sadd.s32 $0xC600, s5;
	[dreg:$0x5] =	wrdreg s0  }
0x13: {  	s25 =	sadd.s32 $0x16600, s5;
	s26 =	smax.u32 s7, $0x1;
	[dreg:$0x7] =	wrdreg s24  }
0x14: {  	s7 =	simm.s32 $0x7;
	s5 =	simm.s32 $0x0;
	[dreg:$0x8] =	wrdreg s25  }
0x15: {  	s0 =	sshrl.u32 s23, $0x3;
	[dreg:$0xa] =	wrdreg s26;
	s23 =	simm.s32 $0x8000  }
0x16: {  	s25 =	simm.s32 $0x9000;
	s26 =	simm.s32 $0xA;
	s0 =	sadd.s32 s3, s0  }
0x17: {  	s24 =	simm.s32 $0xC;
	[dreg:$0x9] =	wrdreg s0;
	s0 =	simm.s32 $0x6  }
.LBB2_1:
0x18: {  	s3 =	rddreg [dreg:$0x5]  }
0x19: {  	s11 =	rddreg [dreg:$0x6]  }
0x1a: {  	[spmem:s12], [sflag:s11] =	dma.local [hbm:s3], $0xA00  }
0x1b: {  	s3 =	simm.s32 $0x0;
	s11 =	rddreg [dreg:$0x7]  }
0x1c: {  	[tilespmem:s3], [sflag:$0x2] =	stream.linear.gather [hbm4b:s11+s3], $0x2800, $0x38;
	[tilespmem:$0x12000] =	vst v63  }
0x1d: {  	s12 =	simm.s32 $0x2800;
	s11 =	rddreg [dreg:$0x8]  }
0x1e: {  	[tilespmem:s12], [sflag:$0x3] =	stream.linear.gather [hbm4b:s11+s3], $0x2800, $0x38;
	[tilespmem:$0x12000] =	vst v63  }
0x1f: {  	_ =	swait.ge [sflag:s14], $0xA00  }
0x20: {  	[sflag:s14] =	ssyncset.done $0x0  }
0x21: {  	[sflag:s14] =	ssyncadd.s32 $0xFFFFF600  }
0x22: {  	_ =	swait.ge [sflag:s15], $0x2800  }
0x23: {  	[sflag:s15] =	ssyncset.done $0x0  }
0x24: {  	[sflag:s15] =	ssyncadd.s32 $0xFFFFD800  }
0x25: {  	_ =	swait.ge [sflag:s16], $0x2800  }
0x26: {  	[sflag:s16] =	ssyncset.done $0x0  }
0x27: {  	[sflag:s16] =	ssyncadd.s32 $0xFFFFD800  }
0x28: {  	[bflag:$0x0] =	sbarrier.arrive $0xFFFF  }
0x29: {  	[tilespmem:s18], [sflag:$0x1] =	stream.indirect.gather [hbm4b:s4+s17], $0x20, s3, s17, $0xb8;
	[tilespmem:$0x12000] =	vst v63  }
0x2a: {  	_ = 	snop  }
0x2b: {  	[tilespmem:s19], [sflag:$0x2] =	stream.indirect.gather [hbm4b:s4+s17], $0x20, s17, s17, $0xb8;
	[tilespmem:$0x12000] =	vst v63  }
0x2c: {  	s11 =	simm.s32 $0x100  }
0x2d: {  	[tilespmem:s21], [sflag:$0x3] =	stream.indirect.gather [hbm4b:s4+s17], $0x20, s11, s17, $0xb8;
	[tilespmem:$0x12000] =	vst v63  }
0x2e: {  	s11 =	simm.s32 $0x180  }
0x2f: {  	[tilespmem:s23], [sflag:$0x4] =	stream.indirect.gather [hbm4b:s4+s17], $0x20, s11, s17, $0xb8;
	[tilespmem:$0x12000] =	vst v63  }
0x30: {  	s11 =	simm.s32 $0x200  }
0x31: {  	[tilespmem:s25], [sflag:$0x5] =	stream.indirect.gather [hbm4b:s4+s17], $0x20, s11, s17, $0xb8;
	[tilespmem:$0x12000] =	vst v63  }
0x32: {  	s11 =	simm.s32 $0x280  }
0x33: {  	[tilespmem:s28], [sflag:$0x6] =	stream.indirect.gather [hbm4b:s4+s17], $0x20, s11, s17, $0xb8;
	[tilespmem:$0x12000] =	vst v63  }
0x34: {  	s11 =	simm.s32 $0x300  }
0x35: {  	[tilespmem:s30], [sflag:$0x7] =	stream.indirect.gather [hbm4b:s4+s17], $0x20, s11, s17, $0xb8;
	[tilespmem:$0x12000] =	vst v63  }
0x36: {  	_ =	swait.ge [sflag:s14], $0x1000  }
0x37: {  	[sflag:s14] =	ssyncset.done $0x0  }
0x38: {  	[sflag:s14] =	ssyncadd.s32 $0xFFFFF000  }
0x39: {  	[spmem:s2] =	stream.indirect.scatter.add.f32 [tilespmem:s18], [sflag:$0x9], $0x20, s12, s17, $0xb8;
	[tilespmem:$0x12000] =	vst v63  }
0x3a: {  	s11 =	simm.s32 $0x380  }
0x3b: {  	[tilespmem:s1], [sflag:$0x8] =	stream.indirect.gather [hbm4b:s4+s17], $0x20, s11, s17, $0xb8;
	[tilespmem:$0x12000] =	vst v63  }
0x3c: {  	_ =	swait.ge [sflag:s15], $0x1000  }
0x3d: {  	[sflag:s15] =	ssyncset.done $0x0  }
0x3e: {  	s12 =	simm.s32 $0x2880;
	[sflag:s15] =	ssyncadd.s32 $0xFFFFF000  }
0x3f: {  	[spmem:s2] =	stream.indirect.scatter.add.f32 [tilespmem:s19], [sflag:$0xA], $0x20, s12, s17, $0xb8;
	[tilespmem:$0x12000] =	vst v63  }
0x40: {  	_ =	swait.ge [sflag:s20], $0x1000  }
0x41: {  	[sflag:s20] =	ssyncset.done $0x0  }
0x42: {  	s11 =	simm.s32 $0x400;
	[sflag:s20] =	ssyncadd.s32 $0xFFFFF000  }
0x43: {  	[tilespmem:s18], [sflag:$0x1] =	stream.indirect.gather [hbm4b:s4+s17], $0x20, s11, s17, $0xb8;
	[tilespmem:$0x12000] =	vst v63  }
0x44: {  	_ =	swait.ge [sflag:s16], $0x1000  }
0x45: {  	[sflag:s16] =	ssyncset.done $0x0  }
0x46: {  	s12 =	simm.s32 $0x2900;
	[sflag:s16] =	ssyncadd.s32 $0xFFFFF000  }
0x47: {  	[spmem:s2] =	stream.indirect.scatter.add.f32 [tilespmem:s21], [sflag:$0xB], $0x20, s12, s17, $0xb8;
	[tilespmem:$0x12000] =	vst v63  }
0x48: {  	_ =	swait.ge [sflag:s26], $0x1000  }
0x49: {  	[sflag:s26] =	ssyncset.done $0x0  }
0x4a: {  	s11 =	simm.s32 $0x480;
	[sflag:s26] =	ssyncadd.s32 $0xFFFFF000  }
0x4b: {  	[tilespmem:s19], [sflag:$0x2] =	stream.indirect.gather [hbm4b:s4+s17], $0x20, s11, s17, $0xb8;
	[tilespmem:$0x12000] =	vst v63  }
0x4c: {  	_ =	swait.ge [sflag:s31], $0x1000  }
0x4d: {  	[sflag:s31] =	ssyncset.done $0x0  }
0x4e: {  	s12 =	simm.s32 $0x2980;
	[sflag:s31] =	ssyncadd.s32 $0xFFFFF000  }
0x4f: {  	[spmem:s2] =	stream.indirect.scatter.add.f32 [tilespmem:s23], [sflag:$0xC], $0x20, s12, s17, $0xb8;
	[tilespmem:$0x12000] =	vst v63  }
0x50: {  	_ =	swait.ge [sflag:s22], $0x1000  }
0x51: {  	[sflag:s22] =	ssyncset.done $0x0  }
0x52: {  	s11 =	simm.s32 $0x500;
	[sflag:s22] =	ssyncadd.s32 $0xFFFFF000  }
0x53: {  	[tilespmem:s21], [sflag:$0x3] =	stream.indirect.gather [hbm4b:s4+s17], $0x20, s11, s17, $0xb8;
	[tilespmem:$0x12000] =	vst v63  }
0x54: {  	_ =	swait.ge [sflag:s29], $0x1000  }
0x55: {  	[sflag:s29] =	ssyncset.done $0x0  }
0x56: {  	s12 =	simm.s32 $0x2A00;
	[sflag:s29] =	ssyncadd.s32 $0xFFFFF000  }
0x57: {  	[spmem:s2] =	stream.indirect.scatter.add.f32 [tilespmem:s25], [sflag:$0xD], $0x20, s12, s17, $0xb8;
	[tilespmem:$0x12000] =	vst v63  }
0x58: {  	_ =	swait.ge [sflag:s24], $0x1000  }
0x59: {  	[sflag:s24] =	ssyncset.done $0x0  }
0x5a: {  	s11 =	simm.s32 $0x580;
	[sflag:s24] =	ssyncadd.s32 $0xFFFFF000  }
0x5b: {  	[tilespmem:s23], [sflag:$0x4] =	stream.indirect.gather [hbm4b:s4+s17], $0x20, s11, s17, $0xb8;
	[tilespmem:$0x12000] =	vst v63  }
0x5c: {  	_ =	swait.ge [sflag:s0], $0x1000  }
0x5d: {  	[sflag:s0] =	ssyncset.done $0x0  }
0x5e: {  	s12 =	simm.s32 $0x2A80;
	[sflag:s0] =	ssyncadd.s32 $0xFFFFF000  }
0x5f: {  	[spmem:s2] =	stream.indirect.scatter.add.f32 [tilespmem:s28], [sflag:$0xE], $0x20, s12, s17, $0xb8;
	[tilespmem:$0x12000] =	vst v63  }
0x60: {  	_ =	swait.ge [sflag:s6], $0x1000  }
0x61: {  	[sflag:s6] =	ssyncset.done $0x0  }
0x62: {  	s11 =	simm.s32 $0x600;
	[sflag:s6] =	ssyncadd.s32 $0xFFFFF000  }
0x63: {  	[tilespmem:s25], [sflag:$0x5] =	stream.indirect.gather [hbm4b:s4+s17], $0x20, s11, s17, $0xb8;
	[tilespmem:$0x12000] =	vst v63  }
0x64: {  	_ =	swait.ge [sflag:s7], $0x1000  }
0x65: {  	[sflag:s7] =	ssyncset.done $0x0  }
0x66: {  	s12 =	simm.s32 $0x2B00;
	[sflag:s7] =	ssyncadd.s32 $0xFFFFF000  }
0x67: {  	[spmem:s2] =	stream.indirect.scatter.add.f32 [tilespmem:s30], [sflag:$0xF], $0x20, s12, s17, $0xb8;
	[tilespmem:$0x12000] =	vst v63  }
0x68: {  	_ =	swait.ge [sflag:s13], $0x1000  }
0x69: {  	[sflag:s13] =	ssyncset.done $0x0  }
0x6a: {  	s11 =	simm.s32 $0x680;
	[sflag:s13] =	ssyncadd.s32 $0xFFFFF000  }
0x6b: {  	[tilespmem:s28], [sflag:$0x6] =	stream.indirect.gather [hbm4b:s4+s17], $0x20, s11, s17, $0xb8;
	[tilespmem:$0x12000] =	vst v63  }
0x6c: {  	_ =	swait.ge [sflag:s8], $0x1000  }
0x6d: {  	[sflag:s8] =	ssyncset.done $0x0  }
0x6e: {  	s12 =	simm.s32 $0x2B80;
	[sflag:s8] =	ssyncadd.s32 $0xFFFFF000  }
0x6f: {  	[spmem:s2] =	stream.indirect.scatter.add.f32 [tilespmem:s1], [sflag:$0x10], $0x20, s12, s17, $0xb8;
	[tilespmem:$0x12000] =	vst v63  }
0x70: {  	_ =	swait.ge [sflag:s9], $0x1000  }
0x71: {  	[sflag:s9] =	ssyncset.done $0x0  }
0x72: {  	s11 =	simm.s32 $0x700;
	[sflag:s9] =	ssyncadd.s32 $0xFFFFF000  }
0x73: {  	[tilespmem:s30], [sflag:$0x7] =	stream.indirect.gather [hbm4b:s4+s17], $0x20, s11, s17, $0xb8;
	[tilespmem:$0x12000] =	vst v63  }
0x74: {  	_ =	swait.ge [sflag:s14], $0x1000  }
0x75: {  	[sflag:s14] =	ssyncset.done $0x0  }
0x76: {  	s12 =	simm.s32 $0x2C00;
	[sflag:s14] =	ssyncadd.s32 $0xFFFFF000  }
0x77: {  	[spmem:s2] =	stream.indirect.scatter.add.f32 [tilespmem:s18], [sflag:$0x9], $0x20, s12, s17, $0xb8;
	[tilespmem:$0x12000] =	vst v63  }
0x78: {  	_ =	swait.ge [sflag:s10], $0x1000  }
0x79: {  	[sflag:s10] =	ssyncset.done $0x0  }
0x7a: {  	s11 =	simm.s32 $0x780;
	[sflag:s10] =	ssyncadd.s32 $0xFFFFF000  }
0x7b: {  	[tilespmem:s1], [sflag:$0x8] =	stream.indirect.gather [hbm4b:s4+s17], $0x20, s11, s17, $0xb8;
	[tilespmem:$0x12000] =	vst v63  }
0x7c: {  	_ =	swait.ge [sflag:s15], $0x1000  }
0x7d: {  	[sflag:s15] =	ssyncset.done $0x0  }
0x7e: {  	s12 =	simm.s32 $0x2C80;
	[sflag:s15] =	ssyncadd.s32 $0xFFFFF000  }
0x7f: {  	[spmem:s2] =	stream.indirect.scatter.add.f32 [tilespmem:s19], [sflag:$0xA], $0x20, s12, s17, $0xb8;
	[tilespmem:$0x12000] =	vst v63  }
0x80: {  	_ =	swait.ge [sflag:s20], $0x1000  }
0x81: {  	[sflag:s20] =	ssyncset.done $0x0  }
0x82: {  	s11 =	simm.s32 $0x800;
	[sflag:s20] =	ssyncadd.s32 $0xFFFFF000  }
0x83: {  	[tilespmem:s18], [sflag:$0x1] =	stream.indirect.gather [hbm4b:s4+s17], $0x20, s11, s17, $0xb8;
	[tilespmem:$0x12000] =	vst v63  }
0x84: {  	_ =	swait.ge [sflag:s16], $0x1000  }
0x85: {  	[sflag:s16] =	ssyncset.done $0x0  }
0x86: {  	s12 =	simm.s32 $0x2D00;
	[sflag:s16] =	ssyncadd.s32 $0xFFFFF000  }
0x87: {  	[spmem:s2] =	stream.indirect.scatter.add.f32 [tilespmem:s21], [sflag:$0xB], $0x20, s12, s17, $0xb8;
	[tilespmem:$0x12000] =	vst v63  }
0x88: {  	_ =	swait.ge [sflag:s26], $0x1000  }
0x89: {  	[sflag:s26] =	ssyncset.done $0x0  }
0x8a: {  	s11 =	simm.s32 $0x880;
	[sflag:s26] =	ssyncadd.s32 $0xFFFFF000  }
0x8b: {  	[tilespmem:s19], [sflag:$0x2] =	stream.indirect.gather [hbm4b:s4+s17], $0x20, s11, s17, $0xb8;
	[tilespmem:$0x12000] =	vst v63  }
0x8c: {  	_ =	swait.ge [sflag:s31], $0x1000  }
0x8d: {  	[sflag:s31] =	ssyncset.done $0x0  }
0x8e: {  	s12 =	simm.s32 $0x2D80;
	[sflag:s31] =	ssyncadd.s32 $0xFFFFF000  }
0x8f: {  	[spmem:s2] =	stream.indirect.scatter.add.f32 [tilespmem:s23], [sflag:$0xC], $0x20, s12, s17, $0xb8;
	[tilespmem:$0x12000] =	vst v63  }
0x90: {  	_ =	swait.ge [sflag:s22], $0x1000  }
0x91: {  	[sflag:s22] =	ssyncset.done $0x0  }
0x92: {  	s11 =	simm.s32 $0x900;
	[sflag:s22] =	ssyncadd.s32 $0xFFFFF000  }
0x93: {  	[tilespmem:s21], [sflag:$0x3] =	stream.indirect.gather [hbm4b:s4+s17], $0x20, s11, s17, $0xb8;
	[tilespmem:$0x12000] =	vst v63  }
0x94: {  	_ =	swait.ge [sflag:s29], $0x1000  }
0x95: {  	[sflag:s29] =	ssyncset.done $0x0  }
0x96: {  	s12 =	simm.s32 $0x2E00;
	[sflag:s29] =	ssyncadd.s32 $0xFFFFF000  }
0x97: {  	[spmem:s2] =	stream.indirect.scatter.add.f32 [tilespmem:s25], [sflag:$0xD], $0x20, s12, s17, $0xb8;
	[tilespmem:$0x12000] =	vst v63  }
0x98: {  	_ =	swait.ge [sflag:s24], $0x1000  }
0x99: {  	[sflag:s24] =	ssyncset.done $0x0  }
0x9a: {  	s11 =	simm.s32 $0x980;
	[sflag:s24] =	ssyncadd.s32 $0xFFFFF000  }
0x9b: {  	[tilespmem:s23], [sflag:$0x4] =	stream.indirect.gather [hbm4b:s4+s17], $0x20, s11, s17, $0xb8;
	[tilespmem:$0x12000] =	vst v63  }
0x9c: {  	_ =	swait.ge [sflag:s0], $0x1000  }
0x9d: {  	[sflag:s0] =	ssyncset.done $0x0  }
0x9e: {  	s12 =	simm.s32 $0x2E80;
	[sflag:s0] =	ssyncadd.s32 $0xFFFFF000  }
0x9f: {  	[spmem:s2] =	stream.indirect.scatter.add.f32 [tilespmem:s28], [sflag:$0xE], $0x20, s12, s17, $0xb8;
	[tilespmem:$0x12000] =	vst v63  }
0xa0: {  	_ =	swait.ge [sflag:s6], $0x1000  }
0xa1: {  	[sflag:s6] =	ssyncset.done $0x0  }
0xa2: {  	s11 =	simm.s32 $0xA00;
	[sflag:s6] =	ssyncadd.s32 $0xFFFFF000  }
0xa3: {  	[tilespmem:s25], [sflag:$0x5] =	stream.indirect.gather [hbm4b:s4+s17], $0x20, s11, s17, $0xb8;
	[tilespmem:$0x12000] =	vst v63  }
0xa4: {  	_ =	swait.ge [sflag:s7], $0x1000  }
0xa5: {  	[sflag:s7] =	ssyncset.done $0x0  }
0xa6: {  	s12 =	simm.s32 $0x2F00;
	[sflag:s7] =	ssyncadd.s32 $0xFFFFF000  }
0xa7: {  	[spmem:s2] =	stream.indirect.scatter.add.f32 [tilespmem:s30], [sflag:$0xF], $0x20, s12, s17, $0xb8;
	[tilespmem:$0x12000] =	vst v63  }
0xa8: {  	_ =	swait.ge [sflag:s13], $0x1000  }
0xa9: {  	[sflag:s13] =	ssyncset.done $0x0  }
0xaa: {  	s11 =	simm.s32 $0xA80;
	[sflag:s13] =	ssyncadd.s32 $0xFFFFF000  }
0xab: {  	[tilespmem:s28], [sflag:$0x6] =	stream.indirect.gather [hbm4b:s4+s17], $0x20, s11, s17, $0xb8;
	[tilespmem:$0x12000] =	vst v63  }
0xac: {  	_ =	swait.ge [sflag:s8], $0x1000  }
0xad: {  	[sflag:s8] =	ssyncset.done $0x0  }
0xae: {  	s12 =	simm.s32 $0x2F80;
	[sflag:s8] =	ssyncadd.s32 $0xFFFFF000  }
0xaf: {  	[spmem:s2] =	stream.indirect.scatter.add.f32 [tilespmem:s1], [sflag:$0x10], $0x20, s12, s17, $0xb8;
	[tilespmem:$0x12000] =	vst v63  }
0xb0: {  	_ =	swait.ge [sflag:s9], $0x1000  }
0xb1: {  	[sflag:s9] =	ssyncset.done $0x0  }
0xb2: {  	s3 =	simm.s32 $0x1000;
	s11 =	simm.s32 $0xB00;
	[sflag:s9] =	ssyncadd.s32 $0xFFFFF000  }
.LBB2_2:
0xb3: {  	[tilespmem:s30], [sflag:$0x7] =	stream.indirect.gather [hbm4b:s4+s17], $0x20, s11, s17, $0xb8;
	[tilespmem:$0x12000] =	vst v63  }
0xb4: {  	s11 =	smov.u32 s3  }
0xb5: {  	p0 =	sne.s32 s3, $0x7000;
	s3 =	sadd.s32 $0x1000, s3;
	_ =	swait.ge [sflag:s14], $0x1000  }
0xb6: {  	s11 =	sshra.s32 s11, $0x2;
	[sflag:s14] =	ssyncset.done $0x0  }
0xb7: {  	s12 =	sadd.s32 $0x2C00, s11;
	[sflag:s14] =	ssyncadd.s32 $0xFFFFF000  }
0xb8: {  	[spmem:s2] =	stream.indirect.scatter.add.f32 [tilespmem:s18], [sflag:$0x9], $0x20, s12, s17, $0xb8;
	[tilespmem:$0x12000] =	vst v63  }
0xb9: {  	_ =	swait.ge [sflag:s10], $0x1000  }
0xba: {  	[sflag:s10] =	ssyncset.done $0x0  }
0xbb: {  	s12 =	sadd.s32 $0x780, s11;
	[sflag:s10] =	ssyncadd.s32 $0xFFFFF000  }
0xbc: {  	[tilespmem:s1], [sflag:$0x8] =	stream.indirect.gather [hbm4b:s4+s17], $0x20, s12, s17, $0xb8;
	[tilespmem:$0x12000] =	vst v63  }
0xbd: {  	_ =	swait.ge [sflag:s15], $0x1000  }
0xbe: {  	[sflag:s15] =	ssyncset.done $0x0  }
0xbf: {  	s12 =	sadd.s32 $0x2C80, s11;
	[sflag:s15] =	ssyncadd.s32 $0xFFFFF000  }
0xc0: {  	[spmem:s2] =	stream.indirect.scatter.add.f32 [tilespmem:s19], [sflag:$0xA], $0x20, s12, s17, $0xb8;
	[tilespmem:$0x12000] =	vst v63  }
0xc1: {  	_ =	swait.ge [sflag:s20], $0x1000  }
0xc2: {  	[sflag:s20] =	ssyncset.done $0x0  }
0xc3: {  	s12 =	sadd.s32 $0x800, s11;
	[sflag:s20] =	ssyncadd.s32 $0xFFFFF000  }
0xc4: {  	[tilespmem:s18], [sflag:$0x1] =	stream.indirect.gather [hbm4b:s4+s17], $0x20, s12, s17, $0xb8;
	[tilespmem:$0x12000] =	vst v63  }
0xc5: {  	_ =	swait.ge [sflag:s16], $0x1000  }
0xc6: {  	[sflag:s16] =	ssyncset.done $0x0  }
0xc7: {  	s12 =	sadd.s32 $0x2D00, s11;
	[sflag:s16] =	ssyncadd.s32 $0xFFFFF000  }
0xc8: {  	[spmem:s2] =	stream.indirect.scatter.add.f32 [tilespmem:s21], [sflag:$0xB], $0x20, s12, s17, $0xb8;
	[tilespmem:$0x12000] =	vst v63  }
0xc9: {  	_ =	swait.ge [sflag:s26], $0x1000  }
0xca: {  	[sflag:s26] =	ssyncset.done $0x0  }
0xcb: {  	s12 =	sadd.s32 $0x880, s11;
	[sflag:s26] =	ssyncadd.s32 $0xFFFFF000  }
0xcc: {  	[tilespmem:s19], [sflag:$0x2] =	stream.indirect.gather [hbm4b:s4+s17], $0x20, s12, s17, $0xb8;
	[tilespmem:$0x12000] =	vst v63  }
0xcd: {  	_ =	swait.ge [sflag:s31], $0x1000  }
0xce: {  	[sflag:s31] =	ssyncset.done $0x0  }
0xcf: {  	s12 =	sadd.s32 $0x2D80, s11;
	[sflag:s31] =	ssyncadd.s32 $0xFFFFF000  }
0xd0: {  	[spmem:s2] =	stream.indirect.scatter.add.f32 [tilespmem:s23], [sflag:$0xC], $0x20, s12, s17, $0xb8;
	[tilespmem:$0x12000] =	vst v63  }
0xd1: {  	_ =	swait.ge [sflag:s22], $0x1000  }
0xd2: {  	[sflag:s22] =	ssyncset.done $0x0  }
0xd3: {  	s12 =	sadd.s32 $0x900, s11;
	[sflag:s22] =	ssyncadd.s32 $0xFFFFF000  }
0xd4: {  	[tilespmem:s21], [sflag:$0x3] =	stream.indirect.gather [hbm4b:s4+s17], $0x20, s12, s17, $0xb8;
	[tilespmem:$0x12000] =	vst v63  }
0xd5: {  	_ =	swait.ge [sflag:s29], $0x1000  }
0xd6: {  	[sflag:s29] =	ssyncset.done $0x0  }
0xd7: {  	s12 =	sadd.s32 $0x2E00, s11;
	[sflag:s29] =	ssyncadd.s32 $0xFFFFF000  }
0xd8: {  	[spmem:s2] =	stream.indirect.scatter.add.f32 [tilespmem:s25], [sflag:$0xD], $0x20, s12, s17, $0xb8;
	[tilespmem:$0x12000] =	vst v63  }
0xd9: {  	_ =	swait.ge [sflag:s24], $0x1000  }
0xda: {  	[sflag:s24] =	ssyncset.done $0x0  }
0xdb: {  	s12 =	sadd.s32 $0x980, s11;
	[sflag:s24] =	ssyncadd.s32 $0xFFFFF000  }
0xdc: {  	[tilespmem:s23], [sflag:$0x4] =	stream.indirect.gather [hbm4b:s4+s17], $0x20, s12, s17, $0xb8;
	[tilespmem:$0x12000] =	vst v63  }
0xdd: {  	_ =	swait.ge [sflag:s0], $0x1000  }
0xde: {  	[sflag:s0] =	ssyncset.done $0x0  }
0xdf: {  	s12 =	sadd.s32 $0x2E80, s11;
	[sflag:s0] =	ssyncadd.s32 $0xFFFFF000  }
0xe0: {  	[spmem:s2] =	stream.indirect.scatter.add.f32 [tilespmem:s28], [sflag:$0xE], $0x20, s12, s17, $0xb8;
	[tilespmem:$0x12000] =	vst v63  }
0xe1: {  	_ =	swait.ge [sflag:s6], $0x1000  }
0xe2: {  	[sflag:s6] =	ssyncset.done $0x0  }
0xe3: {  	s12 =	sadd.s32 $0xA00, s11;
	[sflag:s6] =	ssyncadd.s32 $0xFFFFF000  }
0xe4: {  	[tilespmem:s25], [sflag:$0x5] =	stream.indirect.gather [hbm4b:s4+s17], $0x20, s12, s17, $0xb8;
	[tilespmem:$0x12000] =	vst v63  }
0xe5: {  	_ =	swait.ge [sflag:s7], $0x1000  }
0xe6: {  	[sflag:s7] =	ssyncset.done $0x0  }
0xe7: {  	s12 =	sadd.s32 $0x2F00, s11;
	[sflag:s7] =	ssyncadd.s32 $0xFFFFF000  }
0xe8: {  	[spmem:s2] =	stream.indirect.scatter.add.f32 [tilespmem:s30], [sflag:$0xF], $0x20, s12, s17, $0xb8;
	[tilespmem:$0x12000] =	vst v63  }
0xe9: {  	_ =	swait.ge [sflag:s13], $0x1000  }
0xea: {  	[sflag:s13] =	ssyncset.done $0x0  }
0xeb: {  	s12 =	sadd.s32 $0xA80, s11;
	[sflag:s13] =	ssyncadd.s32 $0xFFFFF000  }
0xec: {  	[tilespmem:s28], [sflag:$0x6] =	stream.indirect.gather [hbm4b:s4+s17], $0x20, s12, s17, $0xb8;
	[tilespmem:$0x12000] =	vst v63  }
0xed: {  	_ =	swait.ge [sflag:s8], $0x1000  }
0xee: {  	[sflag:s8] =	ssyncset.done $0x0  }
.Ltmp0:
0xef: {  	s12 =	sadd.s32 $0x2F80, s11;
	[sflag:s8] =	ssyncadd.s32 $0xFFFFF000;
	(pc) =	sbr.rel @p0 .LBB2_2-.Ltmp0, $4  }
0xf0: {  	[spmem:s2] =	stream.indirect.scatter.add.f32 [tilespmem:s1], [sflag:$0x10], $0x20, s12, s17, $0xb8;
	[tilespmem:$0x12000] =	vst v63  }
0xf1: {  	_ =	swait.ge [sflag:s9], $0x1000  }
0xf2: {  	[sflag:s9] =	ssyncset.done $0x0  }
0xf3: {  	s11 =	sadd.s32 $0xB00, s11;
	[sflag:s9] =	ssyncadd.s32 $0xFFFFF000  }
0xf4: {  	[tilespmem:s30], [sflag:$0x7] =	stream.indirect.gather [hbm4b:s4+s17], $0x20, s11, s17, $0xb8;
	[tilespmem:$0x12000] =	vst v63  }
0xf5: {  	_ =	swait.ge [sflag:s14], $0x1000  }
0xf6: {  	[sflag:s14] =	ssyncset.done $0x0  }
0xf7: {  	s3 =	simm.s32 $0x4C00;
	[sflag:s14] =	ssyncadd.s32 $0xFFFFF000  }
0xf8: {  	[spmem:s2] =	stream.indirect.scatter.add.f32 [tilespmem:s18], [sflag:$0x9], $0x20, s3, s17, $0xb8;
	[tilespmem:$0x12000] =	vst v63  }
0xf9: {  	_ =	swait.ge [sflag:s10], $0x1000  }
0xfa: {  	[sflag:s10] =	ssyncset.done $0x0  }
0xfb: {  	s12 =	simm.s32 $0x2780;
	[sflag:s10] =	ssyncadd.s32 $0xFFFFF000  }
0xfc: {  	[tilespmem:s1], [sflag:$0x8] =	stream.indirect.gather [hbm4b:s4+s17], $0x20, s12, s17, $0xb8;
	[tilespmem:$0x12000] =	vst v63  }
0xfd: {  	_ =	swait.ge [sflag:s15], $0x1000  }
0xfe: {  	[sflag:s15] =	ssyncset.done $0x0  }
0xff: {  	s11 =	simm.s32 $0x4C80;
	[sflag:s15] =	ssyncadd.s32 $0xFFFFF000  }
0x100: {  	[spmem:s2] =	stream.indirect.scatter.add.f32 [tilespmem:s19], [sflag:$0xA], $0x20, s11, s17, $0xb8;
	[tilespmem:$0x12000] =	vst v63  }
0x101: {  	_ =	swait.ge [sflag:s20], $0x1000  }
0x102: {  	[sflag:s20] =	ssyncset.done $0x0  }
0x103: {  	[sflag:s20] =	ssyncadd.s32 $0xFFFFF000  }
0x104: {  	_ =	swait.ge [sflag:s16], $0x1000  }
0x105: {  	[sflag:s16] =	ssyncset.done $0x0  }
0x106: {  	s12 =	simm.s32 $0x4D00;
	[sflag:s16] =	ssyncadd.s32 $0xFFFFF000  }
0x107: {  	[spmem:s2] =	stream.indirect.scatter.add.f32 [tilespmem:s21], [sflag:$0xB], $0x20, s12, s17, $0xb8;
	[tilespmem:$0x12000] =	vst v63  }
0x108: {  	_ =	swait.ge [sflag:s26], $0x1000  }
0x109: {  	[sflag:s26] =	ssyncset.done $0x0  }
0x10a: {  	[sflag:s26] =	ssyncadd.s32 $0xFFFFF000  }
0x10b: {  	_ =	swait.ge [sflag:s31], $0x1000  }
0x10c: {  	[sflag:s31] =	ssyncset.done $0x0  }
0x10d: {  	s11 =	simm.s32 $0x4D80;
	[sflag:s31] =	ssyncadd.s32 $0xFFFFF000  }
0x10e: {  	[spmem:s2] =	stream.indirect.scatter.add.f32 [tilespmem:s23], [sflag:$0xC], $0x20, s11, s17, $0xb8;
	[tilespmem:$0x12000] =	vst v63  }
0x10f: {  	_ =	swait.ge [sflag:s22], $0x1000  }
0x110: {  	[sflag:s22] =	ssyncset.done $0x0  }
0x111: {  	[sflag:s22] =	ssyncadd.s32 $0xFFFFF000  }
0x112: {  	_ =	swait.ge [sflag:s29], $0x1000  }
0x113: {  	[sflag:s29] =	ssyncset.done $0x0  }
0x114: {  	s12 =	simm.s32 $0x4E00;
	[sflag:s29] =	ssyncadd.s32 $0xFFFFF000  }
0x115: {  	[spmem:s2] =	stream.indirect.scatter.add.f32 [tilespmem:s25], [sflag:$0xD], $0x20, s12, s17, $0xb8;
	[tilespmem:$0x12000] =	vst v63  }
0x116: {  	_ =	swait.ge [sflag:s24], $0x1000  }
0x117: {  	[sflag:s24] =	ssyncset.done $0x0  }
0x118: {  	[sflag:s24] =	ssyncadd.s32 $0xFFFFF000  }
0x119: {  	_ =	swait.ge [sflag:s0], $0x1000  }
0x11a: {  	[sflag:s0] =	ssyncset.done $0x0  }
0x11b: {  	s11 =	simm.s32 $0x4E80;
	[sflag:s0] =	ssyncadd.s32 $0xFFFFF000  }
0x11c: {  	[spmem:s2] =	stream.indirect.scatter.add.f32 [tilespmem:s28], [sflag:$0xE], $0x20, s11, s17, $0xb8;
	[tilespmem:$0x12000] =	vst v63  }
0x11d: {  	_ =	swait.ge [sflag:s6], $0x1000  }
0x11e: {  	[sflag:s6] =	ssyncset.done $0x0  }
0x11f: {  	[sflag:s6] =	ssyncadd.s32 $0xFFFFF000  }
0x120: {  	_ =	swait.ge [sflag:s7], $0x1000  }
0x121: {  	[sflag:s7] =	ssyncset.done $0x0  }
0x122: {  	s12 =	simm.s32 $0x4F00;
	[sflag:s7] =	ssyncadd.s32 $0xFFFFF000  }
0x123: {  	[spmem:s2] =	stream.indirect.scatter.add.f32 [tilespmem:s30], [sflag:$0xF], $0x20, s12, s17, $0xb8;
	[tilespmem:$0x12000] =	vst v63  }
0x124: {  	_ =	swait.ge [sflag:s13], $0x1000  }
0x125: {  	[sflag:s13] =	ssyncset.done $0x0  }
0x126: {  	[sflag:s13] =	ssyncadd.s32 $0xFFFFF000  }
0x127: {  	_ =	swait.ge [sflag:s8], $0x1000  }
0x128: {  	[sflag:s8] =	ssyncset.done $0x0  }
0x129: {  	s11 =	simm.s32 $0x4F80;
	[sflag:s8] =	ssyncadd.s32 $0xFFFFF000  }
0x12a: {  	[spmem:s2] =	stream.indirect.scatter.add.f32 [tilespmem:s1], [sflag:$0x10], $0x20, s11, s17, $0xb8;
	[tilespmem:$0x12000] =	vst v63  }
0x12b: {  	_ =	swait.ge [sflag:s9], $0x1000  }
0x12c: {  	[sflag:s9] =	ssyncset.done $0x0  }
0x12d: {  	[sflag:s9] =	ssyncadd.s32 $0xFFFFF000  }
0x12e: {  	_ =	swait.ge [sflag:s10], $0x1000  }
0x12f: {  	[sflag:s10] =	ssyncset.done $0x0  }
0x130: {  	[sflag:s10] =	ssyncadd.s32 $0xFFFFF000  }
0x131: {  	[bflag:$0x0] =	sbarrier.arrive $0xFFFF  }
0x132: {  	s12 =	rddreg [dreg:$0x4]  }
0x133: {  	s11 =	rddreg [dreg:$0x9]  }
0x134: {  	s3 =	sor.u32 $0x1C11, s12;
	s12 =	rddreg [dreg:$0xb]  }
0x135: {  	[hbm:s11], [sflag:s3] =	dma.local [spmem:s12], $0xA00  }
0x136: {  	s11 =	simm.s32 $0x11  }
0x137: {  	_ =	swait.ge [sflag:s11], $0xA00  }
0x138: {  	s5 =	sadd.s32 $0x1, s5;
	s3 =	rddreg [dreg:$0xa]  }
0x139: {  	p0 =	sne.s32 s5, s3  }
.Ltmp1:
0x13a: {  	_ = 	snop;
	(pc) =	sbr.rel @p0 .LBB2_1-.Ltmp1, $3  }
0x13b: {  	_ =	sdelay $0x1  }
0x13c: {  	[sflag:s11] =	ssyncset.done $0x0  }
0x13d: {  	[sflag:s11] =	ssyncadd.s32 $0xFFFFF600  }
0x13e: {  	_ =	sfence.sel $0x180000  }
0x13f: {  	[bflag:$0x0] =	sbarrier.arrive $0xFFFF  }
0x140: {  	_ =	strace $0x9000004D  }
0x141: {  	s0 =	stileid.u32;
	[bflag:$0x2] =	sbarrier.arrive $0xFFFF  }
0x142: {  	p0 =	sne.s32 s0, $0x0;
	s0 =	rddreg [dreg:$0x3]  }
0x143: {  	s0 =	sadd.s32 @!p0 $0x100000, s0  }
0x144: {  	[sflag:s0] =	ssyncadd.tile.s32 @!p0 $0x1;
	_ =	shalt  }
.Lfunc_end2:
_tile_overlayer_lowered:
.L_overlay_start_2:
0x145: {  	(tag) =	ssettag $0x2  }
0x146: {  	s0 =	rddreg [dreg:$0x0];
	s2 =	stileid.u32  }
0x147: {  	s1 =	rddreg [dreg:$0x1];
	p0 =	sne.s32 s2, $0x0  }
0x148: {  	s3 =	rddreg [dreg:$0x2];
	[bflag:$0x3] =	sbarrier.arrive $0xFFFF;
	s2 =	simm.s32 @!p0 $0x1C11  }
0x149: {  	[timem:s3], [sflag:s2] =	dma.local @!p0 [hbm:s0], s1  }
0x14a: {  	s0 =	simm.s32 @!p0 $0x11  }
0x14b: {  	_ =	swait.ge @!p0 [sflag:s0], s1  }
0x14c: {  	s1 =	ssub.s32 @!p0 $0x0, s1;
	[sflag:s0] =	ssyncset.done @!p0 $0x0  }
0x14d: {  	[sflag:s0] =	ssyncadd.s32 @!p0 s1  }
0x14e: {  	[bflag:$0x3] =	sbarrier.arrive $0xFFFF  }
0x14f: {  	_ =	shalt  }

// kernel: kernel.9.cloned.1.call-start
scs
__scs_entry_jumppad:
0x0: {  	(pc) =	sbr.rel $0x88, $3  }
0x1: {  	(tag) =	ssettag $0x0;
	lr =	simm.s32 $0x1  }
0x2: {  	[smem:$0x3F94] =	sst lr;
	_ =	strace $0xD0000000  }
0x3: {  	_ = 	snop  }
0x4: {  	_ = 	snop  }
0x5: {  	_ = 	snop  }
0x6: {  	_ = 	snop  }
0x7: {  	_ = 	snop  }
__scs_overlays_trampoline_lowered:
0x8: {  	[smem:$0x3FA3] =	sst s0  }
0x9: {  	[smem:$0x3FA4] =	sst s1  }
0xa: {  	[smem:$0x3FA5] =	sst s2  }
0xb: {  	[smem:$0x3FA6] =	sst s3  }
0xc: {  	[smem:$0x3FA7] =	sst s4  }
0xd: {  	[smem:$0x3FA8] =	sst s5  }
0xe: {  	[smem:$0x3FA9] =	sst s6  }
0xf: {  	[smem:$0x3FAA] =	sst s7  }
0x10: {  	[smem:$0x3FAB] =	sst s8  }
0x11: {  	[smem:$0x3FAC] =	sst s9;
	s0 =	simm.s32 @!p0 $0x0  }
0x12: {  	s1 =	sld [smem:$0x3F92];
	s0 =	simm.s32 @p0 $0x1  }
0x13: {  	[smem:$0x3FAD] =	sst s0;
	s0 =	simm.s32 @!p1 $0x0  }
0x14: {  	s2 =	sld [smem:$0x3F91];
	s0 =	simm.s32 @p1 $0x1  }
0x15: {  	[smem:$0x3FAE] =	sst s0;
	s0 =	simm.s32 @!p2 $0x0  }
0x16: {  	s3 =	sld [smem:$0x3FDB];
	s0 =	simm.s32 @p2 $0x1  }
0x17: {  	s4 =	simm.s32 $0x1BF5;
	[smem:$0x3FB0] =	sst s0  }
0x18: {  	s0 =	sld [smem:$0x3F93];
	_ =	swait.ge [sflag:s4], $0x0  }
0x19: {  	s7 =	sld [smem:$0x3F94]  }
0x1a: {  	s8 =	sadd.s32 $0xFFFFE003, lr  }
0x1b: {  	s9 =	sadd.s32 $0xFFFFFEF7, lr;
	s5 =	simm.s32 $0xFFFFFFFF;
	p2 =	slt.u32 s8, $0xFFFFF086  }
0x1c: {  	p1 =	slt.u32 s9, $0xF7A;
	s5 =	simm.s32 @!p2 $0x0  }
0x1d: {  	s5 =	simm.s32 @p1 $0x1;
	p0 =	seq.s32 s7, s2  }
0x1e: {  	s7 =	smul.u32 @!p0 $0xF7A, s2;
	p2 =	seq.s32 @!p0 s5, $0x0  }
0x1f: {  	s9 =	smul.u32 $0xF7A, s1;
	s8 =	simm.s32 @!p0 $0x1BF5;
	p2 =	por !p2, p0  }
0x20: {  	[sflag:s8] =	ssyncset.s32 @!p0 $0xFFFFF086;
	s6 =	sadd.s32 @!p0 s3, s7;
	s7 =	simm.s32 @!p0 $0x108  }
0x21: {  	s3 =	sadd.s32 s3, s9;
	s6 =	sadd.s32 @!p0 $0x88, s6;
	s7 =	simm.s32 @p2 $0x1082  }
0x22: {  	[simem:s7], [sflag:s8] =	dma.local @!p0 [hbm:s6], $0xF7A  }
0x23: {  	s9 =	sor.u32 $0xD0000000, s2;
	s6 =	simm.s32 $0x108;
	_ =	swait.ge @!p0 [sflag:s8], $0x0  }
0x24: {  	s3 =	sadd.s32 $0x88, s3;
	s6 =	simm.s32 @!p1 $0x1082;
	[sflag:s4] =	ssyncset.s32 $0xFFFFF086  }
0x25: {  	[simem:s6], [sflag:s4] =	dma.local [hbm:s3], $0xF7A  }
0x26: {  	[smem:$0x3F94] =	sst s1;
	(tag) =	ssettag s2;
	_ =	strace s9  }
0x27: {  	s1 =	sld [smem:$0x3FA4]  }
0x28: {  	s2 =	sld [smem:$0x3FA5]  }
0x29: {  	s4 =	sld [smem:$0x3FA7]  }
0x2a: {  	p0 =	seq.s32 s5, $0x0;
	s5 =	sld [smem:$0x3FA8]  }
0x2b: {  	s6 =	sld [smem:$0x3FA9]  }
0x2c: {  	s7 =	sld [smem:$0x3FAA]  }
0x2d: {  	s3 =	simm.s32 $0x108;
	s8 =	sld [smem:$0x3FAB]  }
0x2e: {  	s3 =	simm.s32 @!p0 $0x1082;
	s9 =	sld [smem:$0x3FAC]  }
0x2f: {  	lr =	sadd.s32 s0, s3;
	s0 =	sld [smem:$0x3FA3]  }
0x30: {  	s3 =	sld [smem:$0x3FA6]  }
0x31: {  	[smem:$0x3FAF] =	sst s10  }
0x32: {  	s10 =	sld [smem:$0x3FAD];
	_ =	sdelay $0x3  }
0x33: {  	p0 =	seq.s32 s10, $0x1;
	s10 =	sld [smem:$0x3FAF];
	_ =	sdelay $0x3  }
0x34: {  	[smem:$0x3FAF] =	sst s10  }
0x35: {  	s10 =	sld [smem:$0x3FAE];
	_ =	sdelay $0x3  }
0x36: {  	p1 =	seq.s32 s10, $0x1;
	s10 =	sld [smem:$0x3FAF];
	_ =	sdelay $0x3  }
0x37: {  	[smem:$0x3FAF] =	sst s10  }
0x38: {  	s10 =	sld [smem:$0x3FB0]  }
0x39: {  	_ = 	snop;
	(pc) =	sbr.ind lr, $3  }
0x3a: {  	_ = 	snop  }
0x3b: {  	_ = 	snop  }
0x3c: {  	p2 =	seq.s32 s10, $0x1;
	s10 =	sld [smem:$0x3FAF]  }
0x3d: {  	_ =	shalt  }
0x3e: {  	_ =	shalt  }
0x3f: {  	_ =	shalt  }
0x40: {  	_ =	shalt  }
0x41: {  	_ =	shalt  }
0x42: {  	_ =	shalt  }
0x43: {  	_ =	shalt  }
0x44: {  	_ =	shalt  }
0x45: {  	_ =	shalt  }
0x46: {  	_ =	shalt  }
0x47: {  	_ =	shalt  }
0x48: {  	_ =	shalt  }
0x49: {  	_ =	shalt  }
0x4a: {  	_ =	shalt  }
0x4b: {  	_ =	shalt  }
0x4c: {  	_ =	shalt  }
0x4d: {  	_ =	shalt  }
0x4e: {  	_ =	shalt  }
0x4f: {  	_ =	shalt  }
0x50: {  	_ =	shalt  }
0x51: {  	_ =	shalt  }
0x52: {  	_ =	shalt  }
0x53: {  	_ =	shalt  }
0x54: {  	_ =	shalt  }
0x55: {  	_ =	shalt  }
0x56: {  	_ =	shalt  }
0x57: {  	_ =	shalt  }
0x58: {  	_ =	shalt  }
0x59: {  	_ =	shalt  }
0x5a: {  	_ =	shalt  }
0x5b: {  	_ =	shalt  }
0x5c: {  	_ =	shalt  }
0x5d: {  	_ =	shalt  }
0x5e: {  	_ =	shalt  }
0x5f: {  	_ =	shalt  }
0x60: {  	_ =	shalt  }
0x61: {  	_ =	shalt  }
0x62: {  	_ =	shalt  }
0x63: {  	_ =	shalt  }
0x64: {  	_ =	shalt  }
0x65: {  	_ =	shalt  }
0x66: {  	_ =	shalt  }
0x67: {  	_ =	shalt  }
0x68: {  	_ =	shalt  }
0x69: {  	_ =	shalt  }
0x6a: {  	_ =	shalt  }
0x6b: {  	_ =	shalt  }
0x6c: {  	_ =	shalt  }
0x6d: {  	_ =	shalt  }
0x6e: {  	_ =	shalt  }
0x6f: {  	_ =	shalt  }
0x70: {  	_ =	shalt  }
0x71: {  	_ =	shalt  }
0x72: {  	_ =	shalt  }
0x73: {  	_ =	shalt  }
0x74: {  	_ =	shalt  }
0x75: {  	_ =	shalt  }
0x76: {  	_ =	shalt  }
0x77: {  	_ =	shalt  }
0x78: {  	_ =	shalt  }
0x79: {  	_ =	shalt  }
0x7a: {  	_ =	shalt  }
0x7b: {  	_ =	shalt  }
0x7c: {  	_ =	shalt  }
0x7d: {  	_ =	shalt  }
0x7e: {  	_ =	shalt  }
0x7f: {  	_ =	shalt  }
0x80: {  	_ =	shalt  }
0x81: {  	_ =	shalt  }
0x82: {  	_ =	shalt  }
0x83: {  	_ =	shalt  }
0x84: {  	_ =	shalt  }
0x85: {  	_ =	shalt  }
0x86: {  	_ =	shalt  }
0x87: {  	_ =	shalt  }
.Lfunc_end0:
.L_simem_size_0:
called_computation_lowered:
.L_overlay_start_0:
0x88: {  	s2 =	sld [smem:$0x3FD9]  }
0x89: {  	s3 =	sld [smem:$0x3FFE];
	_ =	sdelay $0x1  }
0x8a: {  	s1 =	srdreg.scid  }
0x8b: {  	s0 =	sand.u32 $0x1, s1  }
0x8c: {  	s17 =	sshll.u32 s0, $0xA;
	s2 =	sadd.s32 s3, s2  }
0x8d: {  	s2 =	sadd.s32 s2, s17  }
0x8e: {  	[smem:$0x3FBB] =	sst s2  }
0x8f: {  	_ = 	snop  }
0x90: {  	s2 =	sld [smem:$0x3FD0];
	(tm) =	ssettm $0x1  }
0x91: {  	s18 =	sld [smem:$0x3FFB];
	_ =	sdelay $0x3  }
0x92: {  	_ =	strace s18  }
0x93: {  	s3 =	sld [smem:$0x3FFC];
	_ =	sdelay $0x3  }
0x94: {  	_ =	strace s3  }
0x95: {  	s3 =	sld [smem:$0x3FFD];
	_ =	sdelay $0x3  }
0x96: {  	_ =	strace s3  }
0x97: {  	_ =	strace $0x8FFFFFFF  }
0x98: {  	s19 =	sld [smem:$0x3FDB];
	_ =	sdelay $0x1  }
0x99: {  	s4 =	simm.s32 $_scs_section_size  }
0x9a: {  	s5 =	simm.s32 $_size__tile_overlayer_lowered;
	s6 =	simm.s32 $_tile_overlayer_lowered  }
0x9b: {  	s22 =	simm.s32 $0x1BFF;
	s21 =	sshll.u32 s6, $0x1;
	s3 =	sadd.s32 s4, s19  }
0x9c: {  	s7 =	simm.s32 $0x0;
	s20 =	sshll.u32 s5, $0x1;
	s5 =	sadd.s32 s21, s3  }
0x9d: {  	[timem:s7], [sflag:s22] =	dma.local [hbm:s5], s20  }
0x9e: {  	_ =	swait.ge [sflag:s22], s20  }
0x9f: {  	s4 =	ssub.s32 $0x0, s20;
	[sflag:s22] =	ssyncset.done $0x0  }
0xa0: {  	[sflag:s22] =	ssyncadd.s32 s4;
	_ =	sdelay $0x1  }
0xa1: {  	s23 =	simm.s32 $0x1B8B  }
0xa2: {  	_ =	swait.ge [sflag:s23], $0x1  }
0xa3: {  	[sflag:s23] =	ssyncset.done $0x0  }
0xa4: {  	s25 =	simm.s32 $0x1B8E;
	s24 =	sld [smem:$0x3FFE];
	[sflag:s23] =	ssyncadd.s32 $0xFFFFFFFF  }
0xa5: {  	s26 =	simm.s32 $execute0_lowered;
	[smem:$0x3FD2] =	sst s25  }
0xa6: {  	s5 =	sshll.u32 s26, $0x1;
	_ =	strace $0x80000046;
	[dreg:$0x1] =	wrdreg $0xFFFFFFFF  }
0xa7: {  	s28 =	simm.s32 $_size_execute0_lowered;
	s3 =	sadd.s32 s3, s5;
	[dreg:$0x0] =	wrdreg $0x0  }
0xa8: {  	s5 =	sshll.u32 s28, $0x1;
	[dreg:$0x2] =	wrdreg s3  }
0xa9: {  	[dreg:$0x3] =	wrdreg s5  }
0xaa: {  	[dreg:$0x4] =	wrdreg $0xC0  }
0xab: {  	_ =	task [dreg:s7], $0x5FFFF  }
0xac: {  	[dreg:$0x1] =	wrdreg $0xFFFFFFFF  }
0xad: {  	[dreg:$0x0] =	wrdreg $0x60  }
0xae: {  	[dreg:$0x2] =	wrdreg s24  }
0xaf: {  	[dreg:$0x3] =	wrdreg s2  }
0xb0: {  	[dreg:$0x4] =	wrdreg $0xD0000  }
0xb1: {  	[dreg:$0x5] =	wrdreg $0x130000  }
0xb2: {  	[dreg:$0x6] =	wrdreg $0x9  }
0xb3: {  	_ =	task.clear_ibuf [dreg:s7], $0x7FFFF;
	_ =	strace $0x90000046  }
0xb4: {  	s29 =	simm.s32 $0x9;
	_ =	strace $0x80000048  }
0xb5: {  	_ =	swait.ge [sflag:s29], $0x1  }
0xb6: {  	[sflag:s29] =	ssyncadd.s32 $0xFFFFFFFF  }
0xb7: {  	_ =	strace $0x90000048  }
0xb8: {  	_ =	sfence  }
0xb9: {  	s30 =	sld [smem:$0x0];
	_ =	sdelay $0x2  }
0xba: {  	s31 =	sshll.u32 s1, $0xD;
	s1 =	sshrl.u32 s1, $0x2  }
0xbb: {  	s3 =	sand.u32 $0x4000, s31;
	s1 =	sadd.s32 s1, s30  }
0xbc: {  	s0 =	sor.u32 s3, s0;
	s1 =	sshll.u32 s1, $0x11  }
0xbd: {  	s0 =	sor.u32 s1, s0  }
0xbe: {  	s0 =	sadd.s32 $0x8F2B, s0  }
0xbf: {  	[sflag:s0] =	ssyncadd.remote.s32 $0x1  }
0xc0: {  	_ =	sfence.sel $0xFFFF  }
0xc1: {  	[dreg:$0x0] =	wrdreg $0xFFFFFFFF;
	(pc) =	sbr.abs _section_cstart, $3  }
0xc2: {  	[dreg:$0x1] =	wrdreg $0xFFFFFFFF  }
0xc3: {  	_ =	task.clear_ibuf [dreg:s7], $0x2FFFF;
	_ =	strace $0x9FFFFFFF  }
0xc4: {  	(tm) =	ssettm $0x7FFFFFFF  }
0xc5: {  	_ =	shalt  }
tec
execute0_lowered:
.L_overlay_start_1:
0x0: {  	(tag) =	ssettag $0x1  }
0x1: {  	s0 =	rddreg [dreg:$0x0];
	s1 =	srdreg.scid  }
0x2: {  	s11 =	stileid.u32;
	s4 =	rddreg [dreg:$0x1]  }
0x3: {  	s2 =	rddreg [dreg:$0x2];
	s22 =	simm.s32 $0x0;
	s19 =	simm.s32 $0x12000  }
0x4: {  	s30 =	simm.s32 $0xA;
	s13 =	simm.s32 $0xB;
	s14 =	simm.s32 $0xD  }
0x5: {  	s16 =	simm.s32 $0xE;
	s15 =	simm.s32 $0x10;
	s1 =	sand.u32 $0x1, s1  }
0x6: {  	s3 =	sshll.u32 s11, $0x1;
	s7 =	smul.u32 $0x5000, s11;
	[smem:$0x7FF] =	sst s22  }
0x7: {  	s12 =	sadd.s32 $0x2A600, s0;
	s24 =	sshll.u32 s11, $0x6;
	s22 =	simm.s32 $0x1  }
0x8: {  	s5 =	sor.u32 s1, s3;
	s3 =	rddreg [dreg:$0x3];
	s8 =	smul.u32 $0x50000, s1  }
0x9: {  	_ =	strace $0x80000047;
	s1 =	ssub.s32 $0x2, s1;
	[dreg:$0x5] =	wrdreg s12  }
0xa: {  	s11 =	sor.u32 $0x1C01, s24;
	[dreg:$0x7] =	wrdreg s24;
	s31 =	sor.u32 $0x1C09, s24  }
0xb: {  	s24 =	simm.s32 $0x3;
	s12 =	simm.s32 $0x7;
	s6 =	smul.u32 $0x500, s5  }
0xc: {  	s5 =	sadd.s32 $0x2800, s0;
	s9 =	sshrl.u32 s7, $0x3;
	s10 =	sshrl.u32 s1, $0x1  }
0xd: {  	s23 =	sadd.s32 s7, s2;
	[dreg:$0x8] =	wrdreg s11;
	s26 =	sadd.s32 s7, s3  }
0xe: {  	[dreg:$0xf] =	wrdreg s31;
	s11 =	simm.s32 $0x4;
	s8 =	sadd.s32 s7, s8  }
0xf: {  	s9 =	sadd.s32 s9, s0;
	s1 =	ssub.s32 s1, s10;
	s17 =	sshrl.u32 s23, $0x3  }
0x10: {  	s28 =	sshrl.u32 s26, $0x3;
	s23 =	simm.s32 $0x2;
	s10 =	simm.s32 $0xC  }
0x11: {  	s7 =	simm.s32 $0xF;
	s6 =	sadd.s32 s6, s0;
	[dreg:$0xe] =	wrdreg s17  }
0x12: {  	s8 =	sshrl.u32 s8, $0x3;
	s9 =	sadd.s32 $0x20600, s9;
	[dreg:$0x10] =	wrdreg s28  }
0x13: {  	s29 =	smax.u32 s1, $0x1;
	s1 =	simm.s32 $0x0;
	[dreg:$0x6] =	wrdreg s9  }
0x14: {  	s0 =	sadd.s32 s8, s0;
	s25 =	sadd.s32 $0xC600, s6;
	[dreg:$0xd] =	wrdreg s29  }
0x15: {  	s6 =	sadd.s32 $0x16600, s6;
	s4 =	sadd.s32 s4, s8;
	[dreg:$0x9] =	wrdreg s25  }
0x16: {  	s9 =	simm.s32 $0x5;
	s8 =	simm.s32 $0x6;
	[dreg:$0xa] =	wrdreg s6  }
0x17: {  	[dreg:$0xb] =	wrdreg s4;
	s0 =	sadd.s32 $0x2A800, s0;
	s6 =	simm.s32 $0x9  }
0x18: {  	s25 =	simm.s32 $0x80;
	s4 =	simm.s32 $0x8;
	[dreg:$0xc] =	wrdreg s0  }
.LBB2_1:
0x19: {  	[dreg:$0x11] =	wrdreg s1  }
0x1a: {  	s26 =	rddreg [dreg:$0x6]  }
0x1b: {  	s18 =	rddreg [dreg:$0x8]  }
0x1c: {  	[spmem:s17], [sflag:s18] =	dma.local [hbm:s26], $0xA00  }
0x1d: {  	s0 =	smov.u32 s28;
	s29 =	simm.s32 $0x0;
	s28 =	rddreg [dreg:$0x9]  }
0x1e: {  	[tilespmem:s29], [sflag:$0x2] =	stream.linear.gather [hbm4b:s28+s29], $0x2800, $0x38;
	[tilespmem:$0x18000] =	vst v63  }
0x1f: {  	s31 =	simm.s32 $0x2800;
	s28 =	rddreg [dreg:$0xa]  }
0x20: {  	[tilespmem:s31], [sflag:$0x3] =	stream.linear.gather [hbm4b:s28+s29], $0x2800, $0x38;
	[tilespmem:$0x18000] =	vst v63  }
0x21: {  	s28 =	rddreg [dreg:$0xf]  }
0x22: {  	[spmem:s0], [sflag:s28] =	dma.local [hbm:s26], $0xA00  }
0x23: {  	s26 =	rddreg [dreg:$0x5]  }
0x24: {  	[tilespmem:s19], [sflag:$0xA] =	stream.linear.gather [hbm4b:s26+s29], $0x1000, $0x38;
	[tilespmem:$0x18000] =	vst v63  }
0x25: {  	_ =	swait.ge [sflag:s6], $0xA00  }
0x26: {  	[sflag:s6] =	ssyncset.done $0x0  }
0x27: {  	[sflag:s6] =	ssyncadd.s32 $0xFFFFF600  }
0x28: {  	_ =	swait.ge [sflag:s30], $0x1000  }
0x29: {  	[sflag:s30] =	ssyncset.done $0x0  }
0x2a: {  	[sflag:s30] =	ssyncadd.s32 $0xFFFFF000  }
0x2b: {  	_ =	swait.ge [sflag:s22], $0xA00  }
0x2c: {  	[sflag:s22] =	ssyncset.done $0x0  }
0x2d: {  	[sflag:s22] =	ssyncadd.s32 $0xFFFFF600  }
0x2e: {  	_ =	swait.ge [sflag:s23], $0x2800  }
0x2f: {  	[sflag:s23] =	ssyncset.done $0x0  }
0x30: {  	[sflag:s23] =	ssyncadd.s32 $0xFFFFD800  }
0x31: {  	_ =	swait.ge [sflag:s24], $0x2800  }
0x32: {  	[sflag:s24] =	ssyncset.done $0x0  }
0x33: {  	[sflag:s24] =	ssyncadd.s32 $0xFFFFD800  }
0x34: {  	s17 =	simm.s32 $0x5000;
	[bflag:$0x0] =	sbarrier.arrive $0xFFFF  }
0x35: {  	[tilespmem:s17], [sflag:$0x1] =	stream.indirect.gather [hbm4b:s5+s25], $0x20, s29, s25, $0xb8;
	[tilespmem:$0x18000] =	vst v63  }
0x36: {  	s20 =	simm.s32 $0x6000  }
0x37: {  	[tilespmem:s20], [sflag:$0x2] =	stream.indirect.gather [hbm4b:s5+s25], $0x20, s25, s25, $0xb8;
	[tilespmem:$0x18000] =	vst v63  }
0x38: {  	s1 =	simm.s32 $0x7000;
	s0 =	simm.s32 $0x100  }
0x39: {  	[tilespmem:s1], [sflag:$0x3] =	stream.indirect.gather [hbm4b:s5+s25], $0x20, s0, s25, $0xb8;
	[tilespmem:$0x18000] =	vst v63  }
0x3a: {  	s6 =	simm.s32 $0x180;
	s29 =	simm.s32 $0x8000  }
0x3b: {  	[tilespmem:s29], [sflag:$0x4] =	stream.indirect.gather [hbm4b:s5+s25], $0x20, s6, s25, $0xb8;
	[tilespmem:$0x18000] =	vst v63  }
0x3c: {  	s26 =	simm.s32 $0x200;
	s0 =	simm.s32 $0x9000  }
0x3d: {  	[tilespmem:s0], [sflag:$0x5] =	stream.indirect.gather [hbm4b:s5+s25], $0x20, s26, s25, $0xb8;
	[tilespmem:$0x18000] =	vst v63  }
0x3e: {  	s6 =	simm.s32 $0x280;
	s26 =	simm.s32 $0xA000  }
0x3f: {  	[tilespmem:s26], [sflag:$0x6] =	stream.indirect.gather [hbm4b:s5+s25], $0x20, s6, s25, $0xb8;
	[tilespmem:$0x18000] =	vst v63  }
0x40: {  	s28 =	simm.s32 $0xB000;
	s6 =	simm.s32 $0x300  }
0x41: {  	[tilespmem:s28], [sflag:$0x7] =	stream.indirect.gather [hbm4b:s5+s25], $0x20, s6, s25, $0xb8;
	[tilespmem:$0x18000] =	vst v63  }
0x42: {  	_ =	swait.ge [sflag:s22], $0x1000  }
0x43: {  	[sflag:s22] =	ssyncset.done $0x0  }
0x44: {  	[sflag:s22] =	ssyncadd.s32 $0xFFFFF000  }
0x45: {  	[spmem:s2] =	stream.indirect.scatter.add.f32 [tilespmem:s17], [sflag:$0x9], $0x20, s31, s25, $0xb8;
	[tilespmem:$0x18000] =	vst v63  }
0x46: {  	_ = 	snop  }
0x47: {  	[spmem:s3] =	stream.indirect.scatter.add.f32 [tilespmem:s19], [sflag:$0x11], $0x20, s31, s25, $0xb8;
	[tilespmem:$0x18000] =	vst v63  }
0x48: {  	s18 =	simm.s32 $0x380;
	s31 =	simm.s32 $0xC000  }
0x49: {  	[tilespmem:s31], [sflag:$0x8] =	stream.indirect.gather [hbm4b:s5+s25], $0x20, s18, s25, $0xb8;
	[tilespmem:$0x18000] =	vst v63  }
0x4a: {  	_ =	swait.ge [sflag:s23], $0x1000  }
0x4b: {  	[sflag:s23] =	ssyncset.done $0x0  }
0x4c: {  	s31 =	simm.s32 $0x2880;
	[sflag:s23] =	ssyncadd.s32 $0xFFFFF000  }
0x4d: {  	[spmem:s2] =	stream.indirect.scatter.add.f32 [tilespmem:s20], [sflag:$0xA], $0x20, s31, s25, $0xb8;
	[tilespmem:$0x18000] =	vst v63  }
0x4e: {  	s21 =	simm.s32 $0x9  }
0x4f: {  	[spmem:s3] =	stream.indirect.scatter.add.f32 [tilespmem:s19], [sflag:$0x11], $0x20, s31, s25, $0xb8;
	[tilespmem:$0x18000] =	vst v63  }
0x50: {  	_ =	swait.ge [sflag:s21], $0x1000  }
0x51: {  	[sflag:s21] =	ssyncset.done $0x0  }
0x52: {  	s31 =	simm.s32 $0x400;
	[sflag:s21] =	ssyncadd.s32 $0xFFFFF000  }
0x53: {  	[tilespmem:s17], [sflag:$0x1] =	stream.indirect.gather [hbm4b:s5+s25], $0x20, s31, s25, $0xb8;
	[tilespmem:$0x18000] =	vst v63  }
0x54: {  	_ =	swait.ge [sflag:s24], $0x1000  }
0x55: {  	[sflag:s24] =	ssyncset.done $0x0  }
0x56: {  	s31 =	simm.s32 $0x2900;
	[sflag:s24] =	ssyncadd.s32 $0xFFFFF000  }
0x57: {  	[spmem:s2] =	stream.indirect.scatter.add.f32 [tilespmem:s1], [sflag:$0xB], $0x20, s31, s25, $0xb8;
	[tilespmem:$0x18000] =	vst v63  }
0x58: {  	_ = 	snop  }
0x59: {  	[spmem:s3] =	stream.indirect.scatter.add.f32 [tilespmem:s19], [sflag:$0x11], $0x20, s31, s25, $0xb8;
	[tilespmem:$0x18000] =	vst v63  }
0x5a: {  	_ =	swait.ge [sflag:s30], $0x1000  }
0x5b: {  	[sflag:s30] =	ssyncset.done $0x0  }
0x5c: {  	s31 =	simm.s32 $0x480;
	[sflag:s30] =	ssyncadd.s32 $0xFFFFF000  }
0x5d: {  	[tilespmem:s20], [sflag:$0x2] =	stream.indirect.gather [hbm4b:s5+s25], $0x20, s31, s25, $0xb8;
	[tilespmem:$0x18000] =	vst v63  }
0x5e: {  	_ =	swait.ge [sflag:s11], $0x1000  }
0x5f: {  	[sflag:s11] =	ssyncset.done $0x0  }
0x60: {  	s31 =	simm.s32 $0x2980;
	[sflag:s11] =	ssyncadd.s32 $0xFFFFF000  }
0x61: {  	[spmem:s2] =	stream.indirect.scatter.add.f32 [tilespmem:s29], [sflag:$0xC], $0x20, s31, s25, $0xb8;
	[tilespmem:$0x18000] =	vst v63  }
0x62: {  	_ = 	snop  }
0x63: {  	[spmem:s3] =	stream.indirect.scatter.add.f32 [tilespmem:s19], [sflag:$0x11], $0x20, s31, s25, $0xb8;
	[tilespmem:$0x18000] =	vst v63  }
0x64: {  	_ =	swait.ge [sflag:s13], $0x1000  }
0x65: {  	[sflag:s13] =	ssyncset.done $0x0  }
0x66: {  	s31 =	simm.s32 $0x500;
	[sflag:s13] =	ssyncadd.s32 $0xFFFFF000  }
0x67: {  	[tilespmem:s1], [sflag:$0x3] =	stream.indirect.gather [hbm4b:s5+s25], $0x20, s31, s25, $0xb8;
	[tilespmem:$0x18000] =	vst v63  }
0x68: {  	_ =	swait.ge [sflag:s9], $0x1000  }
0x69: {  	[sflag:s9] =	ssyncset.done $0x0  }
0x6a: {  	s31 =	simm.s32 $0x2A00;
	[sflag:s9] =	ssyncadd.s32 $0xFFFFF000  }
0x6b: {  	[spmem:s2] =	stream.indirect.scatter.add.f32 [tilespmem:s0], [sflag:$0xD], $0x20, s31, s25, $0xb8;
	[tilespmem:$0x18000] =	vst v63  }
0x6c: {  	_ = 	snop  }
0x6d: {  	[spmem:s3] =	stream.indirect.scatter.add.f32 [tilespmem:s19], [sflag:$0x11], $0x20, s31, s25, $0xb8;
	[tilespmem:$0x18000] =	vst v63  }
0x6e: {  	_ =	swait.ge [sflag:s10], $0x1000  }
0x6f: {  	[sflag:s10] =	ssyncset.done $0x0  }
0x70: {  	s31 =	simm.s32 $0x580;
	[sflag:s10] =	ssyncadd.s32 $0xFFFFF000  }
0x71: {  	[tilespmem:s29], [sflag:$0x4] =	stream.indirect.gather [hbm4b:s5+s25], $0x20, s31, s25, $0xb8;
	[tilespmem:$0x18000] =	vst v63  }
0x72: {  	_ =	swait.ge [sflag:s8], $0x1000  }
0x73: {  	[sflag:s8] =	ssyncset.done $0x0  }
0x74: {  	s31 =	simm.s32 $0x2A80;
	[sflag:s8] =	ssyncadd.s32 $0xFFFFF000  }
0x75: {  	[spmem:s2] =	stream.indirect.scatter.add.f32 [tilespmem:s26], [sflag:$0xE], $0x20, s31, s25, $0xb8;
	[tilespmem:$0x18000] =	vst v63  }
0x76: {  	_ = 	snop  }
0x77: {  	[spmem:s3] =	stream.indirect.scatter.add.f32 [tilespmem:s19], [sflag:$0x11], $0x20, s31, s25, $0xb8;
	[tilespmem:$0x18000] =	vst v63  }
0x78: {  	_ =	swait.ge [sflag:s14], $0x1000  }
0x79: {  	[sflag:s14] =	ssyncset.done $0x0  }
0x7a: {  	s31 =	simm.s32 $0x600;
	[sflag:s14] =	ssyncadd.s32 $0xFFFFF000  }
0x7b: {  	[tilespmem:s0], [sflag:$0x5] =	stream.indirect.gather [hbm4b:s5+s25], $0x20, s31, s25, $0xb8;
	[tilespmem:$0x18000] =	vst v63  }
0x7c: {  	_ =	swait.ge [sflag:s12], $0x1000  }
0x7d: {  	[sflag:s12] =	ssyncset.done $0x0  }
0x7e: {  	s31 =	simm.s32 $0x2B00;
	[sflag:s12] =	ssyncadd.s32 $0xFFFFF000  }
0x7f: {  	[spmem:s2] =	stream.indirect.scatter.add.f32 [tilespmem:s28], [sflag:$0xF], $0x20, s31, s25, $0xb8;
	[tilespmem:$0x18000] =	vst v63  }
0x80: {  	_ = 	snop  }
0x81: {  	[spmem:s3] =	stream.indirect.scatter.add.f32 [tilespmem:s19], [sflag:$0x11], $0x20, s31, s25, $0xb8;
	[tilespmem:$0x18000] =	vst v63  }
0x82: {  	_ =	swait.ge [sflag:s16], $0x1000  }
0x83: {  	[sflag:s16] =	ssyncset.done $0x0  }
0x84: {  	s31 =	simm.s32 $0x680;
	[sflag:s16] =	ssyncadd.s32 $0xFFFFF000  }
0x85: {  	[tilespmem:s26], [sflag:$0x6] =	stream.indirect.gather [hbm4b:s5+s25], $0x20, s31, s25, $0xb8;
	[tilespmem:$0x18000] =	vst v63  }
0x86: {  	_ =	swait.ge [sflag:s4], $0x1000  }
0x87: {  	[sflag:s4] =	ssyncset.done $0x0  }
0x88: {  	s6 =	simm.s32 $0xC000;
	s31 =	simm.s32 $0x2B80;
	[sflag:s4] =	ssyncadd.s32 $0xFFFFF000  }
0x89: {  	[spmem:s2] =	stream.indirect.scatter.add.f32 [tilespmem:s6], [sflag:$0x10], $0x20, s31, s25, $0xb8;
	[tilespmem:$0x18000] =	vst v63  }
0x8a: {  	_ = 	snop  }
0x8b: {  	[spmem:s3] =	stream.indirect.scatter.add.f32 [tilespmem:s19], [sflag:$0x11], $0x20, s31, s25, $0xb8;
	[tilespmem:$0x18000] =	vst v63  }
0x8c: {  	_ =	swait.ge [sflag:s7], $0x1000  }
0x8d: {  	[sflag:s7] =	ssyncset.done $0x0  }
0x8e: {  	s31 =	simm.s32 $0x700;
	[sflag:s7] =	ssyncadd.s32 $0xFFFFF000  }
0x8f: {  	[tilespmem:s28], [sflag:$0x7] =	stream.indirect.gather [hbm4b:s5+s25], $0x20, s31, s25, $0xb8;
	[tilespmem:$0x18000] =	vst v63  }
0x90: {  	_ =	swait.ge [sflag:s22], $0x1000  }
0x91: {  	[sflag:s22] =	ssyncset.done $0x0  }
0x92: {  	s31 =	simm.s32 $0x2C00;
	[sflag:s22] =	ssyncadd.s32 $0xFFFFF000  }
0x93: {  	[spmem:s2] =	stream.indirect.scatter.add.f32 [tilespmem:s17], [sflag:$0x9], $0x20, s31, s25, $0xb8;
	[tilespmem:$0x18000] =	vst v63  }
0x94: {  	_ = 	snop  }
0x95: {  	[spmem:s3] =	stream.indirect.scatter.add.f32 [tilespmem:s19], [sflag:$0x11], $0x20, s31, s25, $0xb8;
	[tilespmem:$0x18000] =	vst v63  }
0x96: {  	_ =	swait.ge [sflag:s15], $0x1000  }
0x97: {  	[sflag:s15] =	ssyncset.done $0x0  }
0x98: {  	[sflag:s15] =	ssyncadd.s32 $0xFFFFF000;
	s15 =	simm.s32 $0x780  }
0x99: {  	[tilespmem:s6], [sflag:$0x8] =	stream.indirect.gather [hbm4b:s5+s25], $0x20, s15, s25, $0xb8;
	[tilespmem:$0x18000] =	vst v63  }
0x9a: {  	_ =	swait.ge [sflag:s23], $0x1000  }
0x9b: {  	[sflag:s23] =	ssyncset.done $0x0  }
0x9c: {  	s22 =	simm.s32 $0x2C80;
	[sflag:s23] =	ssyncadd.s32 $0xFFFFF000  }
0x9d: {  	[spmem:s2] =	stream.indirect.scatter.add.f32 [tilespmem:s20], [sflag:$0xA], $0x20, s22, s25, $0xb8;
	[tilespmem:$0x18000] =	vst v63  }
0x9e: {  	_ = 	snop  }
0x9f: {  	[spmem:s3] =	stream.indirect.scatter.add.f32 [tilespmem:s19], [sflag:$0x11], $0x20, s22, s25, $0xb8;
	[tilespmem:$0x18000] =	vst v63  }
0xa0: {  	_ =	swait.ge [sflag:s21], $0x1000  }
0xa1: {  	[sflag:s21] =	ssyncset.done $0x0  }
0xa2: {  	s23 =	simm.s32 $0x800;
	[sflag:s21] =	ssyncadd.s32 $0xFFFFF000  }
0xa3: {  	[tilespmem:s17], [sflag:$0x1] =	stream.indirect.gather [hbm4b:s5+s25], $0x20, s23, s25, $0xb8;
	[tilespmem:$0x18000] =	vst v63  }
0xa4: {  	_ =	swait.ge [sflag:s24], $0x1000  }
0xa5: {  	[sflag:s24] =	ssyncset.done $0x0  }
0xa6: {  	s31 =	simm.s32 $0x2D00;
	[sflag:s24] =	ssyncadd.s32 $0xFFFFF000  }
0xa7: {  	[spmem:s2] =	stream.indirect.scatter.add.f32 [tilespmem:s1], [sflag:$0xB], $0x20, s31, s25, $0xb8;
	[tilespmem:$0x18000] =	vst v63  }
0xa8: {  	_ = 	snop  }
0xa9: {  	[spmem:s3] =	stream.indirect.scatter.add.f32 [tilespmem:s19], [sflag:$0x11], $0x20, s31, s25, $0xb8;
	[tilespmem:$0x18000] =	vst v63  }
0xaa: {  	_ =	swait.ge [sflag:s30], $0x1000  }
0xab: {  	[sflag:s30] =	ssyncset.done $0x0  }
0xac: {  	s15 =	simm.s32 $0x880;
	[sflag:s30] =	ssyncadd.s32 $0xFFFFF000  }
0xad: {  	[tilespmem:s20], [sflag:$0x2] =	stream.indirect.gather [hbm4b:s5+s25], $0x20, s15, s25, $0xb8;
	[tilespmem:$0x18000] =	vst v63  }
0xae: {  	_ =	swait.ge [sflag:s11], $0x1000  }
0xaf: {  	[sflag:s11] =	ssyncset.done $0x0  }
0xb0: {  	s17 =	simm.s32 $0x2D80;
	[sflag:s11] =	ssyncadd.s32 $0xFFFFF000  }
0xb1: {  	[spmem:s2] =	stream.indirect.scatter.add.f32 [tilespmem:s29], [sflag:$0xC], $0x20, s17, s25, $0xb8;
	[tilespmem:$0x18000] =	vst v63  }
0xb2: {  	_ = 	snop  }
0xb3: {  	[spmem:s3] =	stream.indirect.scatter.add.f32 [tilespmem:s19], [sflag:$0x11], $0x20, s17, s25, $0xb8;
	[tilespmem:$0x18000] =	vst v63  }
0xb4: {  	_ =	swait.ge [sflag:s13], $0x1000  }
0xb5: {  	[sflag:s13] =	ssyncset.done $0x0  }
0xb6: {  	s20 =	simm.s32 $0x900;
	[sflag:s13] =	ssyncadd.s32 $0xFFFFF000  }
0xb7: {  	[tilespmem:s1], [sflag:$0x3] =	stream.indirect.gather [hbm4b:s5+s25], $0x20, s20, s25, $0xb8;
	[tilespmem:$0x18000] =	vst v63  }
0xb8: {  	_ =	swait.ge [sflag:s9], $0x1000  }
0xb9: {  	[sflag:s9] =	ssyncset.done $0x0  }
0xba: {  	s21 =	simm.s32 $0x2E00;
	[sflag:s9] =	ssyncadd.s32 $0xFFFFF000  }
0xbb: {  	[spmem:s2] =	stream.indirect.scatter.add.f32 [tilespmem:s0], [sflag:$0xD], $0x20, s21, s25, $0xb8;
	[tilespmem:$0x18000] =	vst v63  }
0xbc: {  	_ = 	snop  }
0xbd: {  	[spmem:s3] =	stream.indirect.scatter.add.f32 [tilespmem:s19], [sflag:$0x11], $0x20, s21, s25, $0xb8;
	[tilespmem:$0x18000] =	vst v63  }
0xbe: {  	_ =	swait.ge [sflag:s10], $0x1000  }
0xbf: {  	[sflag:s10] =	ssyncset.done $0x0  }
0xc0: {  	s22 =	simm.s32 $0x980;
	[sflag:s10] =	ssyncadd.s32 $0xFFFFF000  }
0xc1: {  	[tilespmem:s29], [sflag:$0x4] =	stream.indirect.gather [hbm4b:s5+s25], $0x20, s22, s25, $0xb8;
	[tilespmem:$0x18000] =	vst v63  }
0xc2: {  	_ =	swait.ge [sflag:s8], $0x1000  }
0xc3: {  	[sflag:s8] =	ssyncset.done $0x0  }
0xc4: {  	s23 =	simm.s32 $0x2E80;
	[sflag:s8] =	ssyncadd.s32 $0xFFFFF000  }
0xc5: {  	[spmem:s2] =	stream.indirect.scatter.add.f32 [tilespmem:s26], [sflag:$0xE], $0x20, s23, s25, $0xb8;
	[tilespmem:$0x18000] =	vst v63  }
0xc6: {  	_ = 	snop  }
0xc7: {  	[spmem:s3] =	stream.indirect.scatter.add.f32 [tilespmem:s19], [sflag:$0x11], $0x20, s23, s25, $0xb8;
	[tilespmem:$0x18000] =	vst v63  }
0xc8: {  	_ =	swait.ge [sflag:s14], $0x1000  }
0xc9: {  	[sflag:s14] =	ssyncset.done $0x0  }
0xca: {  	s24 =	simm.s32 $0xA00;
	[sflag:s14] =	ssyncadd.s32 $0xFFFFF000  }
0xcb: {  	[tilespmem:s0], [sflag:$0x5] =	stream.indirect.gather [hbm4b:s5+s25], $0x20, s24, s25, $0xb8;
	[tilespmem:$0x18000] =	vst v63  }
0xcc: {  	_ =	swait.ge [sflag:s12], $0x1000  }
0xcd: {  	[sflag:s12] =	ssyncset.done $0x0  }
0xce: {  	s29 =	simm.s32 $0x2F00;
	[sflag:s12] =	ssyncadd.s32 $0xFFFFF000  }
0xcf: {  	[spmem:s2] =	stream.indirect.scatter.add.f32 [tilespmem:s28], [sflag:$0xF], $0x20, s29, s25, $0xb8;
	[tilespmem:$0x18000] =	vst v63  }
0xd0: {  	_ = 	snop  }
0xd1: {  	[spmem:s3] =	stream.indirect.scatter.add.f32 [tilespmem:s19], [sflag:$0x11], $0x20, s29, s25, $0xb8;
	[tilespmem:$0x18000] =	vst v63  }
0xd2: {  	_ =	swait.ge [sflag:s16], $0x1000  }
0xd3: {  	s18 =	simm.s32 $0x1000;
	s31 =	simm.s32 $0x2F80;
	[sflag:s16] =	ssyncset.done $0x0  }
0xd4: {  	s30 =	simm.s32 $0xA80;
	s15 =	simm.s32 $0x10;
	[sflag:s16] =	ssyncadd.s32 $0xFFFFF000  }
0xd5: {  	[tilespmem:s26], [sflag:$0x6] =	stream.indirect.gather [hbm4b:s5+s25], $0x20, s30, s25, $0xb8;
	[tilespmem:$0x18000] =	vst v63  }
0xd6: {  	s11 =	simm.s32 $0x3;
	s17 =	simm.s32 $0xD;
	_ =	swait.ge [sflag:s4], $0x1000  }
0xd7: {  	s13 =	simm.s32 $0x4;
	s9 =	simm.s32 $0x5;
	[sflag:s4] =	ssyncset.done $0x0  }
0xd8: {  	s10 =	simm.s32 $0xC;
	s22 =	simm.s32 $0xA;
	[sflag:s4] =	ssyncadd.s32 $0xFFFFF000  }
0xd9: {  	[spmem:s2] =	stream.indirect.scatter.add.f32 [tilespmem:s6], [sflag:$0x10], $0x20, s31, s25, $0xb8;
	[tilespmem:$0x18000] =	vst v63  }
0xda: {  	s8 =	simm.s32 $0x6;
	s23 =	simm.s32 $0x1;
	s14 =	simm.s32 $0xB  }
0xdb: {  	[spmem:s3] =	stream.indirect.scatter.add.f32 [tilespmem:s19], [sflag:$0x11], $0x20, s31, s25, $0xb8;
	[tilespmem:$0x18000] =	vst v63  }
0xdc: {  	s24 =	simm.s32 $0x2;
	s12 =	simm.s32 $0x7;
	_ =	swait.ge [sflag:s7], $0x1000  }
0xdd: {  	s16 =	simm.s32 $0xE;
	s26 =	simm.s32 $0xB00;
	[sflag:s7] =	ssyncset.done $0x0  }
0xde: {  	s4 =	simm.s32 $0x8;
	[sflag:s7] =	ssyncadd.s32 $0xFFFFF000;
	s7 =	simm.s32 $0xF  }
.LBB2_2:
0xdf: {  	[tilespmem:s28], [sflag:$0x7] =	stream.indirect.gather [hbm4b:s5+s25], $0x20, s26, s25, $0xb8;
	[tilespmem:$0x18000] =	vst v63  }
0xe0: {  	s26 =	smov.u32 s18;
	p0 =	sne.s32 s18, $0x7000  }
0xe1: {  	s18 =	sadd.s32 $0x1000, s18;
	s31 =	simm.s32 $0xC000;
	_ =	swait.ge [sflag:s23], $0x1000  }
0xe2: {  	s6 =	simm.s32 $0xB000;
	s26 =	sshra.s32 s26, $0x2;
	[sflag:s23] =	ssyncset.done $0x0  }
0xe3: {  	s1 =	simm.s32 $0x5000;
	s28 =	sadd.s32 $0x2C00, s26;
	[sflag:s23] =	ssyncadd.s32 $0xFFFFF000  }
0xe4: {  	[spmem:s2] =	stream.indirect.scatter.add.f32 [tilespmem:s1], [sflag:$0x9], $0x20, s28, s25, $0xb8;
	[tilespmem:$0x18000] =	vst v63  }
0xe5: {  	_ = 	snop  }
0xe6: {  	[spmem:s3] =	stream.indirect.scatter.add.f32 [tilespmem:s19], [sflag:$0x11], $0x20, s28, s25, $0xb8;
	[tilespmem:$0x18000] =	vst v63  }
0xe7: {  	_ =	swait.ge [sflag:s15], $0x1000  }
0xe8: {  	[sflag:s15] =	ssyncset.done $0x0  }
0xe9: {  	s28 =	sadd.s32 $0x780, s26;
	[sflag:s15] =	ssyncadd.s32 $0xFFFFF000  }
0xea: {  	[tilespmem:s31], [sflag:$0x8] =	stream.indirect.gather [hbm4b:s5+s25], $0x20, s28, s25, $0xb8;
	[tilespmem:$0x18000] =	vst v63  }
0xeb: {  	_ =	swait.ge [sflag:s24], $0x1000  }
0xec: {  	[sflag:s24] =	ssyncset.done $0x0  }
0xed: {  	s0 =	simm.s32 $0x6000;
	s28 =	sadd.s32 $0x2C80, s26;
	[sflag:s24] =	ssyncadd.s32 $0xFFFFF000  }
0xee: {  	[spmem:s2] =	stream.indirect.scatter.add.f32 [tilespmem:s0], [sflag:$0xA], $0x20, s28, s25, $0xb8;
	[tilespmem:$0x18000] =	vst v63  }
0xef: {  	s20 =	simm.s32 $0x9  }
0xf0: {  	[spmem:s3] =	stream.indirect.scatter.add.f32 [tilespmem:s19], [sflag:$0x11], $0x20, s28, s25, $0xb8;
	[tilespmem:$0x18000] =	vst v63  }
0xf1: {  	_ =	swait.ge [sflag:s20], $0x1000  }
0xf2: {  	[sflag:s20] =	ssyncset.done $0x0  }
0xf3: {  	s21 =	simm.s32 $0x5000;
	s28 =	sadd.s32 $0x800, s26;
	[sflag:s20] =	ssyncadd.s32 $0xFFFFF000  }
0xf4: {  	[tilespmem:s1], [sflag:$0x1] =	stream.indirect.gather [hbm4b:s5+s25], $0x20, s28, s25, $0xb8;
	[tilespmem:$0x18000] =	vst v63  }
0xf5: {  	_ =	swait.ge [sflag:s11], $0x1000  }
0xf6: {  	[sflag:s11] =	ssyncset.done $0x0  }
0xf7: {  	s28 =	sadd.s32 $0x2D00, s26;
	s1 =	simm.s32 $0x7000;
	[sflag:s11] =	ssyncadd.s32 $0xFFFFF000  }
0xf8: {  	[spmem:s2] =	stream.indirect.scatter.add.f32 [tilespmem:s1], [sflag:$0xB], $0x20, s28, s25, $0xb8;
	[tilespmem:$0x18000] =	vst v63  }
0xf9: {  	_ = 	snop  }
0xfa: {  	[spmem:s3] =	stream.indirect.scatter.add.f32 [tilespmem:s19], [sflag:$0x11], $0x20, s28, s25, $0xb8;
	[tilespmem:$0x18000] =	vst v63  }
0xfb: {  	_ =	swait.ge [sflag:s22], $0x1000  }
0xfc: {  	[sflag:s22] =	ssyncset.done $0x0  }
0xfd: {  	s20 =	simm.s32 $0x6000;
	s28 =	sadd.s32 $0x880, s26;
	[sflag:s22] =	ssyncadd.s32 $0xFFFFF000  }
0xfe: {  	[tilespmem:s0], [sflag:$0x2] =	stream.indirect.gather [hbm4b:s5+s25], $0x20, s28, s25, $0xb8;
	[tilespmem:$0x18000] =	vst v63  }
0xff: {  	_ =	swait.ge [sflag:s13], $0x1000  }
0x100: {  	[sflag:s13] =	ssyncset.done $0x0  }
0x101: {  	s28 =	sadd.s32 $0x2D80, s26;
	s0 =	simm.s32 $0x8000;
	[sflag:s13] =	ssyncadd.s32 $0xFFFFF000  }
0x102: {  	[spmem:s2] =	stream.indirect.scatter.add.f32 [tilespmem:s0], [sflag:$0xC], $0x20, s28, s25, $0xb8;
	[tilespmem:$0x18000] =	vst v63  }
0x103: {  	_ = 	snop  }
0x104: {  	[spmem:s3] =	stream.indirect.scatter.add.f32 [tilespmem:s19], [sflag:$0x11], $0x20, s28, s25, $0xb8;
	[tilespmem:$0x18000] =	vst v63  }
0x105: {  	_ =	swait.ge [sflag:s14], $0x1000  }
0x106: {  	[sflag:s14] =	ssyncset.done $0x0  }
0x107: {  	s30 =	simm.s32 $0x7000;
	s28 =	sadd.s32 $0x900, s26;
	[sflag:s14] =	ssyncadd.s32 $0xFFFFF000  }
0x108: {  	[tilespmem:s1], [sflag:$0x3] =	stream.indirect.gather [hbm4b:s5+s25], $0x20, s28, s25, $0xb8;
	[tilespmem:$0x18000] =	vst v63  }
0x109: {  	_ =	swait.ge [sflag:s9], $0x1000  }
0x10a: {  	[sflag:s9] =	ssyncset.done $0x0  }
0x10b: {  	s31 =	simm.s32 $0x9000;
	s28 =	sadd.s32 $0x2E00, s26;
	[sflag:s9] =	ssyncadd.s32 $0xFFFFF000  }
0x10c: {  	[spmem:s2] =	stream.indirect.scatter.add.f32 [tilespmem:s31], [sflag:$0xD], $0x20, s28, s25, $0xb8;
	[tilespmem:$0x18000] =	vst v63  }
0x10d: {  	_ = 	snop  }
0x10e: {  	[spmem:s3] =	stream.indirect.scatter.add.f32 [tilespmem:s19], [sflag:$0x11], $0x20, s28, s25, $0xb8;
	[tilespmem:$0x18000] =	vst v63  }
0x10f: {  	_ =	swait.ge [sflag:s10], $0x1000  }
0x110: {  	[sflag:s10] =	ssyncset.done $0x0  }
0x111: {  	s1 =	simm.s32 $0x8000;
	s28 =	sadd.s32 $0x980, s26;
	[sflag:s10] =	ssyncadd.s32 $0xFFFFF000  }
0x112: {  	[tilespmem:s0], [sflag:$0x4] =	stream.indirect.gather [hbm4b:s5+s25], $0x20, s28, s25, $0xb8;
	[tilespmem:$0x18000] =	vst v63  }
0x113: {  	_ =	swait.ge [sflag:s8], $0x1000  }
0x114: {  	[sflag:s8] =	ssyncset.done $0x0  }
0x115: {  	s28 =	sadd.s32 $0x2E80, s26;
	s0 =	simm.s32 $0xA000;
	[sflag:s8] =	ssyncadd.s32 $0xFFFFF000  }
0x116: {  	[spmem:s2] =	stream.indirect.scatter.add.f32 [tilespmem:s0], [sflag:$0xE], $0x20, s28, s25, $0xb8;
	[tilespmem:$0x18000] =	vst v63  }
0x117: {  	_ = 	snop  }
0x118: {  	[spmem:s3] =	stream.indirect.scatter.add.f32 [tilespmem:s19], [sflag:$0x11], $0x20, s28, s25, $0xb8;
	[tilespmem:$0x18000] =	vst v63  }
0x119: {  	_ =	swait.ge [sflag:s17], $0x1000  }
0x11a: {  	[sflag:s17] =	ssyncset.done $0x0  }
0x11b: {  	s29 =	simm.s32 $0x9000;
	s28 =	sadd.s32 $0xA00, s26;
	[sflag:s17] =	ssyncadd.s32 $0xFFFFF000  }
0x11c: {  	[tilespmem:s31], [sflag:$0x5] =	stream.indirect.gather [hbm4b:s5+s25], $0x20, s28, s25, $0xb8;
	[tilespmem:$0x18000] =	vst v63  }
0x11d: {  	_ =	swait.ge [sflag:s12], $0x1000  }
0x11e: {  	[sflag:s12] =	ssyncset.done $0x0  }
0x11f: {  	s28 =	sadd.s32 $0x2F00, s26;
	[sflag:s12] =	ssyncadd.s32 $0xFFFFF000  }
0x120: {  	[spmem:s2] =	stream.indirect.scatter.add.f32 [tilespmem:s6], [sflag:$0xF], $0x20, s28, s25, $0xb8;
	[tilespmem:$0x18000] =	vst v63  }
0x121: {  	s6 =	simm.s32 $0xC000;
	_ =	sdelay $0x1  }
0x122: {  	[spmem:s3] =	stream.indirect.scatter.add.f32 [tilespmem:s19], [sflag:$0x11], $0x20, s28, s25, $0xb8;
	[tilespmem:$0x18000] =	vst v63  }
0x123: {  	_ =	swait.ge [sflag:s16], $0x1000  }
0x124: {  	[sflag:s16] =	ssyncset.done $0x0  }
0x125: {  	s31 =	simm.s32 $0xA000;
	s28 =	sadd.s32 $0xA80, s26;
	[sflag:s16] =	ssyncadd.s32 $0xFFFFF000  }
0x126: {  	[tilespmem:s0], [sflag:$0x6] =	stream.indirect.gather [hbm4b:s5+s25], $0x20, s28, s25, $0xb8;
	[tilespmem:$0x18000] =	vst v63  }
0x127: {  	_ =	swait.ge [sflag:s4], $0x1000  }
0x128: {  	[sflag:s4] =	ssyncset.done $0x0  }
0x129: {  	s28 =	sadd.s32 $0x2F80, s26;
	[sflag:s4] =	ssyncadd.s32 $0xFFFFF000  }
0x12a: {  	[spmem:s2] =	stream.indirect.scatter.add.f32 [tilespmem:s6], [sflag:$0x10], $0x20, s28, s25, $0xb8;
	[tilespmem:$0x18000] =	vst v63  }
0x12b: {  	_ = 	snop  }
0x12c: {  	[spmem:s3] =	stream.indirect.scatter.add.f32 [tilespmem:s19], [sflag:$0x11], $0x20, s28, s25, $0xb8;
	[tilespmem:$0x18000] =	vst v63  }
.Ltmp0:
0x12d: {  	_ = 	snop;
	(pc) =	sbr.rel @p0 .LBB2_2-.Ltmp0, $4  }
0x12e: {  	s28 =	simm.s32 $0xB000  }
0x12f: {  	_ =	swait.ge [sflag:s7], $0x1000  }
0x130: {  	[sflag:s7] =	ssyncset.done $0x0  }
0x131: {  	s26 =	sadd.s32 $0xB00, s26;
	[sflag:s7] =	ssyncadd.s32 $0xFFFFF000  }
0x132: {  	[tilespmem:s28], [sflag:$0x7] =	stream.indirect.gather [hbm4b:s5+s25], $0x20, s26, s25, $0xb8;
	[tilespmem:$0x18000] =	vst v63  }
0x133: {  	_ =	swait.ge [sflag:s23], $0x1000  }
0x134: {  	[sflag:s23] =	ssyncset.done $0x0  }
0x135: {  	s18 =	simm.s32 $0x4C00;
	[sflag:s23] =	ssyncadd.s32 $0xFFFFF000  }
0x136: {  	[spmem:s2] =	stream.indirect.scatter.add.f32 [tilespmem:s21], [sflag:$0x9], $0x20, s18, s25, $0xb8;
	[tilespmem:$0x18000] =	vst v63  }
0x137: {  	_ = 	snop  }
0x138: {  	[spmem:s3] =	stream.indirect.scatter.add.f32 [tilespmem:s19], [sflag:$0x11], $0x20, s18, s25, $0xb8;
	[tilespmem:$0x18000] =	vst v63  }
0x139: {  	_ =	swait.ge [sflag:s15], $0x1000  }
0x13a: {  	[sflag:s15] =	ssyncset.done $0x0  }
0x13b: {  	s26 =	simm.s32 $0x2780;
	[sflag:s15] =	ssyncadd.s32 $0xFFFFF000  }
0x13c: {  	[tilespmem:s6], [sflag:$0x8] =	stream.indirect.gather [hbm4b:s5+s25], $0x20, s26, s25, $0xb8;
	[tilespmem:$0x18000] =	vst v63  }
0x13d: {  	_ =	swait.ge [sflag:s24], $0x1000  }
0x13e: {  	[sflag:s24] =	ssyncset.done $0x0  }
0x13f: {  	s0 =	simm.s32 $0x4C80;
	[sflag:s24] =	ssyncadd.s32 $0xFFFFF000  }
0x140: {  	[spmem:s2] =	stream.indirect.scatter.add.f32 [tilespmem:s20], [sflag:$0xA], $0x20, s0, s25, $0xb8;
	[tilespmem:$0x18000] =	vst v63  }
0x141: {  	_ = 	snop  }
0x142: {  	[spmem:s3] =	stream.indirect.scatter.add.f32 [tilespmem:s19], [sflag:$0x11], $0x20, s0, s25, $0xb8;
	[tilespmem:$0x18000] =	vst v63  }
0x143: {  	s0 =	simm.s32 $0x9  }
0x144: {  	_ =	swait.ge [sflag:s0], $0x1000  }
0x145: {  	[sflag:s0] =	ssyncset.done $0x0  }
0x146: {  	[sflag:s0] =	ssyncadd.s32 $0xFFFFF000  }
0x147: {  	_ =	swait.ge [sflag:s11], $0x1000  }
0x148: {  	[sflag:s11] =	ssyncset.done $0x0  }
0x149: {  	s21 =	simm.s32 $0x4D00;
	[sflag:s11] =	ssyncadd.s32 $0xFFFFF000  }
0x14a: {  	[spmem:s2] =	stream.indirect.scatter.add.f32 [tilespmem:s30], [sflag:$0xB], $0x20, s21, s25, $0xb8;
	[tilespmem:$0x18000] =	vst v63  }
0x14b: {  	_ = 	snop  }
0x14c: {  	[spmem:s3] =	stream.indirect.scatter.add.f32 [tilespmem:s19], [sflag:$0x11], $0x20, s21, s25, $0xb8;
	[tilespmem:$0x18000] =	vst v63  }
0x14d: {  	_ =	swait.ge [sflag:s22], $0x1000  }
0x14e: {  	[sflag:s22] =	ssyncset.done $0x0  }
0x14f: {  	[sflag:s22] =	ssyncadd.s32 $0xFFFFF000  }
0x150: {  	_ =	swait.ge [sflag:s13], $0x1000  }
0x151: {  	[sflag:s13] =	ssyncset.done $0x0  }
0x152: {  	s23 =	simm.s32 $0x4D80;
	[sflag:s13] =	ssyncadd.s32 $0xFFFFF000  }
0x153: {  	[spmem:s2] =	stream.indirect.scatter.add.f32 [tilespmem:s1], [sflag:$0xC], $0x20, s23, s25, $0xb8;
	[tilespmem:$0x18000] =	vst v63  }
0x154: {  	_ = 	snop  }
0x155: {  	[spmem:s3] =	stream.indirect.scatter.add.f32 [tilespmem:s19], [sflag:$0x11], $0x20, s23, s25, $0xb8;
	[tilespmem:$0x18000] =	vst v63  }
0x156: {  	_ =	swait.ge [sflag:s14], $0x1000  }
0x157: {  	[sflag:s14] =	ssyncset.done $0x0  }
0x158: {  	[sflag:s14] =	ssyncadd.s32 $0xFFFFF000  }
0x159: {  	_ =	swait.ge [sflag:s9], $0x1000  }
0x15a: {  	[sflag:s9] =	ssyncset.done $0x0  }
0x15b: {  	s24 =	simm.s32 $0x4E00;
	[sflag:s9] =	ssyncadd.s32 $0xFFFFF000  }
0x15c: {  	[spmem:s2] =	stream.indirect.scatter.add.f32 [tilespmem:s29], [sflag:$0xD], $0x20, s24, s25, $0xb8;
	[tilespmem:$0x18000] =	vst v63  }
0x15d: {  	_ = 	snop  }
0x15e: {  	[spmem:s3] =	stream.indirect.scatter.add.f32 [tilespmem:s19], [sflag:$0x11], $0x20, s24, s25, $0xb8;
	[tilespmem:$0x18000] =	vst v63  }
0x15f: {  	_ =	swait.ge [sflag:s10], $0x1000  }
0x160: {  	[sflag:s10] =	ssyncset.done $0x0  }
0x161: {  	[sflag:s10] =	ssyncadd.s32 $0xFFFFF000  }
0x162: {  	_ =	swait.ge [sflag:s8], $0x1000  }
0x163: {  	[sflag:s8] =	ssyncset.done $0x0  }
0x164: {  	s26 =	simm.s32 $0x4E80;
	[sflag:s8] =	ssyncadd.s32 $0xFFFFF000  }
0x165: {  	[spmem:s2] =	stream.indirect.scatter.add.f32 [tilespmem:s31], [sflag:$0xE], $0x20, s26, s25, $0xb8;
	[tilespmem:$0x18000] =	vst v63  }
0x166: {  	_ = 	snop  }
0x167: {  	[spmem:s3] =	stream.indirect.scatter.add.f32 [tilespmem:s19], [sflag:$0x11], $0x20, s26, s25, $0xb8;
	[tilespmem:$0x18000] =	vst v63  }
0x168: {  	_ =	swait.ge [sflag:s17], $0x1000  }
0x169: {  	[sflag:s17] =	ssyncset.done $0x0  }
0x16a: {  	[sflag:s17] =	ssyncadd.s32 $0xFFFFF000  }
0x16b: {  	_ =	swait.ge [sflag:s12], $0x1000  }
0x16c: {  	[sflag:s12] =	ssyncset.done $0x0  }
0x16d: {  	s29 =	simm.s32 $0x4F00;
	[sflag:s12] =	ssyncadd.s32 $0xFFFFF000  }
0x16e: {  	[spmem:s2] =	stream.indirect.scatter.add.f32 [tilespmem:s28], [sflag:$0xF], $0x20, s29, s25, $0xb8;
	[tilespmem:$0x18000] =	vst v63  }
0x16f: {  	_ = 	snop  }
0x170: {  	[spmem:s3] =	stream.indirect.scatter.add.f32 [tilespmem:s19], [sflag:$0x11], $0x20, s29, s25, $0xb8;
	[tilespmem:$0x18000] =	vst v63  }
0x171: {  	_ =	swait.ge [sflag:s16], $0x1000  }
0x172: {  	[sflag:s16] =	ssyncset.done $0x0  }
0x173: {  	[sflag:s16] =	ssyncadd.s32 $0xFFFFF000  }
0x174: {  	_ =	swait.ge [sflag:s4], $0x1000  }
0x175: {  	[sflag:s4] =	ssyncset.done $0x0  }
0x176: {  	s31 =	simm.s32 $0x4F80;
	[sflag:s4] =	ssyncadd.s32 $0xFFFFF000  }
0x177: {  	[spmem:s2] =	stream.indirect.scatter.add.f32 [tilespmem:s6], [sflag:$0x10], $0x20, s31, s25, $0xb8;
	[tilespmem:$0x18000] =	vst v63  }
0x178: {  	s18 =	simm.s32 $0x4F  }
0x179: {  	[spmem:s3] =	stream.indirect.scatter.add.f32 [tilespmem:s19], [sflag:$0x11], $0x20, s31, s25, $0xb8;
	[tilespmem:$0x18000] =	vst v63  }
0x17a: {  	s0 =	simm.s32 $0x11;
	s11 =	simm.s32 $0x4;
	_ =	swait.ge [sflag:s7], $0x1000  }
0x17b: {  	s30 =	simm.s32 $0xA;
	s13 =	simm.s32 $0xB;
	[sflag:s7] =	ssyncset.done $0x0  }
0x17c: {  	s23 =	simm.s32 $0x2;
	s14 =	simm.s32 $0xD;
	[sflag:s7] =	ssyncadd.s32 $0xFFFFF000  }
0x17d: {  	s9 =	simm.s32 $0x5;
	s24 =	simm.s32 $0x3;
	_ =	swait.ge [sflag:s15], $0x1000  }
0x17e: {  	s10 =	simm.s32 $0xC;
	s8 =	simm.s32 $0x6;
	[sflag:s15] =	ssyncset.done $0x0  }
0x17f: {  	s12 =	simm.s32 $0x7;
	s16 =	simm.s32 $0xE;
	[sflag:s15] =	ssyncadd.s32 $0xFFFFF000  }
0x180: {  	s4 =	simm.s32 $0x8;
	s6 =	simm.s32 $0x9;
	_ =	swait.ge [sflag:s0], $0x1000  }
0x181: {  	s7 =	simm.s32 $0xF;
	s15 =	simm.s32 $0x10;
	[sflag:s0] =	ssyncset.done $0x0  }
.LBB2_4:
0x182: {  	p0 =	sne.s32 s18, $0x1;
	s18 =	sadd.s32 $0xFFFFFFFF, s18;
	[sflag:s0] =	ssyncadd.s32 $0xFFFFF000  }
.Ltmp1:
0x183: {  	(pc) =	sbr.rel @p0 .LBB2_4-.Ltmp1, $3  }
0x184: {  	_ =	sdelay $0x1  }
0x185: {  	_ =	swait.ge [sflag:s0], $0x1000  }
0x186: {  	[sflag:s0] =	ssyncset.done $0x0  }
0x187: {  	[sflag:s0] =	ssyncadd.s32 $0xFFFFF000  }
0x188: {  	[bflag:$0x0] =	sbarrier.arrive $0xFFFF  }
0x189: {  	s18 =	rddreg [dreg:$0x7]  }
0x18a: {  	s26 =	rddreg [dreg:$0xb]  }
0x18b: {  	s22 =	simm.s32 $0x12;
	s17 =	rddreg [dreg:$0xe];
	s18 =	sor.u32 $0x1C12, s18  }
0x18c: {  	[hbm:s26], [sflag:s18] =	dma.local [spmem:s17], $0xA00  }
0x18d: {  	_ =	swait.ge [sflag:s22], $0xA00  }
0x18e: {  	[sflag:s22] =	ssyncset.done $0x0;
	s29 =	rddreg [dreg:$0xc]  }
0x18f: {  	s28 =	rddreg [dreg:$0x10];
	[sflag:s22] =	ssyncadd.s32 $0xFFFFF600  }
0x190: {  	[hbm:s29], [sflag:s18] =	dma.local [spmem:s28], $0xA00  }
0x191: {  	_ =	swait.ge [sflag:s22], $0xA00  }
0x192: {  	s1 =	rddreg [dreg:$0x11]  }
0x193: {  	s31 =	rddreg [dreg:$0xd];
	s1 =	sadd.s32 $0x1, s1  }
0x194: {  	p0 =	sne.s32 s1, s31  }
.Ltmp2:
0x195: {  	_ = 	snop;
	(pc) =	sbr.rel @p0 .LBB2_1-.Ltmp2, $3  }
0x196: {  	_ =	sdelay $0x1  }
0x197: {  	[sflag:s22] =	ssyncset.done $0x0  }
0x198: {  	[sflag:s22] =	ssyncadd.s32 $0xFFFFF600;
	s22 =	simm.s32 $0x1  }
0x199: {  	_ =	sfence.sel $0x180000  }
0x19a: {  	[bflag:$0x0] =	sbarrier.arrive $0xFFFF  }
0x19b: {  	_ =	strace $0x90000047  }
0x19c: {  	s0 =	stileid.u32;
	[bflag:$0x2] =	sbarrier.arrive $0xFFFF  }
0x19d: {  	p0 =	sne.s32 s0, $0x0;
	s0 =	rddreg [dreg:$0x4]  }
0x19e: {  	s0 =	sadd.s32 @!p0 $0x100000, s0  }
0x19f: {  	[sflag:s0] =	ssyncadd.tile.s32 @!p0 $0x1;
	_ =	shalt  }
.Lfunc_end2:
_tile_overlayer_lowered:
.L_overlay_start_2:
0x1a0: {  	(tag) =	ssettag $0x2  }
0x1a1: {  	s0 =	rddreg [dreg:$0x0];
	s2 =	stileid.u32  }
0x1a2: {  	s1 =	rddreg [dreg:$0x1];
	p0 =	sne.s32 s2, $0x0  }
0x1a3: {  	s3 =	rddreg [dreg:$0x2];
	[bflag:$0x3] =	sbarrier.arrive $0xFFFF;
	s2 =	simm.s32 @!p0 $0x1C12  }
0x1a4: {  	[timem:s3], [sflag:s2] =	dma.local @!p0 [hbm:s0], s1  }
0x1a5: {  	s0 =	simm.s32 @!p0 $0x12  }
0x1a6: {  	_ =	swait.ge @!p0 [sflag:s0], s1  }
0x1a7: {  	s1 =	ssub.s32 @!p0 $0x0, s1;
	[sflag:s0] =	ssyncset.done @!p0 $0x0  }
0x1a8: {  	[sflag:s0] =	ssyncadd.s32 @!p0 s1  }
0x1a9: {  	[bflag:$0x3] =	sbarrier.arrive $0xFFFF  }
0x1aa: {  	_ =	shalt  }

</sc_bundles>
